<compile_context>
chip_gen: v7x
topology: tpu7x:2x2x1
jax: 0.10.2.dev20260603
libtpu: 0.0.44.dev20260713+nightly
codegen_flags: <defaults>
</compile_context>

<pallas_src>
import jax
import jax.numpy as jnp
import numpy as np
from jax import lax
from jax.experimental import pallas as pl
from jax.experimental.pallas import tpu as pltpu
from jax.experimental.pallas import tpu_sc as plsc

R = 128
N = 32768
K = 65
L = 16
NV = N // L
NC = 2
NS = 16
NW = NC * NS
ROWS_PER_W = R // NW
PIVOT = np.float32(2.5)
SIGN = np.int32(-(2**31))
LOW31 = np.int32(0x7FFFFFFF)
UNROLL = 8
CAP = 512
CV = CAP // L
CAPR = CV
NEG_INF = np.float32("-inf")


def _ckey(v):
    b = lax.bitcast_convert_type(v, jnp.int32)
    return jnp.where(b >= 0, b, b ^ LOW31)


def _descend(count_ge, first_bit=0, init=np.int32(0)):

    def bit_body(bi, p):
        bit = jnp.left_shift(jnp.int32(1), 31 - bi)
        cand_t = p | bit
        cs = cand_t ^ SIGN
        return jnp.where(count_ge(cs) >= K, cand_t, p)

    p_u = lax.fori_loop(first_bit, 32, bit_body, jnp.int32(init))
    return p_u ^ SIGN


def _compact_step(row_v, cand_v, i, cnts):
    v = row_v[pl.ds(i * L, L)]
    m = v > PIVOT
    pos = jnp.minimum(cnts, jnp.left_shift(jnp.full((L,), CAPR, jnp.int32), 4)
                      + lax.iota(jnp.int32, L))
    plsc.store_scatter(cand_v, [pos], v, mask=m)
    return cnts + jnp.where(m, jnp.full((L,), L, jnp.int32),
                            jnp.zeros((L,), jnp.int32))


def _prefill(cand_v):
    @plsc.parallel_loop(0, CV, unroll=4)
    def _fill(i):
        cand_v[pl.ds(i * L, L)] = jnp.full((L,), NEG_INF, jnp.float32)


def _compact(row_v, cand_v):
    _prefill(cand_v)

    @plsc.parallel_loop(0, NV, unroll=UNROLL,
                        carry=lax.iota(jnp.int32, L))
    def cnts(i, c):
        return _compact_step(row_v, cand_v, i, c)

    return cnts


def _mask_and_compact(prev_v, thr, cur_v, cand_v):
    _prefill(cand_v)

    @plsc.parallel_loop(0, NV, unroll=UNROLL,
                        carry=lax.iota(jnp.int32, L))
    def cnts(i, c):
        pv = prev_v[pl.ds(i * L, L)]
        prev_v[pl.ds(i * L, L)] = jnp.where(pv > thr, pv, jnp.float32(0.0))
        return _compact_step(cur_v, cand_v, i, c)

    return cnts


def _mask_only(row_v, thr):
    @plsc.parallel_loop(0, NV, unroll=UNROLL)
    def _mask(i):
        v = row_v[pl.ds(i * L, L)]
        row_v[pl.ds(i * L, L)] = jnp.where(v > thr, v, jnp.float32(0.0))


def _select(row_v, cand_v, cntv):
    lane_counts = jnp.right_shift(cntv - lax.iota(jnp.int32, L), 4)
    cnt = jnp.sum(lane_counts)
    maxlane = jnp.max(lane_counts)

    def fast_path(_):
        def count_ge(cs):
            acc = jnp.zeros((L,), jnp.int32)
            one = jnp.full((L,), 1, jnp.int32)
            zero = jnp.zeros((L,), jnp.int32)
            for i in range(CV):
                kv = _ckey(cand_v[pl.ds(i * L, L)])
                acc = acc + jnp.where(kv >= cs, one, zero)
            return jnp.sum(acc)

        return _descend(count_ge, first_bit=2, init=np.int32(-(2**30)))

    def slow_path(_):
        def count_ge(cs):
            def cbody(i, acc):
                kv = _ckey(row_v[pl.ds(i * L, L)])
                return acc + jnp.where(kv >= cs,
                                       jnp.full((L,), 1, jnp.int32),
                                       jnp.full((L,), 0, jnp.int32))

            accv = lax.fori_loop(0, NV, cbody, jnp.zeros((L,), jnp.int32))
            return jnp.sum(accv)

        return _descend(count_ge)

    in_window = jnp.logical_and(cnt >= K, maxlane <= CAPR)
    vkey = lax.cond(in_window, fast_path, slow_path, jnp.int32(0))

    bsplat = jnp.full((L,), vkey, jnp.int32)
    bsplat = jnp.where(bsplat >= 0, bsplat, bsplat ^ LOW31)
    return lax.bitcast_convert_type(bsplat, jnp.float32)


def _sc_body(x_hbm, out_hbm, row0_v, row1_v, row2_v, cand_v,
             in_sem0, in_sem1, in_sem2, out_sem0, out_sem1, out_sem2):
    wid = lax.axis_index("s") * NC + lax.axis_index("c")
    r0 = wid * ROWS_PER_W
    bufs = [row0_v, row1_v, row2_v]
    in_sems = [in_sem0, in_sem1, in_sem2]
    out_sems = [out_sem0, out_sem1, out_sem2]
    nb = len(bufs)

    copies_in = [None] * ROWS_PER_W
    copies_out = [None] * ROWS_PER_W
    out_waited = [False] * ROWS_PER_W
    for j in range(min(nb, ROWS_PER_W)):
        copies_in[j] = pltpu.async_copy(x_hbm.at[r0 + j], bufs[j],
                                        in_sems[j])
    thr = None
    for j in range(ROWS_PER_W):
        b = j % nb
        row_v = bufs[b]
        copies_in[j].wait()

        if j == 0:
            cntv = _compact(row_v, cand_v)
        else:
            prev_v = bufs[(j - 1) % nb]
            cntv = _mask_and_compact(prev_v, thr, row_v, cand_v)
            copies_out[j - 1] = pltpu.async_copy(
                prev_v, out_hbm.at[r0 + j - 1], out_sems[(j - 1) % nb])

        jn = j - 2 + nb
        if j >= 2 and jn < ROWS_PER_W:
            bp = (j - 2) % nb
            copies_out[j - 2].wait()
            out_waited[j - 2] = True
            copies_in[jn] = pltpu.async_copy(x_hbm.at[r0 + jn], bufs[bp],
                                             in_sems[bp])

        thr = _select(row_v, cand_v, cntv)

    last = ROWS_PER_W - 1
    _mask_only(bufs[last % nb], thr)
    copies_out[last] = pltpu.async_copy(bufs[last % nb],
                                        out_hbm.at[r0 + last],
                                        out_sems[last % nb])
    for j in range(ROWS_PER_W):
        if copies_out[j] is not None and not out_waited[j]:
            copies_out[j].wait()


@jax.jit
def _ksparse_sc(x):
    mesh = plsc.VectorSubcoreMesh(core_axis_name="c", subcore_axis_name="s")
    return pl.kernel(
        _sc_body,
        out_type=jax.ShapeDtypeStruct((R, N), jnp.float32),
        mesh=mesh,
        compiler_params=pltpu.CompilerParams(needs_layout_passes=False),
        scratch_types=[
            pltpu.VMEM((N,), jnp.float32),
            pltpu.VMEM((N,), jnp.float32),
            pltpu.VMEM((N,), jnp.float32),
            pltpu.VMEM((CAP + 2 * L,), jnp.float32),
            pltpu.SemaphoreType.DMA,
            pltpu.SemaphoreType.DMA,
            pltpu.SemaphoreType.DMA,
            pltpu.SemaphoreType.DMA,
            pltpu.SemaphoreType.DMA,
            pltpu.SemaphoreType.DMA,
        ],
    )(x)


def kernel(inputs):
    return _ksparse_sc(inputs)

# --- scband reference (transcript-rebuilt; emitter-appended) ---
"""Pipeline reference for scband-ksparse-52879637348503 (READ-ONLY COPY).

The authoritative reference and input builder live on the scoring server;
editing this copy changes nothing except your own understanding.
"""

import jax, jax.numpy as jnp
import numpy as np

K_SPARSITY = 64  # sparsity_levels[0]

def setup_inputs(seed: int = 0) -> dict:
    key = jax.random.key(seed)
    inputs = jax.random.normal(key, (128, 32768), dtype=jnp.float32)
    return {"inputs": inputs}

def reference(inputs):
    # Faithful translation of KSparse.call in the training phase (sparse branch).
    n = inputs.shape[-1]
    actual_k = min(n - 1, K_SPARSITY)
    sorted_vals = jnp.sort(inputs, axis=-1)
    kth_smallest = sorted_vals[..., n - 1 - actual_k]
    mask = (inputs > kth_smallest[:, None]).astype(jnp.float32)
    return inputs * mask

if __name__ == "__main__":
    import jax
    _d = setup_inputs()
    print(jax.jit(kernel)(*tuple(_d.values())))

</pallas_src>

<mosaic_0001>
#map = affine_map<(d0, d1) -> (0, 0)>
module attributes {stable_mosaic.version = 14 : i64} {
  func.func @_sc_body(%arg0: i32, %arg1: i32, %arg2: memref<128x32768xf32, #tpu.memory_space<hbm>>, %arg3: memref<128x32768xf32, #tpu.memory_space<hbm>>, %arg4: memref<32768xf32, #tpu.memory_space<vmem>>, %arg5: memref<32768xf32, #tpu.memory_space<vmem>>, %arg6: memref<32768xf32, #tpu.memory_space<vmem>>, %arg7: memref<544xf32, #tpu.memory_space<vmem>>, %arg8: memref<!tpu.dma_semaphore, #tpu.memory_space<semaphore_mem>>, %arg9: memref<!tpu.dma_semaphore, #tpu.memory_space<semaphore_mem>>, %arg10: memref<!tpu.dma_semaphore, #tpu.memory_space<semaphore_mem>>, %arg11: memref<!tpu.dma_semaphore, #tpu.memory_space<semaphore_mem>>, %arg12: memref<!tpu.dma_semaphore, #tpu.memory_space<semaphore_mem>>, %arg13: memref<!tpu.dma_semaphore, #tpu.memory_space<semaphore_mem>>) attributes {dimension_semantics = [#tpu.dimension_semantics<core_parallel>, #tpu.dimension_semantics<subcore_parallel>], iteration_bounds = array<i64: 2, 16>, scalar_prefetch = 0 : i64, scratch_operands = 10 : i64, tpu.core_type = #tpu.core_type<sc_vector_subcore>, window_params = [{transform_indices = #map}, {transform_indices = #map}]} {
    %mul3A = arith.constant 2 : i32
    %mul3A_0 = arith.muli %arg1, %mul3A : i32
    %add3A = arith.addi %mul3A_0, %arg0 : i32
    %mul3A_1 = arith.constant 4 : i32
    %mul3A_2 = arith.muli %add3A, %mul3A_1 : i32
    %add3A_3 = arith.constant 0 : i32
    %add3A_4 = arith.addi %mul3A_2, %add3A_3 : i32
    %dma_start3A = arith.constant 0 : i32
    %dma_start3A_5 = tpu.memref_slice %arg2[%add3A_4, %dma_start3A] : memref<128x32768xf32, #tpu.memory_space<hbm>> -> memref<1x32768xf32, #tpu.memory_space<hbm>>
    %dma_start3A_6 = tpu.memref_squeeze %dma_start3A_5 : memref<1x32768xf32, #tpu.memory_space<hbm>> -> memref<32768xf32, #tpu.memory_space<hbm>>
    %dma_start3A_7 = arith.constant 0 : i32
    %dma_start3A_8 = tpu.memref_slice %arg2[%add3A_4, %dma_start3A_7] : memref<128x32768xf32, #tpu.memory_space<hbm>> -> memref<1x32768xf32, #tpu.memory_space<hbm>>
    %dma_start3A_9 = tpu.memref_squeeze %dma_start3A_8 : memref<1x32768xf32, #tpu.memory_space<hbm>> -> memref<32768xf32, #tpu.memory_space<hbm>>
    tpu.enqueue_dma source(%dma_start3A_9 : memref<32768xf32, #tpu.memory_space<hbm>>) target(%arg4 : memref<32768xf32, #tpu.memory_space<vmem>>) target_semaphore(%arg8 : memref<!tpu.dma_semaphore, #tpu.memory_space<semaphore_mem>>)
    %add3A_10 = arith.constant 1 : i32
    %add3A_11 = arith.addi %mul3A_2, %add3A_10 : i32
    %dma_start3A_12 = arith.constant 0 : i32
    %dma_start3A_13 = tpu.memref_slice %arg2[%add3A_11, %dma_start3A_12] : memref<128x32768xf32, #tpu.memory_space<hbm>> -> memref<1x32768xf32, #tpu.memory_space<hbm>>
    %dma_start3A_14 = tpu.memref_squeeze %dma_start3A_13 : memref<1x32768xf32, #tpu.memory_space<hbm>> -> memref<32768xf32, #tpu.memory_space<hbm>>
    %dma_start3A_15 = arith.constant 0 : i32
    %dma_start3A_16 = tpu.memref_slice %arg2[%add3A_11, %dma_start3A_15] : memref<128x32768xf32, #tpu.memory_space<hbm>> -> memref<1x32768xf32, #tpu.memory_space<hbm>>
    %dma_start3A_17 = tpu.memref_squeeze %dma_start3A_16 : memref<1x32768xf32, #tpu.memory_space<hbm>> -> memref<32768xf32, #tpu.memory_space<hbm>>
    tpu.enqueue_dma source(%dma_start3A_17 : memref<32768xf32, #tpu.memory_space<hbm>>) target(%arg5 : memref<32768xf32, #tpu.memory_space<vmem>>) target_semaphore(%arg9 : memref<!tpu.dma_semaphore, #tpu.memory_space<semaphore_mem>>)
    %add3A_18 = arith.constant 2 : i32
    %add3A_19 = arith.addi %mul3A_2, %add3A_18 : i32
    %dma_start3A_20 = arith.constant 0 : i32
    %dma_start3A_21 = tpu.memref_slice %arg2[%add3A_19, %dma_start3A_20] : memref<128x32768xf32, #tpu.memory_space<hbm>> -> memref<1x32768xf32, #tpu.memory_space<hbm>>
    %dma_start3A_22 = tpu.memref_squeeze %dma_start3A_21 : memref<1x32768xf32, #tpu.memory_space<hbm>> -> memref<32768xf32, #tpu.memory_space<hbm>>
    %dma_start3A_23 = arith.constant 0 : i32
    %dma_start3A_24 = tpu.memref_slice %arg2[%add3A_19, %dma_start3A_23] : memref<128x32768xf32, #tpu.memory_space<hbm>> -> memref<1x32768xf32, #tpu.memory_space<hbm>>
    %dma_start3A_25 = tpu.memref_squeeze %dma_start3A_24 : memref<1x32768xf32, #tpu.memory_space<hbm>> -> memref<32768xf32, #tpu.memory_space<hbm>>
    tpu.enqueue_dma source(%dma_start3A_25 : memref<32768xf32, #tpu.memory_space<hbm>>) target(%arg6 : memref<32768xf32, #tpu.memory_space<vmem>>) target_semaphore(%arg10 : memref<!tpu.dma_semaphore, #tpu.memory_space<semaphore_mem>>)
    %dma_wait3A = arith.constant 0 : i32
    %dma_wait3A_26 = tpu.memref_slice %arg2[%add3A_4, %dma_wait3A] : memref<128x32768xf32, #tpu.memory_space<hbm>> -> memref<1x32768xf32, #tpu.memory_space<hbm>>
    %dma_wait3A_27 = tpu.memref_squeeze %dma_wait3A_26 : memref<1x32768xf32, #tpu.memory_space<hbm>> -> memref<32768xf32, #tpu.memory_space<hbm>>
    %dma_wait3A_28 = arith.constant 0 : i32
    %dma_wait3A_29 = tpu.memref_slice %arg2[%add3A_4, %dma_wait3A_28] : memref<128x32768xf32, #tpu.memory_space<hbm>> -> memref<1x32768xf32, #tpu.memory_space<hbm>>
    %dma_wait3A_30 = tpu.memref_squeeze %dma_wait3A_29 : memref<1x32768xf32, #tpu.memory_space<hbm>> -> memref<32768xf32, #tpu.memory_space<hbm>>
    tpu.wait_dma2 semaphore(%arg8 : memref<!tpu.dma_semaphore, #tpu.memory_space<semaphore_mem>>) src(%dma_wait3A_30 : memref<32768xf32, #tpu.memory_space<hbm>>) dst(%arg4 : memref<32768xf32, #tpu.memory_space<vmem>>)
    %parallel_loop3A = arith.constant 0 : i32
    %parallel_loop3A_31 = arith.constant 32 : i32
    %parallel_loop3A_32 = arith.constant 1 : i32
    scf.for %parallel_loop3A_283 = %parallel_loop3A to %parallel_loop3A_31 step %parallel_loop3A_32  : i32 {
      %parallel_loop3A_284 = arith.constant 0xFF800000 : f32
      %parallel_loop3A_285 = vector.broadcast %parallel_loop3A_284 : f32 to vector<16xf32>
      %parallel_loop3A_286 = arith.constant 16 : i32
      %parallel_loop3A_287 = arith.muli %parallel_loop3A_283, %parallel_loop3A_286 : i32
      %parallel_loop3A_288 = arith.index_cast %parallel_loop3A_287 : i32 to index
      %parallel_loop3A_289 = tpu.vector_load %arg7[%parallel_loop3A_288] {strides = array<i32>} : memref<544xf32, #tpu.memory_space<vmem>>, vector<16xf32>,
      tpu.vector_store %arg7[%parallel_loop3A_288], %parallel_loop3A_285 {strides = array<i32>} : memref<544xf32, #tpu.memory_space<vmem>>, vector<16xf32>,
    } {sc.loop_unroll_factor = 4 : i64, sc.parallel_access}
    %iota3A = tpu.iota {dimensions = array<i32: 0>} : vector<16xi32>
    %parallel_loop3A_33 = arith.constant 0 : i32
    %parallel_loop3A_34 = arith.constant 2048 : i32
    %parallel_loop3A_35 = arith.constant 1 : i32
    %parallel_loop3A_36 = scf.for %parallel_loop3A_283 = %parallel_loop3A_33 to %parallel_loop3A_34 step %parallel_loop3A_35 iter_args(%parallel_loop3A_284 = %iota3A) -> (vector<16xi32>)  : i32 {
      %parallel_loop3A_285 = arith.constant 16 : i32
      %parallel_loop3A_286 = arith.muli %parallel_loop3A_283, %parallel_loop3A_285 : i32
      %parallel_loop3A_287 = arith.index_cast %parallel_loop3A_286 : i32 to index
      %parallel_loop3A_288 = tpu.vector_load %arg4[%parallel_loop3A_287] {strides = array<i32>} : memref<32768xf32, #tpu.memory_space<vmem>>, vector<16xf32>,
      %parallel_loop3A_289 = arith.constant 2.500000e+00 : f32
      %parallel_loop3A_290 = vector.broadcast %parallel_loop3A_289 : f32 to vector<16xf32>
      %parallel_loop3A_291 = arith.cmpf ogt, %parallel_loop3A_288, %parallel_loop3A_290 : vector<16xf32>
      %parallel_loop3A_292 = arith.constant 32 : i32
      %parallel_loop3A_293 = vector.broadcast %parallel_loop3A_292 : i32 to vector<16xi32>
      %parallel_loop3A_294 = arith.constant 4 : i32
      %parallel_loop3A_295 = vector.broadcast %parallel_loop3A_294 : i32 to vector<16xi32>
      %parallel_loop3A_296 = arith.shli %parallel_loop3A_293, %parallel_loop3A_295 : vector<16xi32>
      %parallel_loop3A_297 = tpu.iota {dimensions = array<i32: 0>} : vector<16xi32>
      %parallel_loop3A_298 = arith.addi %parallel_loop3A_296, %parallel_loop3A_297 : vector<16xi32>
      %parallel_loop3A_299 = arith.minsi %parallel_loop3A_284, %parallel_loop3A_298 : vector<16xi32>
      tpu.vector_store_idx %arg7[%parallel_loop3A_299], %parallel_loop3A_288 masked %parallel_loop3A_291 : memref<544xf32, #tpu.memory_space<vmem>>[vector<16xi32>], vector<16xf32>, vector<16xi1>
      %parallel_loop3A_300 = arith.constant 16 : i32
      %parallel_loop3A_301 = vector.broadcast %parallel_loop3A_300 : i32 to vector<16xi32>
      %parallel_loop3A_302 = arith.constant 0 : i32
      %parallel_loop3A_303 = vector.broadcast %parallel_loop3A_302 : i32 to vector<16xi32>
      %parallel_loop3A_304 = arith.select %parallel_loop3A_291, %parallel_loop3A_301, %parallel_loop3A_303 : vector<16xi1>, vector<16xi32>
      %parallel_loop3A_305 = arith.addi %parallel_loop3A_284, %parallel_loop3A_304 : vector<16xi32>
      scf.yield %parallel_loop3A_305 : vector<16xi32>
    } {sc.loop_unroll_factor = 8 : i64, sc.parallel_access}
    %iota3A_37 = tpu.iota {dimensions = array<i32: 0>} : vector<16xi32>
    %sub3A = arith.subi %parallel_loop3A_36, %iota3A_37 : vector<16xi32>
    %shift_right_arithmetic3A = arith.constant 4 : i32
    %shift_right_arithmetic3A_38 = vector.broadcast %shift_right_arithmetic3A : i32 to vector<16xi32>
    %shift_right_arithmetic3A_39 = arith.shrsi %sub3A, %shift_right_arithmetic3A_38 : vector<16xi32>
    %reduce_sum3A = arith.constant true
    %reduce_sum3A_40 = vector.broadcast %reduce_sum3A : i1 to vector<16xi1>
    %reduce_sum3A_41 = tpu.scan <sum>, %shift_right_arithmetic3A_39 masked %reduce_sum3A_40 : vector<16xi32>, vector<16xi1> -> vector<16xi32>
    %reduce_sum3A_42 = vector.extract %reduce_sum3A_41[15] : i32 from vector<16xi32>
    %reduce_max3A = arith.constant true
    %reduce_max3A_43 = vector.broadcast %reduce_max3A : i1 to vector<16xi1>
    %reduce_max3A_44 = arith.constant -2147483648 : i32
    %reduce_max3A_45 = vector.broadcast %reduce_max3A_44 : i32 to vector<16xi32>
    %reduce_max3A_46 = arith.xori %shift_right_arithmetic3A_39, %reduce_max3A_45 : vector<16xi32>
    %reduce_max3A_47 = tpu.scan <max>, %reduce_max3A_46 masked %reduce_max3A_43 : vector<16xi32>, vector<16xi1> -> vector<16xi32>
    %reduce_max3A_48 = arith.xori %reduce_max3A_47, %reduce_max3A_45 : vector<16xi32>
    %reduce_max3A_49 = vector.extract %reduce_max3A_48[15] : i32 from vector<16xi32>
    %ge3A = arith.constant 65 : i32
    %ge3A_50 = arith.cmpi sge, %reduce_sum3A_42, %ge3A : i32
    %le3A = arith.constant 32 : i32
    %le3A_51 = arith.cmpi sle, %reduce_max3A_49, %le3A : i32
    %and3A = arith.andi %ge3A_50, %le3A_51 : i1
    %convert_element_type3A = arith.extui %and3A : i1 to i32
    %cond3A = arith.constant 0 : i32
    %cond3A_52 = arith.constant 0 : i32
    %cond3A_53 = arith.cmpi ne, %convert_element_type3A, %cond3A_52 : i32
    %cond3A_54 = scf.if %cond3A_53 -> (i32) {
      %scan3A = arith.constant -1073741824 : i32
      %scan3A_283 = arith.constant 2 : i32
      %scan3A_284 = arith.constant 30 : i32
      %scan3A_285 = arith.addi %scan3A_283, %scan3A_284 : i32
      %scan3A_286 = arith.constant 1 : i32
      %scan3A_287 = scf.for %scan3A_291 = %scan3A_283 to %scan3A_285 step %scan3A_286 iter_args(%scan3A_292 = %scan3A) -> (i32)  : i32 {
        %sub3A_293 = arith.constant 31 : i32
        %sub3A_294 = arith.subi %sub3A_293, %scan3A_291 : i32
        %shift_left3A = arith.constant 1 : i32
        %shift_left3A_295 = arith.shli %shift_left3A, %sub3A_294 : i32
        %or3A = arith.ori %scan3A_292, %shift_left3A_295 : i32
        %xor3A_296 = arith.constant -2147483648 : i32
        %xor3A_297 = arith.xori %or3A, %xor3A_296 : i32
        %broadcast_in_dim3A_298 = arith.constant 0 : i32
        %broadcast_in_dim3A_299 = vector.broadcast %broadcast_in_dim3A_298 : i32 to vector<16xi32>
        %broadcast_in_dim3A_300 = arith.constant 1 : i32
        %broadcast_in_dim3A_301 = vector.broadcast %broadcast_in_dim3A_300 : i32 to vector<16xi32>
        %broadcast_in_dim3A_302 = arith.constant 0 : i32
        %broadcast_in_dim3A_303 = vector.broadcast %broadcast_in_dim3A_302 : i32 to vector<16xi32>
        %get3A = arith.constant 0 : index
        %get3A_304 = tpu.vector_load %arg7[%get3A] {strides = array<i32>} : memref<544xf32, #tpu.memory_space<vmem>>, vector<16xf32>,
        %bitcast_convert_type3A_305 = tpu.bitcast %get3A_304 : vector<16xf32> -> vector<16xi32>
        %ge3A_306 = arith.constant 0 : i32
        %ge3A_307 = vector.broadcast %ge3A_306 : i32 to vector<16xi32>
        %ge3A_308 = arith.cmpi sge, %bitcast_convert_type3A_305, %ge3A_307 : vector<16xi32>
        %xor3A_309 = arith.constant 2147483647 : i32
        %xor3A_310 = vector.broadcast %xor3A_309 : i32 to vector<16xi32>
        %xor3A_311 = arith.xori %bitcast_convert_type3A_305, %xor3A_310 : vector<16xi32>
        %select_n3A_312 = arith.select %ge3A_308, %bitcast_convert_type3A_305, %xor3A_311 : vector<16xi1>, vector<16xi32>
        %ge3A_313 = vector.broadcast %xor3A_297 : i32 to vector<16xi32>
        %ge3A_314 = arith.cmpi sge, %select_n3A_312, %ge3A_313 : vector<16xi32>
        %select_n3A_315 = arith.select %ge3A_314, %broadcast_in_dim3A_301, %broadcast_in_dim3A_303 : vector<16xi1>, vector<16xi32>
        %add3A_316 = arith.addi %broadcast_in_dim3A_299, %select_n3A_315 : vector<16xi32>
        %get3A_317 = arith.constant 16 : index
        %get3A_318 = tpu.vector_load %arg7[%get3A_317] {strides = array<i32>} : memref<544xf32, #tpu.memory_space<vmem>>, vector<16xf32>,
        %bitcast_convert_type3A_319 = tpu.bitcast %get3A_318 : vector<16xf32> -> vector<16xi32>
        %ge3A_320 = arith.constant 0 : i32
        %ge3A_321 = vector.broadcast %ge3A_320 : i32 to vector<16xi32>
        %ge3A_322 = arith.cmpi sge, %bitcast_convert_type3A_319, %ge3A_321 : vector<16xi32>
        %xor3A_323 = arith.constant 2147483647 : i32
        %xor3A_324 = vector.broadcast %xor3A_323 : i32 to vector<16xi32>
        %xor3A_325 = arith.xori %bitcast_convert_type3A_319, %xor3A_324 : vector<16xi32>
        %select_n3A_326 = arith.select %ge3A_322, %bitcast_convert_type3A_319, %xor3A_325 : vector<16xi1>, vector<16xi32>
        %ge3A_327 = vector.broadcast %xor3A_297 : i32 to vector<16xi32>
        %ge3A_328 = arith.cmpi sge, %select_n3A_326, %ge3A_327 : vector<16xi32>
        %select_n3A_329 = arith.select %ge3A_328, %broadcast_in_dim3A_301, %broadcast_in_dim3A_303 : vector<16xi1>, vector<16xi32>
        %add3A_330 = arith.addi %add3A_316, %select_n3A_329 : vector<16xi32>
        %get3A_331 = arith.constant 32 : index
        %get3A_332 = tpu.vector_load %arg7[%get3A_331] {strides = array<i32>} : memref<544xf32, #tpu.memory_space<vmem>>, vector<16xf32>,
        %bitcast_convert_type3A_333 = tpu.bitcast %get3A_332 : vector<16xf32> -> vector<16xi32>
        %ge3A_334 = arith.constant 0 : i32
        %ge3A_335 = vector.broadcast %ge3A_334 : i32 to vector<16xi32>
        %ge3A_336 = arith.cmpi sge, %bitcast_convert_type3A_333, %ge3A_335 : vector<16xi32>
        %xor3A_337 = arith.constant 2147483647 : i32
        %xor3A_338 = vector.broadcast %xor3A_337 : i32 to vector<16xi32>
        %xor3A_339 = arith.xori %bitcast_convert_type3A_333, %xor3A_338 : vector<16xi32>
        %select_n3A_340 = arith.select %ge3A_336, %bitcast_convert_type3A_333, %xor3A_339 : vector<16xi1>, vector<16xi32>
        %ge3A_341 = vector.broadcast %xor3A_297 : i32 to vector<16xi32>
        %ge3A_342 = arith.cmpi sge, %select_n3A_340, %ge3A_341 : vector<16xi32>
        %select_n3A_343 = arith.select %ge3A_342, %broadcast_in_dim3A_301, %broadcast_in_dim3A_303 : vector<16xi1>, vector<16xi32>
        %add3A_344 = arith.addi %add3A_330, %select_n3A_343 : vector<16xi32>
        %get3A_345 = arith.constant 48 : index
        %get3A_346 = tpu.vector_load %arg7[%get3A_345] {strides = array<i32>} : memref<544xf32, #tpu.memory_space<vmem>>, vector<16xf32>,
        %bitcast_convert_type3A_347 = tpu.bitcast %get3A_346 : vector<16xf32> -> vector<16xi32>
        %ge3A_348 = arith.constant 0 : i32
        %ge3A_349 = vector.broadcast %ge3A_348 : i32 to vector<16xi32>
        %ge3A_350 = arith.cmpi sge, %bitcast_convert_type3A_347, %ge3A_349 : vector<16xi32>
        %xor3A_351 = arith.constant 2147483647 : i32
        %xor3A_352 = vector.broadcast %xor3A_351 : i32 to vector<16xi32>
        %xor3A_353 = arith.xori %bitcast_convert_type3A_347, %xor3A_352 : vector<16xi32>
        %select_n3A_354 = arith.select %ge3A_350, %bitcast_convert_type3A_347, %xor3A_353 : vector<16xi1>, vector<16xi32>
        %ge3A_355 = vector.broadcast %xor3A_297 : i32 to vector<16xi32>
        %ge3A_356 = arith.cmpi sge, %select_n3A_354, %ge3A_355 : vector<16xi32>
        %select_n3A_357 = arith.select %ge3A_356, %broadcast_in_dim3A_301, %broadcast_in_dim3A_303 : vector<16xi1>, vector<16xi32>
        %add3A_358 = arith.addi %add3A_344, %select_n3A_357 : vector<16xi32>
        %get3A_359 = arith.constant 64 : index
        %get3A_360 = tpu.vector_load %arg7[%get3A_359] {strides = array<i32>} : memref<544xf32, #tpu.memory_space<vmem>>, vector<16xf32>,
        %bitcast_convert_type3A_361 = tpu.bitcast %get3A_360 : vector<16xf32> -> vector<16xi32>
        %ge3A_362 = arith.constant 0 : i32
        %ge3A_363 = vector.broadcast %ge3A_362 : i32 to vector<16xi32>
        %ge3A_364 = arith.cmpi sge, %bitcast_convert_type3A_361, %ge3A_363 : vector<16xi32>
        %xor3A_365 = arith.constant 2147483647 : i32
        %xor3A_366 = vector.broadcast %xor3A_365 : i32 to vector<16xi32>
        %xor3A_367 = arith.xori %bitcast_convert_type3A_361, %xor3A_366 : vector<16xi32>
        %select_n3A_368 = arith.select %ge3A_364, %bitcast_convert_type3A_361, %xor3A_367 : vector<16xi1>, vector<16xi32>
        %ge3A_369 = vector.broadcast %xor3A_297 : i32 to vector<16xi32>
        %ge3A_370 = arith.cmpi sge, %select_n3A_368, %ge3A_369 : vector<16xi32>
        %select_n3A_371 = arith.select %ge3A_370, %broadcast_in_dim3A_301, %broadcast_in_dim3A_303 : vector<16xi1>, vector<16xi32>
        %add3A_372 = arith.addi %add3A_358, %select_n3A_371 : vector<16xi32>
        %get3A_373 = arith.constant 80 : index
        %get3A_374 = tpu.vector_load %arg7[%get3A_373] {strides = array<i32>} : memref<544xf32, #tpu.memory_space<vmem>>, vector<16xf32>,
        %bitcast_convert_type3A_375 = tpu.bitcast %get3A_374 : vector<16xf32> -> vector<16xi32>
        %ge3A_376 = arith.constant 0 : i32
        %ge3A_377 = vector.broadcast %ge3A_376 : i32 to vector<16xi32>
        %ge3A_378 = arith.cmpi sge, %bitcast_convert_type3A_375, %ge3A_377 : vector<16xi32>
        %xor3A_379 = arith.constant 2147483647 : i32
        %xor3A_380 = vector.broadcast %xor3A_379 : i32 to vector<16xi32>
        %xor3A_381 = arith.xori %bitcast_convert_type3A_375, %xor3A_380 : vector<16xi32>
        %select_n3A_382 = arith.select %ge3A_378, %bitcast_convert_type3A_375, %xor3A_381 : vector<16xi1>, vector<16xi32>
        %ge3A_383 = vector.broadcast %xor3A_297 : i32 to vector<16xi32>
        %ge3A_384 = arith.cmpi sge, %select_n3A_382, %ge3A_383 : vector<16xi32>
        %select_n3A_385 = arith.select %ge3A_384, %broadcast_in_dim3A_301, %broadcast_in_dim3A_303 : vector<16xi1>, vector<16xi32>
        %add3A_386 = arith.addi %add3A_372, %select_n3A_385 : vector<16xi32>
        %get3A_387 = arith.constant 96 : index
        %get3A_388 = tpu.vector_load %arg7[%get3A_387] {strides = array<i32>} : memref<544xf32, #tpu.memory_space<vmem>>, vector<16xf32>,
        %bitcast_convert_type3A_389 = tpu.bitcast %get3A_388 : vector<16xf32> -> vector<16xi32>
        %ge3A_390 = arith.constant 0 : i32
        %ge3A_391 = vector.broadcast %ge3A_390 : i32 to vector<16xi32>
        %ge3A_392 = arith.cmpi sge, %bitcast_convert_type3A_389, %ge3A_391 : vector<16xi32>
        %xor3A_393 = arith.constant 2147483647 : i32
        %xor3A_394 = vector.broadcast %xor3A_393 : i32 to vector<16xi32>
        %xor3A_395 = arith.xori %bitcast_convert_type3A_389, %xor3A_394 : vector<16xi32>
        %select_n3A_396 = arith.select %ge3A_392, %bitcast_convert_type3A_389, %xor3A_395 : vector<16xi1>, vector<16xi32>
        %ge3A_397 = vector.broadcast %xor3A_297 : i32 to vector<16xi32>
        %ge3A_398 = arith.cmpi sge, %select_n3A_396, %ge3A_397 : vector<16xi32>
        %select_n3A_399 = arith.select %ge3A_398, %broadcast_in_dim3A_301, %broadcast_in_dim3A_303 : vector<16xi1>, vector<16xi32>
        %add3A_400 = arith.addi %add3A_386, %select_n3A_399 : vector<16xi32>
        %get3A_401 = arith.constant 112 : index
        %get3A_402 = tpu.vector_load %arg7[%get3A_401] {strides = array<i32>} : memref<544xf32, #tpu.memory_space<vmem>>, vector<16xf32>,
        %bitcast_convert_type3A_403 = tpu.bitcast %get3A_402 : vector<16xf32> -> vector<16xi32>
        %ge3A_404 = arith.constant 0 : i32
        %ge3A_405 = vector.broadcast %ge3A_404 : i32 to vector<16xi32>
        %ge3A_406 = arith.cmpi sge, %bitcast_convert_type3A_403, %ge3A_405 : vector<16xi32>
        %xor3A_407 = arith.constant 2147483647 : i32
        %xor3A_408 = vector.broadcast %xor3A_407 : i32 to vector<16xi32>
        %xor3A_409 = arith.xori %bitcast_convert_type3A_403, %xor3A_408 : vector<16xi32>
        %select_n3A_410 = arith.select %ge3A_406, %bitcast_convert_type3A_403, %xor3A_409 : vector<16xi1>, vector<16xi32>
        %ge3A_411 = vector.broadcast %xor3A_297 : i32 to vector<16xi32>
        %ge3A_412 = arith.cmpi sge, %select_n3A_410, %ge3A_411 : vector<16xi32>
        %select_n3A_413 = arith.select %ge3A_412, %broadcast_in_dim3A_301, %broadcast_in_dim3A_303 : vector<16xi1>, vector<16xi32>
        %add3A_414 = arith.addi %add3A_400, %select_n3A_413 : vector<16xi32>
        %get3A_415 = arith.constant 128 : index
        %get3A_416 = tpu.vector_load %arg7[%get3A_415] {strides = array<i32>} : memref<544xf32, #tpu.memory_space<vmem>>, vector<16xf32>,
        %bitcast_convert_type3A_417 = tpu.bitcast %get3A_416 : vector<16xf32> -> vector<16xi32>
        %ge3A_418 = arith.constant 0 : i32
        %ge3A_419 = vector.broadcast %ge3A_418 : i32 to vector<16xi32>
        %ge3A_420 = arith.cmpi sge, %bitcast_convert_type3A_417, %ge3A_419 : vector<16xi32>
        %xor3A_421 = arith.constant 2147483647 : i32
        %xor3A_422 = vector.broadcast %xor3A_421 : i32 to vector<16xi32>
        %xor3A_423 = arith.xori %bitcast_convert_type3A_417, %xor3A_422 : vector<16xi32>
        %select_n3A_424 = arith.select %ge3A_420, %bitcast_convert_type3A_417, %xor3A_423 : vector<16xi1>, vector<16xi32>
        %ge3A_425 = vector.broadcast %xor3A_297 : i32 to vector<16xi32>
        %ge3A_426 = arith.cmpi sge, %select_n3A_424, %ge3A_425 : vector<16xi32>
        %select_n3A_427 = arith.select %ge3A_426, %broadcast_in_dim3A_301, %broadcast_in_dim3A_303 : vector<16xi1>, vector<16xi32>
        %add3A_428 = arith.addi %add3A_414, %select_n3A_427 : vector<16xi32>
        %get3A_429 = arith.constant 144 : index
        %get3A_430 = tpu.vector_load %arg7[%get3A_429] {strides = array<i32>} : memref<544xf32, #tpu.memory_space<vmem>>, vector<16xf32>,
        %bitcast_convert_type3A_431 = tpu.bitcast %get3A_430 : vector<16xf32> -> vector<16xi32>
        %ge3A_432 = arith.constant 0 : i32
        %ge3A_433 = vector.broadcast %ge3A_432 : i32 to vector<16xi32>
        %ge3A_434 = arith.cmpi sge, %bitcast_convert_type3A_431, %ge3A_433 : vector<16xi32>
        %xor3A_435 = arith.constant 2147483647 : i32
        %xor3A_436 = vector.broadcast %xor3A_435 : i32 to vector<16xi32>
        %xor3A_437 = arith.xori %bitcast_convert_type3A_431, %xor3A_436 : vector<16xi32>
        %select_n3A_438 = arith.select %ge3A_434, %bitcast_convert_type3A_431, %xor3A_437 : vector<16xi1>, vector<16xi32>
        %ge3A_439 = vector.broadcast %xor3A_297 : i32 to vector<16xi32>
        %ge3A_440 = arith.cmpi sge, %select_n3A_438, %ge3A_439 : vector<16xi32>
        %select_n3A_441 = arith.select %ge3A_440, %broadcast_in_dim3A_301, %broadcast_in_dim3A_303 : vector<16xi1>, vector<16xi32>
        %add3A_442 = arith.addi %add3A_428, %select_n3A_441 : vector<16xi32>
        %get3A_443 = arith.constant 160 : index
        %get3A_444 = tpu.vector_load %arg7[%get3A_443] {strides = array<i32>} : memref<544xf32, #tpu.memory_space<vmem>>, vector<16xf32>,
        %bitcast_convert_type3A_445 = tpu.bitcast %get3A_444 : vector<16xf32> -> vector<16xi32>
        %ge3A_446 = arith.constant 0 : i32
        %ge3A_447 = vector.broadcast %ge3A_446 : i32 to vector<16xi32>
        %ge3A_448 = arith.cmpi sge, %bitcast_convert_type3A_445, %ge3A_447 : vector<16xi32>
        %xor3A_449 = arith.constant 2147483647 : i32
        %xor3A_450 = vector.broadcast %xor3A_449 : i32 to vector<16xi32>
        %xor3A_451 = arith.xori %bitcast_convert_type3A_445, %xor3A_450 : vector<16xi32>
        %select_n3A_452 = arith.select %ge3A_448, %bitcast_convert_type3A_445, %xor3A_451 : vector<16xi1>, vector<16xi32>
        %ge3A_453 = vector.broadcast %xor3A_297 : i32 to vector<16xi32>
        %ge3A_454 = arith.cmpi sge, %select_n3A_452, %ge3A_453 : vector<16xi32>
        %select_n3A_455 = arith.select %ge3A_454, %broadcast_in_dim3A_301, %broadcast_in_dim3A_303 : vector<16xi1>, vector<16xi32>
        %add3A_456 = arith.addi %add3A_442, %select_n3A_455 : vector<16xi32>
        %get3A_457 = arith.constant 176 : index
        %get3A_458 = tpu.vector_load %arg7[%get3A_457] {strides = array<i32>} : memref<544xf32, #tpu.memory_space<vmem>>, vector<16xf32>,
        %bitcast_convert_type3A_459 = tpu.bitcast %get3A_458 : vector<16xf32> -> vector<16xi32>
        %ge3A_460 = arith.constant 0 : i32
        %ge3A_461 = vector.broadcast %ge3A_460 : i32 to vector<16xi32>
        %ge3A_462 = arith.cmpi sge, %bitcast_convert_type3A_459, %ge3A_461 : vector<16xi32>
        %xor3A_463 = arith.constant 2147483647 : i32
        %xor3A_464 = vector.broadcast %xor3A_463 : i32 to vector<16xi32>
        %xor3A_465 = arith.xori %bitcast_convert_type3A_459, %xor3A_464 : vector<16xi32>
        %select_n3A_466 = arith.select %ge3A_462, %bitcast_convert_type3A_459, %xor3A_465 : vector<16xi1>, vector<16xi32>
        %ge3A_467 = vector.broadcast %xor3A_297 : i32 to vector<16xi32>
        %ge3A_468 = arith.cmpi sge, %select_n3A_466, %ge3A_467 : vector<16xi32>
        %select_n3A_469 = arith.select %ge3A_468, %broadcast_in_dim3A_301, %broadcast_in_dim3A_303 : vector<16xi1>, vector<16xi32>
        %add3A_470 = arith.addi %add3A_456, %select_n3A_469 : vector<16xi32>
        %get3A_471 = arith.constant 192 : index
        %get3A_472 = tpu.vector_load %arg7[%get3A_471] {strides = array<i32>} : memref<544xf32, #tpu.memory_space<vmem>>, vector<16xf32>,
        %bitcast_convert_type3A_473 = tpu.bitcast %get3A_472 : vector<16xf32> -> vector<16xi32>
        %ge3A_474 = arith.constant 0 : i32
        %ge3A_475 = vector.broadcast %ge3A_474 : i32 to vector<16xi32>
        %ge3A_476 = arith.cmpi sge, %bitcast_convert_type3A_473, %ge3A_475 : vector<16xi32>
        %xor3A_477 = arith.constant 2147483647 : i32
        %xor3A_478 = vector.broadcast %xor3A_477 : i32 to vector<16xi32>
        %xor3A_479 = arith.xori %bitcast_convert_type3A_473, %xor3A_478 : vector<16xi32>
        %select_n3A_480 = arith.select %ge3A_476, %bitcast_convert_type3A_473, %xor3A_479 : vector<16xi1>, vector<16xi32>
        %ge3A_481 = vector.broadcast %xor3A_297 : i32 to vector<16xi32>
        %ge3A_482 = arith.cmpi sge, %select_n3A_480, %ge3A_481 : vector<16xi32>
        %select_n3A_483 = arith.select %ge3A_482, %broadcast_in_dim3A_301, %broadcast_in_dim3A_303 : vector<16xi1>, vector<16xi32>
        %add3A_484 = arith.addi %add3A_470, %select_n3A_483 : vector<16xi32>
        %get3A_485 = arith.constant 208 : index
        %get3A_486 = tpu.vector_load %arg7[%get3A_485] {strides = array<i32>} : memref<544xf32, #tpu.memory_space<vmem>>, vector<16xf32>,
        %bitcast_convert_type3A_487 = tpu.bitcast %get3A_486 : vector<16xf32> -> vector<16xi32>
        %ge3A_488 = arith.constant 0 : i32
        %ge3A_489 = vector.broadcast %ge3A_488 : i32 to vector<16xi32>
        %ge3A_490 = arith.cmpi sge, %bitcast_convert_type3A_487, %ge3A_489 : vector<16xi32>
        %xor3A_491 = arith.constant 2147483647 : i32
        %xor3A_492 = vector.broadcast %xor3A_491 : i32 to vector<16xi32>
        %xor3A_493 = arith.xori %bitcast_convert_type3A_487, %xor3A_492 : vector<16xi32>
        %select_n3A_494 = arith.select %ge3A_490, %bitcast_convert_type3A_487, %xor3A_493 : vector<16xi1>, vector<16xi32>
        %ge3A_495 = vector.broadcast %xor3A_297 : i32 to vector<16xi32>
        %ge3A_496 = arith.cmpi sge, %select_n3A_494, %ge3A_495 : vector<16xi32>
        %select_n3A_497 = arith.select %ge3A_496, %broadcast_in_dim3A_301, %broadcast_in_dim3A_303 : vector<16xi1>, vector<16xi32>
        %add3A_498 = arith.addi %add3A_484, %select_n3A_497 : vector<16xi32>
        %get3A_499 = arith.constant 224 : index
        %get3A_500 = tpu.vector_load %arg7[%get3A_499] {strides = array<i32>} : memref<544xf32, #tpu.memory_space<vmem>>, vector<16xf32>,
        %bitcast_convert_type3A_501 = tpu.bitcast %get3A_500 : vector<16xf32> -> vector<16xi32>
        %ge3A_502 = arith.constant 0 : i32
        %ge3A_503 = vector.broadcast %ge3A_502 : i32 to vector<16xi32>
        %ge3A_504 = arith.cmpi sge, %bitcast_convert_type3A_501, %ge3A_503 : vector<16xi32>
        %xor3A_505 = arith.constant 2147483647 : i32
        %xor3A_506 = vector.broadcast %xor3A_505 : i32 to vector<16xi32>
        %xor3A_507 = arith.xori %bitcast_convert_type3A_501, %xor3A_506 : vector<16xi32>
        %select_n3A_508 = arith.select %ge3A_504, %bitcast_convert_type3A_501, %xor3A_507 : vector<16xi1>, vector<16xi32>
        %ge3A_509 = vector.broadcast %xor3A_297 : i32 to vector<16xi32>
        %ge3A_510 = arith.cmpi sge, %select_n3A_508, %ge3A_509 : vector<16xi32>
        %select_n3A_511 = arith.select %ge3A_510, %broadcast_in_dim3A_301, %broadcast_in_dim3A_303 : vector<16xi1>, vector<16xi32>
        %add3A_512 = arith.addi %add3A_498, %select_n3A_511 : vector<16xi32>
        %get3A_513 = arith.constant 240 : index
        %get3A_514 = tpu.vector_load %arg7[%get3A_513] {strides = array<i32>} : memref<544xf32, #tpu.memory_space<vmem>>, vector<16xf32>,
        %bitcast_convert_type3A_515 = tpu.bitcast %get3A_514 : vector<16xf32> -> vector<16xi32>
        %ge3A_516 = arith.constant 0 : i32
        %ge3A_517 = vector.broadcast %ge3A_516 : i32 to vector<16xi32>
        %ge3A_518 = arith.cmpi sge, %bitcast_convert_type3A_515, %ge3A_517 : vector<16xi32>
        %xor3A_519 = arith.constant 2147483647 : i32
        %xor3A_520 = vector.broadcast %xor3A_519 : i32 to vector<16xi32>
        %xor3A_521 = arith.xori %bitcast_convert_type3A_515, %xor3A_520 : vector<16xi32>
        %select_n3A_522 = arith.select %ge3A_518, %bitcast_convert_type3A_515, %xor3A_521 : vector<16xi1>, vector<16xi32>
        %ge3A_523 = vector.broadcast %xor3A_297 : i32 to vector<16xi32>
        %ge3A_524 = arith.cmpi sge, %select_n3A_522, %ge3A_523 : vector<16xi32>
        %select_n3A_525 = arith.select %ge3A_524, %broadcast_in_dim3A_301, %broadcast_in_dim3A_303 : vector<16xi1>, vector<16xi32>
        %add3A_526 = arith.addi %add3A_512, %select_n3A_525 : vector<16xi32>
        %get3A_527 = arith.constant 256 : index
        %get3A_528 = tpu.vector_load %arg7[%get3A_527] {strides = array<i32>} : memref<544xf32, #tpu.memory_space<vmem>>, vector<16xf32>,
        %bitcast_convert_type3A_529 = tpu.bitcast %get3A_528 : vector<16xf32> -> vector<16xi32>
        %ge3A_530 = arith.constant 0 : i32
        %ge3A_531 = vector.broadcast %ge3A_530 : i32 to vector<16xi32>
        %ge3A_532 = arith.cmpi sge, %bitcast_convert_type3A_529, %ge3A_531 : vector<16xi32>
        %xor3A_533 = arith.constant 2147483647 : i32
        %xor3A_534 = vector.broadcast %xor3A_533 : i32 to vector<16xi32>
        %xor3A_535 = arith.xori %bitcast_convert_type3A_529, %xor3A_534 : vector<16xi32>
        %select_n3A_536 = arith.select %ge3A_532, %bitcast_convert_type3A_529, %xor3A_535 : vector<16xi1>, vector<16xi32>
        %ge3A_537 = vector.broadcast %xor3A_297 : i32 to vector<16xi32>
        %ge3A_538 = arith.cmpi sge, %select_n3A_536, %ge3A_537 : vector<16xi32>
        %select_n3A_539 = arith.select %ge3A_538, %broadcast_in_dim3A_301, %broadcast_in_dim3A_303 : vector<16xi1>, vector<16xi32>
        %add3A_540 = arith.addi %add3A_526, %select_n3A_539 : vector<16xi32>
        %get3A_541 = arith.constant 272 : index
        %get3A_542 = tpu.vector_load %arg7[%get3A_541] {strides = array<i32>} : memref<544xf32, #tpu.memory_space<vmem>>, vector<16xf32>,
        %bitcast_convert_type3A_543 = tpu.bitcast %get3A_542 : vector<16xf32> -> vector<16xi32>
        %ge3A_544 = arith.constant 0 : i32
        %ge3A_545 = vector.broadcast %ge3A_544 : i32 to vector<16xi32>
        %ge3A_546 = arith.cmpi sge, %bitcast_convert_type3A_543, %ge3A_545 : vector<16xi32>
        %xor3A_547 = arith.constant 2147483647 : i32
        %xor3A_548 = vector.broadcast %xor3A_547 : i32 to vector<16xi32>
        %xor3A_549 = arith.xori %bitcast_convert_type3A_543, %xor3A_548 : vector<16xi32>
        %select_n3A_550 = arith.select %ge3A_546, %bitcast_convert_type3A_543, %xor3A_549 : vector<16xi1>, vector<16xi32>
        %ge3A_551 = vector.broadcast %xor3A_297 : i32 to vector<16xi32>
        %ge3A_552 = arith.cmpi sge, %select_n3A_550, %ge3A_551 : vector<16xi32>
        %select_n3A_553 = arith.select %ge3A_552, %broadcast_in_dim3A_301, %broadcast_in_dim3A_303 : vector<16xi1>, vector<16xi32>
        %add3A_554 = arith.addi %add3A_540, %select_n3A_553 : vector<16xi32>
        %get3A_555 = arith.constant 288 : index
        %get3A_556 = tpu.vector_load %arg7[%get3A_555] {strides = array<i32>} : memref<544xf32, #tpu.memory_space<vmem>>, vector<16xf32>,
        %bitcast_convert_type3A_557 = tpu.bitcast %get3A_556 : vector<16xf32> -> vector<16xi32>
        %ge3A_558 = arith.constant 0 : i32
        %ge3A_559 = vector.broadcast %ge3A_558 : i32 to vector<16xi32>
        %ge3A_560 = arith.cmpi sge, %bitcast_convert_type3A_557, %ge3A_559 : vector<16xi32>
        %xor3A_561 = arith.constant 2147483647 : i32
        %xor3A_562 = vector.broadcast %xor3A_561 : i32 to vector<16xi32>
        %xor3A_563 = arith.xori %bitcast_convert_type3A_557, %xor3A_562 : vector<16xi32>
        %select_n3A_564 = arith.select %ge3A_560, %bitcast_convert_type3A_557, %xor3A_563 : vector<16xi1>, vector<16xi32>
        %ge3A_565 = vector.broadcast %xor3A_297 : i32 to vector<16xi32>
        %ge3A_566 = arith.cmpi sge, %select_n3A_564, %ge3A_565 : vector<16xi32>
        %select_n3A_567 = arith.select %ge3A_566, %broadcast_in_dim3A_301, %broadcast_in_dim3A_303 : vector<16xi1>, vector<16xi32>
        %add3A_568 = arith.addi %add3A_554, %select_n3A_567 : vector<16xi32>
        %get3A_569 = arith.constant 304 : index
        %get3A_570 = tpu.vector_load %arg7[%get3A_569] {strides = array<i32>} : memref<544xf32, #tpu.memory_space<vmem>>, vector<16xf32>,
        %bitcast_convert_type3A_571 = tpu.bitcast %get3A_570 : vector<16xf32> -> vector<16xi32>
        %ge3A_572 = arith.constant 0 : i32
        %ge3A_573 = vector.broadcast %ge3A_572 : i32 to vector<16xi32>
        %ge3A_574 = arith.cmpi sge, %bitcast_convert_type3A_571, %ge3A_573 : vector<16xi32>
        %xor3A_575 = arith.constant 2147483647 : i32
        %xor3A_576 = vector.broadcast %xor3A_575 : i32 to vector<16xi32>
        %xor3A_577 = arith.xori %bitcast_convert_type3A_571, %xor3A_576 : vector<16xi32>
        %select_n3A_578 = arith.select %ge3A_574, %bitcast_convert_type3A_571, %xor3A_577 : vector<16xi1>, vector<16xi32>
        %ge3A_579 = vector.broadcast %xor3A_297 : i32 to vector<16xi32>
        %ge3A_580 = arith.cmpi sge, %select_n3A_578, %ge3A_579 : vector<16xi32>
        %select_n3A_581 = arith.select %ge3A_580, %broadcast_in_dim3A_301, %broadcast_in_dim3A_303 : vector<16xi1>, vector<16xi32>
        %add3A_582 = arith.addi %add3A_568, %select_n3A_581 : vector<16xi32>
        %get3A_583 = arith.constant 320 : index
        %get3A_584 = tpu.vector_load %arg7[%get3A_583] {strides = array<i32>} : memref<544xf32, #tpu.memory_space<vmem>>, vector<16xf32>,
        %bitcast_convert_type3A_585 = tpu.bitcast %get3A_584 : vector<16xf32> -> vector<16xi32>
        %ge3A_586 = arith.constant 0 : i32
        %ge3A_587 = vector.broadcast %ge3A_586 : i32 to vector<16xi32>
        %ge3A_588 = arith.cmpi sge, %bitcast_convert_type3A_585, %ge3A_587 : vector<16xi32>
        %xor3A_589 = arith.constant 2147483647 : i32
        %xor3A_590 = vector.broadcast %xor3A_589 : i32 to vector<16xi32>
        %xor3A_591 = arith.xori %bitcast_convert_type3A_585, %xor3A_590 : vector<16xi32>
        %select_n3A_592 = arith.select %ge3A_588, %bitcast_convert_type3A_585, %xor3A_591 : vector<16xi1>, vector<16xi32>
        %ge3A_593 = vector.broadcast %xor3A_297 : i32 to vector<16xi32>
        %ge3A_594 = arith.cmpi sge, %select_n3A_592, %ge3A_593 : vector<16xi32>
        %select_n3A_595 = arith.select %ge3A_594, %broadcast_in_dim3A_301, %broadcast_in_dim3A_303 : vector<16xi1>, vector<16xi32>
        %add3A_596 = arith.addi %add3A_582, %select_n3A_595 : vector<16xi32>
        %get3A_597 = arith.constant 336 : index
        %get3A_598 = tpu.vector_load %arg7[%get3A_597] {strides = array<i32>} : memref<544xf32, #tpu.memory_space<vmem>>, vector<16xf32>,
        %bitcast_convert_type3A_599 = tpu.bitcast %get3A_598 : vector<16xf32> -> vector<16xi32>
        %ge3A_600 = arith.constant 0 : i32
        %ge3A_601 = vector.broadcast %ge3A_600 : i32 to vector<16xi32>
        %ge3A_602 = arith.cmpi sge, %bitcast_convert_type3A_599, %ge3A_601 : vector<16xi32>
        %xor3A_603 = arith.constant 2147483647 : i32
        %xor3A_604 = vector.broadcast %xor3A_603 : i32 to vector<16xi32>
        %xor3A_605 = arith.xori %bitcast_convert_type3A_599, %xor3A_604 : vector<16xi32>
        %select_n3A_606 = arith.select %ge3A_602, %bitcast_convert_type3A_599, %xor3A_605 : vector<16xi1>, vector<16xi32>
        %ge3A_607 = vector.broadcast %xor3A_297 : i32 to vector<16xi32>
        %ge3A_608 = arith.cmpi sge, %select_n3A_606, %ge3A_607 : vector<16xi32>
        %select_n3A_609 = arith.select %ge3A_608, %broadcast_in_dim3A_301, %broadcast_in_dim3A_303 : vector<16xi1>, vector<16xi32>
        %add3A_610 = arith.addi %add3A_596, %select_n3A_609 : vector<16xi32>
        %get3A_611 = arith.constant 352 : index
        %get3A_612 = tpu.vector_load %arg7[%get3A_611] {strides = array<i32>} : memref<544xf32, #tpu.memory_space<vmem>>, vector<16xf32>,
        %bitcast_convert_type3A_613 = tpu.bitcast %get3A_612 : vector<16xf32> -> vector<16xi32>
        %ge3A_614 = arith.constant 0 : i32
        %ge3A_615 = vector.broadcast %ge3A_614 : i32 to vector<16xi32>
        %ge3A_616 = arith.cmpi sge, %bitcast_convert_type3A_613, %ge3A_615 : vector<16xi32>
        %xor3A_617 = arith.constant 2147483647 : i32
        %xor3A_618 = vector.broadcast %xor3A_617 : i32 to vector<16xi32>
        %xor3A_619 = arith.xori %bitcast_convert_type3A_613, %xor3A_618 : vector<16xi32>
        %select_n3A_620 = arith.select %ge3A_616, %bitcast_convert_type3A_613, %xor3A_619 : vector<16xi1>, vector<16xi32>
        %ge3A_621 = vector.broadcast %xor3A_297 : i32 to vector<16xi32>
        %ge3A_622 = arith.cmpi sge, %select_n3A_620, %ge3A_621 : vector<16xi32>
        %select_n3A_623 = arith.select %ge3A_622, %broadcast_in_dim3A_301, %broadcast_in_dim3A_303 : vector<16xi1>, vector<16xi32>
        %add3A_624 = arith.addi %add3A_610, %select_n3A_623 : vector<16xi32>
        %get3A_625 = arith.constant 368 : index
        %get3A_626 = tpu.vector_load %arg7[%get3A_625] {strides = array<i32>} : memref<544xf32, #tpu.memory_space<vmem>>, vector<16xf32>,
        %bitcast_convert_type3A_627 = tpu.bitcast %get3A_626 : vector<16xf32> -> vector<16xi32>
        %ge3A_628 = arith.constant 0 : i32
        %ge3A_629 = vector.broadcast %ge3A_628 : i32 to vector<16xi32>
        %ge3A_630 = arith.cmpi sge, %bitcast_convert_type3A_627, %ge3A_629 : vector<16xi32>
        %xor3A_631 = arith.constant 2147483647 : i32
        %xor3A_632 = vector.broadcast %xor3A_631 : i32 to vector<16xi32>
        %xor3A_633 = arith.xori %bitcast_convert_type3A_627, %xor3A_632 : vector<16xi32>
        %select_n3A_634 = arith.select %ge3A_630, %bitcast_convert_type3A_627, %xor3A_633 : vector<16xi1>, vector<16xi32>
        %ge3A_635 = vector.broadcast %xor3A_297 : i32 to vector<16xi32>
        %ge3A_636 = arith.cmpi sge, %select_n3A_634, %ge3A_635 : vector<16xi32>
        %select_n3A_637 = arith.select %ge3A_636, %broadcast_in_dim3A_301, %broadcast_in_dim3A_303 : vector<16xi1>, vector<16xi32>
        %add3A_638 = arith.addi %add3A_624, %select_n3A_637 : vector<16xi32>
        %get3A_639 = arith.constant 384 : index
        %get3A_640 = tpu.vector_load %arg7[%get3A_639] {strides = array<i32>} : memref<544xf32, #tpu.memory_space<vmem>>, vector<16xf32>,
        %bitcast_convert_type3A_641 = tpu.bitcast %get3A_640 : vector<16xf32> -> vector<16xi32>
        %ge3A_642 = arith.constant 0 : i32
        %ge3A_643 = vector.broadcast %ge3A_642 : i32 to vector<16xi32>
        %ge3A_644 = arith.cmpi sge, %bitcast_convert_type3A_641, %ge3A_643 : vector<16xi32>
        %xor3A_645 = arith.constant 2147483647 : i32
        %xor3A_646 = vector.broadcast %xor3A_645 : i32 to vector<16xi32>
        %xor3A_647 = arith.xori %bitcast_convert_type3A_641, %xor3A_646 : vector<16xi32>
        %select_n3A_648 = arith.select %ge3A_644, %bitcast_convert_type3A_641, %xor3A_647 : vector<16xi1>, vector<16xi32>
        %ge3A_649 = vector.broadcast %xor3A_297 : i32 to vector<16xi32>
        %ge3A_650 = arith.cmpi sge, %select_n3A_648, %ge3A_649 : vector<16xi32>
        %select_n3A_651 = arith.select %ge3A_650, %broadcast_in_dim3A_301, %broadcast_in_dim3A_303 : vector<16xi1>, vector<16xi32>
        %add3A_652 = arith.addi %add3A_638, %select_n3A_651 : vector<16xi32>
        %get3A_653 = arith.constant 400 : index
        %get3A_654 = tpu.vector_load %arg7[%get3A_653] {strides = array<i32>} : memref<544xf32, #tpu.memory_space<vmem>>, vector<16xf32>,
        %bitcast_convert_type3A_655 = tpu.bitcast %get3A_654 : vector<16xf32> -> vector<16xi32>
        %ge3A_656 = arith.constant 0 : i32
        %ge3A_657 = vector.broadcast %ge3A_656 : i32 to vector<16xi32>
        %ge3A_658 = arith.cmpi sge, %bitcast_convert_type3A_655, %ge3A_657 : vector<16xi32>
        %xor3A_659 = arith.constant 2147483647 : i32
        %xor3A_660 = vector.broadcast %xor3A_659 : i32 to vector<16xi32>
        %xor3A_661 = arith.xori %bitcast_convert_type3A_655, %xor3A_660 : vector<16xi32>
        %select_n3A_662 = arith.select %ge3A_658, %bitcast_convert_type3A_655, %xor3A_661 : vector<16xi1>, vector<16xi32>
        %ge3A_663 = vector.broadcast %xor3A_297 : i32 to vector<16xi32>
        %ge3A_664 = arith.cmpi sge, %select_n3A_662, %ge3A_663 : vector<16xi32>
        %select_n3A_665 = arith.select %ge3A_664, %broadcast_in_dim3A_301, %broadcast_in_dim3A_303 : vector<16xi1>, vector<16xi32>
        %add3A_666 = arith.addi %add3A_652, %select_n3A_665 : vector<16xi32>
        %get3A_667 = arith.constant 416 : index
        %get3A_668 = tpu.vector_load %arg7[%get3A_667] {strides = array<i32>} : memref<544xf32, #tpu.memory_space<vmem>>, vector<16xf32>,
        %bitcast_convert_type3A_669 = tpu.bitcast %get3A_668 : vector<16xf32> -> vector<16xi32>
        %ge3A_670 = arith.constant 0 : i32
        %ge3A_671 = vector.broadcast %ge3A_670 : i32 to vector<16xi32>
        %ge3A_672 = arith.cmpi sge, %bitcast_convert_type3A_669, %ge3A_671 : vector<16xi32>
        %xor3A_673 = arith.constant 2147483647 : i32
        %xor3A_674 = vector.broadcast %xor3A_673 : i32 to vector<16xi32>
        %xor3A_675 = arith.xori %bitcast_convert_type3A_669, %xor3A_674 : vector<16xi32>
        %select_n3A_676 = arith.select %ge3A_672, %bitcast_convert_type3A_669, %xor3A_675 : vector<16xi1>, vector<16xi32>
        %ge3A_677 = vector.broadcast %xor3A_297 : i32 to vector<16xi32>
        %ge3A_678 = arith.cmpi sge, %select_n3A_676, %ge3A_677 : vector<16xi32>
        %select_n3A_679 = arith.select %ge3A_678, %broadcast_in_dim3A_301, %broadcast_in_dim3A_303 : vector<16xi1>, vector<16xi32>
        %add3A_680 = arith.addi %add3A_666, %select_n3A_679 : vector<16xi32>
        %get3A_681 = arith.constant 432 : index
        %get3A_682 = tpu.vector_load %arg7[%get3A_681] {strides = array<i32>} : memref<544xf32, #tpu.memory_space<vmem>>, vector<16xf32>,
        %bitcast_convert_type3A_683 = tpu.bitcast %get3A_682 : vector<16xf32> -> vector<16xi32>
        %ge3A_684 = arith.constant 0 : i32
        %ge3A_685 = vector.broadcast %ge3A_684 : i32 to vector<16xi32>
        %ge3A_686 = arith.cmpi sge, %bitcast_convert_type3A_683, %ge3A_685 : vector<16xi32>
        %xor3A_687 = arith.constant 2147483647 : i32
        %xor3A_688 = vector.broadcast %xor3A_687 : i32 to vector<16xi32>
        %xor3A_689 = arith.xori %bitcast_convert_type3A_683, %xor3A_688 : vector<16xi32>
        %select_n3A_690 = arith.select %ge3A_686, %bitcast_convert_type3A_683, %xor3A_689 : vector<16xi1>, vector<16xi32>
        %ge3A_691 = vector.broadcast %xor3A_297 : i32 to vector<16xi32>
        %ge3A_692 = arith.cmpi sge, %select_n3A_690, %ge3A_691 : vector<16xi32>
        %select_n3A_693 = arith.select %ge3A_692, %broadcast_in_dim3A_301, %broadcast_in_dim3A_303 : vector<16xi1>, vector<16xi32>
        %add3A_694 = arith.addi %add3A_680, %select_n3A_693 : vector<16xi32>
        %get3A_695 = arith.constant 448 : index
        %get3A_696 = tpu.vector_load %arg7[%get3A_695] {strides = array<i32>} : memref<544xf32, #tpu.memory_space<vmem>>, vector<16xf32>,
        %bitcast_convert_type3A_697 = tpu.bitcast %get3A_696 : vector<16xf32> -> vector<16xi32>
        %ge3A_698 = arith.constant 0 : i32
        %ge3A_699 = vector.broadcast %ge3A_698 : i32 to vector<16xi32>
        %ge3A_700 = arith.cmpi sge, %bitcast_convert_type3A_697, %ge3A_699 : vector<16xi32>
        %xor3A_701 = arith.constant 2147483647 : i32
        %xor3A_702 = vector.broadcast %xor3A_701 : i32 to vector<16xi32>
        %xor3A_703 = arith.xori %bitcast_convert_type3A_697, %xor3A_702 : vector<16xi32>
        %select_n3A_704 = arith.select %ge3A_700, %bitcast_convert_type3A_697, %xor3A_703 : vector<16xi1>, vector<16xi32>
        %ge3A_705 = vector.broadcast %xor3A_297 : i32 to vector<16xi32>
        %ge3A_706 = arith.cmpi sge, %select_n3A_704, %ge3A_705 : vector<16xi32>
        %select_n3A_707 = arith.select %ge3A_706, %broadcast_in_dim3A_301, %broadcast_in_dim3A_303 : vector<16xi1>, vector<16xi32>
        %add3A_708 = arith.addi %add3A_694, %select_n3A_707 : vector<16xi32>
        %get3A_709 = arith.constant 464 : index
        %get3A_710 = tpu.vector_load %arg7[%get3A_709] {strides = array<i32>} : memref<544xf32, #tpu.memory_space<vmem>>, vector<16xf32>,
        %bitcast_convert_type3A_711 = tpu.bitcast %get3A_710 : vector<16xf32> -> vector<16xi32>
        %ge3A_712 = arith.constant 0 : i32
        %ge3A_713 = vector.broadcast %ge3A_712 : i32 to vector<16xi32>
        %ge3A_714 = arith.cmpi sge, %bitcast_convert_type3A_711, %ge3A_713 : vector<16xi32>
        %xor3A_715 = arith.constant 2147483647 : i32
        %xor3A_716 = vector.broadcast %xor3A_715 : i32 to vector<16xi32>
        %xor3A_717 = arith.xori %bitcast_convert_type3A_711, %xor3A_716 : vector<16xi32>
        %select_n3A_718 = arith.select %ge3A_714, %bitcast_convert_type3A_711, %xor3A_717 : vector<16xi1>, vector<16xi32>
        %ge3A_719 = vector.broadcast %xor3A_297 : i32 to vector<16xi32>
        %ge3A_720 = arith.cmpi sge, %select_n3A_718, %ge3A_719 : vector<16xi32>
        %select_n3A_721 = arith.select %ge3A_720, %broadcast_in_dim3A_301, %broadcast_in_dim3A_303 : vector<16xi1>, vector<16xi32>
        %add3A_722 = arith.addi %add3A_708, %select_n3A_721 : vector<16xi32>
        %get3A_723 = arith.constant 480 : index
        %get3A_724 = tpu.vector_load %arg7[%get3A_723] {strides = array<i32>} : memref<544xf32, #tpu.memory_space<vmem>>, vector<16xf32>,
        %bitcast_convert_type3A_725 = tpu.bitcast %get3A_724 : vector<16xf32> -> vector<16xi32>
        %ge3A_726 = arith.constant 0 : i32
        %ge3A_727 = vector.broadcast %ge3A_726 : i32 to vector<16xi32>
        %ge3A_728 = arith.cmpi sge, %bitcast_convert_type3A_725, %ge3A_727 : vector<16xi32>
        %xor3A_729 = arith.constant 2147483647 : i32
        %xor3A_730 = vector.broadcast %xor3A_729 : i32 to vector<16xi32>
        %xor3A_731 = arith.xori %bitcast_convert_type3A_725, %xor3A_730 : vector<16xi32>
        %select_n3A_732 = arith.select %ge3A_728, %bitcast_convert_type3A_725, %xor3A_731 : vector<16xi1>, vector<16xi32>
        %ge3A_733 = vector.broadcast %xor3A_297 : i32 to vector<16xi32>
        %ge3A_734 = arith.cmpi sge, %select_n3A_732, %ge3A_733 : vector<16xi32>
        %select_n3A_735 = arith.select %ge3A_734, %broadcast_in_dim3A_301, %broadcast_in_dim3A_303 : vector<16xi1>, vector<16xi32>
        %add3A_736 = arith.addi %add3A_722, %select_n3A_735 : vector<16xi32>
        %get3A_737 = arith.constant 496 : index
        %get3A_738 = tpu.vector_load %arg7[%get3A_737] {strides = array<i32>} : memref<544xf32, #tpu.memory_space<vmem>>, vector<16xf32>,
        %bitcast_convert_type3A_739 = tpu.bitcast %get3A_738 : vector<16xf32> -> vector<16xi32>
        %ge3A_740 = arith.constant 0 : i32
        %ge3A_741 = vector.broadcast %ge3A_740 : i32 to vector<16xi32>
        %ge3A_742 = arith.cmpi sge, %bitcast_convert_type3A_739, %ge3A_741 : vector<16xi32>
        %xor3A_743 = arith.constant 2147483647 : i32
        %xor3A_744 = vector.broadcast %xor3A_743 : i32 to vector<16xi32>
        %xor3A_745 = arith.xori %bitcast_convert_type3A_739, %xor3A_744 : vector<16xi32>
        %select_n3A_746 = arith.select %ge3A_742, %bitcast_convert_type3A_739, %xor3A_745 : vector<16xi1>, vector<16xi32>
        %ge3A_747 = vector.broadcast %xor3A_297 : i32 to vector<16xi32>
        %ge3A_748 = arith.cmpi sge, %select_n3A_746, %ge3A_747 : vector<16xi32>
        %select_n3A_749 = arith.select %ge3A_748, %broadcast_in_dim3A_301, %broadcast_in_dim3A_303 : vector<16xi1>, vector<16xi32>
        %add3A_750 = arith.addi %add3A_736, %select_n3A_749 : vector<16xi32>
        %reduce_sum3A_751 = arith.constant true
        %reduce_sum3A_752 = vector.broadcast %reduce_sum3A_751 : i1 to vector<16xi1>
        %reduce_sum3A_753 = tpu.scan <sum>, %add3A_750 masked %reduce_sum3A_752 : vector<16xi32>, vector<16xi1> -> vector<16xi32>
        %reduce_sum3A_754 = vector.extract %reduce_sum3A_753[15] : i32 from vector<16xi32>
        %ge3A_755 = arith.constant 65 : i32
        %ge3A_756 = arith.cmpi sge, %reduce_sum3A_754, %ge3A_755 : i32
        %select_n3A_757 = arith.select %ge3A_756, %or3A, %scan3A_292 : i32
        scf.yield %select_n3A_757 : i32
      }
      %scan3A_288 = arith.constant 30 : i32
      %xor3A_289 = arith.constant -2147483648 : i32
      %xor3A_290 = arith.xori %scan3A_287, %xor3A_289 : i32
      scf.yield %xor3A_290 : i32
    } else {
      %scan3A = arith.constant 0 : i32
      %scan3A_283 = arith.constant 0 : i32
      %scan3A_284 = arith.constant 32 : i32
      %scan3A_285 = arith.addi %scan3A_283, %scan3A_284 : i32
      %scan3A_286 = arith.constant 1 : i32
      %scan3A_287 = scf.for %scan3A_291 = %scan3A_283 to %scan3A_285 step %scan3A_286 iter_args(%scan3A_292 = %scan3A) -> (i32)  : i32 {
        %sub3A_293 = arith.constant 31 : i32
        %sub3A_294 = arith.subi %sub3A_293, %scan3A_291 : i32
        %shift_left3A = arith.constant 1 : i32
        %shift_left3A_295 = arith.shli %shift_left3A, %sub3A_294 : i32
        %or3A = arith.ori %scan3A_292, %shift_left3A_295 : i32
        %xor3A_296 = arith.constant -2147483648 : i32
        %xor3A_297 = arith.xori %or3A, %xor3A_296 : i32
        %broadcast_in_dim3A_298 = arith.constant 0 : i32
        %broadcast_in_dim3A_299 = vector.broadcast %broadcast_in_dim3A_298 : i32 to vector<16xi32>
        %scan3A_300 = arith.constant 0 : i32
        %scan3A_301 = arith.constant 2048 : i32
        %scan3A_302 = arith.addi %scan3A_300, %scan3A_301 : i32
        %scan3A_303 = arith.constant 1 : i32
        %scan3A_304 = scf.for %scan3A_313 = %scan3A_300 to %scan3A_302 step %scan3A_303 iter_args(%scan3A_314 = %broadcast_in_dim3A_299) -> (vector<16xi32>)  : i32 {
          %mul3A_315 = arith.constant 16 : i32
          %mul3A_316 = arith.muli %scan3A_313, %mul3A_315 : i32
          %get3A = arith.index_cast %mul3A_316 : i32 to index
          %get3A_317 = tpu.vector_load %arg4[%get3A] {strides = array<i32>} : memref<32768xf32, #tpu.memory_space<vmem>>, vector<16xf32>,
          %bitcast_convert_type3A_318 = tpu.bitcast %get3A_317 : vector<16xf32> -> vector<16xi32>
          %ge3A_319 = arith.constant 0 : i32
          %ge3A_320 = vector.broadcast %ge3A_319 : i32 to vector<16xi32>
          %ge3A_321 = arith.cmpi sge, %bitcast_convert_type3A_318, %ge3A_320 : vector<16xi32>
          %xor3A_322 = arith.constant 2147483647 : i32
          %xor3A_323 = vector.broadcast %xor3A_322 : i32 to vector<16xi32>
          %xor3A_324 = arith.xori %bitcast_convert_type3A_318, %xor3A_323 : vector<16xi32>
          %select_n3A_325 = arith.select %ge3A_321, %bitcast_convert_type3A_318, %xor3A_324 : vector<16xi1>, vector<16xi32>
          %ge3A_326 = vector.broadcast %xor3A_297 : i32 to vector<16xi32>
          %ge3A_327 = arith.cmpi sge, %select_n3A_325, %ge3A_326 : vector<16xi32>
          %broadcast_in_dim3A_328 = arith.constant 1 : i32
          %broadcast_in_dim3A_329 = vector.broadcast %broadcast_in_dim3A_328 : i32 to vector<16xi32>
          %broadcast_in_dim3A_330 = arith.constant 0 : i32
          %broadcast_in_dim3A_331 = vector.broadcast %broadcast_in_dim3A_330 : i32 to vector<16xi32>
          %select_n3A_332 = arith.select %ge3A_327, %broadcast_in_dim3A_329, %broadcast_in_dim3A_331 : vector<16xi1>, vector<16xi32>
          %add3A_333 = arith.addi %scan3A_314, %select_n3A_332 : vector<16xi32>
          scf.yield %add3A_333 : vector<16xi32>
        }
        %scan3A_305 = arith.constant 2048 : i32
        %reduce_sum3A_306 = arith.constant true
        %reduce_sum3A_307 = vector.broadcast %reduce_sum3A_306 : i1 to vector<16xi1>
        %reduce_sum3A_308 = tpu.scan <sum>, %scan3A_304 masked %reduce_sum3A_307 : vector<16xi32>, vector<16xi1> -> vector<16xi32>
        %reduce_sum3A_309 = vector.extract %reduce_sum3A_308[15] : i32 from vector<16xi32>
        %ge3A_310 = arith.constant 65 : i32
        %ge3A_311 = arith.cmpi sge, %reduce_sum3A_309, %ge3A_310 : i32
        %select_n3A_312 = arith.select %ge3A_311, %or3A, %scan3A_292 : i32
        scf.yield %select_n3A_312 : i32
      }
      %scan3A_288 = arith.constant 32 : i32
      %xor3A_289 = arith.constant -2147483648 : i32
      %xor3A_290 = arith.xori %scan3A_287, %xor3A_289 : i32
      scf.yield %xor3A_290 : i32
    }
    %broadcast_in_dim3A = vector.broadcast %cond3A_54 : i32 to vector<16xi32>
    %ge3A_55 = arith.constant 0 : i32
    %ge3A_56 = vector.broadcast %ge3A_55 : i32 to vector<16xi32>
    %ge3A_57 = arith.cmpi sge, %broadcast_in_dim3A, %ge3A_56 : vector<16xi32>
    %xor3A = arith.constant 2147483647 : i32
    %xor3A_58 = vector.broadcast %xor3A : i32 to vector<16xi32>
    %xor3A_59 = arith.xori %broadcast_in_dim3A, %xor3A_58 : vector<16xi32>
    %select_n3A = arith.select %ge3A_57, %broadcast_in_dim3A, %xor3A_59 : vector<16xi1>, vector<16xi32>
    %bitcast_convert_type3A = tpu.bitcast %select_n3A : vector<16xi32> -> vector<16xf32>
    %dma_wait3A_60 = arith.constant 0 : i32
    %dma_wait3A_61 = tpu.memref_slice %arg2[%add3A_11, %dma_wait3A_60] : memref<128x32768xf32, #tpu.memory_space<hbm>> -> memref<1x32768xf32, #tpu.memory_space<hbm>>
    %dma_wait3A_62 = tpu.memref_squeeze %dma_wait3A_61 : memref<1x32768xf32, #tpu.memory_space<hbm>> -> memref<32768xf32, #tpu.memory_space<hbm>>
    %dma_wait3A_63 = arith.constant 0 : i32
    %dma_wait3A_64 = tpu.memref_slice %arg2[%add3A_11, %dma_wait3A_63] : memref<128x32768xf32, #tpu.memory_space<hbm>> -> memref<1x32768xf32, #tpu.memory_space<hbm>>
    %dma_wait3A_65 = tpu.memref_squeeze %dma_wait3A_64 : memref<1x32768xf32, #tpu.memory_space<hbm>> -> memref<32768xf32, #tpu.memory_space<hbm>>
    tpu.wait_dma2 semaphore(%arg9 : memref<!tpu.dma_semaphore, #tpu.memory_space<semaphore_mem>>) src(%dma_wait3A_65 : memref<32768xf32, #tpu.memory_space<hbm>>) dst(%arg5 : memref<32768xf32, #tpu.memory_space<vmem>>)
    %parallel_loop3A_66 = arith.constant 0 : i32
    %parallel_loop3A_67 = arith.constant 32 : i32
    %parallel_loop3A_68 = arith.constant 1 : i32
    scf.for %parallel_loop3A_283 = %parallel_loop3A_66 to %parallel_loop3A_67 step %parallel_loop3A_68  : i32 {
      %parallel_loop3A_284 = arith.constant 0xFF800000 : f32
      %parallel_loop3A_285 = vector.broadcast %parallel_loop3A_284 : f32 to vector<16xf32>
      %parallel_loop3A_286 = arith.constant 16 : i32
      %parallel_loop3A_287 = arith.muli %parallel_loop3A_283, %parallel_loop3A_286 : i32
      %parallel_loop3A_288 = arith.index_cast %parallel_loop3A_287 : i32 to index
      %parallel_loop3A_289 = tpu.vector_load %arg7[%parallel_loop3A_288] {strides = array<i32>} : memref<544xf32, #tpu.memory_space<vmem>>, vector<16xf32>,
      tpu.vector_store %arg7[%parallel_loop3A_288], %parallel_loop3A_285 {strides = array<i32>} : memref<544xf32, #tpu.memory_space<vmem>>, vector<16xf32>,
    } {sc.loop_unroll_factor = 4 : i64, sc.parallel_access}
    %iota3A_69 = tpu.iota {dimensions = array<i32: 0>} : vector<16xi32>
    %parallel_loop3A_70 = arith.constant 0 : i32
    %parallel_loop3A_71 = arith.constant 2048 : i32
    %parallel_loop3A_72 = arith.constant 1 : i32
    %parallel_loop3A_73 = scf.for %parallel_loop3A_283 = %parallel_loop3A_70 to %parallel_loop3A_71 step %parallel_loop3A_72 iter_args(%parallel_loop3A_284 = %iota3A_69) -> (vector<16xi32>)  : i32 {
      %parallel_loop3A_285 = arith.constant 16 : i32
      %parallel_loop3A_286 = arith.muli %parallel_loop3A_283, %parallel_loop3A_285 : i32
      %parallel_loop3A_287 = arith.index_cast %parallel_loop3A_286 : i32 to index
      %parallel_loop3A_288 = tpu.vector_load %arg4[%parallel_loop3A_287] {strides = array<i32>} : memref<32768xf32, #tpu.memory_space<vmem>>, vector<16xf32>,
      %parallel_loop3A_289 = arith.cmpf ogt, %parallel_loop3A_288, %bitcast_convert_type3A : vector<16xf32>
      %parallel_loop3A_290 = arith.constant 0.000000e+00 : f32
      %parallel_loop3A_291 = vector.broadcast %parallel_loop3A_290 : f32 to vector<16xf32>
      %parallel_loop3A_292 = arith.select %parallel_loop3A_289, %parallel_loop3A_288, %parallel_loop3A_291 : vector<16xi1>, vector<16xf32>
      %parallel_loop3A_293 = arith.constant 16 : i32
      %parallel_loop3A_294 = arith.muli %parallel_loop3A_283, %parallel_loop3A_293 : i32
      %parallel_loop3A_295 = arith.index_cast %parallel_loop3A_294 : i32 to index
      %parallel_loop3A_296 = tpu.vector_load %arg4[%parallel_loop3A_295] {strides = array<i32>} : memref<32768xf32, #tpu.memory_space<vmem>>, vector<16xf32>,
      tpu.vector_store %arg4[%parallel_loop3A_295], %parallel_loop3A_292 {strides = array<i32>} : memref<32768xf32, #tpu.memory_space<vmem>>, vector<16xf32>,
      %parallel_loop3A_297 = arith.constant 16 : i32
      %parallel_loop3A_298 = arith.muli %parallel_loop3A_283, %parallel_loop3A_297 : i32
      %parallel_loop3A_299 = arith.index_cast %parallel_loop3A_298 : i32 to index
      %parallel_loop3A_300 = tpu.vector_load %arg5[%parallel_loop3A_299] {strides = array<i32>} : memref<32768xf32, #tpu.memory_space<vmem>>, vector<16xf32>,
      %parallel_loop3A_301 = arith.constant 2.500000e+00 : f32
      %parallel_loop3A_302 = vector.broadcast %parallel_loop3A_301 : f32 to vector<16xf32>
      %parallel_loop3A_303 = arith.cmpf ogt, %parallel_loop3A_300, %parallel_loop3A_302 : vector<16xf32>
      %parallel_loop3A_304 = arith.constant 32 : i32
      %parallel_loop3A_305 = vector.broadcast %parallel_loop3A_304 : i32 to vector<16xi32>
      %parallel_loop3A_306 = arith.constant 4 : i32
      %parallel_loop3A_307 = vector.broadcast %parallel_loop3A_306 : i32 to vector<16xi32>
      %parallel_loop3A_308 = arith.shli %parallel_loop3A_305, %parallel_loop3A_307 : vector<16xi32>
      %parallel_loop3A_309 = tpu.iota {dimensions = array<i32: 0>} : vector<16xi32>
      %parallel_loop3A_310 = arith.addi %parallel_loop3A_308, %parallel_loop3A_309 : vector<16xi32>
      %parallel_loop3A_311 = arith.minsi %parallel_loop3A_284, %parallel_loop3A_310 : vector<16xi32>
      tpu.vector_store_idx %arg7[%parallel_loop3A_311], %parallel_loop3A_300 masked %parallel_loop3A_303 : memref<544xf32, #tpu.memory_space<vmem>>[vector<16xi32>], vector<16xf32>, vector<16xi1>
      %parallel_loop3A_312 = arith.constant 16 : i32
      %parallel_loop3A_313 = vector.broadcast %parallel_loop3A_312 : i32 to vector<16xi32>
      %parallel_loop3A_314 = arith.constant 0 : i32
      %parallel_loop3A_315 = vector.broadcast %parallel_loop3A_314 : i32 to vector<16xi32>
      %parallel_loop3A_316 = arith.select %parallel_loop3A_303, %parallel_loop3A_313, %parallel_loop3A_315 : vector<16xi1>, vector<16xi32>
      %parallel_loop3A_317 = arith.addi %parallel_loop3A_284, %parallel_loop3A_316 : vector<16xi32>
      scf.yield %parallel_loop3A_317 : vector<16xi32>
    } {sc.loop_unroll_factor = 8 : i64, sc.parallel_access}
    %add3A_74 = arith.constant 1 : i32
    %add3A_75 = arith.addi %mul3A_2, %add3A_74 : i32
    %sub3A_76 = arith.constant 1 : i32
    %sub3A_77 = arith.subi %add3A_75, %sub3A_76 : i32
    %dma_start3A_78 = arith.constant 0 : i32
    %dma_start3A_79 = tpu.memref_slice %arg3[%sub3A_77, %dma_start3A_78] : memref<128x32768xf32, #tpu.memory_space<hbm>> -> memref<1x32768xf32, #tpu.memory_space<hbm>>
    %dma_start3A_80 = tpu.memref_squeeze %dma_start3A_79 : memref<1x32768xf32, #tpu.memory_space<hbm>> -> memref<32768xf32, #tpu.memory_space<hbm>>
    %dma_start3A_81 = arith.constant 0 : i32
    %dma_start3A_82 = tpu.memref_slice %arg3[%sub3A_77, %dma_start3A_81] : memref<128x32768xf32, #tpu.memory_space<hbm>> -> memref<1x32768xf32, #tpu.memory_space<hbm>>
    %dma_start3A_83 = tpu.memref_squeeze %dma_start3A_82 : memref<1x32768xf32, #tpu.memory_space<hbm>> -> memref<32768xf32, #tpu.memory_space<hbm>>
    tpu.enqueue_dma source(%arg4 : memref<32768xf32, #tpu.memory_space<vmem>>) target(%dma_start3A_83 : memref<32768xf32, #tpu.memory_space<hbm>>) target_semaphore(%arg11 : memref<!tpu.dma_semaphore, #tpu.memory_space<semaphore_mem>>)
    %iota3A_84 = tpu.iota {dimensions = array<i32: 0>} : vector<16xi32>
    %sub3A_85 = arith.subi %parallel_loop3A_73, %iota3A_84 : vector<16xi32>
    %shift_right_arithmetic3A_86 = arith.constant 4 : i32
    %shift_right_arithmetic3A_87 = vector.broadcast %shift_right_arithmetic3A_86 : i32 to vector<16xi32>
    %shift_right_arithmetic3A_88 = arith.shrsi %sub3A_85, %shift_right_arithmetic3A_87 : vector<16xi32>
    %reduce_sum3A_89 = arith.constant true
    %reduce_sum3A_90 = vector.broadcast %reduce_sum3A_89 : i1 to vector<16xi1>
    %reduce_sum3A_91 = tpu.scan <sum>, %shift_right_arithmetic3A_88 masked %reduce_sum3A_90 : vector<16xi32>, vector<16xi1> -> vector<16xi32>
    %reduce_sum3A_92 = vector.extract %reduce_sum3A_91[15] : i32 from vector<16xi32>
    %reduce_max3A_93 = arith.constant true
    %reduce_max3A_94 = vector.broadcast %reduce_max3A_93 : i1 to vector<16xi1>
    %reduce_max3A_95 = arith.constant -2147483648 : i32
    %reduce_max3A_96 = vector.broadcast %reduce_max3A_95 : i32 to vector<16xi32>
    %reduce_max3A_97 = arith.xori %shift_right_arithmetic3A_88, %reduce_max3A_96 : vector<16xi32>
    %reduce_max3A_98 = tpu.scan <max>, %reduce_max3A_97 masked %reduce_max3A_94 : vector<16xi32>, vector<16xi1> -> vector<16xi32>
    %reduce_max3A_99 = arith.xori %reduce_max3A_98, %reduce_max3A_96 : vector<16xi32>
    %reduce_max3A_100 = vector.extract %reduce_max3A_99[15] : i32 from vector<16xi32>
    %ge3A_101 = arith.constant 65 : i32
    %ge3A_102 = arith.cmpi sge, %reduce_sum3A_92, %ge3A_101 : i32
    %le3A_103 = arith.constant 32 : i32
    %le3A_104 = arith.cmpi sle, %reduce_max3A_100, %le3A_103 : i32
    %and3A_105 = arith.andi %ge3A_102, %le3A_104 : i1
    %convert_element_type3A_106 = arith.extui %and3A_105 : i1 to i32
    %cond3A_107 = arith.constant 0 : i32
    %cond3A_108 = arith.constant 0 : i32
    %cond3A_109 = arith.cmpi ne, %convert_element_type3A_106, %cond3A_108 : i32
    %cond3A_110 = scf.if %cond3A_109 -> (i32) {
      %scan3A = arith.constant -1073741824 : i32
      %scan3A_283 = arith.constant 2 : i32
      %scan3A_284 = arith.constant 30 : i32
      %scan3A_285 = arith.addi %scan3A_283, %scan3A_284 : i32
      %scan3A_286 = arith.constant 1 : i32
      %scan3A_287 = scf.for %scan3A_291 = %scan3A_283 to %scan3A_285 step %scan3A_286 iter_args(%scan3A_292 = %scan3A) -> (i32)  : i32 {
        %sub3A_293 = arith.constant 31 : i32
        %sub3A_294 = arith.subi %sub3A_293, %scan3A_291 : i32
        %shift_left3A = arith.constant 1 : i32
        %shift_left3A_295 = arith.shli %shift_left3A, %sub3A_294 : i32
        %or3A = arith.ori %scan3A_292, %shift_left3A_295 : i32
        %xor3A_296 = arith.constant -2147483648 : i32
        %xor3A_297 = arith.xori %or3A, %xor3A_296 : i32
        %broadcast_in_dim3A_298 = arith.constant 0 : i32
        %broadcast_in_dim3A_299 = vector.broadcast %broadcast_in_dim3A_298 : i32 to vector<16xi32>
        %broadcast_in_dim3A_300 = arith.constant 1 : i32
        %broadcast_in_dim3A_301 = vector.broadcast %broadcast_in_dim3A_300 : i32 to vector<16xi32>
        %broadcast_in_dim3A_302 = arith.constant 0 : i32
        %broadcast_in_dim3A_303 = vector.broadcast %broadcast_in_dim3A_302 : i32 to vector<16xi32>
        %get3A = arith.constant 0 : index
        %get3A_304 = tpu.vector_load %arg7[%get3A] {strides = array<i32>} : memref<544xf32, #tpu.memory_space<vmem>>, vector<16xf32>,
        %bitcast_convert_type3A_305 = tpu.bitcast %get3A_304 : vector<16xf32> -> vector<16xi32>
        %ge3A_306 = arith.constant 0 : i32
        %ge3A_307 = vector.broadcast %ge3A_306 : i32 to vector<16xi32>
        %ge3A_308 = arith.cmpi sge, %bitcast_convert_type3A_305, %ge3A_307 : vector<16xi32>
        %xor3A_309 = arith.constant 2147483647 : i32
        %xor3A_310 = vector.broadcast %xor3A_309 : i32 to vector<16xi32>
        %xor3A_311 = arith.xori %bitcast_convert_type3A_305, %xor3A_310 : vector<16xi32>
        %select_n3A_312 = arith.select %ge3A_308, %bitcast_convert_type3A_305, %xor3A_311 : vector<16xi1>, vector<16xi32>
        %ge3A_313 = vector.broadcast %xor3A_297 : i32 to vector<16xi32>
        %ge3A_314 = arith.cmpi sge, %select_n3A_312, %ge3A_313 : vector<16xi32>
        %select_n3A_315 = arith.select %ge3A_314, %broadcast_in_dim3A_301, %broadcast_in_dim3A_303 : vector<16xi1>, vector<16xi32>
        %add3A_316 = arith.addi %broadcast_in_dim3A_299, %select_n3A_315 : vector<16xi32>
        %get3A_317 = arith.constant 16 : index
        %get3A_318 = tpu.vector_load %arg7[%get3A_317] {strides = array<i32>} : memref<544xf32, #tpu.memory_space<vmem>>, vector<16xf32>,
        %bitcast_convert_type3A_319 = tpu.bitcast %get3A_318 : vector<16xf32> -> vector<16xi32>
        %ge3A_320 = arith.constant 0 : i32
        %ge3A_321 = vector.broadcast %ge3A_320 : i32 to vector<16xi32>
        %ge3A_322 = arith.cmpi sge, %bitcast_convert_type3A_319, %ge3A_321 : vector<16xi32>
        %xor3A_323 = arith.constant 2147483647 : i32
        %xor3A_324 = vector.broadcast %xor3A_323 : i32 to vector<16xi32>
        %xor3A_325 = arith.xori %bitcast_convert_type3A_319, %xor3A_324 : vector<16xi32>
        %select_n3A_326 = arith.select %ge3A_322, %bitcast_convert_type3A_319, %xor3A_325 : vector<16xi1>, vector<16xi32>
        %ge3A_327 = vector.broadcast %xor3A_297 : i32 to vector<16xi32>
        %ge3A_328 = arith.cmpi sge, %select_n3A_326, %ge3A_327 : vector<16xi32>
        %select_n3A_329 = arith.select %ge3A_328, %broadcast_in_dim3A_301, %broadcast_in_dim3A_303 : vector<16xi1>, vector<16xi32>
        %add3A_330 = arith.addi %add3A_316, %select_n3A_329 : vector<16xi32>
        %get3A_331 = arith.constant 32 : index
        %get3A_332 = tpu.vector_load %arg7[%get3A_331] {strides = array<i32>} : memref<544xf32, #tpu.memory_space<vmem>>, vector<16xf32>,
        %bitcast_convert_type3A_333 = tpu.bitcast %get3A_332 : vector<16xf32> -> vector<16xi32>
        %ge3A_334 = arith.constant 0 : i32
        %ge3A_335 = vector.broadcast %ge3A_334 : i32 to vector<16xi32>
        %ge3A_336 = arith.cmpi sge, %bitcast_convert_type3A_333, %ge3A_335 : vector<16xi32>
        %xor3A_337 = arith.constant 2147483647 : i32
        %xor3A_338 = vector.broadcast %xor3A_337 : i32 to vector<16xi32>
        %xor3A_339 = arith.xori %bitcast_convert_type3A_333, %xor3A_338 : vector<16xi32>
        %select_n3A_340 = arith.select %ge3A_336, %bitcast_convert_type3A_333, %xor3A_339 : vector<16xi1>, vector<16xi32>
        %ge3A_341 = vector.broadcast %xor3A_297 : i32 to vector<16xi32>
        %ge3A_342 = arith.cmpi sge, %select_n3A_340, %ge3A_341 : vector<16xi32>
        %select_n3A_343 = arith.select %ge3A_342, %broadcast_in_dim3A_301, %broadcast_in_dim3A_303 : vector<16xi1>, vector<16xi32>
        %add3A_344 = arith.addi %add3A_330, %select_n3A_343 : vector<16xi32>
        %get3A_345 = arith.constant 48 : index
        %get3A_346 = tpu.vector_load %arg7[%get3A_345] {strides = array<i32>} : memref<544xf32, #tpu.memory_space<vmem>>, vector<16xf32>,
        %bitcast_convert_type3A_347 = tpu.bitcast %get3A_346 : vector<16xf32> -> vector<16xi32>
        %ge3A_348 = arith.constant 0 : i32
        %ge3A_349 = vector.broadcast %ge3A_348 : i32 to vector<16xi32>
        %ge3A_350 = arith.cmpi sge, %bitcast_convert_type3A_347, %ge3A_349 : vector<16xi32>
        %xor3A_351 = arith.constant 2147483647 : i32
        %xor3A_352 = vector.broadcast %xor3A_351 : i32 to vector<16xi32>
        %xor3A_353 = arith.xori %bitcast_convert_type3A_347, %xor3A_352 : vector<16xi32>
        %select_n3A_354 = arith.select %ge3A_350, %bitcast_convert_type3A_347, %xor3A_353 : vector<16xi1>, vector<16xi32>
        %ge3A_355 = vector.broadcast %xor3A_297 : i32 to vector<16xi32>
        %ge3A_356 = arith.cmpi sge, %select_n3A_354, %ge3A_355 : vector<16xi32>
        %select_n3A_357 = arith.select %ge3A_356, %broadcast_in_dim3A_301, %broadcast_in_dim3A_303 : vector<16xi1>, vector<16xi32>
        %add3A_358 = arith.addi %add3A_344, %select_n3A_357 : vector<16xi32>
        %get3A_359 = arith.constant 64 : index
        %get3A_360 = tpu.vector_load %arg7[%get3A_359] {strides = array<i32>} : memref<544xf32, #tpu.memory_space<vmem>>, vector<16xf32>,
        %bitcast_convert_type3A_361 = tpu.bitcast %get3A_360 : vector<16xf32> -> vector<16xi32>
        %ge3A_362 = arith.constant 0 : i32
        %ge3A_363 = vector.broadcast %ge3A_362 : i32 to vector<16xi32>
        %ge3A_364 = arith.cmpi sge, %bitcast_convert_type3A_361, %ge3A_363 : vector<16xi32>
        %xor3A_365 = arith.constant 2147483647 : i32
        %xor3A_366 = vector.broadcast %xor3A_365 : i32 to vector<16xi32>
        %xor3A_367 = arith.xori %bitcast_convert_type3A_361, %xor3A_366 : vector<16xi32>
        %select_n3A_368 = arith.select %ge3A_364, %bitcast_convert_type3A_361, %xor3A_367 : vector<16xi1>, vector<16xi32>
        %ge3A_369 = vector.broadcast %xor3A_297 : i32 to vector<16xi32>
        %ge3A_370 = arith.cmpi sge, %select_n3A_368, %ge3A_369 : vector<16xi32>
        %select_n3A_371 = arith.select %ge3A_370, %broadcast_in_dim3A_301, %broadcast_in_dim3A_303 : vector<16xi1>, vector<16xi32>
        %add3A_372 = arith.addi %add3A_358, %select_n3A_371 : vector<16xi32>
        %get3A_373 = arith.constant 80 : index
        %get3A_374 = tpu.vector_load %arg7[%get3A_373] {strides = array<i32>} : memref<544xf32, #tpu.memory_space<vmem>>, vector<16xf32>,
        %bitcast_convert_type3A_375 = tpu.bitcast %get3A_374 : vector<16xf32> -> vector<16xi32>
        %ge3A_376 = arith.constant 0 : i32
        %ge3A_377 = vector.broadcast %ge3A_376 : i32 to vector<16xi32>
        %ge3A_378 = arith.cmpi sge, %bitcast_convert_type3A_375, %ge3A_377 : vector<16xi32>
        %xor3A_379 = arith.constant 2147483647 : i32
        %xor3A_380 = vector.broadcast %xor3A_379 : i32 to vector<16xi32>
        %xor3A_381 = arith.xori %bitcast_convert_type3A_375, %xor3A_380 : vector<16xi32>
        %select_n3A_382 = arith.select %ge3A_378, %bitcast_convert_type3A_375, %xor3A_381 : vector<16xi1>, vector<16xi32>
        %ge3A_383 = vector.broadcast %xor3A_297 : i32 to vector<16xi32>
        %ge3A_384 = arith.cmpi sge, %select_n3A_382, %ge3A_383 : vector<16xi32>
        %select_n3A_385 = arith.select %ge3A_384, %broadcast_in_dim3A_301, %broadcast_in_dim3A_303 : vector<16xi1>, vector<16xi32>
        %add3A_386 = arith.addi %add3A_372, %select_n3A_385 : vector<16xi32>
        %get3A_387 = arith.constant 96 : index
        %get3A_388 = tpu.vector_load %arg7[%get3A_387] {strides = array<i32>} : memref<544xf32, #tpu.memory_space<vmem>>, vector<16xf32>,
        %bitcast_convert_type3A_389 = tpu.bitcast %get3A_388 : vector<16xf32> -> vector<16xi32>
        %ge3A_390 = arith.constant 0 : i32
        %ge3A_391 = vector.broadcast %ge3A_390 : i32 to vector<16xi32>
        %ge3A_392 = arith.cmpi sge, %bitcast_convert_type3A_389, %ge3A_391 : vector<16xi32>
        %xor3A_393 = arith.constant 2147483647 : i32
        %xor3A_394 = vector.broadcast %xor3A_393 : i32 to vector<16xi32>
        %xor3A_395 = arith.xori %bitcast_convert_type3A_389, %xor3A_394 : vector<16xi32>
        %select_n3A_396 = arith.select %ge3A_392, %bitcast_convert_type3A_389, %xor3A_395 : vector<16xi1>, vector<16xi32>
        %ge3A_397 = vector.broadcast %xor3A_297 : i32 to vector<16xi32>
        %ge3A_398 = arith.cmpi sge, %select_n3A_396, %ge3A_397 : vector<16xi32>
        %select_n3A_399 = arith.select %ge3A_398, %broadcast_in_dim3A_301, %broadcast_in_dim3A_303 : vector<16xi1>, vector<16xi32>
        %add3A_400 = arith.addi %add3A_386, %select_n3A_399 : vector<16xi32>
        %get3A_401 = arith.constant 112 : index
        %get3A_402 = tpu.vector_load %arg7[%get3A_401] {strides = array<i32>} : memref<544xf32, #tpu.memory_space<vmem>>, vector<16xf32>,
        %bitcast_convert_type3A_403 = tpu.bitcast %get3A_402 : vector<16xf32> -> vector<16xi32>
        %ge3A_404 = arith.constant 0 : i32
        %ge3A_405 = vector.broadcast %ge3A_404 : i32 to vector<16xi32>
        %ge3A_406 = arith.cmpi sge, %bitcast_convert_type3A_403, %ge3A_405 : vector<16xi32>
        %xor3A_407 = arith.constant 2147483647 : i32
        %xor3A_408 = vector.broadcast %xor3A_407 : i32 to vector<16xi32>
        %xor3A_409 = arith.xori %bitcast_convert_type3A_403, %xor3A_408 : vector<16xi32>
        %select_n3A_410 = arith.select %ge3A_406, %bitcast_convert_type3A_403, %xor3A_409 : vector<16xi1>, vector<16xi32>
        %ge3A_411 = vector.broadcast %xor3A_297 : i32 to vector<16xi32>
        %ge3A_412 = arith.cmpi sge, %select_n3A_410, %ge3A_411 : vector<16xi32>
        %select_n3A_413 = arith.select %ge3A_412, %broadcast_in_dim3A_301, %broadcast_in_dim3A_303 : vector<16xi1>, vector<16xi32>
        %add3A_414 = arith.addi %add3A_400, %select_n3A_413 : vector<16xi32>
        %get3A_415 = arith.constant 128 : index
        %get3A_416 = tpu.vector_load %arg7[%get3A_415] {strides = array<i32>} : memref<544xf32, #tpu.memory_space<vmem>>, vector<16xf32>,
        %bitcast_convert_type3A_417 = tpu.bitcast %get3A_416 : vector<16xf32> -> vector<16xi32>
        %ge3A_418 = arith.constant 0 : i32
        %ge3A_419 = vector.broadcast %ge3A_418 : i32 to vector<16xi32>
        %ge3A_420 = arith.cmpi sge, %bitcast_convert_type3A_417, %ge3A_419 : vector<16xi32>
        %xor3A_421 = arith.constant 2147483647 : i32
        %xor3A_422 = vector.broadcast %xor3A_421 : i32 to vector<16xi32>
        %xor3A_423 = arith.xori %bitcast_convert_type3A_417, %xor3A_422 : vector<16xi32>
        %select_n3A_424 = arith.select %ge3A_420, %bitcast_convert_type3A_417, %xor3A_423 : vector<16xi1>, vector<16xi32>
        %ge3A_425 = vector.broadcast %xor3A_297 : i32 to vector<16xi32>
        %ge3A_426 = arith.cmpi sge, %select_n3A_424, %ge3A_425 : vector<16xi32>
        %select_n3A_427 = arith.select %ge3A_426, %broadcast_in_dim3A_301, %broadcast_in_dim3A_303 : vector<16xi1>, vector<16xi32>
        %add3A_428 = arith.addi %add3A_414, %select_n3A_427 : vector<16xi32>
        %get3A_429 = arith.constant 144 : index
        %get3A_430 = tpu.vector_load %arg7[%get3A_429] {strides = array<i32>} : memref<544xf32, #tpu.memory_space<vmem>>, vector<16xf32>,
        %bitcast_convert_type3A_431 = tpu.bitcast %get3A_430 : vector<16xf32> -> vector<16xi32>
        %ge3A_432 = arith.constant 0 : i32
        %ge3A_433 = vector.broadcast %ge3A_432 : i32 to vector<16xi32>
        %ge3A_434 = arith.cmpi sge, %bitcast_convert_type3A_431, %ge3A_433 : vector<16xi32>
        %xor3A_435 = arith.constant 2147483647 : i32
        %xor3A_436 = vector.broadcast %xor3A_435 : i32 to vector<16xi32>
        %xor3A_437 = arith.xori %bitcast_convert_type3A_431, %xor3A_436 : vector<16xi32>
        %select_n3A_438 = arith.select %ge3A_434, %bitcast_convert_type3A_431, %xor3A_437 : vector<16xi1>, vector<16xi32>
        %ge3A_439 = vector.broadcast %xor3A_297 : i32 to vector<16xi32>
        %ge3A_440 = arith.cmpi sge, %select_n3A_438, %ge3A_439 : vector<16xi32>
        %select_n3A_441 = arith.select %ge3A_440, %broadcast_in_dim3A_301, %broadcast_in_dim3A_303 : vector<16xi1>, vector<16xi32>
        %add3A_442 = arith.addi %add3A_428, %select_n3A_441 : vector<16xi32>
        %get3A_443 = arith.constant 160 : index
        %get3A_444 = tpu.vector_load %arg7[%get3A_443] {strides = array<i32>} : memref<544xf32, #tpu.memory_space<vmem>>, vector<16xf32>,
        %bitcast_convert_type3A_445 = tpu.bitcast %get3A_444 : vector<16xf32> -> vector<16xi32>
        %ge3A_446 = arith.constant 0 : i32
        %ge3A_447 = vector.broadcast %ge3A_446 : i32 to vector<16xi32>
        %ge3A_448 = arith.cmpi sge, %bitcast_convert_type3A_445, %ge3A_447 : vector<16xi32>
        %xor3A_449 = arith.constant 2147483647 : i32
        %xor3A_450 = vector.broadcast %xor3A_449 : i32 to vector<16xi32>
        %xor3A_451 = arith.xori %bitcast_convert_type3A_445, %xor3A_450 : vector<16xi32>
        %select_n3A_452 = arith.select %ge3A_448, %bitcast_convert_type3A_445, %xor3A_451 : vector<16xi1>, vector<16xi32>
        %ge3A_453 = vector.broadcast %xor3A_297 : i32 to vector<16xi32>
        %ge3A_454 = arith.cmpi sge, %select_n3A_452, %ge3A_453 : vector<16xi32>
        %select_n3A_455 = arith.select %ge3A_454, %broadcast_in_dim3A_301, %broadcast_in_dim3A_303 : vector<16xi1>, vector<16xi32>
        %add3A_456 = arith.addi %add3A_442, %select_n3A_455 : vector<16xi32>
        %get3A_457 = arith.constant 176 : index
        %get3A_458 = tpu.vector_load %arg7[%get3A_457] {strides = array<i32>} : memref<544xf32, #tpu.memory_space<vmem>>, vector<16xf32>,
        %bitcast_convert_type3A_459 = tpu.bitcast %get3A_458 : vector<16xf32> -> vector<16xi32>
        %ge3A_460 = arith.constant 0 : i32
        %ge3A_461 = vector.broadcast %ge3A_460 : i32 to vector<16xi32>
        %ge3A_462 = arith.cmpi sge, %bitcast_convert_type3A_459, %ge3A_461 : vector<16xi32>
        %xor3A_463 = arith.constant 2147483647 : i32
        %xor3A_464 = vector.broadcast %xor3A_463 : i32 to vector<16xi32>
        %xor3A_465 = arith.xori %bitcast_convert_type3A_459, %xor3A_464 : vector<16xi32>
        %select_n3A_466 = arith.select %ge3A_462, %bitcast_convert_type3A_459, %xor3A_465 : vector<16xi1>, vector<16xi32>
        %ge3A_467 = vector.broadcast %xor3A_297 : i32 to vector<16xi32>
        %ge3A_468 = arith.cmpi sge, %select_n3A_466, %ge3A_467 : vector<16xi32>
        %select_n3A_469 = arith.select %ge3A_468, %broadcast_in_dim3A_301, %broadcast_in_dim3A_303 : vector<16xi1>, vector<16xi32>
        %add3A_470 = arith.addi %add3A_456, %select_n3A_469 : vector<16xi32>
        %get3A_471 = arith.constant 192 : index
        %get3A_472 = tpu.vector_load %arg7[%get3A_471] {strides = array<i32>} : memref<544xf32, #tpu.memory_space<vmem>>, vector<16xf32>,
        %bitcast_convert_type3A_473 = tpu.bitcast %get3A_472 : vector<16xf32> -> vector<16xi32>
        %ge3A_474 = arith.constant 0 : i32
        %ge3A_475 = vector.broadcast %ge3A_474 : i32 to vector<16xi32>
        %ge3A_476 = arith.cmpi sge, %bitcast_convert_type3A_473, %ge3A_475 : vector<16xi32>
        %xor3A_477 = arith.constant 2147483647 : i32
        %xor3A_478 = vector.broadcast %xor3A_477 : i32 to vector<16xi32>
        %xor3A_479 = arith.xori %bitcast_convert_type3A_473, %xor3A_478 : vector<16xi32>
        %select_n3A_480 = arith.select %ge3A_476, %bitcast_convert_type3A_473, %xor3A_479 : vector<16xi1>, vector<16xi32>
        %ge3A_481 = vector.broadcast %xor3A_297 : i32 to vector<16xi32>
        %ge3A_482 = arith.cmpi sge, %select_n3A_480, %ge3A_481 : vector<16xi32>
        %select_n3A_483 = arith.select %ge3A_482, %broadcast_in_dim3A_301, %broadcast_in_dim3A_303 : vector<16xi1>, vector<16xi32>
        %add3A_484 = arith.addi %add3A_470, %select_n3A_483 : vector<16xi32>
        %get3A_485 = arith.constant 208 : index
        %get3A_486 = tpu.vector_load %arg7[%get3A_485] {strides = array<i32>} : memref<544xf32, #tpu.memory_space<vmem>>, vector<16xf32>,
        %bitcast_convert_type3A_487 = tpu.bitcast %get3A_486 : vector<16xf32> -> vector<16xi32>
        %ge3A_488 = arith.constant 0 : i32
        %ge3A_489 = vector.broadcast %ge3A_488 : i32 to vector<16xi32>
        %ge3A_490 = arith.cmpi sge, %bitcast_convert_type3A_487, %ge3A_489 : vector<16xi32>
        %xor3A_491 = arith.constant 2147483647 : i32
        %xor3A_492 = vector.broadcast %xor3A_491 : i32 to vector<16xi32>
        %xor3A_493 = arith.xori %bitcast_convert_type3A_487, %xor3A_492 : vector<16xi32>
        %select_n3A_494 = arith.select %ge3A_490, %bitcast_convert_type3A_487, %xor3A_493 : vector<16xi1>, vector<16xi32>
        %ge3A_495 = vector.broadcast %xor3A_297 : i32 to vector<16xi32>
        %ge3A_496 = arith.cmpi sge, %select_n3A_494, %ge3A_495 : vector<16xi32>
        %select_n3A_497 = arith.select %ge3A_496, %broadcast_in_dim3A_301, %broadcast_in_dim3A_303 : vector<16xi1>, vector<16xi32>
        %add3A_498 = arith.addi %add3A_484, %select_n3A_497 : vector<16xi32>
        %get3A_499 = arith.constant 224 : index
        %get3A_500 = tpu.vector_load %arg7[%get3A_499] {strides = array<i32>} : memref<544xf32, #tpu.memory_space<vmem>>, vector<16xf32>,
        %bitcast_convert_type3A_501 = tpu.bitcast %get3A_500 : vector<16xf32> -> vector<16xi32>
        %ge3A_502 = arith.constant 0 : i32
        %ge3A_503 = vector.broadcast %ge3A_502 : i32 to vector<16xi32>
        %ge3A_504 = arith.cmpi sge, %bitcast_convert_type3A_501, %ge3A_503 : vector<16xi32>
        %xor3A_505 = arith.constant 2147483647 : i32
        %xor3A_506 = vector.broadcast %xor3A_505 : i32 to vector<16xi32>
        %xor3A_507 = arith.xori %bitcast_convert_type3A_501, %xor3A_506 : vector<16xi32>
        %select_n3A_508 = arith.select %ge3A_504, %bitcast_convert_type3A_501, %xor3A_507 : vector<16xi1>, vector<16xi32>
        %ge3A_509 = vector.broadcast %xor3A_297 : i32 to vector<16xi32>
        %ge3A_510 = arith.cmpi sge, %select_n3A_508, %ge3A_509 : vector<16xi32>
        %select_n3A_511 = arith.select %ge3A_510, %broadcast_in_dim3A_301, %broadcast_in_dim3A_303 : vector<16xi1>, vector<16xi32>
        %add3A_512 = arith.addi %add3A_498, %select_n3A_511 : vector<16xi32>
        %get3A_513 = arith.constant 240 : index
        %get3A_514 = tpu.vector_load %arg7[%get3A_513] {strides = array<i32>} : memref<544xf32, #tpu.memory_space<vmem>>, vector<16xf32>,
        %bitcast_convert_type3A_515 = tpu.bitcast %get3A_514 : vector<16xf32> -> vector<16xi32>
        %ge3A_516 = arith.constant 0 : i32
        %ge3A_517 = vector.broadcast %ge3A_516 : i32 to vector<16xi32>
        %ge3A_518 = arith.cmpi sge, %bitcast_convert_type3A_515, %ge3A_517 : vector<16xi32>
        %xor3A_519 = arith.constant 2147483647 : i32
        %xor3A_520 = vector.broadcast %xor3A_519 : i32 to vector<16xi32>
        %xor3A_521 = arith.xori %bitcast_convert_type3A_515, %xor3A_520 : vector<16xi32>
        %select_n3A_522 = arith.select %ge3A_518, %bitcast_convert_type3A_515, %xor3A_521 : vector<16xi1>, vector<16xi32>
        %ge3A_523 = vector.broadcast %xor3A_297 : i32 to vector<16xi32>
        %ge3A_524 = arith.cmpi sge, %select_n3A_522, %ge3A_523 : vector<16xi32>
        %select_n3A_525 = arith.select %ge3A_524, %broadcast_in_dim3A_301, %broadcast_in_dim3A_303 : vector<16xi1>, vector<16xi32>
        %add3A_526 = arith.addi %add3A_512, %select_n3A_525 : vector<16xi32>
        %get3A_527 = arith.constant 256 : index
        %get3A_528 = tpu.vector_load %arg7[%get3A_527] {strides = array<i32>} : memref<544xf32, #tpu.memory_space<vmem>>, vector<16xf32>,
        %bitcast_convert_type3A_529 = tpu.bitcast %get3A_528 : vector<16xf32> -> vector<16xi32>
        %ge3A_530 = arith.constant 0 : i32
        %ge3A_531 = vector.broadcast %ge3A_530 : i32 to vector<16xi32>
        %ge3A_532 = arith.cmpi sge, %bitcast_convert_type3A_529, %ge3A_531 : vector<16xi32>
        %xor3A_533 = arith.constant 2147483647 : i32
        %xor3A_534 = vector.broadcast %xor3A_533 : i32 to vector<16xi32>
        %xor3A_535 = arith.xori %bitcast_convert_type3A_529, %xor3A_534 : vector<16xi32>
        %select_n3A_536 = arith.select %ge3A_532, %bitcast_convert_type3A_529, %xor3A_535 : vector<16xi1>, vector<16xi32>
        %ge3A_537 = vector.broadcast %xor3A_297 : i32 to vector<16xi32>
        %ge3A_538 = arith.cmpi sge, %select_n3A_536, %ge3A_537 : vector<16xi32>
        %select_n3A_539 = arith.select %ge3A_538, %broadcast_in_dim3A_301, %broadcast_in_dim3A_303 : vector<16xi1>, vector<16xi32>
        %add3A_540 = arith.addi %add3A_526, %select_n3A_539 : vector<16xi32>
        %get3A_541 = arith.constant 272 : index
        %get3A_542 = tpu.vector_load %arg7[%get3A_541] {strides = array<i32>} : memref<544xf32, #tpu.memory_space<vmem>>, vector<16xf32>,
        %bitcast_convert_type3A_543 = tpu.bitcast %get3A_542 : vector<16xf32> -> vector<16xi32>
        %ge3A_544 = arith.constant 0 : i32
        %ge3A_545 = vector.broadcast %ge3A_544 : i32 to vector<16xi32>
        %ge3A_546 = arith.cmpi sge, %bitcast_convert_type3A_543, %ge3A_545 : vector<16xi32>
        %xor3A_547 = arith.constant 2147483647 : i32
        %xor3A_548 = vector.broadcast %xor3A_547 : i32 to vector<16xi32>
        %xor3A_549 = arith.xori %bitcast_convert_type3A_543, %xor3A_548 : vector<16xi32>
        %select_n3A_550 = arith.select %ge3A_546, %bitcast_convert_type3A_543, %xor3A_549 : vector<16xi1>, vector<16xi32>
        %ge3A_551 = vector.broadcast %xor3A_297 : i32 to vector<16xi32>
        %ge3A_552 = arith.cmpi sge, %select_n3A_550, %ge3A_551 : vector<16xi32>
        %select_n3A_553 = arith.select %ge3A_552, %broadcast_in_dim3A_301, %broadcast_in_dim3A_303 : vector<16xi1>, vector<16xi32>
        %add3A_554 = arith.addi %add3A_540, %select_n3A_553 : vector<16xi32>
        %get3A_555 = arith.constant 288 : index
        %get3A_556 = tpu.vector_load %arg7[%get3A_555] {strides = array<i32>} : memref<544xf32, #tpu.memory_space<vmem>>, vector<16xf32>,
        %bitcast_convert_type3A_557 = tpu.bitcast %get3A_556 : vector<16xf32> -> vector<16xi32>
        %ge3A_558 = arith.constant 0 : i32
        %ge3A_559 = vector.broadcast %ge3A_558 : i32 to vector<16xi32>
        %ge3A_560 = arith.cmpi sge, %bitcast_convert_type3A_557, %ge3A_559 : vector<16xi32>
        %xor3A_561 = arith.constant 2147483647 : i32
        %xor3A_562 = vector.broadcast %xor3A_561 : i32 to vector<16xi32>
        %xor3A_563 = arith.xori %bitcast_convert_type3A_557, %xor3A_562 : vector<16xi32>
        %select_n3A_564 = arith.select %ge3A_560, %bitcast_convert_type3A_557, %xor3A_563 : vector<16xi1>, vector<16xi32>
        %ge3A_565 = vector.broadcast %xor3A_297 : i32 to vector<16xi32>
        %ge3A_566 = arith.cmpi sge, %select_n3A_564, %ge3A_565 : vector<16xi32>
        %select_n3A_567 = arith.select %ge3A_566, %broadcast_in_dim3A_301, %broadcast_in_dim3A_303 : vector<16xi1>, vector<16xi32>
        %add3A_568 = arith.addi %add3A_554, %select_n3A_567 : vector<16xi32>
        %get3A_569 = arith.constant 304 : index
        %get3A_570 = tpu.vector_load %arg7[%get3A_569] {strides = array<i32>} : memref<544xf32, #tpu.memory_space<vmem>>, vector<16xf32>,
        %bitcast_convert_type3A_571 = tpu.bitcast %get3A_570 : vector<16xf32> -> vector<16xi32>
        %ge3A_572 = arith.constant 0 : i32
        %ge3A_573 = vector.broadcast %ge3A_572 : i32 to vector<16xi32>
        %ge3A_574 = arith.cmpi sge, %bitcast_convert_type3A_571, %ge3A_573 : vector<16xi32>
        %xor3A_575 = arith.constant 2147483647 : i32
        %xor3A_576 = vector.broadcast %xor3A_575 : i32 to vector<16xi32>
        %xor3A_577 = arith.xori %bitcast_convert_type3A_571, %xor3A_576 : vector<16xi32>
        %select_n3A_578 = arith.select %ge3A_574, %bitcast_convert_type3A_571, %xor3A_577 : vector<16xi1>, vector<16xi32>
        %ge3A_579 = vector.broadcast %xor3A_297 : i32 to vector<16xi32>
        %ge3A_580 = arith.cmpi sge, %select_n3A_578, %ge3A_579 : vector<16xi32>
        %select_n3A_581 = arith.select %ge3A_580, %broadcast_in_dim3A_301, %broadcast_in_dim3A_303 : vector<16xi1>, vector<16xi32>
        %add3A_582 = arith.addi %add3A_568, %select_n3A_581 : vector<16xi32>
        %get3A_583 = arith.constant 320 : index
        %get3A_584 = tpu.vector_load %arg7[%get3A_583] {strides = array<i32>} : memref<544xf32, #tpu.memory_space<vmem>>, vector<16xf32>,
        %bitcast_convert_type3A_585 = tpu.bitcast %get3A_584 : vector<16xf32> -> vector<16xi32>
        %ge3A_586 = arith.constant 0 : i32
        %ge3A_587 = vector.broadcast %ge3A_586 : i32 to vector<16xi32>
        %ge3A_588 = arith.cmpi sge, %bitcast_convert_type3A_585, %ge3A_587 : vector<16xi32>
        %xor3A_589 = arith.constant 2147483647 : i32
        %xor3A_590 = vector.broadcast %xor3A_589 : i32 to vector<16xi32>
        %xor3A_591 = arith.xori %bitcast_convert_type3A_585, %xor3A_590 : vector<16xi32>
        %select_n3A_592 = arith.select %ge3A_588, %bitcast_convert_type3A_585, %xor3A_591 : vector<16xi1>, vector<16xi32>
        %ge3A_593 = vector.broadcast %xor3A_297 : i32 to vector<16xi32>
        %ge3A_594 = arith.cmpi sge, %select_n3A_592, %ge3A_593 : vector<16xi32>
        %select_n3A_595 = arith.select %ge3A_594, %broadcast_in_dim3A_301, %broadcast_in_dim3A_303 : vector<16xi1>, vector<16xi32>
        %add3A_596 = arith.addi %add3A_582, %select_n3A_595 : vector<16xi32>
        %get3A_597 = arith.constant 336 : index
        %get3A_598 = tpu.vector_load %arg7[%get3A_597] {strides = array<i32>} : memref<544xf32, #tpu.memory_space<vmem>>, vector<16xf32>,
        %bitcast_convert_type3A_599 = tpu.bitcast %get3A_598 : vector<16xf32> -> vector<16xi32>
        %ge3A_600 = arith.constant 0 : i32
        %ge3A_601 = vector.broadcast %ge3A_600 : i32 to vector<16xi32>
        %ge3A_602 = arith.cmpi sge, %bitcast_convert_type3A_599, %ge3A_601 : vector<16xi32>
        %xor3A_603 = arith.constant 2147483647 : i32
        %xor3A_604 = vector.broadcast %xor3A_603 : i32 to vector<16xi32>
        %xor3A_605 = arith.xori %bitcast_convert_type3A_599, %xor3A_604 : vector<16xi32>
        %select_n3A_606 = arith.select %ge3A_602, %bitcast_convert_type3A_599, %xor3A_605 : vector<16xi1>, vector<16xi32>
        %ge3A_607 = vector.broadcast %xor3A_297 : i32 to vector<16xi32>
        %ge3A_608 = arith.cmpi sge, %select_n3A_606, %ge3A_607 : vector<16xi32>
        %select_n3A_609 = arith.select %ge3A_608, %broadcast_in_dim3A_301, %broadcast_in_dim3A_303 : vector<16xi1>, vector<16xi32>
        %add3A_610 = arith.addi %add3A_596, %select_n3A_609 : vector<16xi32>
        %get3A_611 = arith.constant 352 : index
        %get3A_612 = tpu.vector_load %arg7[%get3A_611] {strides = array<i32>} : memref<544xf32, #tpu.memory_space<vmem>>, vector<16xf32>,
        %bitcast_convert_type3A_613 = tpu.bitcast %get3A_612 : vector<16xf32> -> vector<16xi32>
        %ge3A_614 = arith.constant 0 : i32
        %ge3A_615 = vector.broadcast %ge3A_614 : i32 to vector<16xi32>
        %ge3A_616 = arith.cmpi sge, %bitcast_convert_type3A_613, %ge3A_615 : vector<16xi32>
        %xor3A_617 = arith.constant 2147483647 : i32
        %xor3A_618 = vector.broadcast %xor3A_617 : i32 to vector<16xi32>
        %xor3A_619 = arith.xori %bitcast_convert_type3A_613, %xor3A_618 : vector<16xi32>
        %select_n3A_620 = arith.select %ge3A_616, %bitcast_convert_type3A_613, %xor3A_619 : vector<16xi1>, vector<16xi32>
        %ge3A_621 = vector.broadcast %xor3A_297 : i32 to vector<16xi32>
        %ge3A_622 = arith.cmpi sge, %select_n3A_620, %ge3A_621 : vector<16xi32>
        %select_n3A_623 = arith.select %ge3A_622, %broadcast_in_dim3A_301, %broadcast_in_dim3A_303 : vector<16xi1>, vector<16xi32>
        %add3A_624 = arith.addi %add3A_610, %select_n3A_623 : vector<16xi32>
        %get3A_625 = arith.constant 368 : index
        %get3A_626 = tpu.vector_load %arg7[%get3A_625] {strides = array<i32>} : memref<544xf32, #tpu.memory_space<vmem>>, vector<16xf32>,
        %bitcast_convert_type3A_627 = tpu.bitcast %get3A_626 : vector<16xf32> -> vector<16xi32>
        %ge3A_628 = arith.constant 0 : i32
        %ge3A_629 = vector.broadcast %ge3A_628 : i32 to vector<16xi32>
        %ge3A_630 = arith.cmpi sge, %bitcast_convert_type3A_627, %ge3A_629 : vector<16xi32>
        %xor3A_631 = arith.constant 2147483647 : i32
        %xor3A_632 = vector.broadcast %xor3A_631 : i32 to vector<16xi32>
        %xor3A_633 = arith.xori %bitcast_convert_type3A_627, %xor3A_632 : vector<16xi32>
        %select_n3A_634 = arith.select %ge3A_630, %bitcast_convert_type3A_627, %xor3A_633 : vector<16xi1>, vector<16xi32>
        %ge3A_635 = vector.broadcast %xor3A_297 : i32 to vector<16xi32>
        %ge3A_636 = arith.cmpi sge, %select_n3A_634, %ge3A_635 : vector<16xi32>
        %select_n3A_637 = arith.select %ge3A_636, %broadcast_in_dim3A_301, %broadcast_in_dim3A_303 : vector<16xi1>, vector<16xi32>
        %add3A_638 = arith.addi %add3A_624, %select_n3A_637 : vector<16xi32>
        %get3A_639 = arith.constant 384 : index
        %get3A_640 = tpu.vector_load %arg7[%get3A_639] {strides = array<i32>} : memref<544xf32, #tpu.memory_space<vmem>>, vector<16xf32>,
        %bitcast_convert_type3A_641 = tpu.bitcast %get3A_640 : vector<16xf32> -> vector<16xi32>
        %ge3A_642 = arith.constant 0 : i32
        %ge3A_643 = vector.broadcast %ge3A_642 : i32 to vector<16xi32>
        %ge3A_644 = arith.cmpi sge, %bitcast_convert_type3A_641, %ge3A_643 : vector<16xi32>
        %xor3A_645 = arith.constant 2147483647 : i32
        %xor3A_646 = vector.broadcast %xor3A_645 : i32 to vector<16xi32>
        %xor3A_647 = arith.xori %bitcast_convert_type3A_641, %xor3A_646 : vector<16xi32>
        %select_n3A_648 = arith.select %ge3A_644, %bitcast_convert_type3A_641, %xor3A_647 : vector<16xi1>, vector<16xi32>
        %ge3A_649 = vector.broadcast %xor3A_297 : i32 to vector<16xi32>
        %ge3A_650 = arith.cmpi sge, %select_n3A_648, %ge3A_649 : vector<16xi32>
        %select_n3A_651 = arith.select %ge3A_650, %broadcast_in_dim3A_301, %broadcast_in_dim3A_303 : vector<16xi1>, vector<16xi32>
        %add3A_652 = arith.addi %add3A_638, %select_n3A_651 : vector<16xi32>
        %get3A_653 = arith.constant 400 : index
        %get3A_654 = tpu.vector_load %arg7[%get3A_653] {strides = array<i32>} : memref<544xf32, #tpu.memory_space<vmem>>, vector<16xf32>,
        %bitcast_convert_type3A_655 = tpu.bitcast %get3A_654 : vector<16xf32> -> vector<16xi32>
        %ge3A_656 = arith.constant 0 : i32
        %ge3A_657 = vector.broadcast %ge3A_656 : i32 to vector<16xi32>
        %ge3A_658 = arith.cmpi sge, %bitcast_convert_type3A_655, %ge3A_657 : vector<16xi32>
        %xor3A_659 = arith.constant 2147483647 : i32
        %xor3A_660 = vector.broadcast %xor3A_659 : i32 to vector<16xi32>
        %xor3A_661 = arith.xori %bitcast_convert_type3A_655, %xor3A_660 : vector<16xi32>
        %select_n3A_662 = arith.select %ge3A_658, %bitcast_convert_type3A_655, %xor3A_661 : vector<16xi1>, vector<16xi32>
        %ge3A_663 = vector.broadcast %xor3A_297 : i32 to vector<16xi32>
        %ge3A_664 = arith.cmpi sge, %select_n3A_662, %ge3A_663 : vector<16xi32>
        %select_n3A_665 = arith.select %ge3A_664, %broadcast_in_dim3A_301, %broadcast_in_dim3A_303 : vector<16xi1>, vector<16xi32>
        %add3A_666 = arith.addi %add3A_652, %select_n3A_665 : vector<16xi32>
        %get3A_667 = arith.constant 416 : index
        %get3A_668 = tpu.vector_load %arg7[%get3A_667] {strides = array<i32>} : memref<544xf32, #tpu.memory_space<vmem>>, vector<16xf32>,
        %bitcast_convert_type3A_669 = tpu.bitcast %get3A_668 : vector<16xf32> -> vector<16xi32>
        %ge3A_670 = arith.constant 0 : i32
        %ge3A_671 = vector.broadcast %ge3A_670 : i32 to vector<16xi32>
        %ge3A_672 = arith.cmpi sge, %bitcast_convert_type3A_669, %ge3A_671 : vector<16xi32>
        %xor3A_673 = arith.constant 2147483647 : i32
        %xor3A_674 = vector.broadcast %xor3A_673 : i32 to vector<16xi32>
        %xor3A_675 = arith.xori %bitcast_convert_type3A_669, %xor3A_674 : vector<16xi32>
        %select_n3A_676 = arith.select %ge3A_672, %bitcast_convert_type3A_669, %xor3A_675 : vector<16xi1>, vector<16xi32>
        %ge3A_677 = vector.broadcast %xor3A_297 : i32 to vector<16xi32>
        %ge3A_678 = arith.cmpi sge, %select_n3A_676, %ge3A_677 : vector<16xi32>
        %select_n3A_679 = arith.select %ge3A_678, %broadcast_in_dim3A_301, %broadcast_in_dim3A_303 : vector<16xi1>, vector<16xi32>
        %add3A_680 = arith.addi %add3A_666, %select_n3A_679 : vector<16xi32>
        %get3A_681 = arith.constant 432 : index
        %get3A_682 = tpu.vector_load %arg7[%get3A_681] {strides = array<i32>} : memref<544xf32, #tpu.memory_space<vmem>>, vector<16xf32>,
        %bitcast_convert_type3A_683 = tpu.bitcast %get3A_682 : vector<16xf32> -> vector<16xi32>
        %ge3A_684 = arith.constant 0 : i32
        %ge3A_685 = vector.broadcast %ge3A_684 : i32 to vector<16xi32>
        %ge3A_686 = arith.cmpi sge, %bitcast_convert_type3A_683, %ge3A_685 : vector<16xi32>
        %xor3A_687 = arith.constant 2147483647 : i32
        %xor3A_688 = vector.broadcast %xor3A_687 : i32 to vector<16xi32>
        %xor3A_689 = arith.xori %bitcast_convert_type3A_683, %xor3A_688 : vector<16xi32>
        %select_n3A_690 = arith.select %ge3A_686, %bitcast_convert_type3A_683, %xor3A_689 : vector<16xi1>, vector<16xi32>
        %ge3A_691 = vector.broadcast %xor3A_297 : i32 to vector<16xi32>
        %ge3A_692 = arith.cmpi sge, %select_n3A_690, %ge3A_691 : vector<16xi32>
        %select_n3A_693 = arith.select %ge3A_692, %broadcast_in_dim3A_301, %broadcast_in_dim3A_303 : vector<16xi1>, vector<16xi32>
        %add3A_694 = arith.addi %add3A_680, %select_n3A_693 : vector<16xi32>
        %get3A_695 = arith.constant 448 : index
        %get3A_696 = tpu.vector_load %arg7[%get3A_695] {strides = array<i32>} : memref<544xf32, #tpu.memory_space<vmem>>, vector<16xf32>,
        %bitcast_convert_type3A_697 = tpu.bitcast %get3A_696 : vector<16xf32> -> vector<16xi32>
        %ge3A_698 = arith.constant 0 : i32
        %ge3A_699 = vector.broadcast %ge3A_698 : i32 to vector<16xi32>
        %ge3A_700 = arith.cmpi sge, %bitcast_convert_type3A_697, %ge3A_699 : vector<16xi32>
        %xor3A_701 = arith.constant 2147483647 : i32
        %xor3A_702 = vector.broadcast %xor3A_701 : i32 to vector<16xi32>
        %xor3A_703 = arith.xori %bitcast_convert_type3A_697, %xor3A_702 : vector<16xi32>
        %select_n3A_704 = arith.select %ge3A_700, %bitcast_convert_type3A_697, %xor3A_703 : vector<16xi1>, vector<16xi32>
        %ge3A_705 = vector.broadcast %xor3A_297 : i32 to vector<16xi32>
        %ge3A_706 = arith.cmpi sge, %select_n3A_704, %ge3A_705 : vector<16xi32>
        %select_n3A_707 = arith.select %ge3A_706, %broadcast_in_dim3A_301, %broadcast_in_dim3A_303 : vector<16xi1>, vector<16xi32>
        %add3A_708 = arith.addi %add3A_694, %select_n3A_707 : vector<16xi32>
        %get3A_709 = arith.constant 464 : index
        %get3A_710 = tpu.vector_load %arg7[%get3A_709] {strides = array<i32>} : memref<544xf32, #tpu.memory_space<vmem>>, vector<16xf32>,
        %bitcast_convert_type3A_711 = tpu.bitcast %get3A_710 : vector<16xf32> -> vector<16xi32>
        %ge3A_712 = arith.constant 0 : i32
        %ge3A_713 = vector.broadcast %ge3A_712 : i32 to vector<16xi32>
        %ge3A_714 = arith.cmpi sge, %bitcast_convert_type3A_711, %ge3A_713 : vector<16xi32>
        %xor3A_715 = arith.constant 2147483647 : i32
        %xor3A_716 = vector.broadcast %xor3A_715 : i32 to vector<16xi32>
        %xor3A_717 = arith.xori %bitcast_convert_type3A_711, %xor3A_716 : vector<16xi32>
        %select_n3A_718 = arith.select %ge3A_714, %bitcast_convert_type3A_711, %xor3A_717 : vector<16xi1>, vector<16xi32>
        %ge3A_719 = vector.broadcast %xor3A_297 : i32 to vector<16xi32>
        %ge3A_720 = arith.cmpi sge, %select_n3A_718, %ge3A_719 : vector<16xi32>
        %select_n3A_721 = arith.select %ge3A_720, %broadcast_in_dim3A_301, %broadcast_in_dim3A_303 : vector<16xi1>, vector<16xi32>
        %add3A_722 = arith.addi %add3A_708, %select_n3A_721 : vector<16xi32>
        %get3A_723 = arith.constant 480 : index
        %get3A_724 = tpu.vector_load %arg7[%get3A_723] {strides = array<i32>} : memref<544xf32, #tpu.memory_space<vmem>>, vector<16xf32>,
        %bitcast_convert_type3A_725 = tpu.bitcast %get3A_724 : vector<16xf32> -> vector<16xi32>
        %ge3A_726 = arith.constant 0 : i32
        %ge3A_727 = vector.broadcast %ge3A_726 : i32 to vector<16xi32>
        %ge3A_728 = arith.cmpi sge, %bitcast_convert_type3A_725, %ge3A_727 : vector<16xi32>
        %xor3A_729 = arith.constant 2147483647 : i32
        %xor3A_730 = vector.broadcast %xor3A_729 : i32 to vector<16xi32>
        %xor3A_731 = arith.xori %bitcast_convert_type3A_725, %xor3A_730 : vector<16xi32>
        %select_n3A_732 = arith.select %ge3A_728, %bitcast_convert_type3A_725, %xor3A_731 : vector<16xi1>, vector<16xi32>
        %ge3A_733 = vector.broadcast %xor3A_297 : i32 to vector<16xi32>
        %ge3A_734 = arith.cmpi sge, %select_n3A_732, %ge3A_733 : vector<16xi32>
        %select_n3A_735 = arith.select %ge3A_734, %broadcast_in_dim3A_301, %broadcast_in_dim3A_303 : vector<16xi1>, vector<16xi32>
        %add3A_736 = arith.addi %add3A_722, %select_n3A_735 : vector<16xi32>
        %get3A_737 = arith.constant 496 : index
        %get3A_738 = tpu.vector_load %arg7[%get3A_737] {strides = array<i32>} : memref<544xf32, #tpu.memory_space<vmem>>, vector<16xf32>,
        %bitcast_convert_type3A_739 = tpu.bitcast %get3A_738 : vector<16xf32> -> vector<16xi32>
        %ge3A_740 = arith.constant 0 : i32
        %ge3A_741 = vector.broadcast %ge3A_740 : i32 to vector<16xi32>
        %ge3A_742 = arith.cmpi sge, %bitcast_convert_type3A_739, %ge3A_741 : vector<16xi32>
        %xor3A_743 = arith.constant 2147483647 : i32
        %xor3A_744 = vector.broadcast %xor3A_743 : i32 to vector<16xi32>
        %xor3A_745 = arith.xori %bitcast_convert_type3A_739, %xor3A_744 : vector<16xi32>
        %select_n3A_746 = arith.select %ge3A_742, %bitcast_convert_type3A_739, %xor3A_745 : vector<16xi1>, vector<16xi32>
        %ge3A_747 = vector.broadcast %xor3A_297 : i32 to vector<16xi32>
        %ge3A_748 = arith.cmpi sge, %select_n3A_746, %ge3A_747 : vector<16xi32>
        %select_n3A_749 = arith.select %ge3A_748, %broadcast_in_dim3A_301, %broadcast_in_dim3A_303 : vector<16xi1>, vector<16xi32>
        %add3A_750 = arith.addi %add3A_736, %select_n3A_749 : vector<16xi32>
        %reduce_sum3A_751 = arith.constant true
        %reduce_sum3A_752 = vector.broadcast %reduce_sum3A_751 : i1 to vector<16xi1>
        %reduce_sum3A_753 = tpu.scan <sum>, %add3A_750 masked %reduce_sum3A_752 : vector<16xi32>, vector<16xi1> -> vector<16xi32>
        %reduce_sum3A_754 = vector.extract %reduce_sum3A_753[15] : i32 from vector<16xi32>
        %ge3A_755 = arith.constant 65 : i32
        %ge3A_756 = arith.cmpi sge, %reduce_sum3A_754, %ge3A_755 : i32
        %select_n3A_757 = arith.select %ge3A_756, %or3A, %scan3A_292 : i32
        scf.yield %select_n3A_757 : i32
      }
      %scan3A_288 = arith.constant 30 : i32
      %xor3A_289 = arith.constant -2147483648 : i32
      %xor3A_290 = arith.xori %scan3A_287, %xor3A_289 : i32
      scf.yield %xor3A_290 : i32
    } else {
      %scan3A = arith.constant 0 : i32
      %scan3A_283 = arith.constant 0 : i32
      %scan3A_284 = arith.constant 32 : i32
      %scan3A_285 = arith.addi %scan3A_283, %scan3A_284 : i32
      %scan3A_286 = arith.constant 1 : i32
      %scan3A_287 = scf.for %scan3A_291 = %scan3A_283 to %scan3A_285 step %scan3A_286 iter_args(%scan3A_292 = %scan3A) -> (i32)  : i32 {
        %sub3A_293 = arith.constant 31 : i32
        %sub3A_294 = arith.subi %sub3A_293, %scan3A_291 : i32
        %shift_left3A = arith.constant 1 : i32
        %shift_left3A_295 = arith.shli %shift_left3A, %sub3A_294 : i32
        %or3A = arith.ori %scan3A_292, %shift_left3A_295 : i32
        %xor3A_296 = arith.constant -2147483648 : i32
        %xor3A_297 = arith.xori %or3A, %xor3A_296 : i32
        %broadcast_in_dim3A_298 = arith.constant 0 : i32
        %broadcast_in_dim3A_299 = vector.broadcast %broadcast_in_dim3A_298 : i32 to vector<16xi32>
        %scan3A_300 = arith.constant 0 : i32
        %scan3A_301 = arith.constant 2048 : i32
        %scan3A_302 = arith.addi %scan3A_300, %scan3A_301 : i32
        %scan3A_303 = arith.constant 1 : i32
        %scan3A_304 = scf.for %scan3A_313 = %scan3A_300 to %scan3A_302 step %scan3A_303 iter_args(%scan3A_314 = %broadcast_in_dim3A_299) -> (vector<16xi32>)  : i32 {
          %mul3A_315 = arith.constant 16 : i32
          %mul3A_316 = arith.muli %scan3A_313, %mul3A_315 : i32
          %get3A = arith.index_cast %mul3A_316 : i32 to index
          %get3A_317 = tpu.vector_load %arg5[%get3A] {strides = array<i32>} : memref<32768xf32, #tpu.memory_space<vmem>>, vector<16xf32>,
          %bitcast_convert_type3A_318 = tpu.bitcast %get3A_317 : vector<16xf32> -> vector<16xi32>
          %ge3A_319 = arith.constant 0 : i32
          %ge3A_320 = vector.broadcast %ge3A_319 : i32 to vector<16xi32>
          %ge3A_321 = arith.cmpi sge, %bitcast_convert_type3A_318, %ge3A_320 : vector<16xi32>
          %xor3A_322 = arith.constant 2147483647 : i32
          %xor3A_323 = vector.broadcast %xor3A_322 : i32 to vector<16xi32>
          %xor3A_324 = arith.xori %bitcast_convert_type3A_318, %xor3A_323 : vector<16xi32>
          %select_n3A_325 = arith.select %ge3A_321, %bitcast_convert_type3A_318, %xor3A_324 : vector<16xi1>, vector<16xi32>
          %ge3A_326 = vector.broadcast %xor3A_297 : i32 to vector<16xi32>
          %ge3A_327 = arith.cmpi sge, %select_n3A_325, %ge3A_326 : vector<16xi32>
          %broadcast_in_dim3A_328 = arith.constant 1 : i32
          %broadcast_in_dim3A_329 = vector.broadcast %broadcast_in_dim3A_328 : i32 to vector<16xi32>
          %broadcast_in_dim3A_330 = arith.constant 0 : i32
          %broadcast_in_dim3A_331 = vector.broadcast %broadcast_in_dim3A_330 : i32 to vector<16xi32>
          %select_n3A_332 = arith.select %ge3A_327, %broadcast_in_dim3A_329, %broadcast_in_dim3A_331 : vector<16xi1>, vector<16xi32>
          %add3A_333 = arith.addi %scan3A_314, %select_n3A_332 : vector<16xi32>
          scf.yield %add3A_333 : vector<16xi32>
        }
        %scan3A_305 = arith.constant 2048 : i32
        %reduce_sum3A_306 = arith.constant true
        %reduce_sum3A_307 = vector.broadcast %reduce_sum3A_306 : i1 to vector<16xi1>
        %reduce_sum3A_308 = tpu.scan <sum>, %scan3A_304 masked %reduce_sum3A_307 : vector<16xi32>, vector<16xi1> -> vector<16xi32>
        %reduce_sum3A_309 = vector.extract %reduce_sum3A_308[15] : i32 from vector<16xi32>
        %ge3A_310 = arith.constant 65 : i32
        %ge3A_311 = arith.cmpi sge, %reduce_sum3A_309, %ge3A_310 : i32
        %select_n3A_312 = arith.select %ge3A_311, %or3A, %scan3A_292 : i32
        scf.yield %select_n3A_312 : i32
      }
      %scan3A_288 = arith.constant 32 : i32
      %xor3A_289 = arith.constant -2147483648 : i32
      %xor3A_290 = arith.xori %scan3A_287, %xor3A_289 : i32
      scf.yield %xor3A_290 : i32
    }
    %broadcast_in_dim3A_111 = vector.broadcast %cond3A_110 : i32 to vector<16xi32>
    %ge3A_112 = arith.constant 0 : i32
    %ge3A_113 = vector.broadcast %ge3A_112 : i32 to vector<16xi32>
    %ge3A_114 = arith.cmpi sge, %broadcast_in_dim3A_111, %ge3A_113 : vector<16xi32>
    %xor3A_115 = arith.constant 2147483647 : i32
    %xor3A_116 = vector.broadcast %xor3A_115 : i32 to vector<16xi32>
    %xor3A_117 = arith.xori %broadcast_in_dim3A_111, %xor3A_116 : vector<16xi32>
    %select_n3A_118 = arith.select %ge3A_114, %broadcast_in_dim3A_111, %xor3A_117 : vector<16xi1>, vector<16xi32>
    %bitcast_convert_type3A_119 = tpu.bitcast %select_n3A_118 : vector<16xi32> -> vector<16xf32>
    %dma_wait3A_120 = arith.constant 0 : i32
    %dma_wait3A_121 = tpu.memref_slice %arg2[%add3A_19, %dma_wait3A_120] : memref<128x32768xf32, #tpu.memory_space<hbm>> -> memref<1x32768xf32, #tpu.memory_space<hbm>>
    %dma_wait3A_122 = tpu.memref_squeeze %dma_wait3A_121 : memref<1x32768xf32, #tpu.memory_space<hbm>> -> memref<32768xf32, #tpu.memory_space<hbm>>
    %dma_wait3A_123 = arith.constant 0 : i32
    %dma_wait3A_124 = tpu.memref_slice %arg2[%add3A_19, %dma_wait3A_123] : memref<128x32768xf32, #tpu.memory_space<hbm>> -> memref<1x32768xf32, #tpu.memory_space<hbm>>
    %dma_wait3A_125 = tpu.memref_squeeze %dma_wait3A_124 : memref<1x32768xf32, #tpu.memory_space<hbm>> -> memref<32768xf32, #tpu.memory_space<hbm>>
    tpu.wait_dma2 semaphore(%arg10 : memref<!tpu.dma_semaphore, #tpu.memory_space<semaphore_mem>>) src(%dma_wait3A_125 : memref<32768xf32, #tpu.memory_space<hbm>>) dst(%arg6 : memref<32768xf32, #tpu.memory_space<vmem>>)
    %parallel_loop3A_126 = arith.constant 0 : i32
    %parallel_loop3A_127 = arith.constant 32 : i32
    %parallel_loop3A_128 = arith.constant 1 : i32
    scf.for %parallel_loop3A_283 = %parallel_loop3A_126 to %parallel_loop3A_127 step %parallel_loop3A_128  : i32 {
      %parallel_loop3A_284 = arith.constant 0xFF800000 : f32
      %parallel_loop3A_285 = vector.broadcast %parallel_loop3A_284 : f32 to vector<16xf32>
      %parallel_loop3A_286 = arith.constant 16 : i32
      %parallel_loop3A_287 = arith.muli %parallel_loop3A_283, %parallel_loop3A_286 : i32
      %parallel_loop3A_288 = arith.index_cast %parallel_loop3A_287 : i32 to index
      %parallel_loop3A_289 = tpu.vector_load %arg7[%parallel_loop3A_288] {strides = array<i32>} : memref<544xf32, #tpu.memory_space<vmem>>, vector<16xf32>,
      tpu.vector_store %arg7[%parallel_loop3A_288], %parallel_loop3A_285 {strides = array<i32>} : memref<544xf32, #tpu.memory_space<vmem>>, vector<16xf32>,
    } {sc.loop_unroll_factor = 4 : i64, sc.parallel_access}
    %iota3A_129 = tpu.iota {dimensions = array<i32: 0>} : vector<16xi32>
    %parallel_loop3A_130 = arith.constant 0 : i32
    %parallel_loop3A_131 = arith.constant 2048 : i32
    %parallel_loop3A_132 = arith.constant 1 : i32
    %parallel_loop3A_133 = scf.for %parallel_loop3A_283 = %parallel_loop3A_130 to %parallel_loop3A_131 step %parallel_loop3A_132 iter_args(%parallel_loop3A_284 = %iota3A_129) -> (vector<16xi32>)  : i32 {
      %parallel_loop3A_285 = arith.constant 16 : i32
      %parallel_loop3A_286 = arith.muli %parallel_loop3A_283, %parallel_loop3A_285 : i32
      %parallel_loop3A_287 = arith.index_cast %parallel_loop3A_286 : i32 to index
      %parallel_loop3A_288 = tpu.vector_load %arg5[%parallel_loop3A_287] {strides = array<i32>} : memref<32768xf32, #tpu.memory_space<vmem>>, vector<16xf32>,
      %parallel_loop3A_289 = arith.cmpf ogt, %parallel_loop3A_288, %bitcast_convert_type3A_119 : vector<16xf32>
      %parallel_loop3A_290 = arith.constant 0.000000e+00 : f32
      %parallel_loop3A_291 = vector.broadcast %parallel_loop3A_290 : f32 to vector<16xf32>
      %parallel_loop3A_292 = arith.select %parallel_loop3A_289, %parallel_loop3A_288, %parallel_loop3A_291 : vector<16xi1>, vector<16xf32>
      %parallel_loop3A_293 = arith.constant 16 : i32
      %parallel_loop3A_294 = arith.muli %parallel_loop3A_283, %parallel_loop3A_293 : i32
      %parallel_loop3A_295 = arith.index_cast %parallel_loop3A_294 : i32 to index
      %parallel_loop3A_296 = tpu.vector_load %arg5[%parallel_loop3A_295] {strides = array<i32>} : memref<32768xf32, #tpu.memory_space<vmem>>, vector<16xf32>,
      tpu.vector_store %arg5[%parallel_loop3A_295], %parallel_loop3A_292 {strides = array<i32>} : memref<32768xf32, #tpu.memory_space<vmem>>, vector<16xf32>,
      %parallel_loop3A_297 = arith.constant 16 : i32
      %parallel_loop3A_298 = arith.muli %parallel_loop3A_283, %parallel_loop3A_297 : i32
      %parallel_loop3A_299 = arith.index_cast %parallel_loop3A_298 : i32 to index
      %parallel_loop3A_300 = tpu.vector_load %arg6[%parallel_loop3A_299] {strides = array<i32>} : memref<32768xf32, #tpu.memory_space<vmem>>, vector<16xf32>,
      %parallel_loop3A_301 = arith.constant 2.500000e+00 : f32
      %parallel_loop3A_302 = vector.broadcast %parallel_loop3A_301 : f32 to vector<16xf32>
      %parallel_loop3A_303 = arith.cmpf ogt, %parallel_loop3A_300, %parallel_loop3A_302 : vector<16xf32>
      %parallel_loop3A_304 = arith.constant 32 : i32
      %parallel_loop3A_305 = vector.broadcast %parallel_loop3A_304 : i32 to vector<16xi32>
      %parallel_loop3A_306 = arith.constant 4 : i32
      %parallel_loop3A_307 = vector.broadcast %parallel_loop3A_306 : i32 to vector<16xi32>
      %parallel_loop3A_308 = arith.shli %parallel_loop3A_305, %parallel_loop3A_307 : vector<16xi32>
      %parallel_loop3A_309 = tpu.iota {dimensions = array<i32: 0>} : vector<16xi32>
      %parallel_loop3A_310 = arith.addi %parallel_loop3A_308, %parallel_loop3A_309 : vector<16xi32>
      %parallel_loop3A_311 = arith.minsi %parallel_loop3A_284, %parallel_loop3A_310 : vector<16xi32>
      tpu.vector_store_idx %arg7[%parallel_loop3A_311], %parallel_loop3A_300 masked %parallel_loop3A_303 : memref<544xf32, #tpu.memory_space<vmem>>[vector<16xi32>], vector<16xf32>, vector<16xi1>
      %parallel_loop3A_312 = arith.constant 16 : i32
      %parallel_loop3A_313 = vector.broadcast %parallel_loop3A_312 : i32 to vector<16xi32>
      %parallel_loop3A_314 = arith.constant 0 : i32
      %parallel_loop3A_315 = vector.broadcast %parallel_loop3A_314 : i32 to vector<16xi32>
      %parallel_loop3A_316 = arith.select %parallel_loop3A_303, %parallel_loop3A_313, %parallel_loop3A_315 : vector<16xi1>, vector<16xi32>
      %parallel_loop3A_317 = arith.addi %parallel_loop3A_284, %parallel_loop3A_316 : vector<16xi32>
      scf.yield %parallel_loop3A_317 : vector<16xi32>
    } {sc.loop_unroll_factor = 8 : i64, sc.parallel_access}
    %add3A_134 = arith.constant 2 : i32
    %add3A_135 = arith.addi %mul3A_2, %add3A_134 : i32
    %sub3A_136 = arith.constant 1 : i32
    %sub3A_137 = arith.subi %add3A_135, %sub3A_136 : i32
    %dma_start3A_138 = arith.constant 0 : i32
    %dma_start3A_139 = tpu.memref_slice %arg3[%sub3A_137, %dma_start3A_138] : memref<128x32768xf32, #tpu.memory_space<hbm>> -> memref<1x32768xf32, #tpu.memory_space<hbm>>
    %dma_start3A_140 = tpu.memref_squeeze %dma_start3A_139 : memref<1x32768xf32, #tpu.memory_space<hbm>> -> memref<32768xf32, #tpu.memory_space<hbm>>
    %dma_start3A_141 = arith.constant 0 : i32
    %dma_start3A_142 = tpu.memref_slice %arg3[%sub3A_137, %dma_start3A_141] : memref<128x32768xf32, #tpu.memory_space<hbm>> -> memref<1x32768xf32, #tpu.memory_space<hbm>>
    %dma_start3A_143 = tpu.memref_squeeze %dma_start3A_142 : memref<1x32768xf32, #tpu.memory_space<hbm>> -> memref<32768xf32, #tpu.memory_space<hbm>>
    tpu.enqueue_dma source(%arg5 : memref<32768xf32, #tpu.memory_space<vmem>>) target(%dma_start3A_143 : memref<32768xf32, #tpu.memory_space<hbm>>) target_semaphore(%arg12 : memref<!tpu.dma_semaphore, #tpu.memory_space<semaphore_mem>>)
    %dma_wait3A_144 = arith.constant 0 : i32
    %dma_wait3A_145 = tpu.memref_slice %arg3[%sub3A_77, %dma_wait3A_144] : memref<128x32768xf32, #tpu.memory_space<hbm>> -> memref<1x32768xf32, #tpu.memory_space<hbm>>
    %dma_wait3A_146 = tpu.memref_squeeze %dma_wait3A_145 : memref<1x32768xf32, #tpu.memory_space<hbm>> -> memref<32768xf32, #tpu.memory_space<hbm>>
    %dma_wait3A_147 = arith.constant 0 : i32
    %dma_wait3A_148 = tpu.memref_slice %arg3[%sub3A_77, %dma_wait3A_147] : memref<128x32768xf32, #tpu.memory_space<hbm>> -> memref<1x32768xf32, #tpu.memory_space<hbm>>
    %dma_wait3A_149 = tpu.memref_squeeze %dma_wait3A_148 : memref<1x32768xf32, #tpu.memory_space<hbm>> -> memref<32768xf32, #tpu.memory_space<hbm>>
    tpu.wait_dma2 semaphore(%arg11 : memref<!tpu.dma_semaphore, #tpu.memory_space<semaphore_mem>>) src(%arg4 : memref<32768xf32, #tpu.memory_space<vmem>>) dst(%dma_wait3A_149 : memref<32768xf32, #tpu.memory_space<hbm>>)
    %add3A_150 = arith.constant 3 : i32
    %add3A_151 = arith.addi %mul3A_2, %add3A_150 : i32
    %dma_start3A_152 = arith.constant 0 : i32
    %dma_start3A_153 = tpu.memref_slice %arg2[%add3A_151, %dma_start3A_152] : memref<128x32768xf32, #tpu.memory_space<hbm>> -> memref<1x32768xf32, #tpu.memory_space<hbm>>
    %dma_start3A_154 = tpu.memref_squeeze %dma_start3A_153 : memref<1x32768xf32, #tpu.memory_space<hbm>> -> memref<32768xf32, #tpu.memory_space<hbm>>
    %dma_start3A_155 = arith.constant 0 : i32
    %dma_start3A_156 = tpu.memref_slice %arg2[%add3A_151, %dma_start3A_155] : memref<128x32768xf32, #tpu.memory_space<hbm>> -> memref<1x32768xf32, #tpu.memory_space<hbm>>
    %dma_start3A_157 = tpu.memref_squeeze %dma_start3A_156 : memref<1x32768xf32, #tpu.memory_space<hbm>> -> memref<32768xf32, #tpu.memory_space<hbm>>
    tpu.enqueue_dma source(%dma_start3A_157 : memref<32768xf32, #tpu.memory_space<hbm>>) target(%arg4 : memref<32768xf32, #tpu.memory_space<vmem>>) target_semaphore(%arg8 : memref<!tpu.dma_semaphore, #tpu.memory_space<semaphore_mem>>)
    %iota3A_158 = tpu.iota {dimensions = array<i32: 0>} : vector<16xi32>
    %sub3A_159 = arith.subi %parallel_loop3A_133, %iota3A_158 : vector<16xi32>
    %shift_right_arithmetic3A_160 = arith.constant 4 : i32
    %shift_right_arithmetic3A_161 = vector.broadcast %shift_right_arithmetic3A_160 : i32 to vector<16xi32>
    %shift_right_arithmetic3A_162 = arith.shrsi %sub3A_159, %shift_right_arithmetic3A_161 : vector<16xi32>
    %reduce_sum3A_163 = arith.constant true
    %reduce_sum3A_164 = vector.broadcast %reduce_sum3A_163 : i1 to vector<16xi1>
    %reduce_sum3A_165 = tpu.scan <sum>, %shift_right_arithmetic3A_162 masked %reduce_sum3A_164 : vector<16xi32>, vector<16xi1> -> vector<16xi32>
    %reduce_sum3A_166 = vector.extract %reduce_sum3A_165[15] : i32 from vector<16xi32>
    %reduce_max3A_167 = arith.constant true
    %reduce_max3A_168 = vector.broadcast %reduce_max3A_167 : i1 to vector<16xi1>
    %reduce_max3A_169 = arith.constant -2147483648 : i32
    %reduce_max3A_170 = vector.broadcast %reduce_max3A_169 : i32 to vector<16xi32>
    %reduce_max3A_171 = arith.xori %shift_right_arithmetic3A_162, %reduce_max3A_170 : vector<16xi32>
    %reduce_max3A_172 = tpu.scan <max>, %reduce_max3A_171 masked %reduce_max3A_168 : vector<16xi32>, vector<16xi1> -> vector<16xi32>
    %reduce_max3A_173 = arith.xori %reduce_max3A_172, %reduce_max3A_170 : vector<16xi32>
    %reduce_max3A_174 = vector.extract %reduce_max3A_173[15] : i32 from vector<16xi32>
    %ge3A_175 = arith.constant 65 : i32
    %ge3A_176 = arith.cmpi sge, %reduce_sum3A_166, %ge3A_175 : i32
    %le3A_177 = arith.constant 32 : i32
    %le3A_178 = arith.cmpi sle, %reduce_max3A_174, %le3A_177 : i32
    %and3A_179 = arith.andi %ge3A_176, %le3A_178 : i1
    %convert_element_type3A_180 = arith.extui %and3A_179 : i1 to i32
    %cond3A_181 = arith.constant 0 : i32
    %cond3A_182 = arith.constant 0 : i32
    %cond3A_183 = arith.cmpi ne, %convert_element_type3A_180, %cond3A_182 : i32
    %cond3A_184 = scf.if %cond3A_183 -> (i32) {
      %scan3A = arith.constant -1073741824 : i32
      %scan3A_283 = arith.constant 2 : i32
      %scan3A_284 = arith.constant 30 : i32
      %scan3A_285 = arith.addi %scan3A_283, %scan3A_284 : i32
      %scan3A_286 = arith.constant 1 : i32
      %scan3A_287 = scf.for %scan3A_291 = %scan3A_283 to %scan3A_285 step %scan3A_286 iter_args(%scan3A_292 = %scan3A) -> (i32)  : i32 {
        %sub3A_293 = arith.constant 31 : i32
        %sub3A_294 = arith.subi %sub3A_293, %scan3A_291 : i32
        %shift_left3A = arith.constant 1 : i32
        %shift_left3A_295 = arith.shli %shift_left3A, %sub3A_294 : i32
        %or3A = arith.ori %scan3A_292, %shift_left3A_295 : i32
        %xor3A_296 = arith.constant -2147483648 : i32
        %xor3A_297 = arith.xori %or3A, %xor3A_296 : i32
        %broadcast_in_dim3A_298 = arith.constant 0 : i32
        %broadcast_in_dim3A_299 = vector.broadcast %broadcast_in_dim3A_298 : i32 to vector<16xi32>
        %broadcast_in_dim3A_300 = arith.constant 1 : i32
        %broadcast_in_dim3A_301 = vector.broadcast %broadcast_in_dim3A_300 : i32 to vector<16xi32>
        %broadcast_in_dim3A_302 = arith.constant 0 : i32
        %broadcast_in_dim3A_303 = vector.broadcast %broadcast_in_dim3A_302 : i32 to vector<16xi32>
        %get3A = arith.constant 0 : index
        %get3A_304 = tpu.vector_load %arg7[%get3A] {strides = array<i32>} : memref<544xf32, #tpu.memory_space<vmem>>, vector<16xf32>,
        %bitcast_convert_type3A_305 = tpu.bitcast %get3A_304 : vector<16xf32> -> vector<16xi32>
        %ge3A_306 = arith.constant 0 : i32
        %ge3A_307 = vector.broadcast %ge3A_306 : i32 to vector<16xi32>
        %ge3A_308 = arith.cmpi sge, %bitcast_convert_type3A_305, %ge3A_307 : vector<16xi32>
        %xor3A_309 = arith.constant 2147483647 : i32
        %xor3A_310 = vector.broadcast %xor3A_309 : i32 to vector<16xi32>
        %xor3A_311 = arith.xori %bitcast_convert_type3A_305, %xor3A_310 : vector<16xi32>
        %select_n3A_312 = arith.select %ge3A_308, %bitcast_convert_type3A_305, %xor3A_311 : vector<16xi1>, vector<16xi32>
        %ge3A_313 = vector.broadcast %xor3A_297 : i32 to vector<16xi32>
        %ge3A_314 = arith.cmpi sge, %select_n3A_312, %ge3A_313 : vector<16xi32>
        %select_n3A_315 = arith.select %ge3A_314, %broadcast_in_dim3A_301, %broadcast_in_dim3A_303 : vector<16xi1>, vector<16xi32>
        %add3A_316 = arith.addi %broadcast_in_dim3A_299, %select_n3A_315 : vector<16xi32>
        %get3A_317 = arith.constant 16 : index
        %get3A_318 = tpu.vector_load %arg7[%get3A_317] {strides = array<i32>} : memref<544xf32, #tpu.memory_space<vmem>>, vector<16xf32>,
        %bitcast_convert_type3A_319 = tpu.bitcast %get3A_318 : vector<16xf32> -> vector<16xi32>
        %ge3A_320 = arith.constant 0 : i32
        %ge3A_321 = vector.broadcast %ge3A_320 : i32 to vector<16xi32>
        %ge3A_322 = arith.cmpi sge, %bitcast_convert_type3A_319, %ge3A_321 : vector<16xi32>
        %xor3A_323 = arith.constant 2147483647 : i32
        %xor3A_324 = vector.broadcast %xor3A_323 : i32 to vector<16xi32>
        %xor3A_325 = arith.xori %bitcast_convert_type3A_319, %xor3A_324 : vector<16xi32>
        %select_n3A_326 = arith.select %ge3A_322, %bitcast_convert_type3A_319, %xor3A_325 : vector<16xi1>, vector<16xi32>
        %ge3A_327 = vector.broadcast %xor3A_297 : i32 to vector<16xi32>
        %ge3A_328 = arith.cmpi sge, %select_n3A_326, %ge3A_327 : vector<16xi32>
        %select_n3A_329 = arith.select %ge3A_328, %broadcast_in_dim3A_301, %broadcast_in_dim3A_303 : vector<16xi1>, vector<16xi32>
        %add3A_330 = arith.addi %add3A_316, %select_n3A_329 : vector<16xi32>
        %get3A_331 = arith.constant 32 : index
        %get3A_332 = tpu.vector_load %arg7[%get3A_331] {strides = array<i32>} : memref<544xf32, #tpu.memory_space<vmem>>, vector<16xf32>,
        %bitcast_convert_type3A_333 = tpu.bitcast %get3A_332 : vector<16xf32> -> vector<16xi32>
        %ge3A_334 = arith.constant 0 : i32
        %ge3A_335 = vector.broadcast %ge3A_334 : i32 to vector<16xi32>
        %ge3A_336 = arith.cmpi sge, %bitcast_convert_type3A_333, %ge3A_335 : vector<16xi32>
        %xor3A_337 = arith.constant 2147483647 : i32
        %xor3A_338 = vector.broadcast %xor3A_337 : i32 to vector<16xi32>
        %xor3A_339 = arith.xori %bitcast_convert_type3A_333, %xor3A_338 : vector<16xi32>
        %select_n3A_340 = arith.select %ge3A_336, %bitcast_convert_type3A_333, %xor3A_339 : vector<16xi1>, vector<16xi32>
        %ge3A_341 = vector.broadcast %xor3A_297 : i32 to vector<16xi32>
        %ge3A_342 = arith.cmpi sge, %select_n3A_340, %ge3A_341 : vector<16xi32>
        %select_n3A_343 = arith.select %ge3A_342, %broadcast_in_dim3A_301, %broadcast_in_dim3A_303 : vector<16xi1>, vector<16xi32>
        %add3A_344 = arith.addi %add3A_330, %select_n3A_343 : vector<16xi32>
        %get3A_345 = arith.constant 48 : index
        %get3A_346 = tpu.vector_load %arg7[%get3A_345] {strides = array<i32>} : memref<544xf32, #tpu.memory_space<vmem>>, vector<16xf32>,
        %bitcast_convert_type3A_347 = tpu.bitcast %get3A_346 : vector<16xf32> -> vector<16xi32>
        %ge3A_348 = arith.constant 0 : i32
        %ge3A_349 = vector.broadcast %ge3A_348 : i32 to vector<16xi32>
        %ge3A_350 = arith.cmpi sge, %bitcast_convert_type3A_347, %ge3A_349 : vector<16xi32>
        %xor3A_351 = arith.constant 2147483647 : i32
        %xor3A_352 = vector.broadcast %xor3A_351 : i32 to vector<16xi32>
        %xor3A_353 = arith.xori %bitcast_convert_type3A_347, %xor3A_352 : vector<16xi32>
        %select_n3A_354 = arith.select %ge3A_350, %bitcast_convert_type3A_347, %xor3A_353 : vector<16xi1>, vector<16xi32>
        %ge3A_355 = vector.broadcast %xor3A_297 : i32 to vector<16xi32>
        %ge3A_356 = arith.cmpi sge, %select_n3A_354, %ge3A_355 : vector<16xi32>
        %select_n3A_357 = arith.select %ge3A_356, %broadcast_in_dim3A_301, %broadcast_in_dim3A_303 : vector<16xi1>, vector<16xi32>
        %add3A_358 = arith.addi %add3A_344, %select_n3A_357 : vector<16xi32>
        %get3A_359 = arith.constant 64 : index
        %get3A_360 = tpu.vector_load %arg7[%get3A_359] {strides = array<i32>} : memref<544xf32, #tpu.memory_space<vmem>>, vector<16xf32>,
        %bitcast_convert_type3A_361 = tpu.bitcast %get3A_360 : vector<16xf32> -> vector<16xi32>
        %ge3A_362 = arith.constant 0 : i32
        %ge3A_363 = vector.broadcast %ge3A_362 : i32 to vector<16xi32>
        %ge3A_364 = arith.cmpi sge, %bitcast_convert_type3A_361, %ge3A_363 : vector<16xi32>
        %xor3A_365 = arith.constant 2147483647 : i32
        %xor3A_366 = vector.broadcast %xor3A_365 : i32 to vector<16xi32>
        %xor3A_367 = arith.xori %bitcast_convert_type3A_361, %xor3A_366 : vector<16xi32>
        %select_n3A_368 = arith.select %ge3A_364, %bitcast_convert_type3A_361, %xor3A_367 : vector<16xi1>, vector<16xi32>
        %ge3A_369 = vector.broadcast %xor3A_297 : i32 to vector<16xi32>
        %ge3A_370 = arith.cmpi sge, %select_n3A_368, %ge3A_369 : vector<16xi32>
        %select_n3A_371 = arith.select %ge3A_370, %broadcast_in_dim3A_301, %broadcast_in_dim3A_303 : vector<16xi1>, vector<16xi32>
        %add3A_372 = arith.addi %add3A_358, %select_n3A_371 : vector<16xi32>
        %get3A_373 = arith.constant 80 : index
        %get3A_374 = tpu.vector_load %arg7[%get3A_373] {strides = array<i32>} : memref<544xf32, #tpu.memory_space<vmem>>, vector<16xf32>,
        %bitcast_convert_type3A_375 = tpu.bitcast %get3A_374 : vector<16xf32> -> vector<16xi32>
        %ge3A_376 = arith.constant 0 : i32
        %ge3A_377 = vector.broadcast %ge3A_376 : i32 to vector<16xi32>
        %ge3A_378 = arith.cmpi sge, %bitcast_convert_type3A_375, %ge3A_377 : vector<16xi32>
        %xor3A_379 = arith.constant 2147483647 : i32
        %xor3A_380 = vector.broadcast %xor3A_379 : i32 to vector<16xi32>
        %xor3A_381 = arith.xori %bitcast_convert_type3A_375, %xor3A_380 : vector<16xi32>
        %select_n3A_382 = arith.select %ge3A_378, %bitcast_convert_type3A_375, %xor3A_381 : vector<16xi1>, vector<16xi32>
        %ge3A_383 = vector.broadcast %xor3A_297 : i32 to vector<16xi32>
        %ge3A_384 = arith.cmpi sge, %select_n3A_382, %ge3A_383 : vector<16xi32>
        %select_n3A_385 = arith.select %ge3A_384, %broadcast_in_dim3A_301, %broadcast_in_dim3A_303 : vector<16xi1>, vector<16xi32>
        %add3A_386 = arith.addi %add3A_372, %select_n3A_385 : vector<16xi32>
        %get3A_387 = arith.constant 96 : index
        %get3A_388 = tpu.vector_load %arg7[%get3A_387] {strides = array<i32>} : memref<544xf32, #tpu.memory_space<vmem>>, vector<16xf32>,
        %bitcast_convert_type3A_389 = tpu.bitcast %get3A_388 : vector<16xf32> -> vector<16xi32>
        %ge3A_390 = arith.constant 0 : i32
        %ge3A_391 = vector.broadcast %ge3A_390 : i32 to vector<16xi32>
        %ge3A_392 = arith.cmpi sge, %bitcast_convert_type3A_389, %ge3A_391 : vector<16xi32>
        %xor3A_393 = arith.constant 2147483647 : i32
        %xor3A_394 = vector.broadcast %xor3A_393 : i32 to vector<16xi32>
        %xor3A_395 = arith.xori %bitcast_convert_type3A_389, %xor3A_394 : vector<16xi32>
        %select_n3A_396 = arith.select %ge3A_392, %bitcast_convert_type3A_389, %xor3A_395 : vector<16xi1>, vector<16xi32>
        %ge3A_397 = vector.broadcast %xor3A_297 : i32 to vector<16xi32>
        %ge3A_398 = arith.cmpi sge, %select_n3A_396, %ge3A_397 : vector<16xi32>
        %select_n3A_399 = arith.select %ge3A_398, %broadcast_in_dim3A_301, %broadcast_in_dim3A_303 : vector<16xi1>, vector<16xi32>
        %add3A_400 = arith.addi %add3A_386, %select_n3A_399 : vector<16xi32>
        %get3A_401 = arith.constant 112 : index
        %get3A_402 = tpu.vector_load %arg7[%get3A_401] {strides = array<i32>} : memref<544xf32, #tpu.memory_space<vmem>>, vector<16xf32>,
        %bitcast_convert_type3A_403 = tpu.bitcast %get3A_402 : vector<16xf32> -> vector<16xi32>
        %ge3A_404 = arith.constant 0 : i32
        %ge3A_405 = vector.broadcast %ge3A_404 : i32 to vector<16xi32>
        %ge3A_406 = arith.cmpi sge, %bitcast_convert_type3A_403, %ge3A_405 : vector<16xi32>
        %xor3A_407 = arith.constant 2147483647 : i32
        %xor3A_408 = vector.broadcast %xor3A_407 : i32 to vector<16xi32>
        %xor3A_409 = arith.xori %bitcast_convert_type3A_403, %xor3A_408 : vector<16xi32>
        %select_n3A_410 = arith.select %ge3A_406, %bitcast_convert_type3A_403, %xor3A_409 : vector<16xi1>, vector<16xi32>
        %ge3A_411 = vector.broadcast %xor3A_297 : i32 to vector<16xi32>
        %ge3A_412 = arith.cmpi sge, %select_n3A_410, %ge3A_411 : vector<16xi32>
        %select_n3A_413 = arith.select %ge3A_412, %broadcast_in_dim3A_301, %broadcast_in_dim3A_303 : vector<16xi1>, vector<16xi32>
        %add3A_414 = arith.addi %add3A_400, %select_n3A_413 : vector<16xi32>
        %get3A_415 = arith.constant 128 : index
        %get3A_416 = tpu.vector_load %arg7[%get3A_415] {strides = array<i32>} : memref<544xf32, #tpu.memory_space<vmem>>, vector<16xf32>,
        %bitcast_convert_type3A_417 = tpu.bitcast %get3A_416 : vector<16xf32> -> vector<16xi32>
        %ge3A_418 = arith.constant 0 : i32
        %ge3A_419 = vector.broadcast %ge3A_418 : i32 to vector<16xi32>
        %ge3A_420 = arith.cmpi sge, %bitcast_convert_type3A_417, %ge3A_419 : vector<16xi32>
        %xor3A_421 = arith.constant 2147483647 : i32
        %xor3A_422 = vector.broadcast %xor3A_421 : i32 to vector<16xi32>
        %xor3A_423 = arith.xori %bitcast_convert_type3A_417, %xor3A_422 : vector<16xi32>
        %select_n3A_424 = arith.select %ge3A_420, %bitcast_convert_type3A_417, %xor3A_423 : vector<16xi1>, vector<16xi32>
        %ge3A_425 = vector.broadcast %xor3A_297 : i32 to vector<16xi32>
        %ge3A_426 = arith.cmpi sge, %select_n3A_424, %ge3A_425 : vector<16xi32>
        %select_n3A_427 = arith.select %ge3A_426, %broadcast_in_dim3A_301, %broadcast_in_dim3A_303 : vector<16xi1>, vector<16xi32>
        %add3A_428 = arith.addi %add3A_414, %select_n3A_427 : vector<16xi32>
        %get3A_429 = arith.constant 144 : index
        %get3A_430 = tpu.vector_load %arg7[%get3A_429] {strides = array<i32>} : memref<544xf32, #tpu.memory_space<vmem>>, vector<16xf32>,
        %bitcast_convert_type3A_431 = tpu.bitcast %get3A_430 : vector<16xf32> -> vector<16xi32>
        %ge3A_432 = arith.constant 0 : i32
        %ge3A_433 = vector.broadcast %ge3A_432 : i32 to vector<16xi32>
        %ge3A_434 = arith.cmpi sge, %bitcast_convert_type3A_431, %ge3A_433 : vector<16xi32>
        %xor3A_435 = arith.constant 2147483647 : i32
        %xor3A_436 = vector.broadcast %xor3A_435 : i32 to vector<16xi32>
        %xor3A_437 = arith.xori %bitcast_convert_type3A_431, %xor3A_436 : vector<16xi32>
        %select_n3A_438 = arith.select %ge3A_434, %bitcast_convert_type3A_431, %xor3A_437 : vector<16xi1>, vector<16xi32>
        %ge3A_439 = vector.broadcast %xor3A_297 : i32 to vector<16xi32>
        %ge3A_440 = arith.cmpi sge, %select_n3A_438, %ge3A_439 : vector<16xi32>
        %select_n3A_441 = arith.select %ge3A_440, %broadcast_in_dim3A_301, %broadcast_in_dim3A_303 : vector<16xi1>, vector<16xi32>
        %add3A_442 = arith.addi %add3A_428, %select_n3A_441 : vector<16xi32>
        %get3A_443 = arith.constant 160 : index
        %get3A_444 = tpu.vector_load %arg7[%get3A_443] {strides = array<i32>} : memref<544xf32, #tpu.memory_space<vmem>>, vector<16xf32>,
        %bitcast_convert_type3A_445 = tpu.bitcast %get3A_444 : vector<16xf32> -> vector<16xi32>
        %ge3A_446 = arith.constant 0 : i32
        %ge3A_447 = vector.broadcast %ge3A_446 : i32 to vector<16xi32>
        %ge3A_448 = arith.cmpi sge, %bitcast_convert_type3A_445, %ge3A_447 : vector<16xi32>
        %xor3A_449 = arith.constant 2147483647 : i32
        %xor3A_450 = vector.broadcast %xor3A_449 : i32 to vector<16xi32>
        %xor3A_451 = arith.xori %bitcast_convert_type3A_445, %xor3A_450 : vector<16xi32>
        %select_n3A_452 = arith.select %ge3A_448, %bitcast_convert_type3A_445, %xor3A_451 : vector<16xi1>, vector<16xi32>
        %ge3A_453 = vector.broadcast %xor3A_297 : i32 to vector<16xi32>
        %ge3A_454 = arith.cmpi sge, %select_n3A_452, %ge3A_453 : vector<16xi32>
        %select_n3A_455 = arith.select %ge3A_454, %broadcast_in_dim3A_301, %broadcast_in_dim3A_303 : vector<16xi1>, vector<16xi32>
        %add3A_456 = arith.addi %add3A_442, %select_n3A_455 : vector<16xi32>
        %get3A_457 = arith.constant 176 : index
        %get3A_458 = tpu.vector_load %arg7[%get3A_457] {strides = array<i32>} : memref<544xf32, #tpu.memory_space<vmem>>, vector<16xf32>,
        %bitcast_convert_type3A_459 = tpu.bitcast %get3A_458 : vector<16xf32> -> vector<16xi32>
        %ge3A_460 = arith.constant 0 : i32
        %ge3A_461 = vector.broadcast %ge3A_460 : i32 to vector<16xi32>
        %ge3A_462 = arith.cmpi sge, %bitcast_convert_type3A_459, %ge3A_461 : vector<16xi32>
        %xor3A_463 = arith.constant 2147483647 : i32
        %xor3A_464 = vector.broadcast %xor3A_463 : i32 to vector<16xi32>
        %xor3A_465 = arith.xori %bitcast_convert_type3A_459, %xor3A_464 : vector<16xi32>
        %select_n3A_466 = arith.select %ge3A_462, %bitcast_convert_type3A_459, %xor3A_465 : vector<16xi1>, vector<16xi32>
        %ge3A_467 = vector.broadcast %xor3A_297 : i32 to vector<16xi32>
        %ge3A_468 = arith.cmpi sge, %select_n3A_466, %ge3A_467 : vector<16xi32>
        %select_n3A_469 = arith.select %ge3A_468, %broadcast_in_dim3A_301, %broadcast_in_dim3A_303 : vector<16xi1>, vector<16xi32>
        %add3A_470 = arith.addi %add3A_456, %select_n3A_469 : vector<16xi32>
        %get3A_471 = arith.constant 192 : index
        %get3A_472 = tpu.vector_load %arg7[%get3A_471] {strides = array<i32>} : memref<544xf32, #tpu.memory_space<vmem>>, vector<16xf32>,
        %bitcast_convert_type3A_473 = tpu.bitcast %get3A_472 : vector<16xf32> -> vector<16xi32>
        %ge3A_474 = arith.constant 0 : i32
        %ge3A_475 = vector.broadcast %ge3A_474 : i32 to vector<16xi32>
        %ge3A_476 = arith.cmpi sge, %bitcast_convert_type3A_473, %ge3A_475 : vector<16xi32>
        %xor3A_477 = arith.constant 2147483647 : i32
        %xor3A_478 = vector.broadcast %xor3A_477 : i32 to vector<16xi32>
        %xor3A_479 = arith.xori %bitcast_convert_type3A_473, %xor3A_478 : vector<16xi32>
        %select_n3A_480 = arith.select %ge3A_476, %bitcast_convert_type3A_473, %xor3A_479 : vector<16xi1>, vector<16xi32>
        %ge3A_481 = vector.broadcast %xor3A_297 : i32 to vector<16xi32>
        %ge3A_482 = arith.cmpi sge, %select_n3A_480, %ge3A_481 : vector<16xi32>
        %select_n3A_483 = arith.select %ge3A_482, %broadcast_in_dim3A_301, %broadcast_in_dim3A_303 : vector<16xi1>, vector<16xi32>
        %add3A_484 = arith.addi %add3A_470, %select_n3A_483 : vector<16xi32>
        %get3A_485 = arith.constant 208 : index
        %get3A_486 = tpu.vector_load %arg7[%get3A_485] {strides = array<i32>} : memref<544xf32, #tpu.memory_space<vmem>>, vector<16xf32>,
        %bitcast_convert_type3A_487 = tpu.bitcast %get3A_486 : vector<16xf32> -> vector<16xi32>
        %ge3A_488 = arith.constant 0 : i32
        %ge3A_489 = vector.broadcast %ge3A_488 : i32 to vector<16xi32>
        %ge3A_490 = arith.cmpi sge, %bitcast_convert_type3A_487, %ge3A_489 : vector<16xi32>
        %xor3A_491 = arith.constant 2147483647 : i32
        %xor3A_492 = vector.broadcast %xor3A_491 : i32 to vector<16xi32>
        %xor3A_493 = arith.xori %bitcast_convert_type3A_487, %xor3A_492 : vector<16xi32>
        %select_n3A_494 = arith.select %ge3A_490, %bitcast_convert_type3A_487, %xor3A_493 : vector<16xi1>, vector<16xi32>
        %ge3A_495 = vector.broadcast %xor3A_297 : i32 to vector<16xi32>
        %ge3A_496 = arith.cmpi sge, %select_n3A_494, %ge3A_495 : vector<16xi32>
        %select_n3A_497 = arith.select %ge3A_496, %broadcast_in_dim3A_301, %broadcast_in_dim3A_303 : vector<16xi1>, vector<16xi32>
        %add3A_498 = arith.addi %add3A_484, %select_n3A_497 : vector<16xi32>
        %get3A_499 = arith.constant 224 : index
        %get3A_500 = tpu.vector_load %arg7[%get3A_499] {strides = array<i32>} : memref<544xf32, #tpu.memory_space<vmem>>, vector<16xf32>,
        %bitcast_convert_type3A_501 = tpu.bitcast %get3A_500 : vector<16xf32> -> vector<16xi32>
        %ge3A_502 = arith.constant 0 : i32
        %ge3A_503 = vector.broadcast %ge3A_502 : i32 to vector<16xi32>
        %ge3A_504 = arith.cmpi sge, %bitcast_convert_type3A_501, %ge3A_503 : vector<16xi32>
        %xor3A_505 = arith.constant 2147483647 : i32
        %xor3A_506 = vector.broadcast %xor3A_505 : i32 to vector<16xi32>
        %xor3A_507 = arith.xori %bitcast_convert_type3A_501, %xor3A_506 : vector<16xi32>
        %select_n3A_508 = arith.select %ge3A_504, %bitcast_convert_type3A_501, %xor3A_507 : vector<16xi1>, vector<16xi32>
        %ge3A_509 = vector.broadcast %xor3A_297 : i32 to vector<16xi32>
        %ge3A_510 = arith.cmpi sge, %select_n3A_508, %ge3A_509 : vector<16xi32>
        %select_n3A_511 = arith.select %ge3A_510, %broadcast_in_dim3A_301, %broadcast_in_dim3A_303 : vector<16xi1>, vector<16xi32>
        %add3A_512 = arith.addi %add3A_498, %select_n3A_511 : vector<16xi32>
        %get3A_513 = arith.constant 240 : index
        %get3A_514 = tpu.vector_load %arg7[%get3A_513] {strides = array<i32>} : memref<544xf32, #tpu.memory_space<vmem>>, vector<16xf32>,
        %bitcast_convert_type3A_515 = tpu.bitcast %get3A_514 : vector<16xf32> -> vector<16xi32>
        %ge3A_516 = arith.constant 0 : i32
        %ge3A_517 = vector.broadcast %ge3A_516 : i32 to vector<16xi32>
        %ge3A_518 = arith.cmpi sge, %bitcast_convert_type3A_515, %ge3A_517 : vector<16xi32>
        %xor3A_519 = arith.constant 2147483647 : i32
        %xor3A_520 = vector.broadcast %xor3A_519 : i32 to vector<16xi32>
        %xor3A_521 = arith.xori %bitcast_convert_type3A_515, %xor3A_520 : vector<16xi32>
        %select_n3A_522 = arith.select %ge3A_518, %bitcast_convert_type3A_515, %xor3A_521 : vector<16xi1>, vector<16xi32>
        %ge3A_523 = vector.broadcast %xor3A_297 : i32 to vector<16xi32>
        %ge3A_524 = arith.cmpi sge, %select_n3A_522, %ge3A_523 : vector<16xi32>
        %select_n3A_525 = arith.select %ge3A_524, %broadcast_in_dim3A_301, %broadcast_in_dim3A_303 : vector<16xi1>, vector<16xi32>
        %add3A_526 = arith.addi %add3A_512, %select_n3A_525 : vector<16xi32>
        %get3A_527 = arith.constant 256 : index
        %get3A_528 = tpu.vector_load %arg7[%get3A_527] {strides = array<i32>} : memref<544xf32, #tpu.memory_space<vmem>>, vector<16xf32>,
        %bitcast_convert_type3A_529 = tpu.bitcast %get3A_528 : vector<16xf32> -> vector<16xi32>
        %ge3A_530 = arith.constant 0 : i32
        %ge3A_531 = vector.broadcast %ge3A_530 : i32 to vector<16xi32>
        %ge3A_532 = arith.cmpi sge, %bitcast_convert_type3A_529, %ge3A_531 : vector<16xi32>
        %xor3A_533 = arith.constant 2147483647 : i32
        %xor3A_534 = vector.broadcast %xor3A_533 : i32 to vector<16xi32>
        %xor3A_535 = arith.xori %bitcast_convert_type3A_529, %xor3A_534 : vector<16xi32>
        %select_n3A_536 = arith.select %ge3A_532, %bitcast_convert_type3A_529, %xor3A_535 : vector<16xi1>, vector<16xi32>
        %ge3A_537 = vector.broadcast %xor3A_297 : i32 to vector<16xi32>
        %ge3A_538 = arith.cmpi sge, %select_n3A_536, %ge3A_537 : vector<16xi32>
        %select_n3A_539 = arith.select %ge3A_538, %broadcast_in_dim3A_301, %broadcast_in_dim3A_303 : vector<16xi1>, vector<16xi32>
        %add3A_540 = arith.addi %add3A_526, %select_n3A_539 : vector<16xi32>
        %get3A_541 = arith.constant 272 : index
        %get3A_542 = tpu.vector_load %arg7[%get3A_541] {strides = array<i32>} : memref<544xf32, #tpu.memory_space<vmem>>, vector<16xf32>,
        %bitcast_convert_type3A_543 = tpu.bitcast %get3A_542 : vector<16xf32> -> vector<16xi32>
        %ge3A_544 = arith.constant 0 : i32
        %ge3A_545 = vector.broadcast %ge3A_544 : i32 to vector<16xi32>
        %ge3A_546 = arith.cmpi sge, %bitcast_convert_type3A_543, %ge3A_545 : vector<16xi32>
        %xor3A_547 = arith.constant 2147483647 : i32
        %xor3A_548 = vector.broadcast %xor3A_547 : i32 to vector<16xi32>
        %xor3A_549 = arith.xori %bitcast_convert_type3A_543, %xor3A_548 : vector<16xi32>
        %select_n3A_550 = arith.select %ge3A_546, %bitcast_convert_type3A_543, %xor3A_549 : vector<16xi1>, vector<16xi32>
        %ge3A_551 = vector.broadcast %xor3A_297 : i32 to vector<16xi32>
        %ge3A_552 = arith.cmpi sge, %select_n3A_550, %ge3A_551 : vector<16xi32>
        %select_n3A_553 = arith.select %ge3A_552, %broadcast_in_dim3A_301, %broadcast_in_dim3A_303 : vector<16xi1>, vector<16xi32>
        %add3A_554 = arith.addi %add3A_540, %select_n3A_553 : vector<16xi32>
        %get3A_555 = arith.constant 288 : index
        %get3A_556 = tpu.vector_load %arg7[%get3A_555] {strides = array<i32>} : memref<544xf32, #tpu.memory_space<vmem>>, vector<16xf32>,
        %bitcast_convert_type3A_557 = tpu.bitcast %get3A_556 : vector<16xf32> -> vector<16xi32>
        %ge3A_558 = arith.constant 0 : i32
        %ge3A_559 = vector.broadcast %ge3A_558 : i32 to vector<16xi32>
        %ge3A_560 = arith.cmpi sge, %bitcast_convert_type3A_557, %ge3A_559 : vector<16xi32>
        %xor3A_561 = arith.constant 2147483647 : i32
        %xor3A_562 = vector.broadcast %xor3A_561 : i32 to vector<16xi32>
        %xor3A_563 = arith.xori %bitcast_convert_type3A_557, %xor3A_562 : vector<16xi32>
        %select_n3A_564 = arith.select %ge3A_560, %bitcast_convert_type3A_557, %xor3A_563 : vector<16xi1>, vector<16xi32>
        %ge3A_565 = vector.broadcast %xor3A_297 : i32 to vector<16xi32>
        %ge3A_566 = arith.cmpi sge, %select_n3A_564, %ge3A_565 : vector<16xi32>
        %select_n3A_567 = arith.select %ge3A_566, %broadcast_in_dim3A_301, %broadcast_in_dim3A_303 : vector<16xi1>, vector<16xi32>
        %add3A_568 = arith.addi %add3A_554, %select_n3A_567 : vector<16xi32>
        %get3A_569 = arith.constant 304 : index
        %get3A_570 = tpu.vector_load %arg7[%get3A_569] {strides = array<i32>} : memref<544xf32, #tpu.memory_space<vmem>>, vector<16xf32>,
        %bitcast_convert_type3A_571 = tpu.bitcast %get3A_570 : vector<16xf32> -> vector<16xi32>
        %ge3A_572 = arith.constant 0 : i32
        %ge3A_573 = vector.broadcast %ge3A_572 : i32 to vector<16xi32>
        %ge3A_574 = arith.cmpi sge, %bitcast_convert_type3A_571, %ge3A_573 : vector<16xi32>
        %xor3A_575 = arith.constant 2147483647 : i32
        %xor3A_576 = vector.broadcast %xor3A_575 : i32 to vector<16xi32>
        %xor3A_577 = arith.xori %bitcast_convert_type3A_571, %xor3A_576 : vector<16xi32>
        %select_n3A_578 = arith.select %ge3A_574, %bitcast_convert_type3A_571, %xor3A_577 : vector<16xi1>, vector<16xi32>
        %ge3A_579 = vector.broadcast %xor3A_297 : i32 to vector<16xi32>
        %ge3A_580 = arith.cmpi sge, %select_n3A_578, %ge3A_579 : vector<16xi32>
        %select_n3A_581 = arith.select %ge3A_580, %broadcast_in_dim3A_301, %broadcast_in_dim3A_303 : vector<16xi1>, vector<16xi32>
        %add3A_582 = arith.addi %add3A_568, %select_n3A_581 : vector<16xi32>
        %get3A_583 = arith.constant 320 : index
        %get3A_584 = tpu.vector_load %arg7[%get3A_583] {strides = array<i32>} : memref<544xf32, #tpu.memory_space<vmem>>, vector<16xf32>,
        %bitcast_convert_type3A_585 = tpu.bitcast %get3A_584 : vector<16xf32> -> vector<16xi32>
        %ge3A_586 = arith.constant 0 : i32
        %ge3A_587 = vector.broadcast %ge3A_586 : i32 to vector<16xi32>
        %ge3A_588 = arith.cmpi sge, %bitcast_convert_type3A_585, %ge3A_587 : vector<16xi32>
        %xor3A_589 = arith.constant 2147483647 : i32
        %xor3A_590 = vector.broadcast %xor3A_589 : i32 to vector<16xi32>
        %xor3A_591 = arith.xori %bitcast_convert_type3A_585, %xor3A_590 : vector<16xi32>
        %select_n3A_592 = arith.select %ge3A_588, %bitcast_convert_type3A_585, %xor3A_591 : vector<16xi1>, vector<16xi32>
        %ge3A_593 = vector.broadcast %xor3A_297 : i32 to vector<16xi32>
        %ge3A_594 = arith.cmpi sge, %select_n3A_592, %ge3A_593 : vector<16xi32>
        %select_n3A_595 = arith.select %ge3A_594, %broadcast_in_dim3A_301, %broadcast_in_dim3A_303 : vector<16xi1>, vector<16xi32>
        %add3A_596 = arith.addi %add3A_582, %select_n3A_595 : vector<16xi32>
        %get3A_597 = arith.constant 336 : index
        %get3A_598 = tpu.vector_load %arg7[%get3A_597] {strides = array<i32>} : memref<544xf32, #tpu.memory_space<vmem>>, vector<16xf32>,
        %bitcast_convert_type3A_599 = tpu.bitcast %get3A_598 : vector<16xf32> -> vector<16xi32>
        %ge3A_600 = arith.constant 0 : i32
        %ge3A_601 = vector.broadcast %ge3A_600 : i32 to vector<16xi32>
        %ge3A_602 = arith.cmpi sge, %bitcast_convert_type3A_599, %ge3A_601 : vector<16xi32>
        %xor3A_603 = arith.constant 2147483647 : i32
        %xor3A_604 = vector.broadcast %xor3A_603 : i32 to vector<16xi32>
        %xor3A_605 = arith.xori %bitcast_convert_type3A_599, %xor3A_604 : vector<16xi32>
        %select_n3A_606 = arith.select %ge3A_602, %bitcast_convert_type3A_599, %xor3A_605 : vector<16xi1>, vector<16xi32>
        %ge3A_607 = vector.broadcast %xor3A_297 : i32 to vector<16xi32>
        %ge3A_608 = arith.cmpi sge, %select_n3A_606, %ge3A_607 : vector<16xi32>
        %select_n3A_609 = arith.select %ge3A_608, %broadcast_in_dim3A_301, %broadcast_in_dim3A_303 : vector<16xi1>, vector<16xi32>
        %add3A_610 = arith.addi %add3A_596, %select_n3A_609 : vector<16xi32>
        %get3A_611 = arith.constant 352 : index
        %get3A_612 = tpu.vector_load %arg7[%get3A_611] {strides = array<i32>} : memref<544xf32, #tpu.memory_space<vmem>>, vector<16xf32>,
        %bitcast_convert_type3A_613 = tpu.bitcast %get3A_612 : vector<16xf32> -> vector<16xi32>
        %ge3A_614 = arith.constant 0 : i32
        %ge3A_615 = vector.broadcast %ge3A_614 : i32 to vector<16xi32>
        %ge3A_616 = arith.cmpi sge, %bitcast_convert_type3A_613, %ge3A_615 : vector<16xi32>
        %xor3A_617 = arith.constant 2147483647 : i32
        %xor3A_618 = vector.broadcast %xor3A_617 : i32 to vector<16xi32>
        %xor3A_619 = arith.xori %bitcast_convert_type3A_613, %xor3A_618 : vector<16xi32>
        %select_n3A_620 = arith.select %ge3A_616, %bitcast_convert_type3A_613, %xor3A_619 : vector<16xi1>, vector<16xi32>
        %ge3A_621 = vector.broadcast %xor3A_297 : i32 to vector<16xi32>
        %ge3A_622 = arith.cmpi sge, %select_n3A_620, %ge3A_621 : vector<16xi32>
        %select_n3A_623 = arith.select %ge3A_622, %broadcast_in_dim3A_301, %broadcast_in_dim3A_303 : vector<16xi1>, vector<16xi32>
        %add3A_624 = arith.addi %add3A_610, %select_n3A_623 : vector<16xi32>
        %get3A_625 = arith.constant 368 : index
        %get3A_626 = tpu.vector_load %arg7[%get3A_625] {strides = array<i32>} : memref<544xf32, #tpu.memory_space<vmem>>, vector<16xf32>,
        %bitcast_convert_type3A_627 = tpu.bitcast %get3A_626 : vector<16xf32> -> vector<16xi32>
        %ge3A_628 = arith.constant 0 : i32
        %ge3A_629 = vector.broadcast %ge3A_628 : i32 to vector<16xi32>
        %ge3A_630 = arith.cmpi sge, %bitcast_convert_type3A_627, %ge3A_629 : vector<16xi32>
        %xor3A_631 = arith.constant 2147483647 : i32
        %xor3A_632 = vector.broadcast %xor3A_631 : i32 to vector<16xi32>
        %xor3A_633 = arith.xori %bitcast_convert_type3A_627, %xor3A_632 : vector<16xi32>
        %select_n3A_634 = arith.select %ge3A_630, %bitcast_convert_type3A_627, %xor3A_633 : vector<16xi1>, vector<16xi32>
        %ge3A_635 = vector.broadcast %xor3A_297 : i32 to vector<16xi32>
        %ge3A_636 = arith.cmpi sge, %select_n3A_634, %ge3A_635 : vector<16xi32>
        %select_n3A_637 = arith.select %ge3A_636, %broadcast_in_dim3A_301, %broadcast_in_dim3A_303 : vector<16xi1>, vector<16xi32>
        %add3A_638 = arith.addi %add3A_624, %select_n3A_637 : vector<16xi32>
        %get3A_639 = arith.constant 384 : index
        %get3A_640 = tpu.vector_load %arg7[%get3A_639] {strides = array<i32>} : memref<544xf32, #tpu.memory_space<vmem>>, vector<16xf32>,
        %bitcast_convert_type3A_641 = tpu.bitcast %get3A_640 : vector<16xf32> -> vector<16xi32>
        %ge3A_642 = arith.constant 0 : i32
        %ge3A_643 = vector.broadcast %ge3A_642 : i32 to vector<16xi32>
        %ge3A_644 = arith.cmpi sge, %bitcast_convert_type3A_641, %ge3A_643 : vector<16xi32>
        %xor3A_645 = arith.constant 2147483647 : i32
        %xor3A_646 = vector.broadcast %xor3A_645 : i32 to vector<16xi32>
        %xor3A_647 = arith.xori %bitcast_convert_type3A_641, %xor3A_646 : vector<16xi32>
        %select_n3A_648 = arith.select %ge3A_644, %bitcast_convert_type3A_641, %xor3A_647 : vector<16xi1>, vector<16xi32>
        %ge3A_649 = vector.broadcast %xor3A_297 : i32 to vector<16xi32>
        %ge3A_650 = arith.cmpi sge, %select_n3A_648, %ge3A_649 : vector<16xi32>
        %select_n3A_651 = arith.select %ge3A_650, %broadcast_in_dim3A_301, %broadcast_in_dim3A_303 : vector<16xi1>, vector<16xi32>
        %add3A_652 = arith.addi %add3A_638, %select_n3A_651 : vector<16xi32>
        %get3A_653 = arith.constant 400 : index
        %get3A_654 = tpu.vector_load %arg7[%get3A_653] {strides = array<i32>} : memref<544xf32, #tpu.memory_space<vmem>>, vector<16xf32>,
        %bitcast_convert_type3A_655 = tpu.bitcast %get3A_654 : vector<16xf32> -> vector<16xi32>
        %ge3A_656 = arith.constant 0 : i32
        %ge3A_657 = vector.broadcast %ge3A_656 : i32 to vector<16xi32>
        %ge3A_658 = arith.cmpi sge, %bitcast_convert_type3A_655, %ge3A_657 : vector<16xi32>
        %xor3A_659 = arith.constant 2147483647 : i32
        %xor3A_660 = vector.broadcast %xor3A_659 : i32 to vector<16xi32>
        %xor3A_661 = arith.xori %bitcast_convert_type3A_655, %xor3A_660 : vector<16xi32>
        %select_n3A_662 = arith.select %ge3A_658, %bitcast_convert_type3A_655, %xor3A_661 : vector<16xi1>, vector<16xi32>
        %ge3A_663 = vector.broadcast %xor3A_297 : i32 to vector<16xi32>
        %ge3A_664 = arith.cmpi sge, %select_n3A_662, %ge3A_663 : vector<16xi32>
        %select_n3A_665 = arith.select %ge3A_664, %broadcast_in_dim3A_301, %broadcast_in_dim3A_303 : vector<16xi1>, vector<16xi32>
        %add3A_666 = arith.addi %add3A_652, %select_n3A_665 : vector<16xi32>
        %get3A_667 = arith.constant 416 : index
        %get3A_668 = tpu.vector_load %arg7[%get3A_667] {strides = array<i32>} : memref<544xf32, #tpu.memory_space<vmem>>, vector<16xf32>,
        %bitcast_convert_type3A_669 = tpu.bitcast %get3A_668 : vector<16xf32> -> vector<16xi32>
        %ge3A_670 = arith.constant 0 : i32
        %ge3A_671 = vector.broadcast %ge3A_670 : i32 to vector<16xi32>
        %ge3A_672 = arith.cmpi sge, %bitcast_convert_type3A_669, %ge3A_671 : vector<16xi32>
        %xor3A_673 = arith.constant 2147483647 : i32
        %xor3A_674 = vector.broadcast %xor3A_673 : i32 to vector<16xi32>
        %xor3A_675 = arith.xori %bitcast_convert_type3A_669, %xor3A_674 : vector<16xi32>
        %select_n3A_676 = arith.select %ge3A_672, %bitcast_convert_type3A_669, %xor3A_675 : vector<16xi1>, vector<16xi32>
        %ge3A_677 = vector.broadcast %xor3A_297 : i32 to vector<16xi32>
        %ge3A_678 = arith.cmpi sge, %select_n3A_676, %ge3A_677 : vector<16xi32>
        %select_n3A_679 = arith.select %ge3A_678, %broadcast_in_dim3A_301, %broadcast_in_dim3A_303 : vector<16xi1>, vector<16xi32>
        %add3A_680 = arith.addi %add3A_666, %select_n3A_679 : vector<16xi32>
        %get3A_681 = arith.constant 432 : index
        %get3A_682 = tpu.vector_load %arg7[%get3A_681] {strides = array<i32>} : memref<544xf32, #tpu.memory_space<vmem>>, vector<16xf32>,
        %bitcast_convert_type3A_683 = tpu.bitcast %get3A_682 : vector<16xf32> -> vector<16xi32>
        %ge3A_684 = arith.constant 0 : i32
        %ge3A_685 = vector.broadcast %ge3A_684 : i32 to vector<16xi32>
        %ge3A_686 = arith.cmpi sge, %bitcast_convert_type3A_683, %ge3A_685 : vector<16xi32>
        %xor3A_687 = arith.constant 2147483647 : i32
        %xor3A_688 = vector.broadcast %xor3A_687 : i32 to vector<16xi32>
        %xor3A_689 = arith.xori %bitcast_convert_type3A_683, %xor3A_688 : vector<16xi32>
        %select_n3A_690 = arith.select %ge3A_686, %bitcast_convert_type3A_683, %xor3A_689 : vector<16xi1>, vector<16xi32>
        %ge3A_691 = vector.broadcast %xor3A_297 : i32 to vector<16xi32>
        %ge3A_692 = arith.cmpi sge, %select_n3A_690, %ge3A_691 : vector<16xi32>
        %select_n3A_693 = arith.select %ge3A_692, %broadcast_in_dim3A_301, %broadcast_in_dim3A_303 : vector<16xi1>, vector<16xi32>
        %add3A_694 = arith.addi %add3A_680, %select_n3A_693 : vector<16xi32>
        %get3A_695 = arith.constant 448 : index
        %get3A_696 = tpu.vector_load %arg7[%get3A_695] {strides = array<i32>} : memref<544xf32, #tpu.memory_space<vmem>>, vector<16xf32>,
        %bitcast_convert_type3A_697 = tpu.bitcast %get3A_696 : vector<16xf32> -> vector<16xi32>
        %ge3A_698 = arith.constant 0 : i32
        %ge3A_699 = vector.broadcast %ge3A_698 : i32 to vector<16xi32>
        %ge3A_700 = arith.cmpi sge, %bitcast_convert_type3A_697, %ge3A_699 : vector<16xi32>
        %xor3A_701 = arith.constant 2147483647 : i32
        %xor3A_702 = vector.broadcast %xor3A_701 : i32 to vector<16xi32>
        %xor3A_703 = arith.xori %bitcast_convert_type3A_697, %xor3A_702 : vector<16xi32>
        %select_n3A_704 = arith.select %ge3A_700, %bitcast_convert_type3A_697, %xor3A_703 : vector<16xi1>, vector<16xi32>
        %ge3A_705 = vector.broadcast %xor3A_297 : i32 to vector<16xi32>
        %ge3A_706 = arith.cmpi sge, %select_n3A_704, %ge3A_705 : vector<16xi32>
        %select_n3A_707 = arith.select %ge3A_706, %broadcast_in_dim3A_301, %broadcast_in_dim3A_303 : vector<16xi1>, vector<16xi32>
        %add3A_708 = arith.addi %add3A_694, %select_n3A_707 : vector<16xi32>
        %get3A_709 = arith.constant 464 : index
        %get3A_710 = tpu.vector_load %arg7[%get3A_709] {strides = array<i32>} : memref<544xf32, #tpu.memory_space<vmem>>, vector<16xf32>,
        %bitcast_convert_type3A_711 = tpu.bitcast %get3A_710 : vector<16xf32> -> vector<16xi32>
        %ge3A_712 = arith.constant 0 : i32
        %ge3A_713 = vector.broadcast %ge3A_712 : i32 to vector<16xi32>
        %ge3A_714 = arith.cmpi sge, %bitcast_convert_type3A_711, %ge3A_713 : vector<16xi32>
        %xor3A_715 = arith.constant 2147483647 : i32
        %xor3A_716 = vector.broadcast %xor3A_715 : i32 to vector<16xi32>
        %xor3A_717 = arith.xori %bitcast_convert_type3A_711, %xor3A_716 : vector<16xi32>
        %select_n3A_718 = arith.select %ge3A_714, %bitcast_convert_type3A_711, %xor3A_717 : vector<16xi1>, vector<16xi32>
        %ge3A_719 = vector.broadcast %xor3A_297 : i32 to vector<16xi32>
        %ge3A_720 = arith.cmpi sge, %select_n3A_718, %ge3A_719 : vector<16xi32>
        %select_n3A_721 = arith.select %ge3A_720, %broadcast_in_dim3A_301, %broadcast_in_dim3A_303 : vector<16xi1>, vector<16xi32>
        %add3A_722 = arith.addi %add3A_708, %select_n3A_721 : vector<16xi32>
        %get3A_723 = arith.constant 480 : index
        %get3A_724 = tpu.vector_load %arg7[%get3A_723] {strides = array<i32>} : memref<544xf32, #tpu.memory_space<vmem>>, vector<16xf32>,
        %bitcast_convert_type3A_725 = tpu.bitcast %get3A_724 : vector<16xf32> -> vector<16xi32>
        %ge3A_726 = arith.constant 0 : i32
        %ge3A_727 = vector.broadcast %ge3A_726 : i32 to vector<16xi32>
        %ge3A_728 = arith.cmpi sge, %bitcast_convert_type3A_725, %ge3A_727 : vector<16xi32>
        %xor3A_729 = arith.constant 2147483647 : i32
        %xor3A_730 = vector.broadcast %xor3A_729 : i32 to vector<16xi32>
        %xor3A_731 = arith.xori %bitcast_convert_type3A_725, %xor3A_730 : vector<16xi32>
        %select_n3A_732 = arith.select %ge3A_728, %bitcast_convert_type3A_725, %xor3A_731 : vector<16xi1>, vector<16xi32>
        %ge3A_733 = vector.broadcast %xor3A_297 : i32 to vector<16xi32>
        %ge3A_734 = arith.cmpi sge, %select_n3A_732, %ge3A_733 : vector<16xi32>
        %select_n3A_735 = arith.select %ge3A_734, %broadcast_in_dim3A_301, %broadcast_in_dim3A_303 : vector<16xi1>, vector<16xi32>
        %add3A_736 = arith.addi %add3A_722, %select_n3A_735 : vector<16xi32>
        %get3A_737 = arith.constant 496 : index
        %get3A_738 = tpu.vector_load %arg7[%get3A_737] {strides = array<i32>} : memref<544xf32, #tpu.memory_space<vmem>>, vector<16xf32>,
        %bitcast_convert_type3A_739 = tpu.bitcast %get3A_738 : vector<16xf32> -> vector<16xi32>
        %ge3A_740 = arith.constant 0 : i32
        %ge3A_741 = vector.broadcast %ge3A_740 : i32 to vector<16xi32>
        %ge3A_742 = arith.cmpi sge, %bitcast_convert_type3A_739, %ge3A_741 : vector<16xi32>
        %xor3A_743 = arith.constant 2147483647 : i32
        %xor3A_744 = vector.broadcast %xor3A_743 : i32 to vector<16xi32>
        %xor3A_745 = arith.xori %bitcast_convert_type3A_739, %xor3A_744 : vector<16xi32>
        %select_n3A_746 = arith.select %ge3A_742, %bitcast_convert_type3A_739, %xor3A_745 : vector<16xi1>, vector<16xi32>
        %ge3A_747 = vector.broadcast %xor3A_297 : i32 to vector<16xi32>
        %ge3A_748 = arith.cmpi sge, %select_n3A_746, %ge3A_747 : vector<16xi32>
        %select_n3A_749 = arith.select %ge3A_748, %broadcast_in_dim3A_301, %broadcast_in_dim3A_303 : vector<16xi1>, vector<16xi32>
        %add3A_750 = arith.addi %add3A_736, %select_n3A_749 : vector<16xi32>
        %reduce_sum3A_751 = arith.constant true
        %reduce_sum3A_752 = vector.broadcast %reduce_sum3A_751 : i1 to vector<16xi1>
        %reduce_sum3A_753 = tpu.scan <sum>, %add3A_750 masked %reduce_sum3A_752 : vector<16xi32>, vector<16xi1> -> vector<16xi32>
        %reduce_sum3A_754 = vector.extract %reduce_sum3A_753[15] : i32 from vector<16xi32>
        %ge3A_755 = arith.constant 65 : i32
        %ge3A_756 = arith.cmpi sge, %reduce_sum3A_754, %ge3A_755 : i32
        %select_n3A_757 = arith.select %ge3A_756, %or3A, %scan3A_292 : i32
        scf.yield %select_n3A_757 : i32
      }
      %scan3A_288 = arith.constant 30 : i32
      %xor3A_289 = arith.constant -2147483648 : i32
      %xor3A_290 = arith.xori %scan3A_287, %xor3A_289 : i32
      scf.yield %xor3A_290 : i32
    } else {
      %scan3A = arith.constant 0 : i32
      %scan3A_283 = arith.constant 0 : i32
      %scan3A_284 = arith.constant 32 : i32
      %scan3A_285 = arith.addi %scan3A_283, %scan3A_284 : i32
      %scan3A_286 = arith.constant 1 : i32
      %scan3A_287 = scf.for %scan3A_291 = %scan3A_283 to %scan3A_285 step %scan3A_286 iter_args(%scan3A_292 = %scan3A) -> (i32)  : i32 {
        %sub3A_293 = arith.constant 31 : i32
        %sub3A_294 = arith.subi %sub3A_293, %scan3A_291 : i32
        %shift_left3A = arith.constant 1 : i32
        %shift_left3A_295 = arith.shli %shift_left3A, %sub3A_294 : i32
        %or3A = arith.ori %scan3A_292, %shift_left3A_295 : i32
        %xor3A_296 = arith.constant -2147483648 : i32
        %xor3A_297 = arith.xori %or3A, %xor3A_296 : i32
        %broadcast_in_dim3A_298 = arith.constant 0 : i32
        %broadcast_in_dim3A_299 = vector.broadcast %broadcast_in_dim3A_298 : i32 to vector<16xi32>
        %scan3A_300 = arith.constant 0 : i32
        %scan3A_301 = arith.constant 2048 : i32
        %scan3A_302 = arith.addi %scan3A_300, %scan3A_301 : i32
        %scan3A_303 = arith.constant 1 : i32
        %scan3A_304 = scf.for %scan3A_313 = %scan3A_300 to %scan3A_302 step %scan3A_303 iter_args(%scan3A_314 = %broadcast_in_dim3A_299) -> (vector<16xi32>)  : i32 {
          %mul3A_315 = arith.constant 16 : i32
          %mul3A_316 = arith.muli %scan3A_313, %mul3A_315 : i32
          %get3A = arith.index_cast %mul3A_316 : i32 to index
          %get3A_317 = tpu.vector_load %arg6[%get3A] {strides = array<i32>} : memref<32768xf32, #tpu.memory_space<vmem>>, vector<16xf32>,
          %bitcast_convert_type3A_318 = tpu.bitcast %get3A_317 : vector<16xf32> -> vector<16xi32>
          %ge3A_319 = arith.constant 0 : i32
          %ge3A_320 = vector.broadcast %ge3A_319 : i32 to vector<16xi32>
          %ge3A_321 = arith.cmpi sge, %bitcast_convert_type3A_318, %ge3A_320 : vector<16xi32>
          %xor3A_322 = arith.constant 2147483647 : i32
          %xor3A_323 = vector.broadcast %xor3A_322 : i32 to vector<16xi32>
          %xor3A_324 = arith.xori %bitcast_convert_type3A_318, %xor3A_323 : vector<16xi32>
          %select_n3A_325 = arith.select %ge3A_321, %bitcast_convert_type3A_318, %xor3A_324 : vector<16xi1>, vector<16xi32>
          %ge3A_326 = vector.broadcast %xor3A_297 : i32 to vector<16xi32>
          %ge3A_327 = arith.cmpi sge, %select_n3A_325, %ge3A_326 : vector<16xi32>
          %broadcast_in_dim3A_328 = arith.constant 1 : i32
          %broadcast_in_dim3A_329 = vector.broadcast %broadcast_in_dim3A_328 : i32 to vector<16xi32>
          %broadcast_in_dim3A_330 = arith.constant 0 : i32
          %broadcast_in_dim3A_331 = vector.broadcast %broadcast_in_dim3A_330 : i32 to vector<16xi32>
          %select_n3A_332 = arith.select %ge3A_327, %broadcast_in_dim3A_329, %broadcast_in_dim3A_331 : vector<16xi1>, vector<16xi32>
          %add3A_333 = arith.addi %scan3A_314, %select_n3A_332 : vector<16xi32>
          scf.yield %add3A_333 : vector<16xi32>
        }
        %scan3A_305 = arith.constant 2048 : i32
        %reduce_sum3A_306 = arith.constant true
        %reduce_sum3A_307 = vector.broadcast %reduce_sum3A_306 : i1 to vector<16xi1>
        %reduce_sum3A_308 = tpu.scan <sum>, %scan3A_304 masked %reduce_sum3A_307 : vector<16xi32>, vector<16xi1> -> vector<16xi32>
        %reduce_sum3A_309 = vector.extract %reduce_sum3A_308[15] : i32 from vector<16xi32>
        %ge3A_310 = arith.constant 65 : i32
        %ge3A_311 = arith.cmpi sge, %reduce_sum3A_309, %ge3A_310 : i32
        %select_n3A_312 = arith.select %ge3A_311, %or3A, %scan3A_292 : i32
        scf.yield %select_n3A_312 : i32
      }
      %scan3A_288 = arith.constant 32 : i32
      %xor3A_289 = arith.constant -2147483648 : i32
      %xor3A_290 = arith.xori %scan3A_287, %xor3A_289 : i32
      scf.yield %xor3A_290 : i32
    }
    %broadcast_in_dim3A_185 = vector.broadcast %cond3A_184 : i32 to vector<16xi32>
    %ge3A_186 = arith.constant 0 : i32
    %ge3A_187 = vector.broadcast %ge3A_186 : i32 to vector<16xi32>
    %ge3A_188 = arith.cmpi sge, %broadcast_in_dim3A_185, %ge3A_187 : vector<16xi32>
    %xor3A_189 = arith.constant 2147483647 : i32
    %xor3A_190 = vector.broadcast %xor3A_189 : i32 to vector<16xi32>
    %xor3A_191 = arith.xori %broadcast_in_dim3A_185, %xor3A_190 : vector<16xi32>
    %select_n3A_192 = arith.select %ge3A_188, %broadcast_in_dim3A_185, %xor3A_191 : vector<16xi1>, vector<16xi32>
    %bitcast_convert_type3A_193 = tpu.bitcast %select_n3A_192 : vector<16xi32> -> vector<16xf32>
    %dma_wait3A_194 = arith.constant 0 : i32
    %dma_wait3A_195 = tpu.memref_slice %arg2[%add3A_151, %dma_wait3A_194] : memref<128x32768xf32, #tpu.memory_space<hbm>> -> memref<1x32768xf32, #tpu.memory_space<hbm>>
    %dma_wait3A_196 = tpu.memref_squeeze %dma_wait3A_195 : memref<1x32768xf32, #tpu.memory_space<hbm>> -> memref<32768xf32, #tpu.memory_space<hbm>>
    %dma_wait3A_197 = arith.constant 0 : i32
    %dma_wait3A_198 = tpu.memref_slice %arg2[%add3A_151, %dma_wait3A_197] : memref<128x32768xf32, #tpu.memory_space<hbm>> -> memref<1x32768xf32, #tpu.memory_space<hbm>>
    %dma_wait3A_199 = tpu.memref_squeeze %dma_wait3A_198 : memref<1x32768xf32, #tpu.memory_space<hbm>> -> memref<32768xf32, #tpu.memory_space<hbm>>
    tpu.wait_dma2 semaphore(%arg8 : memref<!tpu.dma_semaphore, #tpu.memory_space<semaphore_mem>>) src(%dma_wait3A_199 : memref<32768xf32, #tpu.memory_space<hbm>>) dst(%arg4 : memref<32768xf32, #tpu.memory_space<vmem>>)
    %parallel_loop3A_200 = arith.constant 0 : i32
    %parallel_loop3A_201 = arith.constant 32 : i32
    %parallel_loop3A_202 = arith.constant 1 : i32
    scf.for %parallel_loop3A_283 = %parallel_loop3A_200 to %parallel_loop3A_201 step %parallel_loop3A_202  : i32 {
      %parallel_loop3A_284 = arith.constant 0xFF800000 : f32
      %parallel_loop3A_285 = vector.broadcast %parallel_loop3A_284 : f32 to vector<16xf32>
      %parallel_loop3A_286 = arith.constant 16 : i32
      %parallel_loop3A_287 = arith.muli %parallel_loop3A_283, %parallel_loop3A_286 : i32
      %parallel_loop3A_288 = arith.index_cast %parallel_loop3A_287 : i32 to index
      %parallel_loop3A_289 = tpu.vector_load %arg7[%parallel_loop3A_288] {strides = array<i32>} : memref<544xf32, #tpu.memory_space<vmem>>, vector<16xf32>,
      tpu.vector_store %arg7[%parallel_loop3A_288], %parallel_loop3A_285 {strides = array<i32>} : memref<544xf32, #tpu.memory_space<vmem>>, vector<16xf32>,
    } {sc.loop_unroll_factor = 4 : i64, sc.parallel_access}
    %iota3A_203 = tpu.iota {dimensions = array<i32: 0>} : vector<16xi32>
    %parallel_loop3A_204 = arith.constant 0 : i32
    %parallel_loop3A_205 = arith.constant 2048 : i32
    %parallel_loop3A_206 = arith.constant 1 : i32
    %parallel_loop3A_207 = scf.for %parallel_loop3A_283 = %parallel_loop3A_204 to %parallel_loop3A_205 step %parallel_loop3A_206 iter_args(%parallel_loop3A_284 = %iota3A_203) -> (vector<16xi32>)  : i32 {
      %parallel_loop3A_285 = arith.constant 16 : i32
      %parallel_loop3A_286 = arith.muli %parallel_loop3A_283, %parallel_loop3A_285 : i32
      %parallel_loop3A_287 = arith.index_cast %parallel_loop3A_286 : i32 to index
      %parallel_loop3A_288 = tpu.vector_load %arg6[%parallel_loop3A_287] {strides = array<i32>} : memref<32768xf32, #tpu.memory_space<vmem>>, vector<16xf32>,
      %parallel_loop3A_289 = arith.cmpf ogt, %parallel_loop3A_288, %bitcast_convert_type3A_193 : vector<16xf32>
      %parallel_loop3A_290 = arith.constant 0.000000e+00 : f32
      %parallel_loop3A_291 = vector.broadcast %parallel_loop3A_290 : f32 to vector<16xf32>
      %parallel_loop3A_292 = arith.select %parallel_loop3A_289, %parallel_loop3A_288, %parallel_loop3A_291 : vector<16xi1>, vector<16xf32>
      %parallel_loop3A_293 = arith.constant 16 : i32
      %parallel_loop3A_294 = arith.muli %parallel_loop3A_283, %parallel_loop3A_293 : i32
      %parallel_loop3A_295 = arith.index_cast %parallel_loop3A_294 : i32 to index
      %parallel_loop3A_296 = tpu.vector_load %arg6[%parallel_loop3A_295] {strides = array<i32>} : memref<32768xf32, #tpu.memory_space<vmem>>, vector<16xf32>,
      tpu.vector_store %arg6[%parallel_loop3A_295], %parallel_loop3A_292 {strides = array<i32>} : memref<32768xf32, #tpu.memory_space<vmem>>, vector<16xf32>,
      %parallel_loop3A_297 = arith.constant 16 : i32
      %parallel_loop3A_298 = arith.muli %parallel_loop3A_283, %parallel_loop3A_297 : i32
      %parallel_loop3A_299 = arith.index_cast %parallel_loop3A_298 : i32 to index
      %parallel_loop3A_300 = tpu.vector_load %arg4[%parallel_loop3A_299] {strides = array<i32>} : memref<32768xf32, #tpu.memory_space<vmem>>, vector<16xf32>,
      %parallel_loop3A_301 = arith.constant 2.500000e+00 : f32
      %parallel_loop3A_302 = vector.broadcast %parallel_loop3A_301 : f32 to vector<16xf32>
      %parallel_loop3A_303 = arith.cmpf ogt, %parallel_loop3A_300, %parallel_loop3A_302 : vector<16xf32>
      %parallel_loop3A_304 = arith.constant 32 : i32
      %parallel_loop3A_305 = vector.broadcast %parallel_loop3A_304 : i32 to vector<16xi32>
      %parallel_loop3A_306 = arith.constant 4 : i32
      %parallel_loop3A_307 = vector.broadcast %parallel_loop3A_306 : i32 to vector<16xi32>
      %parallel_loop3A_308 = arith.shli %parallel_loop3A_305, %parallel_loop3A_307 : vector<16xi32>
      %parallel_loop3A_309 = tpu.iota {dimensions = array<i32: 0>} : vector<16xi32>
      %parallel_loop3A_310 = arith.addi %parallel_loop3A_308, %parallel_loop3A_309 : vector<16xi32>
      %parallel_loop3A_311 = arith.minsi %parallel_loop3A_284, %parallel_loop3A_310 : vector<16xi32>
      tpu.vector_store_idx %arg7[%parallel_loop3A_311], %parallel_loop3A_300 masked %parallel_loop3A_303 : memref<544xf32, #tpu.memory_space<vmem>>[vector<16xi32>], vector<16xf32>, vector<16xi1>
      %parallel_loop3A_312 = arith.constant 16 : i32
      %parallel_loop3A_313 = vector.broadcast %parallel_loop3A_312 : i32 to vector<16xi32>
      %parallel_loop3A_314 = arith.constant 0 : i32
      %parallel_loop3A_315 = vector.broadcast %parallel_loop3A_314 : i32 to vector<16xi32>
      %parallel_loop3A_316 = arith.select %parallel_loop3A_303, %parallel_loop3A_313, %parallel_loop3A_315 : vector<16xi1>, vector<16xi32>
      %parallel_loop3A_317 = arith.addi %parallel_loop3A_284, %parallel_loop3A_316 : vector<16xi32>
      scf.yield %parallel_loop3A_317 : vector<16xi32>
    } {sc.loop_unroll_factor = 8 : i64, sc.parallel_access}
    %add3A_208 = arith.constant 3 : i32
    %add3A_209 = arith.addi %mul3A_2, %add3A_208 : i32
    %sub3A_210 = arith.constant 1 : i32
    %sub3A_211 = arith.subi %add3A_209, %sub3A_210 : i32
    %dma_start3A_212 = arith.constant 0 : i32
    %dma_start3A_213 = tpu.memref_slice %arg3[%sub3A_211, %dma_start3A_212] : memref<128x32768xf32, #tpu.memory_space<hbm>> -> memref<1x32768xf32, #tpu.memory_space<hbm>>
    %dma_start3A_214 = tpu.memref_squeeze %dma_start3A_213 : memref<1x32768xf32, #tpu.memory_space<hbm>> -> memref<32768xf32, #tpu.memory_space<hbm>>
    %dma_start3A_215 = arith.constant 0 : i32
    %dma_start3A_216 = tpu.memref_slice %arg3[%sub3A_211, %dma_start3A_215] : memref<128x32768xf32, #tpu.memory_space<hbm>> -> memref<1x32768xf32, #tpu.memory_space<hbm>>
    %dma_start3A_217 = tpu.memref_squeeze %dma_start3A_216 : memref<1x32768xf32, #tpu.memory_space<hbm>> -> memref<32768xf32, #tpu.memory_space<hbm>>
    tpu.enqueue_dma source(%arg6 : memref<32768xf32, #tpu.memory_space<vmem>>) target(%dma_start3A_217 : memref<32768xf32, #tpu.memory_space<hbm>>) target_semaphore(%arg13 : memref<!tpu.dma_semaphore, #tpu.memory_space<semaphore_mem>>)
    %iota3A_218 = tpu.iota {dimensions = array<i32: 0>} : vector<16xi32>
    %sub3A_219 = arith.subi %parallel_loop3A_207, %iota3A_218 : vector<16xi32>
    %shift_right_arithmetic3A_220 = arith.constant 4 : i32
    %shift_right_arithmetic3A_221 = vector.broadcast %shift_right_arithmetic3A_220 : i32 to vector<16xi32>
    %shift_right_arithmetic3A_222 = arith.shrsi %sub3A_219, %shift_right_arithmetic3A_221 : vector<16xi32>
    %reduce_sum3A_223 = arith.constant true
    %reduce_sum3A_224 = vector.broadcast %reduce_sum3A_223 : i1 to vector<16xi1>
    %reduce_sum3A_225 = tpu.scan <sum>, %shift_right_arithmetic3A_222 masked %reduce_sum3A_224 : vector<16xi32>, vector<16xi1> -> vector<16xi32>
    %reduce_sum3A_226 = vector.extract %reduce_sum3A_225[15] : i32 from vector<16xi32>
    %reduce_max3A_227 = arith.constant true
    %reduce_max3A_228 = vector.broadcast %reduce_max3A_227 : i1 to vector<16xi1>
    %reduce_max3A_229 = arith.constant -2147483648 : i32
    %reduce_max3A_230 = vector.broadcast %reduce_max3A_229 : i32 to vector<16xi32>
    %reduce_max3A_231 = arith.xori %shift_right_arithmetic3A_222, %reduce_max3A_230 : vector<16xi32>
    %reduce_max3A_232 = tpu.scan <max>, %reduce_max3A_231 masked %reduce_max3A_228 : vector<16xi32>, vector<16xi1> -> vector<16xi32>
    %reduce_max3A_233 = arith.xori %reduce_max3A_232, %reduce_max3A_230 : vector<16xi32>
    %reduce_max3A_234 = vector.extract %reduce_max3A_233[15] : i32 from vector<16xi32>
    %ge3A_235 = arith.constant 65 : i32
    %ge3A_236 = arith.cmpi sge, %reduce_sum3A_226, %ge3A_235 : i32
    %le3A_237 = arith.constant 32 : i32
    %le3A_238 = arith.cmpi sle, %reduce_max3A_234, %le3A_237 : i32
    %and3A_239 = arith.andi %ge3A_236, %le3A_238 : i1
    %convert_element_type3A_240 = arith.extui %and3A_239 : i1 to i32
    %cond3A_241 = arith.constant 0 : i32
    %cond3A_242 = arith.constant 0 : i32
    %cond3A_243 = arith.cmpi ne, %convert_element_type3A_240, %cond3A_242 : i32
    %cond3A_244 = scf.if %cond3A_243 -> (i32) {
      %scan3A = arith.constant -1073741824 : i32
      %scan3A_283 = arith.constant 2 : i32
      %scan3A_284 = arith.constant 30 : i32
      %scan3A_285 = arith.addi %scan3A_283, %scan3A_284 : i32
      %scan3A_286 = arith.constant 1 : i32
      %scan3A_287 = scf.for %scan3A_291 = %scan3A_283 to %scan3A_285 step %scan3A_286 iter_args(%scan3A_292 = %scan3A) -> (i32)  : i32 {
        %sub3A_293 = arith.constant 31 : i32
        %sub3A_294 = arith.subi %sub3A_293, %scan3A_291 : i32
        %shift_left3A = arith.constant 1 : i32
        %shift_left3A_295 = arith.shli %shift_left3A, %sub3A_294 : i32
        %or3A = arith.ori %scan3A_292, %shift_left3A_295 : i32
        %xor3A_296 = arith.constant -2147483648 : i32
        %xor3A_297 = arith.xori %or3A, %xor3A_296 : i32
        %broadcast_in_dim3A_298 = arith.constant 0 : i32
        %broadcast_in_dim3A_299 = vector.broadcast %broadcast_in_dim3A_298 : i32 to vector<16xi32>
        %broadcast_in_dim3A_300 = arith.constant 1 : i32
        %broadcast_in_dim3A_301 = vector.broadcast %broadcast_in_dim3A_300 : i32 to vector<16xi32>
        %broadcast_in_dim3A_302 = arith.constant 0 : i32
        %broadcast_in_dim3A_303 = vector.broadcast %broadcast_in_dim3A_302 : i32 to vector<16xi32>
        %get3A = arith.constant 0 : index
        %get3A_304 = tpu.vector_load %arg7[%get3A] {strides = array<i32>} : memref<544xf32, #tpu.memory_space<vmem>>, vector<16xf32>,
        %bitcast_convert_type3A_305 = tpu.bitcast %get3A_304 : vector<16xf32> -> vector<16xi32>
        %ge3A_306 = arith.constant 0 : i32
        %ge3A_307 = vector.broadcast %ge3A_306 : i32 to vector<16xi32>
        %ge3A_308 = arith.cmpi sge, %bitcast_convert_type3A_305, %ge3A_307 : vector<16xi32>
        %xor3A_309 = arith.constant 2147483647 : i32
        %xor3A_310 = vector.broadcast %xor3A_309 : i32 to vector<16xi32>
        %xor3A_311 = arith.xori %bitcast_convert_type3A_305, %xor3A_310 : vector<16xi32>
        %select_n3A_312 = arith.select %ge3A_308, %bitcast_convert_type3A_305, %xor3A_311 : vector<16xi1>, vector<16xi32>
        %ge3A_313 = vector.broadcast %xor3A_297 : i32 to vector<16xi32>
        %ge3A_314 = arith.cmpi sge, %select_n3A_312, %ge3A_313 : vector<16xi32>
        %select_n3A_315 = arith.select %ge3A_314, %broadcast_in_dim3A_301, %broadcast_in_dim3A_303 : vector<16xi1>, vector<16xi32>
        %add3A_316 = arith.addi %broadcast_in_dim3A_299, %select_n3A_315 : vector<16xi32>
        %get3A_317 = arith.constant 16 : index
        %get3A_318 = tpu.vector_load %arg7[%get3A_317] {strides = array<i32>} : memref<544xf32, #tpu.memory_space<vmem>>, vector<16xf32>,
        %bitcast_convert_type3A_319 = tpu.bitcast %get3A_318 : vector<16xf32> -> vector<16xi32>
        %ge3A_320 = arith.constant 0 : i32
        %ge3A_321 = vector.broadcast %ge3A_320 : i32 to vector<16xi32>
        %ge3A_322 = arith.cmpi sge, %bitcast_convert_type3A_319, %ge3A_321 : vector<16xi32>
        %xor3A_323 = arith.constant 2147483647 : i32
        %xor3A_324 = vector.broadcast %xor3A_323 : i32 to vector<16xi32>
        %xor3A_325 = arith.xori %bitcast_convert_type3A_319, %xor3A_324 : vector<16xi32>
        %select_n3A_326 = arith.select %ge3A_322, %bitcast_convert_type3A_319, %xor3A_325 : vector<16xi1>, vector<16xi32>
        %ge3A_327 = vector.broadcast %xor3A_297 : i32 to vector<16xi32>
        %ge3A_328 = arith.cmpi sge, %select_n3A_326, %ge3A_327 : vector<16xi32>
        %select_n3A_329 = arith.select %ge3A_328, %broadcast_in_dim3A_301, %broadcast_in_dim3A_303 : vector<16xi1>, vector<16xi32>
        %add3A_330 = arith.addi %add3A_316, %select_n3A_329 : vector<16xi32>
        %get3A_331 = arith.constant 32 : index
        %get3A_332 = tpu.vector_load %arg7[%get3A_331] {strides = array<i32>} : memref<544xf32, #tpu.memory_space<vmem>>, vector<16xf32>,
        %bitcast_convert_type3A_333 = tpu.bitcast %get3A_332 : vector<16xf32> -> vector<16xi32>
        %ge3A_334 = arith.constant 0 : i32
        %ge3A_335 = vector.broadcast %ge3A_334 : i32 to vector<16xi32>
        %ge3A_336 = arith.cmpi sge, %bitcast_convert_type3A_333, %ge3A_335 : vector<16xi32>
        %xor3A_337 = arith.constant 2147483647 : i32
        %xor3A_338 = vector.broadcast %xor3A_337 : i32 to vector<16xi32>
        %xor3A_339 = arith.xori %bitcast_convert_type3A_333, %xor3A_338 : vector<16xi32>
        %select_n3A_340 = arith.select %ge3A_336, %bitcast_convert_type3A_333, %xor3A_339 : vector<16xi1>, vector<16xi32>
        %ge3A_341 = vector.broadcast %xor3A_297 : i32 to vector<16xi32>
        %ge3A_342 = arith.cmpi sge, %select_n3A_340, %ge3A_341 : vector<16xi32>
        %select_n3A_343 = arith.select %ge3A_342, %broadcast_in_dim3A_301, %broadcast_in_dim3A_303 : vector<16xi1>, vector<16xi32>
        %add3A_344 = arith.addi %add3A_330, %select_n3A_343 : vector<16xi32>
        %get3A_345 = arith.constant 48 : index
        %get3A_346 = tpu.vector_load %arg7[%get3A_345] {strides = array<i32>} : memref<544xf32, #tpu.memory_space<vmem>>, vector<16xf32>,
        %bitcast_convert_type3A_347 = tpu.bitcast %get3A_346 : vector<16xf32> -> vector<16xi32>
        %ge3A_348 = arith.constant 0 : i32
        %ge3A_349 = vector.broadcast %ge3A_348 : i32 to vector<16xi32>
        %ge3A_350 = arith.cmpi sge, %bitcast_convert_type3A_347, %ge3A_349 : vector<16xi32>
        %xor3A_351 = arith.constant 2147483647 : i32
        %xor3A_352 = vector.broadcast %xor3A_351 : i32 to vector<16xi32>
        %xor3A_353 = arith.xori %bitcast_convert_type3A_347, %xor3A_352 : vector<16xi32>
        %select_n3A_354 = arith.select %ge3A_350, %bitcast_convert_type3A_347, %xor3A_353 : vector<16xi1>, vector<16xi32>
        %ge3A_355 = vector.broadcast %xor3A_297 : i32 to vector<16xi32>
        %ge3A_356 = arith.cmpi sge, %select_n3A_354, %ge3A_355 : vector<16xi32>
        %select_n3A_357 = arith.select %ge3A_356, %broadcast_in_dim3A_301, %broadcast_in_dim3A_303 : vector<16xi1>, vector<16xi32>
        %add3A_358 = arith.addi %add3A_344, %select_n3A_357 : vector<16xi32>
        %get3A_359 = arith.constant 64 : index
        %get3A_360 = tpu.vector_load %arg7[%get3A_359] {strides = array<i32>} : memref<544xf32, #tpu.memory_space<vmem>>, vector<16xf32>,
        %bitcast_convert_type3A_361 = tpu.bitcast %get3A_360 : vector<16xf32> -> vector<16xi32>
        %ge3A_362 = arith.constant 0 : i32
        %ge3A_363 = vector.broadcast %ge3A_362 : i32 to vector<16xi32>
        %ge3A_364 = arith.cmpi sge, %bitcast_convert_type3A_361, %ge3A_363 : vector<16xi32>
        %xor3A_365 = arith.constant 2147483647 : i32
        %xor3A_366 = vector.broadcast %xor3A_365 : i32 to vector<16xi32>
        %xor3A_367 = arith.xori %bitcast_convert_type3A_361, %xor3A_366 : vector<16xi32>
        %select_n3A_368 = arith.select %ge3A_364, %bitcast_convert_type3A_361, %xor3A_367 : vector<16xi1>, vector<16xi32>
        %ge3A_369 = vector.broadcast %xor3A_297 : i32 to vector<16xi32>
        %ge3A_370 = arith.cmpi sge, %select_n3A_368, %ge3A_369 : vector<16xi32>
        %select_n3A_371 = arith.select %ge3A_370, %broadcast_in_dim3A_301, %broadcast_in_dim3A_303 : vector<16xi1>, vector<16xi32>
        %add3A_372 = arith.addi %add3A_358, %select_n3A_371 : vector<16xi32>
        %get3A_373 = arith.constant 80 : index
        %get3A_374 = tpu.vector_load %arg7[%get3A_373] {strides = array<i32>} : memref<544xf32, #tpu.memory_space<vmem>>, vector<16xf32>,
        %bitcast_convert_type3A_375 = tpu.bitcast %get3A_374 : vector<16xf32> -> vector<16xi32>
        %ge3A_376 = arith.constant 0 : i32
        %ge3A_377 = vector.broadcast %ge3A_376 : i32 to vector<16xi32>
        %ge3A_378 = arith.cmpi sge, %bitcast_convert_type3A_375, %ge3A_377 : vector<16xi32>
        %xor3A_379 = arith.constant 2147483647 : i32
        %xor3A_380 = vector.broadcast %xor3A_379 : i32 to vector<16xi32>
        %xor3A_381 = arith.xori %bitcast_convert_type3A_375, %xor3A_380 : vector<16xi32>
        %select_n3A_382 = arith.select %ge3A_378, %bitcast_convert_type3A_375, %xor3A_381 : vector<16xi1>, vector<16xi32>
        %ge3A_383 = vector.broadcast %xor3A_297 : i32 to vector<16xi32>
        %ge3A_384 = arith.cmpi sge, %select_n3A_382, %ge3A_383 : vector<16xi32>
        %select_n3A_385 = arith.select %ge3A_384, %broadcast_in_dim3A_301, %broadcast_in_dim3A_303 : vector<16xi1>, vector<16xi32>
        %add3A_386 = arith.addi %add3A_372, %select_n3A_385 : vector<16xi32>
        %get3A_387 = arith.constant 96 : index
        %get3A_388 = tpu.vector_load %arg7[%get3A_387] {strides = array<i32>} : memref<544xf32, #tpu.memory_space<vmem>>, vector<16xf32>,
        %bitcast_convert_type3A_389 = tpu.bitcast %get3A_388 : vector<16xf32> -> vector<16xi32>
        %ge3A_390 = arith.constant 0 : i32
        %ge3A_391 = vector.broadcast %ge3A_390 : i32 to vector<16xi32>
        %ge3A_392 = arith.cmpi sge, %bitcast_convert_type3A_389, %ge3A_391 : vector<16xi32>
        %xor3A_393 = arith.constant 2147483647 : i32
        %xor3A_394 = vector.broadcast %xor3A_393 : i32 to vector<16xi32>
        %xor3A_395 = arith.xori %bitcast_convert_type3A_389, %xor3A_394 : vector<16xi32>
        %select_n3A_396 = arith.select %ge3A_392, %bitcast_convert_type3A_389, %xor3A_395 : vector<16xi1>, vector<16xi32>
        %ge3A_397 = vector.broadcast %xor3A_297 : i32 to vector<16xi32>
        %ge3A_398 = arith.cmpi sge, %select_n3A_396, %ge3A_397 : vector<16xi32>
        %select_n3A_399 = arith.select %ge3A_398, %broadcast_in_dim3A_301, %broadcast_in_dim3A_303 : vector<16xi1>, vector<16xi32>
        %add3A_400 = arith.addi %add3A_386, %select_n3A_399 : vector<16xi32>
        %get3A_401 = arith.constant 112 : index
        %get3A_402 = tpu.vector_load %arg7[%get3A_401] {strides = array<i32>} : memref<544xf32, #tpu.memory_space<vmem>>, vector<16xf32>,
        %bitcast_convert_type3A_403 = tpu.bitcast %get3A_402 : vector<16xf32> -> vector<16xi32>
        %ge3A_404 = arith.constant 0 : i32
        %ge3A_405 = vector.broadcast %ge3A_404 : i32 to vector<16xi32>
        %ge3A_406 = arith.cmpi sge, %bitcast_convert_type3A_403, %ge3A_405 : vector<16xi32>
        %xor3A_407 = arith.constant 2147483647 : i32
        %xor3A_408 = vector.broadcast %xor3A_407 : i32 to vector<16xi32>
        %xor3A_409 = arith.xori %bitcast_convert_type3A_403, %xor3A_408 : vector<16xi32>
        %select_n3A_410 = arith.select %ge3A_406, %bitcast_convert_type3A_403, %xor3A_409 : vector<16xi1>, vector<16xi32>
        %ge3A_411 = vector.broadcast %xor3A_297 : i32 to vector<16xi32>
        %ge3A_412 = arith.cmpi sge, %select_n3A_410, %ge3A_411 : vector<16xi32>
        %select_n3A_413 = arith.select %ge3A_412, %broadcast_in_dim3A_301, %broadcast_in_dim3A_303 : vector<16xi1>, vector<16xi32>
        %add3A_414 = arith.addi %add3A_400, %select_n3A_413 : vector<16xi32>
        %get3A_415 = arith.constant 128 : index
        %get3A_416 = tpu.vector_load %arg7[%get3A_415] {strides = array<i32>} : memref<544xf32, #tpu.memory_space<vmem>>, vector<16xf32>,
        %bitcast_convert_type3A_417 = tpu.bitcast %get3A_416 : vector<16xf32> -> vector<16xi32>
        %ge3A_418 = arith.constant 0 : i32
        %ge3A_419 = vector.broadcast %ge3A_418 : i32 to vector<16xi32>
        %ge3A_420 = arith.cmpi sge, %bitcast_convert_type3A_417, %ge3A_419 : vector<16xi32>
        %xor3A_421 = arith.constant 2147483647 : i32
        %xor3A_422 = vector.broadcast %xor3A_421 : i32 to vector<16xi32>
        %xor3A_423 = arith.xori %bitcast_convert_type3A_417, %xor3A_422 : vector<16xi32>
        %select_n3A_424 = arith.select %ge3A_420, %bitcast_convert_type3A_417, %xor3A_423 : vector<16xi1>, vector<16xi32>
        %ge3A_425 = vector.broadcast %xor3A_297 : i32 to vector<16xi32>
        %ge3A_426 = arith.cmpi sge, %select_n3A_424, %ge3A_425 : vector<16xi32>
        %select_n3A_427 = arith.select %ge3A_426, %broadcast_in_dim3A_301, %broadcast_in_dim3A_303 : vector<16xi1>, vector<16xi32>
        %add3A_428 = arith.addi %add3A_414, %select_n3A_427 : vector<16xi32>
        %get3A_429 = arith.constant 144 : index
        %get3A_430 = tpu.vector_load %arg7[%get3A_429] {strides = array<i32>} : memref<544xf32, #tpu.memory_space<vmem>>, vector<16xf32>,
        %bitcast_convert_type3A_431 = tpu.bitcast %get3A_430 : vector<16xf32> -> vector<16xi32>
        %ge3A_432 = arith.constant 0 : i32
        %ge3A_433 = vector.broadcast %ge3A_432 : i32 to vector<16xi32>
        %ge3A_434 = arith.cmpi sge, %bitcast_convert_type3A_431, %ge3A_433 : vector<16xi32>
        %xor3A_435 = arith.constant 2147483647 : i32
        %xor3A_436 = vector.broadcast %xor3A_435 : i32 to vector<16xi32>
        %xor3A_437 = arith.xori %bitcast_convert_type3A_431, %xor3A_436 : vector<16xi32>
        %select_n3A_438 = arith.select %ge3A_434, %bitcast_convert_type3A_431, %xor3A_437 : vector<16xi1>, vector<16xi32>
        %ge3A_439 = vector.broadcast %xor3A_297 : i32 to vector<16xi32>
        %ge3A_440 = arith.cmpi sge, %select_n3A_438, %ge3A_439 : vector<16xi32>
        %select_n3A_441 = arith.select %ge3A_440, %broadcast_in_dim3A_301, %broadcast_in_dim3A_303 : vector<16xi1>, vector<16xi32>
        %add3A_442 = arith.addi %add3A_428, %select_n3A_441 : vector<16xi32>
        %get3A_443 = arith.constant 160 : index
        %get3A_444 = tpu.vector_load %arg7[%get3A_443] {strides = array<i32>} : memref<544xf32, #tpu.memory_space<vmem>>, vector<16xf32>,
        %bitcast_convert_type3A_445 = tpu.bitcast %get3A_444 : vector<16xf32> -> vector<16xi32>
        %ge3A_446 = arith.constant 0 : i32
        %ge3A_447 = vector.broadcast %ge3A_446 : i32 to vector<16xi32>
        %ge3A_448 = arith.cmpi sge, %bitcast_convert_type3A_445, %ge3A_447 : vector<16xi32>
        %xor3A_449 = arith.constant 2147483647 : i32
        %xor3A_450 = vector.broadcast %xor3A_449 : i32 to vector<16xi32>
        %xor3A_451 = arith.xori %bitcast_convert_type3A_445, %xor3A_450 : vector<16xi32>
        %select_n3A_452 = arith.select %ge3A_448, %bitcast_convert_type3A_445, %xor3A_451 : vector<16xi1>, vector<16xi32>
        %ge3A_453 = vector.broadcast %xor3A_297 : i32 to vector<16xi32>
        %ge3A_454 = arith.cmpi sge, %select_n3A_452, %ge3A_453 : vector<16xi32>
        %select_n3A_455 = arith.select %ge3A_454, %broadcast_in_dim3A_301, %broadcast_in_dim3A_303 : vector<16xi1>, vector<16xi32>
        %add3A_456 = arith.addi %add3A_442, %select_n3A_455 : vector<16xi32>
        %get3A_457 = arith.constant 176 : index
        %get3A_458 = tpu.vector_load %arg7[%get3A_457] {strides = array<i32>} : memref<544xf32, #tpu.memory_space<vmem>>, vector<16xf32>,
        %bitcast_convert_type3A_459 = tpu.bitcast %get3A_458 : vector<16xf32> -> vector<16xi32>
        %ge3A_460 = arith.constant 0 : i32
        %ge3A_461 = vector.broadcast %ge3A_460 : i32 to vector<16xi32>
        %ge3A_462 = arith.cmpi sge, %bitcast_convert_type3A_459, %ge3A_461 : vector<16xi32>
        %xor3A_463 = arith.constant 2147483647 : i32
        %xor3A_464 = vector.broadcast %xor3A_463 : i32 to vector<16xi32>
        %xor3A_465 = arith.xori %bitcast_convert_type3A_459, %xor3A_464 : vector<16xi32>
        %select_n3A_466 = arith.select %ge3A_462, %bitcast_convert_type3A_459, %xor3A_465 : vector<16xi1>, vector<16xi32>
        %ge3A_467 = vector.broadcast %xor3A_297 : i32 to vector<16xi32>
        %ge3A_468 = arith.cmpi sge, %select_n3A_466, %ge3A_467 : vector<16xi32>
        %select_n3A_469 = arith.select %ge3A_468, %broadcast_in_dim3A_301, %broadcast_in_dim3A_303 : vector<16xi1>, vector<16xi32>
        %add3A_470 = arith.addi %add3A_456, %select_n3A_469 : vector<16xi32>
        %get3A_471 = arith.constant 192 : index
        %get3A_472 = tpu.vector_load %arg7[%get3A_471] {strides = array<i32>} : memref<544xf32, #tpu.memory_space<vmem>>, vector<16xf32>,
        %bitcast_convert_type3A_473 = tpu.bitcast %get3A_472 : vector<16xf32> -> vector<16xi32>
        %ge3A_474 = arith.constant 0 : i32
        %ge3A_475 = vector.broadcast %ge3A_474 : i32 to vector<16xi32>
        %ge3A_476 = arith.cmpi sge, %bitcast_convert_type3A_473, %ge3A_475 : vector<16xi32>
        %xor3A_477 = arith.constant 2147483647 : i32
        %xor3A_478 = vector.broadcast %xor3A_477 : i32 to vector<16xi32>
        %xor3A_479 = arith.xori %bitcast_convert_type3A_473, %xor3A_478 : vector<16xi32>
        %select_n3A_480 = arith.select %ge3A_476, %bitcast_convert_type3A_473, %xor3A_479 : vector<16xi1>, vector<16xi32>
        %ge3A_481 = vector.broadcast %xor3A_297 : i32 to vector<16xi32>
        %ge3A_482 = arith.cmpi sge, %select_n3A_480, %ge3A_481 : vector<16xi32>
        %select_n3A_483 = arith.select %ge3A_482, %broadcast_in_dim3A_301, %broadcast_in_dim3A_303 : vector<16xi1>, vector<16xi32>
        %add3A_484 = arith.addi %add3A_470, %select_n3A_483 : vector<16xi32>
        %get3A_485 = arith.constant 208 : index
        %get3A_486 = tpu.vector_load %arg7[%get3A_485] {strides = array<i32>} : memref<544xf32, #tpu.memory_space<vmem>>, vector<16xf32>,
        %bitcast_convert_type3A_487 = tpu.bitcast %get3A_486 : vector<16xf32> -> vector<16xi32>
        %ge3A_488 = arith.constant 0 : i32
        %ge3A_489 = vector.broadcast %ge3A_488 : i32 to vector<16xi32>
        %ge3A_490 = arith.cmpi sge, %bitcast_convert_type3A_487, %ge3A_489 : vector<16xi32>
        %xor3A_491 = arith.constant 2147483647 : i32
        %xor3A_492 = vector.broadcast %xor3A_491 : i32 to vector<16xi32>
        %xor3A_493 = arith.xori %bitcast_convert_type3A_487, %xor3A_492 : vector<16xi32>
        %select_n3A_494 = arith.select %ge3A_490, %bitcast_convert_type3A_487, %xor3A_493 : vector<16xi1>, vector<16xi32>
        %ge3A_495 = vector.broadcast %xor3A_297 : i32 to vector<16xi32>
        %ge3A_496 = arith.cmpi sge, %select_n3A_494, %ge3A_495 : vector<16xi32>
        %select_n3A_497 = arith.select %ge3A_496, %broadcast_in_dim3A_301, %broadcast_in_dim3A_303 : vector<16xi1>, vector<16xi32>
        %add3A_498 = arith.addi %add3A_484, %select_n3A_497 : vector<16xi32>
        %get3A_499 = arith.constant 224 : index
        %get3A_500 = tpu.vector_load %arg7[%get3A_499] {strides = array<i32>} : memref<544xf32, #tpu.memory_space<vmem>>, vector<16xf32>,
        %bitcast_convert_type3A_501 = tpu.bitcast %get3A_500 : vector<16xf32> -> vector<16xi32>
        %ge3A_502 = arith.constant 0 : i32
        %ge3A_503 = vector.broadcast %ge3A_502 : i32 to vector<16xi32>
        %ge3A_504 = arith.cmpi sge, %bitcast_convert_type3A_501, %ge3A_503 : vector<16xi32>
        %xor3A_505 = arith.constant 2147483647 : i32
        %xor3A_506 = vector.broadcast %xor3A_505 : i32 to vector<16xi32>
        %xor3A_507 = arith.xori %bitcast_convert_type3A_501, %xor3A_506 : vector<16xi32>
        %select_n3A_508 = arith.select %ge3A_504, %bitcast_convert_type3A_501, %xor3A_507 : vector<16xi1>, vector<16xi32>
        %ge3A_509 = vector.broadcast %xor3A_297 : i32 to vector<16xi32>
        %ge3A_510 = arith.cmpi sge, %select_n3A_508, %ge3A_509 : vector<16xi32>
        %select_n3A_511 = arith.select %ge3A_510, %broadcast_in_dim3A_301, %broadcast_in_dim3A_303 : vector<16xi1>, vector<16xi32>
        %add3A_512 = arith.addi %add3A_498, %select_n3A_511 : vector<16xi32>
        %get3A_513 = arith.constant 240 : index
        %get3A_514 = tpu.vector_load %arg7[%get3A_513] {strides = array<i32>} : memref<544xf32, #tpu.memory_space<vmem>>, vector<16xf32>,
        %bitcast_convert_type3A_515 = tpu.bitcast %get3A_514 : vector<16xf32> -> vector<16xi32>
        %ge3A_516 = arith.constant 0 : i32
        %ge3A_517 = vector.broadcast %ge3A_516 : i32 to vector<16xi32>
        %ge3A_518 = arith.cmpi sge, %bitcast_convert_type3A_515, %ge3A_517 : vector<16xi32>
        %xor3A_519 = arith.constant 2147483647 : i32
        %xor3A_520 = vector.broadcast %xor3A_519 : i32 to vector<16xi32>
        %xor3A_521 = arith.xori %bitcast_convert_type3A_515, %xor3A_520 : vector<16xi32>
        %select_n3A_522 = arith.select %ge3A_518, %bitcast_convert_type3A_515, %xor3A_521 : vector<16xi1>, vector<16xi32>
        %ge3A_523 = vector.broadcast %xor3A_297 : i32 to vector<16xi32>
        %ge3A_524 = arith.cmpi sge, %select_n3A_522, %ge3A_523 : vector<16xi32>
        %select_n3A_525 = arith.select %ge3A_524, %broadcast_in_dim3A_301, %broadcast_in_dim3A_303 : vector<16xi1>, vector<16xi32>
        %add3A_526 = arith.addi %add3A_512, %select_n3A_525 : vector<16xi32>
        %get3A_527 = arith.constant 256 : index
        %get3A_528 = tpu.vector_load %arg7[%get3A_527] {strides = array<i32>} : memref<544xf32, #tpu.memory_space<vmem>>, vector<16xf32>,
        %bitcast_convert_type3A_529 = tpu.bitcast %get3A_528 : vector<16xf32> -> vector<16xi32>
        %ge3A_530 = arith.constant 0 : i32
        %ge3A_531 = vector.broadcast %ge3A_530 : i32 to vector<16xi32>
        %ge3A_532 = arith.cmpi sge, %bitcast_convert_type3A_529, %ge3A_531 : vector<16xi32>
        %xor3A_533 = arith.constant 2147483647 : i32
        %xor3A_534 = vector.broadcast %xor3A_533 : i32 to vector<16xi32>
        %xor3A_535 = arith.xori %bitcast_convert_type3A_529, %xor3A_534 : vector<16xi32>
        %select_n3A_536 = arith.select %ge3A_532, %bitcast_convert_type3A_529, %xor3A_535 : vector<16xi1>, vector<16xi32>
        %ge3A_537 = vector.broadcast %xor3A_297 : i32 to vector<16xi32>
        %ge3A_538 = arith.cmpi sge, %select_n3A_536, %ge3A_537 : vector<16xi32>
        %select_n3A_539 = arith.select %ge3A_538, %broadcast_in_dim3A_301, %broadcast_in_dim3A_303 : vector<16xi1>, vector<16xi32>
        %add3A_540 = arith.addi %add3A_526, %select_n3A_539 : vector<16xi32>
        %get3A_541 = arith.constant 272 : index
        %get3A_542 = tpu.vector_load %arg7[%get3A_541] {strides = array<i32>} : memref<544xf32, #tpu.memory_space<vmem>>, vector<16xf32>,
        %bitcast_convert_type3A_543 = tpu.bitcast %get3A_542 : vector<16xf32> -> vector<16xi32>
        %ge3A_544 = arith.constant 0 : i32
        %ge3A_545 = vector.broadcast %ge3A_544 : i32 to vector<16xi32>
        %ge3A_546 = arith.cmpi sge, %bitcast_convert_type3A_543, %ge3A_545 : vector<16xi32>
        %xor3A_547 = arith.constant 2147483647 : i32
        %xor3A_548 = vector.broadcast %xor3A_547 : i32 to vector<16xi32>
        %xor3A_549 = arith.xori %bitcast_convert_type3A_543, %xor3A_548 : vector<16xi32>
        %select_n3A_550 = arith.select %ge3A_546, %bitcast_convert_type3A_543, %xor3A_549 : vector<16xi1>, vector<16xi32>
        %ge3A_551 = vector.broadcast %xor3A_297 : i32 to vector<16xi32>
        %ge3A_552 = arith.cmpi sge, %select_n3A_550, %ge3A_551 : vector<16xi32>
        %select_n3A_553 = arith.select %ge3A_552, %broadcast_in_dim3A_301, %broadcast_in_dim3A_303 : vector<16xi1>, vector<16xi32>
        %add3A_554 = arith.addi %add3A_540, %select_n3A_553 : vector<16xi32>
        %get3A_555 = arith.constant 288 : index
        %get3A_556 = tpu.vector_load %arg7[%get3A_555] {strides = array<i32>} : memref<544xf32, #tpu.memory_space<vmem>>, vector<16xf32>,
        %bitcast_convert_type3A_557 = tpu.bitcast %get3A_556 : vector<16xf32> -> vector<16xi32>
        %ge3A_558 = arith.constant 0 : i32
        %ge3A_559 = vector.broadcast %ge3A_558 : i32 to vector<16xi32>
        %ge3A_560 = arith.cmpi sge, %bitcast_convert_type3A_557, %ge3A_559 : vector<16xi32>
        %xor3A_561 = arith.constant 2147483647 : i32
        %xor3A_562 = vector.broadcast %xor3A_561 : i32 to vector<16xi32>
        %xor3A_563 = arith.xori %bitcast_convert_type3A_557, %xor3A_562 : vector<16xi32>
        %select_n3A_564 = arith.select %ge3A_560, %bitcast_convert_type3A_557, %xor3A_563 : vector<16xi1>, vector<16xi32>
        %ge3A_565 = vector.broadcast %xor3A_297 : i32 to vector<16xi32>
        %ge3A_566 = arith.cmpi sge, %select_n3A_564, %ge3A_565 : vector<16xi32>
        %select_n3A_567 = arith.select %ge3A_566, %broadcast_in_dim3A_301, %broadcast_in_dim3A_303 : vector<16xi1>, vector<16xi32>
        %add3A_568 = arith.addi %add3A_554, %select_n3A_567 : vector<16xi32>
        %get3A_569 = arith.constant 304 : index
        %get3A_570 = tpu.vector_load %arg7[%get3A_569] {strides = array<i32>} : memref<544xf32, #tpu.memory_space<vmem>>, vector<16xf32>,
        %bitcast_convert_type3A_571 = tpu.bitcast %get3A_570 : vector<16xf32> -> vector<16xi32>
        %ge3A_572 = arith.constant 0 : i32
        %ge3A_573 = vector.broadcast %ge3A_572 : i32 to vector<16xi32>
        %ge3A_574 = arith.cmpi sge, %bitcast_convert_type3A_571, %ge3A_573 : vector<16xi32>
        %xor3A_575 = arith.constant 2147483647 : i32
        %xor3A_576 = vector.broadcast %xor3A_575 : i32 to vector<16xi32>
        %xor3A_577 = arith.xori %bitcast_convert_type3A_571, %xor3A_576 : vector<16xi32>
        %select_n3A_578 = arith.select %ge3A_574, %bitcast_convert_type3A_571, %xor3A_577 : vector<16xi1>, vector<16xi32>
        %ge3A_579 = vector.broadcast %xor3A_297 : i32 to vector<16xi32>
        %ge3A_580 = arith.cmpi sge, %select_n3A_578, %ge3A_579 : vector<16xi32>
        %select_n3A_581 = arith.select %ge3A_580, %broadcast_in_dim3A_301, %broadcast_in_dim3A_303 : vector<16xi1>, vector<16xi32>
        %add3A_582 = arith.addi %add3A_568, %select_n3A_581 : vector<16xi32>
        %get3A_583 = arith.constant 320 : index
        %get3A_584 = tpu.vector_load %arg7[%get3A_583] {strides = array<i32>} : memref<544xf32, #tpu.memory_space<vmem>>, vector<16xf32>,
        %bitcast_convert_type3A_585 = tpu.bitcast %get3A_584 : vector<16xf32> -> vector<16xi32>
        %ge3A_586 = arith.constant 0 : i32
        %ge3A_587 = vector.broadcast %ge3A_586 : i32 to vector<16xi32>
        %ge3A_588 = arith.cmpi sge, %bitcast_convert_type3A_585, %ge3A_587 : vector<16xi32>
        %xor3A_589 = arith.constant 2147483647 : i32
        %xor3A_590 = vector.broadcast %xor3A_589 : i32 to vector<16xi32>
        %xor3A_591 = arith.xori %bitcast_convert_type3A_585, %xor3A_590 : vector<16xi32>
        %select_n3A_592 = arith.select %ge3A_588, %bitcast_convert_type3A_585, %xor3A_591 : vector<16xi1>, vector<16xi32>
        %ge3A_593 = vector.broadcast %xor3A_297 : i32 to vector<16xi32>
        %ge3A_594 = arith.cmpi sge, %select_n3A_592, %ge3A_593 : vector<16xi32>
        %select_n3A_595 = arith.select %ge3A_594, %broadcast_in_dim3A_301, %broadcast_in_dim3A_303 : vector<16xi1>, vector<16xi32>
        %add3A_596 = arith.addi %add3A_582, %select_n3A_595 : vector<16xi32>
        %get3A_597 = arith.constant 336 : index
        %get3A_598 = tpu.vector_load %arg7[%get3A_597] {strides = array<i32>} : memref<544xf32, #tpu.memory_space<vmem>>, vector<16xf32>,
        %bitcast_convert_type3A_599 = tpu.bitcast %get3A_598 : vector<16xf32> -> vector<16xi32>
        %ge3A_600 = arith.constant 0 : i32
        %ge3A_601 = vector.broadcast %ge3A_600 : i32 to vector<16xi32>
        %ge3A_602 = arith.cmpi sge, %bitcast_convert_type3A_599, %ge3A_601 : vector<16xi32>
        %xor3A_603 = arith.constant 2147483647 : i32
        %xor3A_604 = vector.broadcast %xor3A_603 : i32 to vector<16xi32>
        %xor3A_605 = arith.xori %bitcast_convert_type3A_599, %xor3A_604 : vector<16xi32>
        %select_n3A_606 = arith.select %ge3A_602, %bitcast_convert_type3A_599, %xor3A_605 : vector<16xi1>, vector<16xi32>
        %ge3A_607 = vector.broadcast %xor3A_297 : i32 to vector<16xi32>
        %ge3A_608 = arith.cmpi sge, %select_n3A_606, %ge3A_607 : vector<16xi32>
        %select_n3A_609 = arith.select %ge3A_608, %broadcast_in_dim3A_301, %broadcast_in_dim3A_303 : vector<16xi1>, vector<16xi32>
        %add3A_610 = arith.addi %add3A_596, %select_n3A_609 : vector<16xi32>
        %get3A_611 = arith.constant 352 : index
        %get3A_612 = tpu.vector_load %arg7[%get3A_611] {strides = array<i32>} : memref<544xf32, #tpu.memory_space<vmem>>, vector<16xf32>,
        %bitcast_convert_type3A_613 = tpu.bitcast %get3A_612 : vector<16xf32> -> vector<16xi32>
        %ge3A_614 = arith.constant 0 : i32
        %ge3A_615 = vector.broadcast %ge3A_614 : i32 to vector<16xi32>
        %ge3A_616 = arith.cmpi sge, %bitcast_convert_type3A_613, %ge3A_615 : vector<16xi32>
        %xor3A_617 = arith.constant 2147483647 : i32
        %xor3A_618 = vector.broadcast %xor3A_617 : i32 to vector<16xi32>
        %xor3A_619 = arith.xori %bitcast_convert_type3A_613, %xor3A_618 : vector<16xi32>
        %select_n3A_620 = arith.select %ge3A_616, %bitcast_convert_type3A_613, %xor3A_619 : vector<16xi1>, vector<16xi32>
        %ge3A_621 = vector.broadcast %xor3A_297 : i32 to vector<16xi32>
        %ge3A_622 = arith.cmpi sge, %select_n3A_620, %ge3A_621 : vector<16xi32>
        %select_n3A_623 = arith.select %ge3A_622, %broadcast_in_dim3A_301, %broadcast_in_dim3A_303 : vector<16xi1>, vector<16xi32>
        %add3A_624 = arith.addi %add3A_610, %select_n3A_623 : vector<16xi32>
        %get3A_625 = arith.constant 368 : index
        %get3A_626 = tpu.vector_load %arg7[%get3A_625] {strides = array<i32>} : memref<544xf32, #tpu.memory_space<vmem>>, vector<16xf32>,
        %bitcast_convert_type3A_627 = tpu.bitcast %get3A_626 : vector<16xf32> -> vector<16xi32>
        %ge3A_628 = arith.constant 0 : i32
        %ge3A_629 = vector.broadcast %ge3A_628 : i32 to vector<16xi32>
        %ge3A_630 = arith.cmpi sge, %bitcast_convert_type3A_627, %ge3A_629 : vector<16xi32>
        %xor3A_631 = arith.constant 2147483647 : i32
        %xor3A_632 = vector.broadcast %xor3A_631 : i32 to vector<16xi32>
        %xor3A_633 = arith.xori %bitcast_convert_type3A_627, %xor3A_632 : vector<16xi32>
        %select_n3A_634 = arith.select %ge3A_630, %bitcast_convert_type3A_627, %xor3A_633 : vector<16xi1>, vector<16xi32>
        %ge3A_635 = vector.broadcast %xor3A_297 : i32 to vector<16xi32>
        %ge3A_636 = arith.cmpi sge, %select_n3A_634, %ge3A_635 : vector<16xi32>
        %select_n3A_637 = arith.select %ge3A_636, %broadcast_in_dim3A_301, %broadcast_in_dim3A_303 : vector<16xi1>, vector<16xi32>
        %add3A_638 = arith.addi %add3A_624, %select_n3A_637 : vector<16xi32>
        %get3A_639 = arith.constant 384 : index
        %get3A_640 = tpu.vector_load %arg7[%get3A_639] {strides = array<i32>} : memref<544xf32, #tpu.memory_space<vmem>>, vector<16xf32>,
        %bitcast_convert_type3A_641 = tpu.bitcast %get3A_640 : vector<16xf32> -> vector<16xi32>
        %ge3A_642 = arith.constant 0 : i32
        %ge3A_643 = vector.broadcast %ge3A_642 : i32 to vector<16xi32>
        %ge3A_644 = arith.cmpi sge, %bitcast_convert_type3A_641, %ge3A_643 : vector<16xi32>
        %xor3A_645 = arith.constant 2147483647 : i32
        %xor3A_646 = vector.broadcast %xor3A_645 : i32 to vector<16xi32>
        %xor3A_647 = arith.xori %bitcast_convert_type3A_641, %xor3A_646 : vector<16xi32>
        %select_n3A_648 = arith.select %ge3A_644, %bitcast_convert_type3A_641, %xor3A_647 : vector<16xi1>, vector<16xi32>
        %ge3A_649 = vector.broadcast %xor3A_297 : i32 to vector<16xi32>
        %ge3A_650 = arith.cmpi sge, %select_n3A_648, %ge3A_649 : vector<16xi32>
        %select_n3A_651 = arith.select %ge3A_650, %broadcast_in_dim3A_301, %broadcast_in_dim3A_303 : vector<16xi1>, vector<16xi32>
        %add3A_652 = arith.addi %add3A_638, %select_n3A_651 : vector<16xi32>
        %get3A_653 = arith.constant 400 : index
        %get3A_654 = tpu.vector_load %arg7[%get3A_653] {strides = array<i32>} : memref<544xf32, #tpu.memory_space<vmem>>, vector<16xf32>,
        %bitcast_convert_type3A_655 = tpu.bitcast %get3A_654 : vector<16xf32> -> vector<16xi32>
        %ge3A_656 = arith.constant 0 : i32
        %ge3A_657 = vector.broadcast %ge3A_656 : i32 to vector<16xi32>
        %ge3A_658 = arith.cmpi sge, %bitcast_convert_type3A_655, %ge3A_657 : vector<16xi32>
        %xor3A_659 = arith.constant 2147483647 : i32
        %xor3A_660 = vector.broadcast %xor3A_659 : i32 to vector<16xi32>
        %xor3A_661 = arith.xori %bitcast_convert_type3A_655, %xor3A_660 : vector<16xi32>
        %select_n3A_662 = arith.select %ge3A_658, %bitcast_convert_type3A_655, %xor3A_661 : vector<16xi1>, vector<16xi32>
        %ge3A_663 = vector.broadcast %xor3A_297 : i32 to vector<16xi32>
        %ge3A_664 = arith.cmpi sge, %select_n3A_662, %ge3A_663 : vector<16xi32>
        %select_n3A_665 = arith.select %ge3A_664, %broadcast_in_dim3A_301, %broadcast_in_dim3A_303 : vector<16xi1>, vector<16xi32>
        %add3A_666 = arith.addi %add3A_652, %select_n3A_665 : vector<16xi32>
        %get3A_667 = arith.constant 416 : index
        %get3A_668 = tpu.vector_load %arg7[%get3A_667] {strides = array<i32>} : memref<544xf32, #tpu.memory_space<vmem>>, vector<16xf32>,
        %bitcast_convert_type3A_669 = tpu.bitcast %get3A_668 : vector<16xf32> -> vector<16xi32>
        %ge3A_670 = arith.constant 0 : i32
        %ge3A_671 = vector.broadcast %ge3A_670 : i32 to vector<16xi32>
        %ge3A_672 = arith.cmpi sge, %bitcast_convert_type3A_669, %ge3A_671 : vector<16xi32>
        %xor3A_673 = arith.constant 2147483647 : i32
        %xor3A_674 = vector.broadcast %xor3A_673 : i32 to vector<16xi32>
        %xor3A_675 = arith.xori %bitcast_convert_type3A_669, %xor3A_674 : vector<16xi32>
        %select_n3A_676 = arith.select %ge3A_672, %bitcast_convert_type3A_669, %xor3A_675 : vector<16xi1>, vector<16xi32>
        %ge3A_677 = vector.broadcast %xor3A_297 : i32 to vector<16xi32>
        %ge3A_678 = arith.cmpi sge, %select_n3A_676, %ge3A_677 : vector<16xi32>
        %select_n3A_679 = arith.select %ge3A_678, %broadcast_in_dim3A_301, %broadcast_in_dim3A_303 : vector<16xi1>, vector<16xi32>
        %add3A_680 = arith.addi %add3A_666, %select_n3A_679 : vector<16xi32>
        %get3A_681 = arith.constant 432 : index
        %get3A_682 = tpu.vector_load %arg7[%get3A_681] {strides = array<i32>} : memref<544xf32, #tpu.memory_space<vmem>>, vector<16xf32>,
        %bitcast_convert_type3A_683 = tpu.bitcast %get3A_682 : vector<16xf32> -> vector<16xi32>
        %ge3A_684 = arith.constant 0 : i32
        %ge3A_685 = vector.broadcast %ge3A_684 : i32 to vector<16xi32>
        %ge3A_686 = arith.cmpi sge, %bitcast_convert_type3A_683, %ge3A_685 : vector<16xi32>
        %xor3A_687 = arith.constant 2147483647 : i32
        %xor3A_688 = vector.broadcast %xor3A_687 : i32 to vector<16xi32>
        %xor3A_689 = arith.xori %bitcast_convert_type3A_683, %xor3A_688 : vector<16xi32>
        %select_n3A_690 = arith.select %ge3A_686, %bitcast_convert_type3A_683, %xor3A_689 : vector<16xi1>, vector<16xi32>
        %ge3A_691 = vector.broadcast %xor3A_297 : i32 to vector<16xi32>
        %ge3A_692 = arith.cmpi sge, %select_n3A_690, %ge3A_691 : vector<16xi32>
        %select_n3A_693 = arith.select %ge3A_692, %broadcast_in_dim3A_301, %broadcast_in_dim3A_303 : vector<16xi1>, vector<16xi32>
        %add3A_694 = arith.addi %add3A_680, %select_n3A_693 : vector<16xi32>
        %get3A_695 = arith.constant 448 : index
        %get3A_696 = tpu.vector_load %arg7[%get3A_695] {strides = array<i32>} : memref<544xf32, #tpu.memory_space<vmem>>, vector<16xf32>,
        %bitcast_convert_type3A_697 = tpu.bitcast %get3A_696 : vector<16xf32> -> vector<16xi32>
        %ge3A_698 = arith.constant 0 : i32
        %ge3A_699 = vector.broadcast %ge3A_698 : i32 to vector<16xi32>
        %ge3A_700 = arith.cmpi sge, %bitcast_convert_type3A_697, %ge3A_699 : vector<16xi32>
        %xor3A_701 = arith.constant 2147483647 : i32
        %xor3A_702 = vector.broadcast %xor3A_701 : i32 to vector<16xi32>
        %xor3A_703 = arith.xori %bitcast_convert_type3A_697, %xor3A_702 : vector<16xi32>
        %select_n3A_704 = arith.select %ge3A_700, %bitcast_convert_type3A_697, %xor3A_703 : vector<16xi1>, vector<16xi32>
        %ge3A_705 = vector.broadcast %xor3A_297 : i32 to vector<16xi32>
        %ge3A_706 = arith.cmpi sge, %select_n3A_704, %ge3A_705 : vector<16xi32>
        %select_n3A_707 = arith.select %ge3A_706, %broadcast_in_dim3A_301, %broadcast_in_dim3A_303 : vector<16xi1>, vector<16xi32>
        %add3A_708 = arith.addi %add3A_694, %select_n3A_707 : vector<16xi32>
        %get3A_709 = arith.constant 464 : index
        %get3A_710 = tpu.vector_load %arg7[%get3A_709] {strides = array<i32>} : memref<544xf32, #tpu.memory_space<vmem>>, vector<16xf32>,
        %bitcast_convert_type3A_711 = tpu.bitcast %get3A_710 : vector<16xf32> -> vector<16xi32>
        %ge3A_712 = arith.constant 0 : i32
        %ge3A_713 = vector.broadcast %ge3A_712 : i32 to vector<16xi32>
        %ge3A_714 = arith.cmpi sge, %bitcast_convert_type3A_711, %ge3A_713 : vector<16xi32>
        %xor3A_715 = arith.constant 2147483647 : i32
        %xor3A_716 = vector.broadcast %xor3A_715 : i32 to vector<16xi32>
        %xor3A_717 = arith.xori %bitcast_convert_type3A_711, %xor3A_716 : vector<16xi32>
        %select_n3A_718 = arith.select %ge3A_714, %bitcast_convert_type3A_711, %xor3A_717 : vector<16xi1>, vector<16xi32>
        %ge3A_719 = vector.broadcast %xor3A_297 : i32 to vector<16xi32>
        %ge3A_720 = arith.cmpi sge, %select_n3A_718, %ge3A_719 : vector<16xi32>
        %select_n3A_721 = arith.select %ge3A_720, %broadcast_in_dim3A_301, %broadcast_in_dim3A_303 : vector<16xi1>, vector<16xi32>
        %add3A_722 = arith.addi %add3A_708, %select_n3A_721 : vector<16xi32>
        %get3A_723 = arith.constant 480 : index
        %get3A_724 = tpu.vector_load %arg7[%get3A_723] {strides = array<i32>} : memref<544xf32, #tpu.memory_space<vmem>>, vector<16xf32>,
        %bitcast_convert_type3A_725 = tpu.bitcast %get3A_724 : vector<16xf32> -> vector<16xi32>
        %ge3A_726 = arith.constant 0 : i32
        %ge3A_727 = vector.broadcast %ge3A_726 : i32 to vector<16xi32>
        %ge3A_728 = arith.cmpi sge, %bitcast_convert_type3A_725, %ge3A_727 : vector<16xi32>
        %xor3A_729 = arith.constant 2147483647 : i32
        %xor3A_730 = vector.broadcast %xor3A_729 : i32 to vector<16xi32>
        %xor3A_731 = arith.xori %bitcast_convert_type3A_725, %xor3A_730 : vector<16xi32>
        %select_n3A_732 = arith.select %ge3A_728, %bitcast_convert_type3A_725, %xor3A_731 : vector<16xi1>, vector<16xi32>
        %ge3A_733 = vector.broadcast %xor3A_297 : i32 to vector<16xi32>
        %ge3A_734 = arith.cmpi sge, %select_n3A_732, %ge3A_733 : vector<16xi32>
        %select_n3A_735 = arith.select %ge3A_734, %broadcast_in_dim3A_301, %broadcast_in_dim3A_303 : vector<16xi1>, vector<16xi32>
        %add3A_736 = arith.addi %add3A_722, %select_n3A_735 : vector<16xi32>
        %get3A_737 = arith.constant 496 : index
        %get3A_738 = tpu.vector_load %arg7[%get3A_737] {strides = array<i32>} : memref<544xf32, #tpu.memory_space<vmem>>, vector<16xf32>,
        %bitcast_convert_type3A_739 = tpu.bitcast %get3A_738 : vector<16xf32> -> vector<16xi32>
        %ge3A_740 = arith.constant 0 : i32
        %ge3A_741 = vector.broadcast %ge3A_740 : i32 to vector<16xi32>
        %ge3A_742 = arith.cmpi sge, %bitcast_convert_type3A_739, %ge3A_741 : vector<16xi32>
        %xor3A_743 = arith.constant 2147483647 : i32
        %xor3A_744 = vector.broadcast %xor3A_743 : i32 to vector<16xi32>
        %xor3A_745 = arith.xori %bitcast_convert_type3A_739, %xor3A_744 : vector<16xi32>
        %select_n3A_746 = arith.select %ge3A_742, %bitcast_convert_type3A_739, %xor3A_745 : vector<16xi1>, vector<16xi32>
        %ge3A_747 = vector.broadcast %xor3A_297 : i32 to vector<16xi32>
        %ge3A_748 = arith.cmpi sge, %select_n3A_746, %ge3A_747 : vector<16xi32>
        %select_n3A_749 = arith.select %ge3A_748, %broadcast_in_dim3A_301, %broadcast_in_dim3A_303 : vector<16xi1>, vector<16xi32>
        %add3A_750 = arith.addi %add3A_736, %select_n3A_749 : vector<16xi32>
        %reduce_sum3A_751 = arith.constant true
        %reduce_sum3A_752 = vector.broadcast %reduce_sum3A_751 : i1 to vector<16xi1>
        %reduce_sum3A_753 = tpu.scan <sum>, %add3A_750 masked %reduce_sum3A_752 : vector<16xi32>, vector<16xi1> -> vector<16xi32>
        %reduce_sum3A_754 = vector.extract %reduce_sum3A_753[15] : i32 from vector<16xi32>
        %ge3A_755 = arith.constant 65 : i32
        %ge3A_756 = arith.cmpi sge, %reduce_sum3A_754, %ge3A_755 : i32
        %select_n3A_757 = arith.select %ge3A_756, %or3A, %scan3A_292 : i32
        scf.yield %select_n3A_757 : i32
      }
      %scan3A_288 = arith.constant 30 : i32
      %xor3A_289 = arith.constant -2147483648 : i32
      %xor3A_290 = arith.xori %scan3A_287, %xor3A_289 : i32
      scf.yield %xor3A_290 : i32
    } else {
      %scan3A = arith.constant 0 : i32
      %scan3A_283 = arith.constant 0 : i32
      %scan3A_284 = arith.constant 32 : i32
      %scan3A_285 = arith.addi %scan3A_283, %scan3A_284 : i32
      %scan3A_286 = arith.constant 1 : i32
      %scan3A_287 = scf.for %scan3A_291 = %scan3A_283 to %scan3A_285 step %scan3A_286 iter_args(%scan3A_292 = %scan3A) -> (i32)  : i32 {
        %sub3A_293 = arith.constant 31 : i32
        %sub3A_294 = arith.subi %sub3A_293, %scan3A_291 : i32
        %shift_left3A = arith.constant 1 : i32
        %shift_left3A_295 = arith.shli %shift_left3A, %sub3A_294 : i32
        %or3A = arith.ori %scan3A_292, %shift_left3A_295 : i32
        %xor3A_296 = arith.constant -2147483648 : i32
        %xor3A_297 = arith.xori %or3A, %xor3A_296 : i32
        %broadcast_in_dim3A_298 = arith.constant 0 : i32
        %broadcast_in_dim3A_299 = vector.broadcast %broadcast_in_dim3A_298 : i32 to vector<16xi32>
        %scan3A_300 = arith.constant 0 : i32
        %scan3A_301 = arith.constant 2048 : i32
        %scan3A_302 = arith.addi %scan3A_300, %scan3A_301 : i32
        %scan3A_303 = arith.constant 1 : i32
        %scan3A_304 = scf.for %scan3A_313 = %scan3A_300 to %scan3A_302 step %scan3A_303 iter_args(%scan3A_314 = %broadcast_in_dim3A_299) -> (vector<16xi32>)  : i32 {
          %mul3A_315 = arith.constant 16 : i32
          %mul3A_316 = arith.muli %scan3A_313, %mul3A_315 : i32
          %get3A = arith.index_cast %mul3A_316 : i32 to index
          %get3A_317 = tpu.vector_load %arg4[%get3A] {strides = array<i32>} : memref<32768xf32, #tpu.memory_space<vmem>>, vector<16xf32>,
          %bitcast_convert_type3A_318 = tpu.bitcast %get3A_317 : vector<16xf32> -> vector<16xi32>
          %ge3A_319 = arith.constant 0 : i32
          %ge3A_320 = vector.broadcast %ge3A_319 : i32 to vector<16xi32>
          %ge3A_321 = arith.cmpi sge, %bitcast_convert_type3A_318, %ge3A_320 : vector<16xi32>
          %xor3A_322 = arith.constant 2147483647 : i32
          %xor3A_323 = vector.broadcast %xor3A_322 : i32 to vector<16xi32>
          %xor3A_324 = arith.xori %bitcast_convert_type3A_318, %xor3A_323 : vector<16xi32>
          %select_n3A_325 = arith.select %ge3A_321, %bitcast_convert_type3A_318, %xor3A_324 : vector<16xi1>, vector<16xi32>
          %ge3A_326 = vector.broadcast %xor3A_297 : i32 to vector<16xi32>
          %ge3A_327 = arith.cmpi sge, %select_n3A_325, %ge3A_326 : vector<16xi32>
          %broadcast_in_dim3A_328 = arith.constant 1 : i32
          %broadcast_in_dim3A_329 = vector.broadcast %broadcast_in_dim3A_328 : i32 to vector<16xi32>
          %broadcast_in_dim3A_330 = arith.constant 0 : i32
          %broadcast_in_dim3A_331 = vector.broadcast %broadcast_in_dim3A_330 : i32 to vector<16xi32>
          %select_n3A_332 = arith.select %ge3A_327, %broadcast_in_dim3A_329, %broadcast_in_dim3A_331 : vector<16xi1>, vector<16xi32>
          %add3A_333 = arith.addi %scan3A_314, %select_n3A_332 : vector<16xi32>
          scf.yield %add3A_333 : vector<16xi32>
        }
        %scan3A_305 = arith.constant 2048 : i32
        %reduce_sum3A_306 = arith.constant true
        %reduce_sum3A_307 = vector.broadcast %reduce_sum3A_306 : i1 to vector<16xi1>
        %reduce_sum3A_308 = tpu.scan <sum>, %scan3A_304 masked %reduce_sum3A_307 : vector<16xi32>, vector<16xi1> -> vector<16xi32>
        %reduce_sum3A_309 = vector.extract %reduce_sum3A_308[15] : i32 from vector<16xi32>
        %ge3A_310 = arith.constant 65 : i32
        %ge3A_311 = arith.cmpi sge, %reduce_sum3A_309, %ge3A_310 : i32
        %select_n3A_312 = arith.select %ge3A_311, %or3A, %scan3A_292 : i32
        scf.yield %select_n3A_312 : i32
      }
      %scan3A_288 = arith.constant 32 : i32
      %xor3A_289 = arith.constant -2147483648 : i32
      %xor3A_290 = arith.xori %scan3A_287, %xor3A_289 : i32
      scf.yield %xor3A_290 : i32
    }
    %broadcast_in_dim3A_245 = vector.broadcast %cond3A_244 : i32 to vector<16xi32>
    %ge3A_246 = arith.constant 0 : i32
    %ge3A_247 = vector.broadcast %ge3A_246 : i32 to vector<16xi32>
    %ge3A_248 = arith.cmpi sge, %broadcast_in_dim3A_245, %ge3A_247 : vector<16xi32>
    %xor3A_249 = arith.constant 2147483647 : i32
    %xor3A_250 = vector.broadcast %xor3A_249 : i32 to vector<16xi32>
    %xor3A_251 = arith.xori %broadcast_in_dim3A_245, %xor3A_250 : vector<16xi32>
    %select_n3A_252 = arith.select %ge3A_248, %broadcast_in_dim3A_245, %xor3A_251 : vector<16xi1>, vector<16xi32>
    %bitcast_convert_type3A_253 = tpu.bitcast %select_n3A_252 : vector<16xi32> -> vector<16xf32>
    %parallel_loop3A_254 = arith.constant 0 : i32
    %parallel_loop3A_255 = arith.constant 2048 : i32
    %parallel_loop3A_256 = arith.constant 1 : i32
    scf.for %parallel_loop3A_283 = %parallel_loop3A_254 to %parallel_loop3A_255 step %parallel_loop3A_256  : i32 {
      %parallel_loop3A_284 = arith.constant 16 : i32
      %parallel_loop3A_285 = arith.muli %parallel_loop3A_283, %parallel_loop3A_284 : i32
      %parallel_loop3A_286 = arith.index_cast %parallel_loop3A_285 : i32 to index
      %parallel_loop3A_287 = tpu.vector_load %arg4[%parallel_loop3A_286] {strides = array<i32>} : memref<32768xf32, #tpu.memory_space<vmem>>, vector<16xf32>,
      %parallel_loop3A_288 = arith.cmpf ogt, %parallel_loop3A_287, %bitcast_convert_type3A_253 : vector<16xf32>
      %parallel_loop3A_289 = arith.constant 0.000000e+00 : f32
      %parallel_loop3A_290 = vector.broadcast %parallel_loop3A_289 : f32 to vector<16xf32>
      %parallel_loop3A_291 = arith.select %parallel_loop3A_288, %parallel_loop3A_287, %parallel_loop3A_290 : vector<16xi1>, vector<16xf32>
      %parallel_loop3A_292 = arith.constant 16 : i32
      %parallel_loop3A_293 = arith.muli %parallel_loop3A_283, %parallel_loop3A_292 : i32
      %parallel_loop3A_294 = arith.index_cast %parallel_loop3A_293 : i32 to index
      %parallel_loop3A_295 = tpu.vector_load %arg4[%parallel_loop3A_294] {strides = array<i32>} : memref<32768xf32, #tpu.memory_space<vmem>>, vector<16xf32>,
      tpu.vector_store %arg4[%parallel_loop3A_294], %parallel_loop3A_291 {strides = array<i32>} : memref<32768xf32, #tpu.memory_space<vmem>>, vector<16xf32>,
    } {sc.loop_unroll_factor = 8 : i64, sc.parallel_access}
    %add3A_257 = arith.constant 3 : i32
    %add3A_258 = arith.addi %mul3A_2, %add3A_257 : i32
    %dma_start3A_259 = arith.constant 0 : i32
    %dma_start3A_260 = tpu.memref_slice %arg3[%add3A_258, %dma_start3A_259] : memref<128x32768xf32, #tpu.memory_space<hbm>> -> memref<1x32768xf32, #tpu.memory_space<hbm>>
    %dma_start3A_261 = tpu.memref_squeeze %dma_start3A_260 : memref<1x32768xf32, #tpu.memory_space<hbm>> -> memref<32768xf32, #tpu.memory_space<hbm>>
    %dma_start3A_262 = arith.constant 0 : i32
    %dma_start3A_263 = tpu.memref_slice %arg3[%add3A_258, %dma_start3A_262] : memref<128x32768xf32, #tpu.memory_space<hbm>> -> memref<1x32768xf32, #tpu.memory_space<hbm>>
    %dma_start3A_264 = tpu.memref_squeeze %dma_start3A_263 : memref<1x32768xf32, #tpu.memory_space<hbm>> -> memref<32768xf32, #tpu.memory_space<hbm>>
    tpu.enqueue_dma source(%arg4 : memref<32768xf32, #tpu.memory_space<vmem>>) target(%dma_start3A_264 : memref<32768xf32, #tpu.memory_space<hbm>>) target_semaphore(%arg11 : memref<!tpu.dma_semaphore, #tpu.memory_space<semaphore_mem>>)
    %dma_wait3A_265 = arith.constant 0 : i32
    %dma_wait3A_266 = tpu.memref_slice %arg3[%sub3A_137, %dma_wait3A_265] : memref<128x32768xf32, #tpu.memory_space<hbm>> -> memref<1x32768xf32, #tpu.memory_space<hbm>>
    %dma_wait3A_267 = tpu.memref_squeeze %dma_wait3A_266 : memref<1x32768xf32, #tpu.memory_space<hbm>> -> memref<32768xf32, #tpu.memory_space<hbm>>
    %dma_wait3A_268 = arith.constant 0 : i32
    %dma_wait3A_269 = tpu.memref_slice %arg3[%sub3A_137, %dma_wait3A_268] : memref<128x32768xf32, #tpu.memory_space<hbm>> -> memref<1x32768xf32, #tpu.memory_space<hbm>>
    %dma_wait3A_270 = tpu.memref_squeeze %dma_wait3A_269 : memref<1x32768xf32, #tpu.memory_space<hbm>> -> memref<32768xf32, #tpu.memory_space<hbm>>
    tpu.wait_dma2 semaphore(%arg12 : memref<!tpu.dma_semaphore, #tpu.memory_space<semaphore_mem>>) src(%arg5 : memref<32768xf32, #tpu.memory_space<vmem>>) dst(%dma_wait3A_270 : memref<32768xf32, #tpu.memory_space<hbm>>)
    %dma_wait3A_271 = arith.constant 0 : i32
    %dma_wait3A_272 = tpu.memref_slice %arg3[%sub3A_211, %dma_wait3A_271] : memref<128x32768xf32, #tpu.memory_space<hbm>> -> memref<1x32768xf32, #tpu.memory_space<hbm>>
    %dma_wait3A_273 = tpu.memref_squeeze %dma_wait3A_272 : memref<1x32768xf32, #tpu.memory_space<hbm>> -> memref<32768xf32, #tpu.memory_space<hbm>>
    %dma_wait3A_274 = arith.constant 0 : i32
    %dma_wait3A_275 = tpu.memref_slice %arg3[%sub3A_211, %dma_wait3A_274] : memref<128x32768xf32, #tpu.memory_space<hbm>> -> memref<1x32768xf32, #tpu.memory_space<hbm>>
    %dma_wait3A_276 = tpu.memref_squeeze %dma_wait3A_275 : memref<1x32768xf32, #tpu.memory_space<hbm>> -> memref<32768xf32, #tpu.memory_space<hbm>>
    tpu.wait_dma2 semaphore(%arg13 : memref<!tpu.dma_semaphore, #tpu.memory_space<semaphore_mem>>) src(%arg6 : memref<32768xf32, #tpu.memory_space<vmem>>) dst(%dma_wait3A_276 : memref<32768xf32, #tpu.memory_space<hbm>>)
    %dma_wait3A_277 = arith.constant 0 : i32
    %dma_wait3A_278 = tpu.memref_slice %arg3[%add3A_258, %dma_wait3A_277] : memref<128x32768xf32, #tpu.memory_space<hbm>> -> memref<1x32768xf32, #tpu.memory_space<hbm>>
    %dma_wait3A_279 = tpu.memref_squeeze %dma_wait3A_278 : memref<1x32768xf32, #tpu.memory_space<hbm>> -> memref<32768xf32, #tpu.memory_space<hbm>>
    %dma_wait3A_280 = arith.constant 0 : i32
    %dma_wait3A_281 = tpu.memref_slice %arg3[%add3A_258, %dma_wait3A_280] : memref<128x32768xf32, #tpu.memory_space<hbm>> -> memref<1x32768xf32, #tpu.memory_space<hbm>>
    %dma_wait3A_282 = tpu.memref_squeeze %dma_wait3A_281 : memref<1x32768xf32, #tpu.memory_space<hbm>> -> memref<32768xf32, #tpu.memory_space<hbm>>
    tpu.wait_dma2 semaphore(%arg11 : memref<!tpu.dma_semaphore, #tpu.memory_space<semaphore_mem>>) src(%arg4 : memref<32768xf32, #tpu.memory_space<vmem>>) dst(%dma_wait3A_282 : memref<32768xf32, #tpu.memory_space<hbm>>)
    return
  }
}

</mosaic_0001>

<sc_bundles>
// kernel: _ksparse_sc.3.cloned.1.call-start
scs
__scs_entry_jumppad:
0x0: {  	(pc) =	sbr.rel $0x88, $3  }
0x1: {  	(tag) =	ssettag $0x0;
	lr =	simm.s32 $0x1  }
0x2: {  	[smem:$0x3FA0] =	sst lr;
	_ =	strace $0xD0000000  }
0x3: {  	_ = 	snop  }
0x4: {  	_ = 	snop  }
0x5: {  	_ = 	snop  }
0x6: {  	_ = 	snop  }
0x7: {  	_ = 	snop  }
__scs_overlays_trampoline_lowered:
0x8: {  	[smem:$0x3FAF] =	sst s0  }
0x9: {  	[smem:$0x3FB0] =	sst s1  }
0xa: {  	[smem:$0x3FB1] =	sst s2  }
0xb: {  	[smem:$0x3FB2] =	sst s3  }
0xc: {  	[smem:$0x3FB3] =	sst s4  }
0xd: {  	[smem:$0x3FB4] =	sst s5  }
0xe: {  	[smem:$0x3FB5] =	sst s6  }
0xf: {  	[smem:$0x3FB6] =	sst s7  }
0x10: {  	[smem:$0x3FB7] =	sst s8  }
0x11: {  	[smem:$0x3FB8] =	sst s9;
	s0 =	simm.s32 @!p0 $0x0  }
0x12: {  	s1 =	sld [smem:$0x3F9E];
	s0 =	simm.s32 @p0 $0x1  }
0x13: {  	[smem:$0x3FB9] =	sst s0;
	s0 =	simm.s32 @!p1 $0x0  }
0x14: {  	s2 =	sld [smem:$0x3F9D];
	s0 =	simm.s32 @p1 $0x1  }
0x15: {  	[smem:$0x3FBA] =	sst s0;
	s0 =	simm.s32 @!p2 $0x0  }
0x16: {  	s3 =	sld [smem:$0x3FDB];
	s0 =	simm.s32 @p2 $0x1  }
0x17: {  	s4 =	simm.s32 $0x1BF5;
	[smem:$0x3FBC] =	sst s0  }
0x18: {  	s0 =	sld [smem:$0x3F9F];
	_ =	swait.ge [sflag:s4], $0x0  }
0x19: {  	s7 =	sld [smem:$0x3FA0]  }
0x1a: {  	s8 =	sadd.s32 $0xFFFFE003, lr  }
0x1b: {  	s9 =	sadd.s32 $0xFFFFFEF7, lr;
	s5 =	simm.s32 $0xFFFFFFFF;
	p2 =	slt.u32 s8, $0xFFFFF086  }
0x1c: {  	p1 =	slt.u32 s9, $0xF7A;
	s5 =	simm.s32 @!p2 $0x0  }
0x1d: {  	s5 =	simm.s32 @p1 $0x1;
	p0 =	seq.s32 s7, s2  }
0x1e: {  	s7 =	smul.u32 @!p0 $0xF7A, s2;
	p2 =	seq.s32 @!p0 s5, $0x0  }
0x1f: {  	s9 =	smul.u32 $0xF7A, s1;
	s8 =	simm.s32 @!p0 $0x1BF5;
	p2 =	por !p2, p0  }
0x20: {  	[sflag:s8] =	ssyncset.s32 @!p0 $0xFFFFF086;
	s6 =	sadd.s32 @!p0 s3, s7;
	s7 =	simm.s32 @!p0 $0x108  }
0x21: {  	s3 =	sadd.s32 s3, s9;
	s6 =	sadd.s32 @!p0 $0x88, s6;
	s7 =	simm.s32 @p2 $0x1082  }
0x22: {  	[simem:s7], [sflag:s8] =	dma.local @!p0 [hbm:s6], $0xF7A  }
0x23: {  	s9 =	sor.u32 $0xD0000000, s2;
	s6 =	simm.s32 $0x108;
	_ =	swait.ge @!p0 [sflag:s8], $0x0  }
0x24: {  	s3 =	sadd.s32 $0x88, s3;
	s6 =	simm.s32 @!p1 $0x1082;
	[sflag:s4] =	ssyncset.s32 $0xFFFFF086  }
0x25: {  	[simem:s6], [sflag:s4] =	dma.local [hbm:s3], $0xF7A  }
0x26: {  	[smem:$0x3FA0] =	sst s1;
	(tag) =	ssettag s2;
	_ =	strace s9  }
0x27: {  	s1 =	sld [smem:$0x3FB0]  }
0x28: {  	s2 =	sld [smem:$0x3FB1]  }
0x29: {  	s4 =	sld [smem:$0x3FB3]  }
0x2a: {  	p0 =	seq.s32 s5, $0x0;
	s5 =	sld [smem:$0x3FB4]  }
0x2b: {  	s6 =	sld [smem:$0x3FB5]  }
0x2c: {  	s7 =	sld [smem:$0x3FB6]  }
0x2d: {  	s3 =	simm.s32 $0x108;
	s8 =	sld [smem:$0x3FB7]  }
0x2e: {  	s3 =	simm.s32 @!p0 $0x1082;
	s9 =	sld [smem:$0x3FB8]  }
0x2f: {  	lr =	sadd.s32 s0, s3;
	s0 =	sld [smem:$0x3FAF]  }
0x30: {  	s3 =	sld [smem:$0x3FB2]  }
0x31: {  	[smem:$0x3FBB] =	sst s10  }
0x32: {  	s10 =	sld [smem:$0x3FB9];
	_ =	sdelay $0x3  }
0x33: {  	p0 =	seq.s32 s10, $0x1;
	s10 =	sld [smem:$0x3FBB];
	_ =	sdelay $0x3  }
0x34: {  	[smem:$0x3FBB] =	sst s10  }
0x35: {  	s10 =	sld [smem:$0x3FBA];
	_ =	sdelay $0x3  }
0x36: {  	p1 =	seq.s32 s10, $0x1;
	s10 =	sld [smem:$0x3FBB];
	_ =	sdelay $0x3  }
0x37: {  	[smem:$0x3FBB] =	sst s10  }
0x38: {  	s10 =	sld [smem:$0x3FBC]  }
0x39: {  	_ = 	snop;
	(pc) =	sbr.ind lr, $3  }
0x3a: {  	_ = 	snop  }
0x3b: {  	_ = 	snop  }
0x3c: {  	p2 =	seq.s32 s10, $0x1;
	s10 =	sld [smem:$0x3FBB]  }
0x3d: {  	_ =	shalt  }
0x3e: {  	_ =	shalt  }
0x3f: {  	_ =	shalt  }
0x40: {  	_ =	shalt  }
0x41: {  	_ =	shalt  }
0x42: {  	_ =	shalt  }
0x43: {  	_ =	shalt  }
0x44: {  	_ =	shalt  }
0x45: {  	_ =	shalt  }
0x46: {  	_ =	shalt  }
0x47: {  	_ =	shalt  }
0x48: {  	_ =	shalt  }
0x49: {  	_ =	shalt  }
0x4a: {  	_ =	shalt  }
0x4b: {  	_ =	shalt  }
0x4c: {  	_ =	shalt  }
0x4d: {  	_ =	shalt  }
0x4e: {  	_ =	shalt  }
0x4f: {  	_ =	shalt  }
0x50: {  	_ =	shalt  }
0x51: {  	_ =	shalt  }
0x52: {  	_ =	shalt  }
0x53: {  	_ =	shalt  }
0x54: {  	_ =	shalt  }
0x55: {  	_ =	shalt  }
0x56: {  	_ =	shalt  }
0x57: {  	_ =	shalt  }
0x58: {  	_ =	shalt  }
0x59: {  	_ =	shalt  }
0x5a: {  	_ =	shalt  }
0x5b: {  	_ =	shalt  }
0x5c: {  	_ =	shalt  }
0x5d: {  	_ =	shalt  }
0x5e: {  	_ =	shalt  }
0x5f: {  	_ =	shalt  }
0x60: {  	_ =	shalt  }
0x61: {  	_ =	shalt  }
0x62: {  	_ =	shalt  }
0x63: {  	_ =	shalt  }
0x64: {  	_ =	shalt  }
0x65: {  	_ =	shalt  }
0x66: {  	_ =	shalt  }
0x67: {  	_ =	shalt  }
0x68: {  	_ =	shalt  }
0x69: {  	_ =	shalt  }
0x6a: {  	_ =	shalt  }
0x6b: {  	_ =	shalt  }
0x6c: {  	_ =	shalt  }
0x6d: {  	_ =	shalt  }
0x6e: {  	_ =	shalt  }
0x6f: {  	_ =	shalt  }
0x70: {  	_ =	shalt  }
0x71: {  	_ =	shalt  }
0x72: {  	_ =	shalt  }
0x73: {  	_ =	shalt  }
0x74: {  	_ =	shalt  }
0x75: {  	_ =	shalt  }
0x76: {  	_ =	shalt  }
0x77: {  	_ =	shalt  }
0x78: {  	_ =	shalt  }
0x79: {  	_ =	shalt  }
0x7a: {  	_ =	shalt  }
0x7b: {  	_ =	shalt  }
0x7c: {  	_ =	shalt  }
0x7d: {  	_ =	shalt  }
0x7e: {  	_ =	shalt  }
0x7f: {  	_ =	shalt  }
0x80: {  	_ =	shalt  }
0x81: {  	_ =	shalt  }
0x82: {  	_ =	shalt  }
0x83: {  	_ =	shalt  }
0x84: {  	_ =	shalt  }
0x85: {  	_ =	shalt  }
0x86: {  	_ =	shalt  }
0x87: {  	_ =	shalt  }
.Lfunc_end0:
.L_simem_size_0:
called_computation_lowered:
.L_overlay_start_0:
0x88: {  	s2 =	sld [smem:$0x3FD9]  }
0x89: {  	s3 =	sld [smem:$0x3FFE];
	_ =	sdelay $0x1  }
0x8a: {  	s1 =	srdreg.scid  }
0x8b: {  	s0 =	sand.u32 $0x1, s1  }
0x8c: {  	s18 =	sshll.u32 s0, $0xA;
	s2 =	sadd.s32 s3, s2  }
0x8d: {  	s2 =	sadd.s32 s2, s18  }
0x8e: {  	[smem:$0x3FC7] =	sst s2  }
0x8f: {  	_ = 	snop  }
0x90: {  	s2 =	sld [smem:$0x3FC9]  }
0x91: {  	s19 =	sld [smem:$0x3FD0];
	(tm) =	ssettm $0x1  }
0x92: {  	s4 =	sld [smem:$0x3FFB];
	_ =	sdelay $0x3  }
0x93: {  	_ =	strace s4  }
0x94: {  	s4 =	sld [smem:$0x3FFC];
	_ =	sdelay $0x3  }
0x95: {  	_ =	strace s4  }
0x96: {  	s4 =	sld [smem:$0x3FFD];
	_ =	sdelay $0x3  }
0x97: {  	_ =	strace s4  }
0x98: {  	_ =	strace $0x8FFFFFFF  }
0x99: {  	s20 =	sld [smem:$0x3FDB];
	_ =	sdelay $0x1  }
0x9a: {  	s5 =	simm.s32 $_scs_section_size  }
0x9b: {  	s6 =	simm.s32 $_size__tile_overlayer_lowered;
	s7 =	simm.s32 $_tile_overlayer_lowered  }
0x9c: {  	s23 =	simm.s32 $0x1BFF;
	s22 =	sshll.u32 s7, $0x1;
	s4 =	sadd.s32 s5, s20  }
0x9d: {  	s8 =	simm.s32 $0x0;
	s21 =	sshll.u32 s6, $0x1;
	s6 =	sadd.s32 s22, s4  }
0x9e: {  	[timem:s8], [sflag:s23] =	dma.local [hbm:s6], s21  }
0x9f: {  	_ =	swait.ge [sflag:s23], s21  }
0xa0: {  	s5 =	ssub.s32 $0x0, s21;
	[sflag:s23] =	ssyncset.done $0x0  }
0xa1: {  	[sflag:s23] =	ssyncadd.s32 s5;
	_ =	sdelay $0x1  }
0xa2: {  	s24 =	simm.s32 $0x1B8B  }
0xa3: {  	_ =	swait.ge [sflag:s24], $0x1  }
0xa4: {  	[sflag:s24] =	ssyncset.done $0x0  }
0xa5: {  	s25 =	simm.s32 $0x1B8E;
	[sflag:s24] =	ssyncadd.s32 $0xFFFFFFFF  }
0xa6: {  	s26 =	simm.s32 $execute0_lowered;
	[smem:$0x3FD2] =	sst s25  }
0xa7: {  	s5 =	sshll.u32 s26, $0x1;
	_ =	strace $0x80000046;
	[dreg:$0x1] =	wrdreg $0xFFFFFFFF  }
0xa8: {  	s28 =	simm.s32 $_size_execute0_lowered;
	s4 =	sadd.s32 s4, s5;
	[dreg:$0x0] =	wrdreg $0x0  }
0xa9: {  	s5 =	sshll.u32 s28, $0x1;
	[dreg:$0x2] =	wrdreg s4  }
0xaa: {  	[dreg:$0x3] =	wrdreg s5  }
0xab: {  	[dreg:$0x4] =	wrdreg $0xC0  }
0xac: {  	_ =	task [dreg:s8], $0x5FFFF  }
0xad: {  	[dreg:$0x1] =	wrdreg $0xFFFFFFFF  }
0xae: {  	[dreg:$0x0] =	wrdreg $0x60  }
0xaf: {  	[dreg:$0x2] =	wrdreg s2  }
0xb0: {  	[dreg:$0x3] =	wrdreg s19  }
0xb1: {  	[dreg:$0x4] =	wrdreg $0x9  }
0xb2: {  	_ =	task.clear_ibuf [dreg:s8], $0x5FFFF;
	_ =	strace $0x90000046  }
0xb3: {  	s29 =	simm.s32 $0x9;
	_ =	strace $0x80000048  }
0xb4: {  	_ =	swait.ge [sflag:s29], $0x1  }
0xb5: {  	[sflag:s29] =	ssyncadd.s32 $0xFFFFFFFF  }
0xb6: {  	_ =	strace $0x90000048  }
0xb7: {  	_ =	sfence  }
0xb8: {  	s30 =	sld [smem:$0x0];
	_ =	sdelay $0x2  }
0xb9: {  	s31 =	sshll.u32 s1, $0xD;
	s1 =	sshrl.u32 s1, $0x2  }
0xba: {  	s3 =	sand.u32 $0x4000, s31;
	s1 =	sadd.s32 s1, s30  }
0xbb: {  	s0 =	sor.u32 s3, s0;
	s1 =	sshll.u32 s1, $0x11  }
0xbc: {  	s0 =	sor.u32 s1, s0  }
0xbd: {  	s0 =	sadd.s32 $0x8F2B, s0  }
0xbe: {  	[sflag:s0] =	ssyncadd.remote.s32 $0x1  }
0xbf: {  	_ =	sfence.sel $0xFFFF  }
0xc0: {  	[dreg:$0x0] =	wrdreg $0xFFFFFFFF;
	(pc) =	sbr.abs _section_cstart, $3  }
0xc1: {  	[dreg:$0x1] =	wrdreg $0xFFFFFFFF  }
0xc2: {  	_ =	task.clear_ibuf [dreg:s8], $0x2FFFF;
	_ =	strace $0x9FFFFFFF  }
0xc3: {  	(tm) =	ssettm $0x7FFFFFFF  }
tec
execute0_lowered:
.L_overlay_start_1:
0x0: {  	(tag) =	ssettag $0x1  }
0x1: {  	s8 =	rddreg [dreg:$0x0]  }
0x2: {  	s10 =	rddreg [dreg:$0x1]  }
0x3: {  	s0 =	rddreg [dreg:$0x2];
	s3 =	srdreg.scid  }
0x4: {  	s2 =	simm.s32 $0x0;
	s1 =	stileid.u32;
	s14 =	simm.s32 $0x8000  }
0x5: {  	s15 =	simm.s32 $0x10000;
	s16 =	simm.s32 $0x1;
	s17 =	simm.s32 $0x18000  }
0x6: {  	s18 =	simm.s32 $0x80000000;
	s19 =	simm.s32 $0x2;
	s20 =	simm.s32 $0x3  }
0x7: {  	s21 =	simm.s32 $0x4;
	s22 =	simm.s32 $0x5;
	s23 =	simm.s32 $0x6  }
0x8: {  	s24 =	simm.s32 $0x0;
	s3 =	sand.u32 $0x1, s3;
	s5 =	sshll.u32 s1, $0xF  }
0x9: {  	[smem:$0x7FF] =	sst s2;
	s4 =	ssub.s32 $0x2, s3;
	s3 =	sshll.u32 s3, $0x6  }
0xa: {  	_ =	strace $0x80000047;
	s6 =	sshrl.u32 s4, $0x1;
	s7 =	sor.u32 s3, s5  }
0xb: {  	s11 =	ssub.s32 s4, s6;
	s9 =	sor.u32 $0x10, s7;
	s3 =	sadd.s32 s8, s7  }
0xc: {  	s12 =	sor.u32 $0x20, s7;
	s6 =	sadd.s32 s10, s7;
	s13 =	sor.u32 $0x30, s7  }
0xd: {  	s4 =	sadd.s32 s8, s9;
	s5 =	sadd.s32 s8, s12;
	s7 =	sadd.s32 s10, s9  }
0xe: {  	v0 =	vimm.f32 $-Inf;
	v3 =	vlaneseq.u32;
	s8 =	sadd.s32 s8, s13;
	s9 =	sadd.s32 s10, s12;
	s10 =	sadd.s32 s10, s13  }
0xf: {  	v2 =	vimm.s32 $0x0;
	v1 =	vor.u32 $0x200, v3;
	v3 =	vmul.u32 $0xFFFFFFFF, v3;
	s11 =	smax.u32 s11, $0x1;
	s12 =	simm.s32 $0x80;
	s13 =	simm.s32 $0x400  }
.LBB2_1:
0x10: {  	[tilespmem:s2], [sflag:$0x1] =	stream.strided.gather [hbm4b:s3+s12], $0x8000, s13, s12, $0x38;
	[tilespmem:$0x18280] =	vst v63  }
0x11: {  	_ = 	snop  }
0x12: {  	[tilespmem:s14], [sflag:$0x2] =	stream.strided.gather [hbm4b:s4+s12], $0x8000, s13, s12, $0x38;
	[tilespmem:$0x18280] =	vst v63  }
0x13: {  	_ = 	snop  }
0x14: {  	[tilespmem:s15], [sflag:$0x3] =	stream.strided.gather [hbm4b:s5+s12], $0x8000, s13, s12, $0x38;
	[tilespmem:$0x18280] =	vst v63  }
0x15: {  	_ =	swait.ge [sflag:s16], $0x8000  }
0x16: {  	[sflag:s16] =	ssyncset.done $0x0  }
0x17: {  	s26 =	simm.s32 $0x18020;
	[sflag:s16] =	ssyncadd.s32 $0xFFFF8000  }
0x18: {  	[tilespmem:s26+$0xFFFFFFE0] =	vst v0  }
0x19: {  	[tilespmem:s26+$0x10] =	vst v0  }
0x1a: {  	s28 =	simm.s32 $0x0;
	s25 =	simm.s32 $0x40;
	[tilespmem:s26+$0x0] =	vst v0  }
.LBB2_2:
0x1b: {  	s28 =	sadd.s32 $0x4, s28  }
0x1c: {  	[tilespmem:s26+$0xFFFFFFF0] =	vst v0;
	s26 =	sadd.s32 $0x40, s26;
	p0 =	slt.u32 s28, $0x1C  }
.Ltmp0:
0x1d: {  	[tilespmem:s26+$0xFFFFFFE0] =	vst v0;
	(pc) =	sbr.rel @p0 .LBB2_2-.Ltmp0, $3  }
0x1e: {  	_ =	sdelay $0x1  }
0x1f: {  	[tilespmem:s26+$0x10] =	vst v0  }
0x20: {  	[tilespmem:s26+$0x0] =	vst v0  }
0x21: {  	[tilespmem:s26+$0xFFFFFFF0] =	vst v0  }
0x22: {  	v4 =	vld [tilespmem:s25+$0x10]  }
0x23: {  	v7 =	vld [tilespmem:s25+$0xFFFFFFC0]  }
0x24: {  	v10 =	vld [tilespmem:s25+$0xFFFFFFD0]  }
0x25: {  	v13 =	vld [tilespmem:s25+$0xFFFFFFE0]  }
0x26: {  	v6 =	vld [tilespmem:s25+$0xFFFFFFF0]  }
0x27: {  	v5 =	vlaneseq.u32;
	v17 =	vld [tilespmem:s25+$0x0]  }
0x28: {  	vm0 =	vlt.s32 v5, v1  }
0x29: {  	v11 =	vsel vm0, v5, v1;
	vm3 =	vgt.f32 v4, $2.500000000e+00;
	vm2 =	vgt.f32 v7, $2.500000000e+00  }
0x2a: {  	vm4 =	vgt.f32 v10, $2.500000000e+00;
	vm5 =	vgt.f32 v13, $2.500000000e+00;
	v8 =	vsel vm2, $0x10, v2  }
0x2b: {  	vm0 =	vgt.f32 v6, $2.500000000e+00;
	v12 =	vadd.s32 v5, v8;
	v8 =	vsel vm4, $0x10, v2  }
0x2c: {  	vm14 =	vgt.f32 v17, $2.500000000e+00;
	v5 =	vld [tilespmem:s25+$0x20];
	v14 =	vadd.s32 v12, v8;
	v8 =	vsel vm5, $0x10, v2  }
0x2d: {  	v16 =	vsel vm0, $0x10, v2;
	vm6 =	vlt.s32 v14, v1;
	v15 =	vadd.s32 v14, v8  }
0x2e: {  	vm1 =	vlt.s32 v12, v1;
	v14 =	vsel vm6, v14, v1;
	v16 =	vadd.s32 v15, v16  }
0x2f: {  	v9 =	vsel vm3, $0x10, v2;
	v8 =	vld [tilespmem:s25+$0x30];
	v18 =	vsel vm1, v12, v1;
	vm1 =	vlt.s32 v16, v1  }
0x30: {  	v12 =	vsel vm14, $0x10, v2;
	vm7 =	vlt.s32 v15, v1;
	v19 =	vsel vm1, v16, v1  }
0x31: {  	v16 =	vadd.s32 v16, v12;
	v12 =	vsel vm7, v15, v1;
	vm1 =	vgt.f32 v5, $2.500000000e+00  }
0x32: {  	s25 =	simm.s32 $0xC0;
	[tilespmem:v11+s17+$0x0] =	vst.idx.msk vm2, v7;
	v15 =	vadd.s32 v16, v9;
	vm15 =	vlt.s32 v16, v1;
	v7 =	vsel vm1, $0x10, v2  }
0x33: {  	v9 =	vld [tilespmem:s25+$0x10];
	vm8 =	vlt.s32 v15, v1;
	[tilespmem:v14+s17+$0x0] =	vst.idx.msk vm5, v13;
	v13 =	vadd.s32 v15, v7  }
0x34: {  	v11 =	vld [tilespmem:s25+$0xFFFFFFC0];
	vm2 =	vgt.f32 v8, $2.500000000e+00;
	v15 =	vsel vm8, v15, v1;
	vm5 =	vlt.s32 v13, v1  }
0x35: {  	vm3 =	vmmov vm3;
	v7 =	vld [tilespmem:s25+$0xFFFFFFD0];
	v14 =	vsel vm15, v16, v1;
	v16 =	vsel vm5, v13, v1  }
0x36: {  	[tilespmem:v18+s17+$0x0] =	vst.idx.msk vm4, v10;
	v10 =	vld [tilespmem:s25+$0xFFFFFFE0];
	v20 =	vsel vm2, $0x10, v2  }
0x37: {  	s26 =	simm.s32 $0x8;
	[tilespmem:v19+s17+$0x0] =	vst.idx.msk vm14, v17;
	v17 =	vadd.s32 v13, v20;
	v13 =	vld [tilespmem:s25+$0xFFFFFFF0]  }
.LBB2_4:
0x38: {  	s26 =	sadd.s32 $0x8, s26;
	vm4 =	vgt.f32 v9, $2.500000000e+00;
	[tilespmem:v12+s17+$0x0] =	vst.idx.msk vm0, v6  }
0x39: {  	vm0 =	vlt.s32 v17, v1;
	p0 =	slt.u32 s26, $0x7F8;
	vm6 =	vgt.f32 v11, $2.500000000e+00;
	v18 =	vld [tilespmem:s25+$0x0];
	v19 =	vsel vm4, $0x10, v2;
	[tilespmem:v15+s17+$0x0] =	vst.idx.msk vm1, v5  }
0x3a: {  	v12 =	vsel vm0, v17, v1;
	v5 =	vsel vm6, $0x10, v2;
	vm5 =	vgt.f32 v7, $2.500000000e+00;
	[tilespmem:v16+s17+$0x0] =	vst.idx.msk vm2, v8  }
0x3b: {  	v15 =	vadd.s32 v17, v5;
	v16 =	vsel vm5, $0x10, v2;
	vm2 =	vgt.f32 v10, $2.500000000e+00;
	v5 =	vld [tilespmem:s25+$0x20];
	[tilespmem:v14+s17+$0x0] =	vst.idx.msk vm3, v4;
	v4 =	vmovc v9  }
0x3c: {  	vm1 =	vlt.s32 v15, v1;
	v9 =	vadd.s32 v15, v16;
	v8 =	vsel vm2, $0x10, v2;
	v6 =	vmovc v13  }
0x3d: {  	vm3 =	vlt.s32 v9, v1;
	v13 =	vadd.s32 v9, v8;
	vm0 =	vgt.f32 v6, $2.500000000e+00;
	v8 =	vld [tilespmem:s25+$0x30]  }
0x3e: {  	v14 =	vsel vm3, v9, v1;
	vm3 =	vlt.s32 v13, v1;
	v9 =	vsel vm0, $0x10, v2  }
0x3f: {  	[tilespmem:v12+s17+$0x0] =	vst.idx.msk vm6, v11;
	v12 =	vsel vm3, v13, v1;
	v9 =	vadd.s32 v13, v9;
	vm6 =	vgt.f32 v18, $2.500000000e+00  }
0x40: {  	v13 =	vsel vm1, v15, v1;
	vm1 =	vlt.s32 v9, v1;
	v11 =	vsel vm6, $0x10, v2  }
0x41: {  	v17 =	vsel vm1, v9, v1;
	v16 =	vadd.s32 v9, v11;
	vm1 =	vgt.f32 v5, $2.500000000e+00  }
0x42: {  	s25 =	sadd.s32 $0x80, s25;
	vm3 =	vlt.s32 v16, v1;
	v15 =	vadd.s32 v16, v19;
	v11 =	vsel vm1, $0x10, v2  }
.Ltmp1:
0x43: {  	v9 =	vld [tilespmem:s25+$0x10];
	[tilespmem:v14+s17+$0x0] =	vst.idx.msk vm2, v10;
	vm7 =	vlt.s32 v15, v1;
	v19 =	vadd.s32 v15, v11;
	vm2 =	vgt.f32 v8, $2.500000000e+00;
	(pc) =	sbr.rel @p0 .LBB2_4-.Ltmp1, $4  }
0x44: {  	v11 =	vld [tilespmem:s25+$0xFFFFFFC0];
	v15 =	vsel vm7, v15, v1;
	vm7 =	vlt.s32 v19, v1;
	v20 =	vsel vm2, $0x10, v2  }
0x45: {  	v14 =	vsel vm3, v16, v1;
	vm3 =	vmmov vm4;
	[tilespmem:v13+s17+$0x0] =	vst.idx.msk vm5, v7;
	v7 =	vld [tilespmem:s25+$0xFFFFFFD0];
	v16 =	vsel vm7, v19, v1  }
0x46: {  	v10 =	vld [tilespmem:s25+$0xFFFFFFE0];
	[tilespmem:v17+s17+$0x0] =	vst.idx.msk vm6, v18;
	v17 =	vadd.s32 v19, v20  }
0x47: {  	v13 =	vld [tilespmem:s25+$0xFFFFFFF0]  }
0x48: {  	v18 =	vld [tilespmem:s25+$0x0]  }
0x49: {  	vm6 =	vgt.f32 v11, $2.500000000e+00  }
0x4a: {  	v20 =	vld [tilespmem:s25+$0x20];
	v19 =	vsel vm6, $0x10, v2;
	vm4 =	vgt.f32 v7, $2.500000000e+00  }
0x4b: {  	v22 =	vld [tilespmem:s25+$0x30];
	v19 =	vadd.s32 v17, v19;
	v21 =	vsel vm4, $0x10, v2;
	vm7 =	vgt.f32 v10, $2.500000000e+00  }
0x4c: {  	v21 =	vadd.s32 v19, v21;
	v23 =	vsel vm7, $0x10, v2;
	vm5 =	vgt.f32 v13, $2.500000000e+00  }
0x4d: {  	v23 =	vadd.s32 v21, v23;
	v24 =	vsel vm5, $0x10, v2;
	vm8 =	vgt.f32 v18, $2.500000000e+00  }
0x4e: {  	vm11 =	vgt.f32 v9, $2.500000000e+00;
	v24 =	vadd.s32 v23, v24;
	v25 =	vsel vm8, $0x10, v2  }
0x4f: {  	v26 =	vsel vm11, $0x10, v2;
	vm9 =	vgt.f32 v20, $2.500000000e+00;
	v25 =	vadd.s32 v24, v25  }
0x50: {  	vm10 =	vgt.f32 v22, $2.500000000e+00;
	v27 =	vsel vm9, $0x10, v2;
	v26 =	vadd.s32 v25, v26  }
0x51: {  	v28 =	vsel vm10, $0x10, v2;
	v27 =	vadd.s32 v26, v27  }
0x52: {  	v28 =	vadd.s32 v27, v28  }
0x53: {  	v28 =	vadd.s32 v3, v28  }
0x54: {  	v28 =	vshra.s32 v28, $0x4  }
0x55: {  	(xrf0) =	vadd.scan.msk.s32 $0xffff, v28;
	v28 =	vxor.u32 $0x80000000, v28  }
0x56: {  	(xrf0) =	vmax.scan.msk.u32 $0xffff, v28;
	_ =	sdelay $0x4  }
0x57: {  	v58, _, _ =	vpop (xrf0)  }
0x58: {  	(v2sf) =	vpush v58, $0xF;
	v59, _, _ =	vpop (xrf0)  }
0x59: {  	(v2sf) =	vpush v59, $0xF;
	_ =	sdelay $0x8  }
0x5a: {  	vm12 =	vlt.s32 v17, v1  }
0x5b: {  	v17 =	vsel vm12, v17, v1;
	vm13 =	vlt.s32 v19, v1  }
0x5c: {  	[tilespmem:v15+s17+$0x0] =	vst.idx.msk vm1, v5;
	vm12 =	vlt.s32 v21, v1;
	v5 =	vsel vm13, v19, v1  }
0x5d: {  	[tilespmem:v12+s17+$0x0] =	vst.idx.msk vm0, v6;
	v60 =	vsel vm12, v21, v1;
	vm15 =	vlt.s32 v23, v1  }
0x5e: {  	[tilespmem:v14+s17+$0x0] =	vst.idx.msk vm3, v4;
	vm14 =	vlt.s32 v24, v1;
	v4 =	vsel vm15, v23, v1  }
0x5f: {  	[tilespmem:v16+s17+$0x0] =	vst.idx.msk vm2, v8;
	v61 =	vsel vm14, v24, v1;
	vm12 =	vlt.s32 v26, v1;
	s31 =	spop (v2sf)  }
0x60: {  	[tilespmem:v17+s17+$0x0] =	vst.idx.msk vm6, v11;
	vm14 =	vlt.s32 v25, v1;
	v62 =	vsel vm12, v26, v1;
	s26 =	spop (v2sf);
	p0 =	slt.s32 s31, $0x41  }
0x61: {  	vm13 =	vlt.s32 v27, v1;
	[tilespmem:v5+s17+$0x0] =	vst.idx.msk vm4, v7;
	v5 =	vsel vm14, v25, v1;
	p1 =	sgt.u32 @!p0 s26, $0x80000020  }
0x62: {  	[tilespmem:v60+s17+$0x0] =	vst.idx.msk vm7, v10;
	v63 =	vsel vm13, v27, v1;
	p1 =	por p0, p1  }
.Ltmp2:
0x63: {  	[tilespmem:v4+s17+$0x0] =	vst.idx.msk vm5, v13;
	(pc) =	sbr.rel @p1 .LBB2_6-.Ltmp2, $4  }
0x64: {  	[tilespmem:v61+s17+$0x0] =	vst.idx.msk vm8, v18  }
0x65: {  	[tilespmem:v62+s17+$0x0] =	vst.idx.msk vm9, v20  }
0x66: {  	[tilespmem:v5+s17+$0x0] =	vst.idx.msk vm11, v9  }
0x67: {  	vm15 =	vmmov vm11;
	[tilespmem:v63+s17+$0x0] =	vst.idx.msk vm10, v22  }
0x68: {  	v4 =	vld [tilespmem:$0x18000]  }
0x69: {  	v5 =	vld [tilespmem:$0x18010]  }
0x6a: {  	v6 =	vld [tilespmem:$0x18020]  }
0x6b: {  	v7 =	vld [tilespmem:$0x18030]  }
0x6c: {  	v8 =	vld [tilespmem:$0x18040]  }
0x6d: {  	v10 =	vld [tilespmem:$0x18050]  }
0x6e: {  	v13 =	vld [tilespmem:$0x18060]  }
0x6f: {  	v14 =	vld [tilespmem:$0x18080]  }
0x70: {  	v16 =	vld [tilespmem:$0x18090]  }
0x71: {  	v17 =	vld [tilespmem:$0x180A0]  }
0x72: {  	v18 =	vld [tilespmem:$0x180B0]  }
0x73: {  	v20 =	vld [tilespmem:$0x180C0]  }
0x74: {  	v21 =	vld [tilespmem:$0x180E0];
	v9 =	vxor.u32 $0x7FFFFFFF, v4;
	vm0 =	vlt.s32 v4, $0x0;
	v11 =	vxor.u32 $0x7FFFFFFF, v5  }
0x75: {  	v23 =	vld [tilespmem:$0x180F0];
	vm1 =	vlt.s32 v5, $0x0;
	vm11 =	vlt.s32 v6, $0x0;
	v12 =	vxor.u32 $0x7FFFFFFF, v7  }
0x76: {  	v32 =	vld [tilespmem:$0x18190];
	vm12 =	vlt.s32 v7, $0x0;
	v15 =	vxor.u32 $0x7FFFFFFF, v8;
	vm2 =	vlt.s32 v8, $0x0  }
0x77: {  	v25 =	vld [tilespmem:$0x18120];
	vm13 =	vlt.s32 v10, $0x0;
	vm14 =	vlt.s32 v13, $0x0;
	vm4 =	vlt.s32 v14, $0x0  }
0x78: {  	v35 =	vld [tilespmem:$0x181B0];
	vm5 =	vlt.s32 v16, $0x0;
	v22 =	vxor.u32 $0x7FFFFFFF, v17;
	vm6 =	vlt.s32 v17, $0x0  }
0x79: {  	v36 =	vld [tilespmem:$0x181D0];
	vm7 =	vlt.s32 v18, $0x0;
	vm8 =	vlt.s32 v20, $0x0;
	vm10 =	vlt.s32 v21, $0x0  }
0x7a: {  	v4 =	vsel vm0, v9, v4;
	v5 =	vsel vm1, v11, v5;
	v11 =	vld [tilespmem:$0x18070];
	v9 =	vxor.u32 $0x7FFFFFFF, v6  }
0x7b: {  	v38 =	vld [tilespmem:$0x181E0];
	v37 =	vxor.u32 $0x7FFFFFFF, v32;
	v7 =	vsel vm12, v12, v7;
	v9 =	vsel vm11, v9, v6  }
0x7c: {  	v26 =	vld [tilespmem:$0x18140];
	v6 =	vsel vm2, v15, v8;
	v8 =	vxor.u32 $0x7FFFFFFF, v10;
	v15 =	vxor.u32 $0x7FFFFFFF, v13  }
0x7d: {  	v28 =	vld [tilespmem:$0x18150];
	v12 =	vsel vm13, v8, v10;
	v10 =	vsel vm14, v15, v13;
	v13 =	vxor.u32 $0x7FFFFFFF, v16  }
0x7e: {  	v31 =	vld [tilespmem:$0x18180];
	v60 =	vxor.u32 $0x7FFFFFFF, v35;
	v13 =	vsel vm5, v13, v16;
	v16 =	vxor.u32 $0x7FFFFFFF, v20  }
0x7f: {  	v16 =	vsel vm8, v16, v20;
	v20 =	vld [tilespmem:$0x18130];
	v19 =	vxor.u32 $0x7FFFFFFF, v11;
	vm15 =	vlt.s32 v11, $0x0  }
0x80: {  	v62 =	vxor.u32 $0x7FFFFFFF, v36;
	v63 =	vxor.u32 $0x7FFFFFFF, v38;
	v8 =	vsel vm15, v19, v11;
	v19 =	vld [tilespmem:$0x180D0]  }
0x81: {  	vm11 =	vlt.s32 v23, $0x0;
	vm14 =	vlt.s32 v25, $0x0;
	v11 =	vxor.u32 $0x7FFFFFFF, v14  }
0x82: {  	vm5 =	vlt.s32 v28, $0x0;
	v15 =	vsel vm4, v11, v14;
	v11 =	vsel vm6, v22, v17;
	v17 =	vld [tilespmem:$0x18100]  }
0x83: {  	vm8 =	vlt.s32 v31, $0x0;
	v14 =	vxor.u32 $0x7FFFFFFF, v18;
	v22 =	vld [tilespmem:$0x18110];
	vm4 =	vlt.s32 v26, $0x0  }
0x84: {  	v18 =	vsel vm7, v14, v18;
	v30 =	vxor.u32 $0x7FFFFFFF, v20;
	vm15 =	vlt.s32 v20, $0x0  }
0x85: {  	v20 =	vsel vm15, v30, v20;
	v24 =	vxor.u32 $0x7FFFFFFF, v19;
	vm9 =	vlt.s32 v19, $0x0  }
0x86: {  	v29 =	vld [tilespmem:$0x18170];
	v14 =	vsel vm9, v24, v19;
	v19 =	vxor.u32 $0x7FFFFFFF, v21;
	v24 =	vxor.u32 $0x7FFFFFFF, v23  }
0x87: {  	v30 =	vxor.u32 $0x7FFFFFFF, v28;
	v21 =	vsel vm10, v19, v21;
	v19 =	vsel vm11, v24, v23;
	v23 =	vld [tilespmem:$0x18160]  }
0x88: {  	v27 =	vxor.u32 $0x7FFFFFFF, v17;
	vm12 =	vlt.s32 v17, $0x0;
	vm13 =	vlt.s32 v22, $0x0  }
0x89: {  	v34 =	vld [tilespmem:$0x181A0];
	v17 =	vsel vm12, v27, v17;
	v24 =	vxor.u32 $0x7FFFFFFF, v22;
	v27 =	vxor.u32 $0x7FFFFFFF, v25  }
0x8a: {  	v24 =	vsel vm13, v24, v22;
	v22 =	vsel vm14, v27, v25;
	v25 =	vxor.u32 $0x7FFFFFFF, v26  }
0x8b: {  	vm7 =	vlt.s32 v29, $0x0;
	v27 =	vsel vm4, v25, v26;
	v25 =	vsel vm5, v30, v28  }
0x8c: {  	v28 =	vld [tilespmem:$0x181C0];
	v26 =	vxor.u32 $0x7FFFFFFF, v29;
	v33 =	vxor.u32 $0x7FFFFFFF, v23;
	vm6 =	vlt.s32 v23, $0x0  }
0x8d: {  	vm9 =	vlt.s32 v32, $0x0;
	v23 =	vsel vm6, v33, v23;
	v33 =	vsel vm7, v26, v29;
	v29 =	vld [tilespmem:$0x181F0]  }
0x8e: {  	vm10 =	vlt.s32 v34, $0x0;
	vm11 =	vlt.s32 v35, $0x0;
	v30 =	vxor.u32 $0x7FFFFFFF, v31  }
0x8f: {  	vm13 =	vlt.s32 v36, $0x0;
	v30 =	vsel vm8, v30, v31;
	v31 =	vxor.u32 $0x7FFFFFFF, v34  }
0x90: {  	vm14 =	vlt.s32 v38, $0x0;
	v34 =	vsel vm10, v31, v34;
	v31 =	vsel vm11, v60, v35  }
0x91: {  	v35 =	vsel vm13, v62, v36;
	v26 =	vsel vm9, v37, v32;
	v61 =	vxor.u32 $0x7FFFFFFF, v28  }
0x92: {  	vm12 =	vlt.s32 v28, $0x0;
	v39 =	vxor.u32 $0x7FFFFFFF, v29;
	vm15 =	vlt.s32 v29, $0x0  }
0x93: {  	s25 =	simm.s32 $0xC0000000;
	s29 =	simm.s32 $0x20000000;
	s26 =	simm.s32 $0x3;
	v32 =	vsel vm14, v63, v38;
	v28 =	vsel vm12, v61, v28;
	v29 =	vsel vm15, v39, v29  }
.LBB2_11:
0x94: {  	p0 =	seq.s32 s26, $0x1F;
	s28 =	sor.u32 s29, s25  }
0x95: {  	s29 =	sxor.u32 $0x80000000, s28  }
0x96: {  	vm0 =	vge.s32 v4, s29;
	vm1 =	vge.s32 v5, s29  }
0x97: {  	v36 =	vsel vm0, $0x1, v2;
	v37 =	vsel vm1, $0x1, v2;
	vm0 =	vge.s32 v9, s29  }
0x98: {  	v36 =	vadd.s32 v36, v37;
	v37 =	vsel vm0, $0x1, v2;
	vm0 =	vge.s32 v7, s29  }
0x99: {  	v36 =	vadd.s32 v37, v36;
	v37 =	vsel vm0, $0x1, v2;
	vm0 =	vge.s32 v6, s29  }
0x9a: {  	v36 =	vadd.s32 v37, v36;
	v37 =	vsel vm0, $0x1, v2;
	vm0 =	vge.s32 v12, s29  }
0x9b: {  	v36 =	vadd.s32 v37, v36;
	v37 =	vsel vm0, $0x1, v2;
	vm0 =	vge.s32 v10, s29  }
0x9c: {  	v36 =	vadd.s32 v37, v36;
	v37 =	vsel vm0, $0x1, v2;
	vm0 =	vge.s32 v8, s29  }
0x9d: {  	v36 =	vadd.s32 v37, v36;
	v37 =	vsel vm0, $0x1, v2;
	vm0 =	vge.s32 v15, s29  }
0x9e: {  	v36 =	vadd.s32 v37, v36;
	v37 =	vsel vm0, $0x1, v2;
	vm0 =	vge.s32 v13, s29  }
0x9f: {  	v36 =	vadd.s32 v37, v36;
	v37 =	vsel vm0, $0x1, v2;
	vm0 =	vge.s32 v11, s29  }
0xa0: {  	v36 =	vadd.s32 v37, v36;
	v37 =	vsel vm0, $0x1, v2;
	vm0 =	vge.s32 v18, s29  }
0xa1: {  	v36 =	vadd.s32 v37, v36;
	v37 =	vsel vm0, $0x1, v2;
	vm0 =	vge.s32 v16, s29  }
0xa2: {  	v36 =	vadd.s32 v37, v36;
	v37 =	vsel vm0, $0x1, v2;
	vm0 =	vge.s32 v14, s29  }
0xa3: {  	v36 =	vadd.s32 v37, v36;
	v37 =	vsel vm0, $0x1, v2;
	vm0 =	vge.s32 v21, s29  }
0xa4: {  	v36 =	vadd.s32 v37, v36;
	v37 =	vsel vm0, $0x1, v2;
	vm0 =	vge.s32 v19, s29  }
0xa5: {  	v36 =	vadd.s32 v37, v36;
	v37 =	vsel vm0, $0x1, v2;
	vm0 =	vge.s32 v17, s29  }
0xa6: {  	v36 =	vadd.s32 v37, v36;
	v37 =	vsel vm0, $0x1, v2;
	vm0 =	vge.s32 v24, s29  }
0xa7: {  	v36 =	vadd.s32 v37, v36;
	v37 =	vsel vm0, $0x1, v2;
	vm0 =	vge.s32 v22, s29  }
0xa8: {  	v36 =	vadd.s32 v37, v36;
	v37 =	vsel vm0, $0x1, v2;
	vm0 =	vge.s32 v20, s29  }
0xa9: {  	v36 =	vadd.s32 v37, v36;
	v37 =	vsel vm0, $0x1, v2;
	vm0 =	vge.s32 v27, s29  }
0xaa: {  	v36 =	vadd.s32 v37, v36;
	v37 =	vsel vm0, $0x1, v2;
	vm0 =	vge.s32 v25, s29  }
0xab: {  	v36 =	vadd.s32 v37, v36;
	v37 =	vsel vm0, $0x1, v2;
	vm0 =	vge.s32 v23, s29  }
0xac: {  	v36 =	vadd.s32 v37, v36;
	v37 =	vsel vm0, $0x1, v2;
	vm0 =	vge.s32 v33, s29  }
0xad: {  	v36 =	vadd.s32 v37, v36;
	v37 =	vsel vm0, $0x1, v2;
	vm0 =	vge.s32 v30, s29  }
0xae: {  	v36 =	vadd.s32 v37, v36;
	v37 =	vsel vm0, $0x1, v2;
	vm0 =	vge.s32 v26, s29  }
0xaf: {  	v36 =	vadd.s32 v37, v36;
	v37 =	vsel vm0, $0x1, v2;
	vm0 =	vge.s32 v34, s29  }
0xb0: {  	v36 =	vadd.s32 v37, v36;
	v37 =	vsel vm0, $0x1, v2;
	vm0 =	vge.s32 v31, s29  }
0xb1: {  	v36 =	vadd.s32 v37, v36;
	v37 =	vsel vm0, $0x1, v2;
	vm0 =	vge.s32 v28, s29  }
0xb2: {  	v36 =	vadd.s32 v37, v36;
	v37 =	vsel vm0, $0x1, v2;
	vm0 =	vge.s32 v35, s29  }
0xb3: {  	v36 =	vadd.s32 v37, v36;
	v37 =	vsel vm0, $0x1, v2;
	vm0 =	vge.s32 v32, s29  }
0xb4: {  	v36 =	vadd.s32 v37, v36;
	v37 =	vsel vm0, $0x1, v2;
	vm0 =	vge.s32 v29, s29  }
0xb5: {  	v36 =	vadd.s32 v37, v36;
	v37 =	vsel vm0, $0x1, v2  }
0xb6: {  	v36 =	vadd.s32 v37, v36  }
0xb7: {  	(xrf0) =	vadd.scan.msk.s32 $0xffff, v36;
	_ =	sdelay $0x5  }
0xb8: {  	v36, _, _ =	vpop (xrf0)  }
0xb9: {  	(v2sf) =	vpush v36, $0xF;
	_ =	sdelay $0xc  }
.Ltmp3:
0xba: {  	(pc) =	sbr.rel @!p0 .LBB2_11-.Ltmp3, $4  }
0xbb: {  	_ = 	snop  }
0xbc: {  	s29 =	spop (v2sf)  }
0xbd: {  	p1 =	sgt.s32 s29, $0x40  }
0xbe: {  	s29 =	sshrl.u32 s18, s26;
	s26 =	sadd.s32 $0x1, s26;
	s25 =	smov.u32 @p1 s28  }
0xbf: {  	s26 =	sor.u32 s29, s25  }
0xc0: {  	s28 =	sxor.u32 $0x80000000, s26  }
0xc1: {  	vm0 =	vge.s32 v4, s28;
	vm1 =	vge.s32 v5, s28  }
0xc2: {  	vm10 =	vge.s32 v9, s28;
	v4 =	vsel vm0, $0x1, v2;
	v5 =	vsel vm1, $0x1, v2  }
0xc3: {  	vm11 =	vge.s32 v7, s28;
	v4 =	vadd.s32 v4, v5;
	v5 =	vsel vm10, $0x1, v2  }
0xc4: {  	vm12 =	vge.s32 v6, s28;
	v4 =	vadd.s32 v5, v4;
	v5 =	vsel vm11, $0x1, v2  }
0xc5: {  	vm13 =	vge.s32 v12, s28;
	v4 =	vadd.s32 v5, v4;
	v5 =	vsel vm12, $0x1, v2  }
0xc6: {  	vm14 =	vge.s32 v10, s28;
	v4 =	vadd.s32 v5, v4;
	v5 =	vsel vm13, $0x1, v2  }
0xc7: {  	vm15 =	vge.s32 v8, s28;
	v4 =	vadd.s32 v5, v4;
	v5 =	vsel vm14, $0x1, v2  }
0xc8: {  	vm4 =	vge.s32 v15, s28;
	v4 =	vadd.s32 v5, v4;
	v5 =	vsel vm15, $0x1, v2  }
0xc9: {  	vm5 =	vge.s32 v13, s28;
	v4 =	vadd.s32 v5, v4;
	v5 =	vsel vm4, $0x1, v2  }
0xca: {  	vm6 =	vge.s32 v11, s28;
	v4 =	vadd.s32 v5, v4;
	v5 =	vsel vm5, $0x1, v2  }
0xcb: {  	vm7 =	vge.s32 v18, s28;
	v4 =	vadd.s32 v5, v4;
	v5 =	vsel vm6, $0x1, v2  }
0xcc: {  	vm8 =	vge.s32 v16, s28;
	v4 =	vadd.s32 v5, v4;
	v5 =	vsel vm7, $0x1, v2  }
0xcd: {  	vm9 =	vge.s32 v14, s28;
	v4 =	vadd.s32 v5, v4;
	v5 =	vsel vm8, $0x1, v2  }
0xce: {  	vm10 =	vge.s32 v21, s28;
	v4 =	vadd.s32 v5, v4;
	v5 =	vsel vm9, $0x1, v2  }
0xcf: {  	vm11 =	vge.s32 v19, s28;
	v4 =	vadd.s32 v5, v4;
	v5 =	vsel vm10, $0x1, v2  }
0xd0: {  	vm12 =	vge.s32 v17, s28;
	v4 =	vadd.s32 v5, v4;
	v5 =	vsel vm11, $0x1, v2  }
0xd1: {  	vm13 =	vge.s32 v24, s28;
	v4 =	vadd.s32 v5, v4;
	v5 =	vsel vm12, $0x1, v2  }
0xd2: {  	vm14 =	vge.s32 v22, s28;
	v4 =	vadd.s32 v5, v4;
	v5 =	vsel vm13, $0x1, v2  }
0xd3: {  	vm15 =	vge.s32 v20, s28;
	v4 =	vadd.s32 v5, v4;
	v5 =	vsel vm14, $0x1, v2  }
0xd4: {  	vm4 =	vge.s32 v27, s28;
	v4 =	vadd.s32 v5, v4;
	v5 =	vsel vm15, $0x1, v2  }
0xd5: {  	vm5 =	vge.s32 v25, s28;
	v4 =	vadd.s32 v5, v4;
	v5 =	vsel vm4, $0x1, v2  }
0xd6: {  	vm6 =	vge.s32 v23, s28;
	v4 =	vadd.s32 v5, v4;
	v5 =	vsel vm5, $0x1, v2  }
0xd7: {  	vm7 =	vge.s32 v33, s28;
	v4 =	vadd.s32 v5, v4;
	v5 =	vsel vm6, $0x1, v2  }
0xd8: {  	vm8 =	vge.s32 v30, s28;
	v4 =	vadd.s32 v5, v4;
	v5 =	vsel vm7, $0x1, v2  }
0xd9: {  	vm9 =	vge.s32 v26, s28;
	v4 =	vadd.s32 v5, v4;
	v5 =	vsel vm8, $0x1, v2  }
0xda: {  	vm10 =	vge.s32 v34, s28;
	v4 =	vadd.s32 v5, v4;
	v5 =	vsel vm9, $0x1, v2  }
0xdb: {  	vm11 =	vge.s32 v31, s28;
	v4 =	vadd.s32 v5, v4;
	v5 =	vsel vm10, $0x1, v2  }
0xdc: {  	vm12 =	vge.s32 v28, s28;
	v4 =	vadd.s32 v5, v4;
	v5 =	vsel vm11, $0x1, v2  }
0xdd: {  	vm13 =	vge.s32 v35, s28;
	v4 =	vadd.s32 v5, v4;
	v5 =	vsel vm12, $0x1, v2  }
0xde: {  	vm14 =	vge.s32 v32, s28;
	v4 =	vadd.s32 v5, v4;
	v5 =	vsel vm13, $0x1, v2  }
0xdf: {  	vm15 =	vge.s32 v29, s28;
	v4 =	vadd.s32 v5, v4;
	v5 =	vsel vm14, $0x1, v2  }
0xe0: {  	v4 =	vadd.s32 v5, v4;
	v5 =	vsel vm15, $0x1, v2  }
0xe1: {  	v4 =	vadd.s32 v5, v4  }
0xe2: {  	(xrf0) =	vadd.scan.msk.s32 $0xffff, v4;
	_ =	sdelay $0x5  }
0xe3: {  	v4, _, _ =	vpop (xrf0)  }
0xe4: {  	(v2sf) =	vpush v4, $0xF;
	_ =	sdelay $0xc  }
.Ltmp4:
0xe5: {  	_ = 	snop;
	(pc) =	sbr.rel .LBB2_13-.Ltmp4, $4  }
0xe6: {  	_ = 	snop  }
0xe7: {  	s31 =	spop (v2sf)  }
0xe8: {  	p0 =	sgt.s32 s31, $0x40  }
0xe9: {  	s25 =	smov.u32 @p0 s26  }
.LBB2_6:
0xea: {  	s25 =	simm.s32 $0x0;
	s26 =	simm.s32 $0x0  }
0xeb: {  	s25 =	simm.s32 @p0 $0x0;
	s26 =	simm.s32 @p0 $0x0  }
.LBB2_7:
0xec: {  	s30 =	simm.s32 $0x0  }
0xed: {  	s28 =	sshrl.u32 s18, s26;
	v6 =	vld [tilespmem:s30+$0x0]  }
0xee: {  	s28 =	sor.u32 s28, s25  }
0xef: {  	s29 =	sxor.u32 $0x80000000, s28  }
0xf0: {  	v4 =	vimm.s32 $0x0;
	v5 =	vmov s29;
	s29 =	simm.s32 $0x40  }
.LBB2_8:
0xf1: {  	p0 =	sne.s32 s29, $0x1FFC0  }
.Ltmp5:
0xf2: {  	s30 =	sshra.s32 s29, $0x2;
	s29 =	sadd.s32 $0x40, s29;
	v7 =	vxor.u32 $0x7FFFFFFF, v6;
	vm0 =	vlt.s32 v6, $0x0;
	(pc) =	sbr.rel @p0 .LBB2_8-.Ltmp5, $4  }
0xf3: {  	v7 =	vsel vm0, v7, v6;
	v6 =	vld [tilespmem:s30+$0x0]  }
0xf4: {  	vm0 =	vge.s32 v7, v5  }
0xf5: {  	v7 =	vsel vm0, $0x1, v2  }
0xf6: {  	v4 =	vadd.s32 v7, v4  }
0xf7: {  	_ = 	snop  }
0xf8: {  	v7 =	vxor.u32 $0x7FFFFFFF, v6;
	vm0 =	vlt.s32 v6, $0x0  }
0xf9: {  	v6 =	vsel vm0, v7, v6  }
0xfa: {  	vm0 =	vge.s32 v6, v5  }
0xfb: {  	v5 =	vsel vm0, $0x1, v2  }
0xfc: {  	v4 =	vadd.s32 v5, v4  }
0xfd: {  	(xrf0) =	vadd.scan.msk.s32 $0xffff, v4;
	_ =	sdelay $0x5  }
0xfe: {  	v4, _, _ =	vpop (xrf0)  }
0xff: {  	(v2sf) =	vpush v4, $0xF;
	_ =	sdelay $0xa  }
0x100: {  	s26 =	sadd.s32 $0x1, s26  }
0x101: {  	p1 =	sne.s32 s26, $0x20  }
.Ltmp6:
0x102: {  	_ = 	snop;
	(pc) =	sbr.rel @p1 .LBB2_7-.Ltmp6, $4  }
0x103: {  	_ = 	snop  }
0x104: {  	s29 =	spop (v2sf)  }
0x105: {  	p0 =	sgt.s32 s29, $0x40  }
0x106: {  	s25 =	smov.u32 @p0 s28  }
.LBB2_13:
0x107: {  	_ =	swait.ge [sflag:s19], $0x8000  }
0x108: {  	[sflag:s19] =	ssyncset.done $0x0  }
0x109: {  	s26 =	simm.s32 $0x18020;
	[sflag:s19] =	ssyncadd.s32 $0xFFFF8000  }
0x10a: {  	[tilespmem:s26+$0xFFFFFFE0] =	vst v0  }
0x10b: {  	[tilespmem:s26+$0x10] =	vst v0  }
0x10c: {  	s28 =	simm.s32 $0x0;
	[tilespmem:s26+$0x0] =	vst v0  }
.LBB2_14:
0x10d: {  	s28 =	sadd.s32 $0x4, s28  }
0x10e: {  	[tilespmem:s26+$0xFFFFFFF0] =	vst v0;
	s26 =	sadd.s32 $0x40, s26;
	p0 =	slt.u32 s28, $0x1C  }
.Ltmp7:
0x10f: {  	[tilespmem:s26+$0xFFFFFFE0] =	vst v0;
	(pc) =	sbr.rel @p0 .LBB2_14-.Ltmp7, $3  }
0x110: {  	_ =	sdelay $0x1  }
0x111: {  	[tilespmem:s26+$0x10] =	vst v0  }
0x112: {  	[tilespmem:s26+$0x0] =	vst v0  }
0x113: {  	[tilespmem:s26+$0xFFFFFFF0] =	vst v0;
	s31 =	simm.s32 $0x40  }
0x114: {  	v4 =	vld [tilespmem:s31+$0xFFFFFFC0]  }
0x115: {  	v6 =	vld [tilespmem:s31+$0xFFFFFFD0]  }
0x116: {  	v8 =	vld [tilespmem:s31+$0xFFFFFFE0]  }
0x117: {  	s25 =	sxor.u32 $0x80000000, s25;
	v11 =	vld [tilespmem:s31+$0x20]  }
0x118: {  	v5 =	vmov s25;
	v12 =	vld [tilespmem:s31+$0x0]  }
0x119: {  	v13 =	vld [tilespmem:s31+$0x10];
	v7 =	vxor.u32 $0x7FFFFFFF, v5;
	vm0 =	vlt.s32 v5, $0x0  }
0x11a: {  	v10 =	vnsel vm0, s25, v7;
	v7 =	vld [tilespmem:s31+$0x30];
	s25 =	simm.s32 $0xC0  }
0x11b: {  	v21 =	vld [tilespmem:s25+$0xFFFFFFE0];
	vm0 =	vgt.f32 v4, v10  }
0x11c: {  	v24 =	vld [tilespmem:s25+$0x0];
	vm1 =	vgt.f32 v8, v10;
	v4 =	vnsel vm0, $0x0, v4;
	vm0 =	vgt.f32 v6, v10  }
0x11d: {  	s28 =	simm.s32 $0x8040;
	[tilespmem:s31+$0xFFFFFFC0] =	vst v4;
	v4 =	vnsel vm0, $0x0, v6;
	v6 =	vnsel vm1, $0x0, v8;
	v8 =	vld [tilespmem:s31+$0xFFFFFFF0]  }
0x11e: {  	vm0 =	vgt.f32 v12, v10;
	v5 =	vld [tilespmem:s28+$0xFFFFFFC0];
	[tilespmem:s31+$0xFFFFFFD0] =	vst v4  }
0x11f: {  	[tilespmem:s31+$0xFFFFFFE0] =	vst v6;
	v6 =	vnsel vm0, $0x0, v12;
	v12 =	vld [tilespmem:s25+$0x30]  }
0x120: {  	v4 =	vld [tilespmem:s28+$0xFFFFFFD0]  }
0x121: {  	v9 =	vld [tilespmem:s28+$0xFFFFFFE0]  }
0x122: {  	v15 =	vlaneseq.u32;
	v14 =	vld [tilespmem:s25+$0xFFFFFFC0];
	vm1 =	vgt.f32 v7, v10;
	vm0 =	vgt.f32 v13, v10  }
0x123: {  	v18 =	vld [tilespmem:s25+$0xFFFFFFD0];
	v7 =	vnsel vm1, $0x0, v7;
	[tilespmem:s31+$0x0] =	vst v6;
	v13 =	vnsel vm0, $0x0, v13;
	vm0 =	vgt.f32 v8, v10  }
0x124: {  	vm8 =	vgt.f32 v21, v10;
	vm10 =	vgt.f32 v24, v10;
	v6 =	vld [tilespmem:s28+$0x0];
	[tilespmem:s31+$0x10] =	vst v13;
	v13 =	vnsel vm0, $0x0, v8  }
0x125: {  	[tilespmem:s31+$0x30] =	vst v7;
	v7 =	vld [tilespmem:s28+$0x10];
	vm0 =	vgt.f32 v11, v10;
	vm3 =	vgt.f32 v5, $2.500000000e+00;
	vm4 =	vgt.f32 v12, v10  }
0x126: {  	vm2 =	vgt.f32 v4, $2.500000000e+00;
	v16 =	vnsel vm0, $0x0, v11;
	[tilespmem:s31+$0xFFFFFFF0] =	vst v13;
	vm1 =	vgt.f32 v9, $2.500000000e+00  }
0x127: {  	vm0 =	vgt.f32 v14, v10;
	v13 =	vsel vm3, $0x10, v2;
	v28 =	vnsel vm4, $0x0, v12;
	v11 =	vld [tilespmem:s28+$0xFFFFFFF0]  }
0x128: {  	vm3 =	vmmov vm3;
	vm4 =	vgt.f32 v18, v10;
	v17 =	vsel vm2, $0x10, v2  }
0x129: {  	v8 =	vld [tilespmem:s28+$0x30];
	v14 =	vnsel vm0, $0x0, v14;
	[tilespmem:s31+$0x20] =	vst v16;
	v12 =	vsel vm1, $0x10, v2;
	v16 =	vadd.s32 v15, v13  }
0x12a: {  	vm0 =	vgt.f32 v6, $2.500000000e+00;
	[tilespmem:s25+$0x30] =	vst v28;
	v28 =	vnsel vm10, $0x0, v24;
	vm5 =	vgt.f32 v7, $2.500000000e+00;
	v13 =	vld [tilespmem:s28+$0x20]  }
0x12b: {  	s26 =	simm.s32 $0x80C0;
	v19 =	vld [tilespmem:s25+$0x20];
	v20 =	vadd.s32 v16, v17;
	v23 =	vsel vm0, $0x10, v2;
	[tilespmem:s25+$0xFFFFFFC0] =	vst v14;
	v14 =	vnsel vm4, $0x0, v18  }
0x12c: {  	v18 =	vnsel vm8, $0x0, v21;
	v22 =	vadd.s32 v20, v12;
	v12 =	vld [tilespmem:s26+$0xFFFFFFC0];
	vm6 =	vgt.f32 v11, $2.500000000e+00  }
0x12d: {  	v25 =	vld [tilespmem:s25+$0x10];
	v29 =	vsel vm5, $0x10, v2;
	vm10 =	vlt.s32 v20, v1;
	v21 =	vsel vm6, $0x10, v2  }
0x12e: {  	v27 =	vld [tilespmem:s25+$0xFFFFFFF0];
	[tilespmem:s25+$0xFFFFFFD0] =	vst v14;
	vm7 =	vgt.f32 v8, $2.500000000e+00;
	vm9 =	vlt.s32 v22, v1;
	v21 =	vadd.s32 v22, v21  }
0x12f: {  	[tilespmem:s25+$0xFFFFFFE0] =	vst v18;
	v14 =	vld [tilespmem:s26+$0xFFFFFFD0];
	v17 =	vsel vm7, $0x10, v2;
	vm4 =	vgt.f32 v13, $2.500000000e+00;
	v23 =	vadd.s32 v21, v23  }
0x130: {  	s29 =	simm.s32 $0x8;
	s30 =	simm.s32 $0x140;
	s28 =	simm.s32 $0x80C0;
	v18 =	vld [tilespmem:s26+$0xFFFFFFE0];
	v26 =	vsel vm4, $0x10, v2;
	vm8 =	vlt.s32 v21, v1;
	v24 =	vadd.s32 v23, v29  }
.LBB2_16:
0x131: {  	vm11 =	vgt.f32 v12, $2.500000000e+00;
	v20 =	vsel vm10, v20, v1;
	v22 =	vsel vm9, v22, v1  }
0x132: {  	v29 =	vld [tilespmem:s30+$0xFFFFFFC0];
	s29 =	sadd.s32 $0x8, s29;
	vm12 =	vmmov vm2;
	vm10 =	vmmov vm5;
	vm9 =	vmmov vm7  }
0x133: {  	vm5 =	vlt.s32 v15, v1;
	vm7 =	vlt.s32 v16, v1;
	vm13 =	vlt.s32 v23, v1;
	v30 =	vld [tilespmem:s30+$0x30];
	p0 =	slt.u32 s29, $0x7F8  }
0x134: {  	vm15 =	vgt.f32 v25, v10;
	vm14 =	vgt.f32 v27, v10;
	v31 =	vld [tilespmem:s30+$0xFFFFFFD0];
	vm2 =	vgt.f32 v14, $2.500000000e+00;
	[tilespmem:s25+$0x0] =	vst v28  }
0x135: {  	v25 =	vnsel vm15, $0x0, v25;
	v27 =	vnsel vm14, $0x0, v27;
	v28 =	vld [tilespmem:s30+$0x20];
	v32 =	vsel vm2, $0x10, v2  }
0x136: {  	v15 =	vsel vm5, v15, v1;
	v16 =	vsel vm7, v16, v1;
	vm14 =	vgt.f32 v19, v10;
	v33 =	vld [tilespmem:s26+$0x0];
	[tilespmem:s25+$0x10] =	vst v25  }
0x137: {  	v19 =	vnsel vm14, $0x0, v19;
	v34 =	vld [tilespmem:s26+$0x10];
	[tilespmem:v20+s17+$0x0] =	vst.idx.msk vm1, v9;
	v20 =	vsel vm8, v21, v1;
	v21 =	vsel vm13, v23, v1  }
0x138: {  	v9 =	vmov v18;
	[tilespmem:s25+$0x20] =	vst v19  }
0x139: {  	vm5 =	vlt.s32 v24, v1;
	s26 =	sadd.s32 $0x80, s26;
	vm1 =	vgt.f32 v9, $2.500000000e+00;
	v18 =	vld [tilespmem:s28+$0x30];
	[tilespmem:v22+s17+$0x0] =	vst.idx.msk vm6, v11;
	v22 =	vadd.s32 v24, v26  }
0x13a: {  	vm7 =	vgt.f32 v30, v10;
	vm6 =	vgt.f32 v29, v10;
	v24 =	vsel vm5, v24, v1;
	v23 =	vld [tilespmem:s30+$0xFFFFFFE0];
	[tilespmem:s25+$0xFFFFFFF0] =	vst v27;
	s25 =	smov.u32 s30  }
0x13b: {  	v26 =	vsel vm11, $0x10, v2;
	v25 =	vnsel vm6, $0x0, v29;
	v19 =	vmovc v28;
	v11 =	vld [tilespmem:s28+$0xFFFFFFF0];
	[tilespmem:v15+s17+$0x0] =	vst.idx.msk vm3, v5;
	vm3 =	vlt.s32 v22, v1  }
0x13c: {  	v29 =	vnsel vm7, $0x0, v30;
	v5 =	vmovc v12;
	[tilespmem:s30+$0xFFFFFFC0] =	vst v25;
	v28 =	vld [tilespmem:s30+$0x0];
	vm5 =	vgt.f32 v34, $2.500000000e+00;
	v27 =	vsel vm3, v22, v1  }
0x13d: {  	v12 =	vsel vm1, $0x10, v2;
	v15 =	vadd.s32 v22, v17;
	vm3 =	vmmov vm11;
	[tilespmem:v16+s17+$0x0] =	vst.idx.msk vm12, v4;
	v4 =	vmovc v14  }
0x13e: {  	v16 =	vadd.s32 v15, v26;
	v26 =	vld [tilespmem:s28+$0x20];
	vm7 =	vgt.f32 v18, $2.500000000e+00;
	[tilespmem:v20+s17+$0x0] =	vst.idx.msk vm0, v6;
	vm0 =	vgt.f32 v33, $2.500000000e+00;
	v6 =	vmovc v33;
	s28 =	smov.u32 s26  }
0x13f: {  	vm6 =	vgt.f32 v31, v10;
	v20 =	vadd.s32 v16, v32;
	v17 =	vsel vm7, $0x10, v2;
	[tilespmem:v24+s17+$0x0] =	vst.idx.msk vm4, v13  }
0x140: {  	vm4 =	vgt.f32 v23, v10;
	v22 =	vadd.s32 v20, v12;
	v24 =	vsel vm0, $0x10, v2;
	v25 =	vld [tilespmem:s30+$0x10];
	[tilespmem:v21+s17+$0x0] =	vst.idx.msk vm10, v7  }
.Ltmp8:
0x141: {  	v31 =	vnsel vm6, $0x0, v31;
	vm6 =	vgt.f32 v11, $2.500000000e+00;
	v7 =	vmovc v34;
	v12 =	vld [tilespmem:s26+$0xFFFFFFC0];
	vm10 =	vgt.f32 v28, v10;
	[tilespmem:v27+s17+$0x0] =	vst.idx.msk vm9, v8;
	(pc) =	sbr.rel @p0 .LBB2_16-.Ltmp8, $4  }
0x142: {  	v23 =	vnsel vm4, $0x0, v23;
	vm9 =	vlt.s32 v22, v1;
	v21 =	vsel vm6, $0x10, v2;
	v8 =	vmovc v18;
	[tilespmem:s30+$0xFFFFFFD0] =	vst v31;
	v27 =	vld [tilespmem:s30+$0xFFFFFFF0]  }
0x143: {  	v30 =	vsel vm5, $0x10, v2;
	v21 =	vadd.s32 v22, v21;
	v14 =	vld [tilespmem:s26+$0xFFFFFFD0];
	[tilespmem:s30+$0xFFFFFFE0] =	vst v23;
	vm4 =	vgt.f32 v26, $2.500000000e+00;
	v13 =	vmovc v26  }
0x144: {  	vm8 =	vlt.s32 v21, v1;
	v23 =	vadd.s32 v21, v24;
	v18 =	vld [tilespmem:s26+$0xFFFFFFE0];
	[tilespmem:s30+$0x30] =	vst v29;
	v26 =	vsel vm4, $0x10, v2  }
0x145: {  	v28 =	vnsel vm10, $0x0, v28;
	vm10 =	vlt.s32 v20, v1;
	s30 =	sadd.s32 $0x80, s30;
	v24 =	vadd.s32 v23, v30  }
0x146: {  	_ = 	snop  }
0x147: {  	vm11 =	vgt.f32 v27, v10  }
0x148: {  	v27 =	vnsel vm11, $0x0, v27  }
0x149: {  	[tilespmem:s25+$0xFFFFFFF0] =	vst v27  }
0x14a: {  	vm14 =	vgt.f32 v25, v10;
	[tilespmem:s25+$0x0] =	vst v28;
	v48 =	vld [tilespmem:s28+$0xFFFFFFF0]  }
0x14b: {  	vm15 =	vgt.f32 v19, v10;
	v30 =	vimm.s32 $0x0;
	v32 =	vimm.s32 $0x0;
	v49 =	vld [tilespmem:s26+$0x0]  }
0x14c: {  	v53 =	vimm.s32 $0x0;
	v20 =	vsel vm10, v20, v1;
	v22 =	vsel vm9, v22, v1  }
0x14d: {  	vm9 =	vlt.s32 v15, v1;
	vm2 =	vmmov vm2;
	v25 =	vnsel vm14, $0x0, v25  }
0x14e: {  	v19 =	vnsel vm15, $0x0, v19;
	v15 =	vsel vm9, v15, v1;
	[tilespmem:s25+$0x10] =	vst v25;
	vm12 =	vgt.f32 v18, $2.500000000e+00  }
0x14f: {  	[tilespmem:s25+$0x20] =	vst v19;
	v25 =	vld [tilespmem:s26+$0x10];
	v30 =	vsel vm12, $0xFFFFFFFF, v30;
	v31 =	vsel vm12, $0x10, v2;
	vm12 =	vgt.f32 v48, $2.500000000e+00  }
0x150: {  	vm9 =	vlt.s32 v16, v1;
	v52 =	vld [tilespmem:s28+$0x20];
	[tilespmem:$0x1FFD0] =	vst v30;
	vm13 =	vgt.f32 v49, $2.500000000e+00;
	v32 =	vsel vm12, $0xFFFFFFFF, v32  }
0x151: {  	v16 =	vsel vm9, v16, v1;
	v30 =	vld [tilespmem:s28+$0x30];
	[tilespmem:$0x1FFE0] =	vst v32;
	v32 =	vsel vm13, $0xFFFFFFFF, v53  }
0x152: {  	v50 =	vadd.s32 v24, v26;
	v21 =	vsel vm8, v21, v1;
	vm8 =	vlt.s32 v24, v1;
	[tilespmem:$0x1FFF0] =	vst v32  }
0x153: {  	v56 =	vsel vm8, v24, v1;
	vm8 =	vlt.s32 v50, v1;
	[tilespmem:v20+s17+$0x0] =	vst.idx.msk vm1, v9  }
0x154: {  	vm9 =	vlt.s32 v23, v1;
	vm1 =	vmmov vm5;
	[tilespmem:v15+s17+$0x0] =	vst.idx.msk vm3, v5;
	v5 =	vsel vm8, v50, v1  }
0x155: {  	vm15 =	vgt.f32 v12, $2.500000000e+00;
	v57 =	vsel vm9, v23, v1;
	[tilespmem:v22+s17+$0x0] =	vst.idx.msk vm6, v11  }
0x156: {  	v17 =	vadd.s32 v50, v17;
	vm14 =	vgt.f32 v14, $2.500000000e+00;
	v51 =	vsel vm15, $0x10, v2;
	[tilespmem:v16+s17+$0x0] =	vst.idx.msk vm2, v4  }
0x157: {  	v29 =	vsel vm14, $0x10, v2;
	v26 =	vadd.s32 v17, v51;
	[tilespmem:v21+s17+$0x0] =	vst.idx.msk vm0, v6  }
0x158: {  	v29 =	vadd.s32 v26, v29;
	[tilespmem:v56+s17+$0x0] =	vst.idx.msk vm4, v13  }
0x159: {  	v31 =	vadd.s32 v29, v31;
	v54 =	vsel vm12, $0x10, v2;
	[tilespmem:v5+s17+$0x0] =	vst.idx.msk vm7, v8  }
0x15a: {  	v33 =	vsel vm13, $0x10, v2;
	vm12 =	vgt.f32 v25, $2.500000000e+00;
	v32 =	vadd.s32 v31, v54;
	[tilespmem:v57+s17+$0x0] =	vst.idx.msk vm1, v7  }
0x15b: {  	v34 =	vsel vm12, $0x10, v2;
	vm13 =	vgt.f32 v52, $2.500000000e+00;
	v33 =	vadd.s32 v32, v33;
	v8 =	vld [tilespmem:$0x1FFD0]  }
0x15c: {  	vm11 =	vgt.f32 v30, $2.500000000e+00;
	v35 =	vsel vm13, $0x10, v2;
	v34 =	vadd.s32 v33, v34  }
0x15d: {  	v36 =	vsel vm11, $0x10, v2;
	v35 =	vadd.s32 v34, v35  }
0x15e: {  	v36 =	vadd.s32 v35, v36  }
0x15f: {  	v36 =	vadd.s32 v3, v36  }
0x160: {  	vm9 =	vlt.s32 v29, v1;
	v36 =	vshra.s32 v36, $0x4;
	vm2 =	vnez.u8 v8  }
0x161: {  	v4 =	vsel vm9, v29, v1;
	(xrf0) =	vadd.scan.msk.s32 $0xffff, v36;
	v36 =	vxor.u32 $0x80000000, v36  }
0x162: {  	(xrf0) =	vmax.scan.msk.u32 $0xffff, v36;
	_ =	sdelay $0x3  }
0x163: {  	[tilespmem:v4+s17+$0x0] =	vst.idx.msk vm2, v18  }
0x164: {  	v55, _, _ =	vpop (xrf0);
	v11 =	vld [tilespmem:$0x1FFE0]  }
0x165: {  	vm10 =	vmmov vm7;
	(v2sf) =	vpush v55, $0xF;
	v58, _, _ =	vpop (xrf0)  }
0x166: {  	vm10 =	vlt.s32 v31, v1;
	(v2sf) =	vpush v58, $0xF  }
0x167: {  	v59 =	vsel vm10, v31, v1;
	vm8 =	vlt.s32 v17, v1;
	vm9 =	vmmov vm14  }
0x168: {  	vm10 =	vlt.s32 v26, v1;
	v60 =	vsel vm8, v17, v1;
	vm9 =	vmmov vm12  }
0x169: {  	v61 =	vsel vm10, v26, v1;
	vm9 =	vnez.u8 v11;
	_ =	sdelay $0x3  }
0x16a: {  	[tilespmem:v60+s17+$0x0] =	vst.idx.msk vm15, v12  }
0x16b: {  	[tilespmem:v61+s17+$0x0] =	vst.idx.msk vm14, v14  }
0x16c: {  	[tilespmem:v59+s17+$0x0] =	vst.idx.msk vm9, v48  }
0x16d: {  	v7 =	vld [tilespmem:$0x1FFF0];
	_ =	sdelay $0x1  }
0x16e: {  	vm8 =	vlt.s32 v34, v1  }
0x16f: {  	vm10 =	vlt.s32 v33, v1;
	v4 =	vsel vm8, v34, v1  }
0x170: {  	vm6 =	vmmov vm15;
	v62 =	vsel vm10, v33, v1;
	vm10 =	vlt.s32 v35, v1;
	s31 =	spop (v2sf)  }
0x171: {  	vm6 =	vlt.s32 v32, v1;
	v63 =	vsel vm10, v35, v1;
	s26 =	spop (v2sf);
	p0 =	slt.s32 s31, $0x41;
	vm2 =	vnez.u8 v7  }
0x172: {  	v5 =	vsel vm6, v32, v1;
	p1 =	sgt.u32 @!p0 s26, $0x80000020  }
0x173: {  	p1 =	por p0, p1  }
.Ltmp9:
0x174: {  	[tilespmem:v4+s17+$0x0] =	vst.idx.msk vm13, v52;
	(pc) =	sbr.rel @p1 .LBB2_18-.Ltmp9, $4  }
0x175: {  	[tilespmem:v62+s17+$0x0] =	vst.idx.msk vm12, v25  }
0x176: {  	[tilespmem:v63+s17+$0x0] =	vst.idx.msk vm11, v30  }
0x177: {  	[tilespmem:v5+s17+$0x0] =	vst.idx.msk vm2, v49  }
0x178: {  	vm8 =	vmmov vm11;
	[hbm4b:s6+s12] =	stream.strided.scatter [tilespmem:s2], [sflag:$0x4], $0x8000, s13, s12, $0x38;
	[tilespmem:$0x18280] =	vst v63  }
0x179: {  	v4 =	vld [tilespmem:$0x18000]  }
0x17a: {  	v5 =	vld [tilespmem:$0x18010]  }
0x17b: {  	v6 =	vld [tilespmem:$0x18020]  }
0x17c: {  	v7 =	vld [tilespmem:$0x18030]  }
0x17d: {  	v8 =	vld [tilespmem:$0x18040]  }
0x17e: {  	v10 =	vld [tilespmem:$0x18050]  }
0x17f: {  	v13 =	vld [tilespmem:$0x18060]  }
0x180: {  	v14 =	vld [tilespmem:$0x18080]  }
0x181: {  	v16 =	vld [tilespmem:$0x18090]  }
0x182: {  	v17 =	vld [tilespmem:$0x180A0]  }
0x183: {  	v18 =	vld [tilespmem:$0x180B0]  }
0x184: {  	v20 =	vld [tilespmem:$0x180C0]  }
0x185: {  	v21 =	vld [tilespmem:$0x180E0];
	v9 =	vxor.u32 $0x7FFFFFFF, v4;
	vm0 =	vlt.s32 v4, $0x0;
	v11 =	vxor.u32 $0x7FFFFFFF, v5  }
0x186: {  	v23 =	vld [tilespmem:$0x180F0];
	vm1 =	vlt.s32 v5, $0x0;
	vm11 =	vlt.s32 v6, $0x0;
	v12 =	vxor.u32 $0x7FFFFFFF, v7  }
0x187: {  	v32 =	vld [tilespmem:$0x18190];
	vm12 =	vlt.s32 v7, $0x0;
	v15 =	vxor.u32 $0x7FFFFFFF, v8;
	vm2 =	vlt.s32 v8, $0x0  }
0x188: {  	v25 =	vld [tilespmem:$0x18120];
	vm13 =	vlt.s32 v10, $0x0;
	vm14 =	vlt.s32 v13, $0x0;
	vm4 =	vlt.s32 v14, $0x0  }
0x189: {  	v35 =	vld [tilespmem:$0x181B0];
	vm5 =	vlt.s32 v16, $0x0;
	v22 =	vxor.u32 $0x7FFFFFFF, v17;
	vm6 =	vlt.s32 v17, $0x0  }
0x18a: {  	v36 =	vld [tilespmem:$0x181D0];
	vm7 =	vlt.s32 v18, $0x0;
	vm8 =	vlt.s32 v20, $0x0;
	vm10 =	vlt.s32 v21, $0x0  }
0x18b: {  	v4 =	vsel vm0, v9, v4;
	v5 =	vsel vm1, v11, v5;
	v11 =	vld [tilespmem:$0x18070];
	v9 =	vxor.u32 $0x7FFFFFFF, v6  }
0x18c: {  	v38 =	vld [tilespmem:$0x181E0];
	v37 =	vxor.u32 $0x7FFFFFFF, v32;
	v7 =	vsel vm12, v12, v7;
	v9 =	vsel vm11, v9, v6  }
0x18d: {  	v26 =	vld [tilespmem:$0x18140];
	v6 =	vsel vm2, v15, v8;
	v8 =	vxor.u32 $0x7FFFFFFF, v10;
	v15 =	vxor.u32 $0x7FFFFFFF, v13  }
0x18e: {  	v28 =	vld [tilespmem:$0x18150];
	v12 =	vsel vm13, v8, v10;
	v10 =	vsel vm14, v15, v13;
	v13 =	vxor.u32 $0x7FFFFFFF, v16  }
0x18f: {  	v31 =	vld [tilespmem:$0x18180];
	v60 =	vxor.u32 $0x7FFFFFFF, v35;
	v13 =	vsel vm5, v13, v16;
	v16 =	vxor.u32 $0x7FFFFFFF, v20  }
0x190: {  	v16 =	vsel vm8, v16, v20;
	v20 =	vld [tilespmem:$0x18130];
	v19 =	vxor.u32 $0x7FFFFFFF, v11;
	vm15 =	vlt.s32 v11, $0x0  }
0x191: {  	v62 =	vxor.u32 $0x7FFFFFFF, v36;
	v63 =	vxor.u32 $0x7FFFFFFF, v38;
	v8 =	vsel vm15, v19, v11;
	v19 =	vld [tilespmem:$0x180D0]  }
0x192: {  	vm11 =	vlt.s32 v23, $0x0;
	vm14 =	vlt.s32 v25, $0x0;
	v11 =	vxor.u32 $0x7FFFFFFF, v14  }
0x193: {  	vm5 =	vlt.s32 v28, $0x0;
	v15 =	vsel vm4, v11, v14;
	v11 =	vsel vm6, v22, v17;
	v17 =	vld [tilespmem:$0x18100]  }
0x194: {  	vm8 =	vlt.s32 v31, $0x0;
	v14 =	vxor.u32 $0x7FFFFFFF, v18;
	v22 =	vld [tilespmem:$0x18110];
	vm4 =	vlt.s32 v26, $0x0  }
0x195: {  	v18 =	vsel vm7, v14, v18;
	v30 =	vxor.u32 $0x7FFFFFFF, v20;
	vm15 =	vlt.s32 v20, $0x0  }
0x196: {  	v20 =	vsel vm15, v30, v20;
	v24 =	vxor.u32 $0x7FFFFFFF, v19;
	vm9 =	vlt.s32 v19, $0x0  }
0x197: {  	v29 =	vld [tilespmem:$0x18170];
	v14 =	vsel vm9, v24, v19;
	v19 =	vxor.u32 $0x7FFFFFFF, v21;
	v24 =	vxor.u32 $0x7FFFFFFF, v23  }
0x198: {  	v30 =	vxor.u32 $0x7FFFFFFF, v28;
	v21 =	vsel vm10, v19, v21;
	v19 =	vsel vm11, v24, v23;
	v23 =	vld [tilespmem:$0x18160]  }
0x199: {  	v27 =	vxor.u32 $0x7FFFFFFF, v17;
	vm12 =	vlt.s32 v17, $0x0;
	vm13 =	vlt.s32 v22, $0x0  }
0x19a: {  	v34 =	vld [tilespmem:$0x181A0];
	v17 =	vsel vm12, v27, v17;
	v24 =	vxor.u32 $0x7FFFFFFF, v22;
	v27 =	vxor.u32 $0x7FFFFFFF, v25  }
0x19b: {  	v24 =	vsel vm13, v24, v22;
	v22 =	vsel vm14, v27, v25;
	v25 =	vxor.u32 $0x7FFFFFFF, v26  }
0x19c: {  	vm7 =	vlt.s32 v29, $0x0;
	v27 =	vsel vm4, v25, v26;
	v25 =	vsel vm5, v30, v28  }
0x19d: {  	v28 =	vld [tilespmem:$0x181C0];
	v26 =	vxor.u32 $0x7FFFFFFF, v29;
	v33 =	vxor.u32 $0x7FFFFFFF, v23;
	vm6 =	vlt.s32 v23, $0x0  }
0x19e: {  	vm9 =	vlt.s32 v32, $0x0;
	v23 =	vsel vm6, v33, v23;
	v33 =	vsel vm7, v26, v29;
	v29 =	vld [tilespmem:$0x181F0]  }
0x19f: {  	vm10 =	vlt.s32 v34, $0x0;
	vm11 =	vlt.s32 v35, $0x0;
	v30 =	vxor.u32 $0x7FFFFFFF, v31  }
0x1a0: {  	vm13 =	vlt.s32 v36, $0x0;
	v30 =	vsel vm8, v30, v31;
	v31 =	vxor.u32 $0x7FFFFFFF, v34  }
0x1a1: {  	vm14 =	vlt.s32 v38, $0x0;
	v34 =	vsel vm10, v31, v34;
	v31 =	vsel vm11, v60, v35  }
0x1a2: {  	v35 =	vsel vm13, v62, v36;
	v26 =	vsel vm9, v37, v32;
	v61 =	vxor.u32 $0x7FFFFFFF, v28  }
0x1a3: {  	vm12 =	vlt.s32 v28, $0x0;
	v39 =	vxor.u32 $0x7FFFFFFF, v29;
	vm15 =	vlt.s32 v29, $0x0  }
0x1a4: {  	s25 =	simm.s32 $0xC0000000;
	s29 =	simm.s32 $0x20000000;
	s26 =	simm.s32 $0x3;
	v32 =	vsel vm14, v63, v38;
	v28 =	vsel vm12, v61, v28;
	v29 =	vsel vm15, v39, v29  }
.LBB2_23:
0x1a5: {  	p0 =	seq.s32 s26, $0x1F;
	s28 =	sor.u32 s29, s25  }
0x1a6: {  	s29 =	sxor.u32 $0x80000000, s28  }
0x1a7: {  	vm0 =	vge.s32 v4, s29;
	vm1 =	vge.s32 v5, s29  }
0x1a8: {  	v36 =	vsel vm0, $0x1, v2;
	v37 =	vsel vm1, $0x1, v2;
	vm0 =	vge.s32 v9, s29  }
0x1a9: {  	v36 =	vadd.s32 v36, v37;
	v37 =	vsel vm0, $0x1, v2;
	vm0 =	vge.s32 v7, s29  }
0x1aa: {  	v36 =	vadd.s32 v37, v36;
	v37 =	vsel vm0, $0x1, v2;
	vm0 =	vge.s32 v6, s29  }
0x1ab: {  	v36 =	vadd.s32 v37, v36;
	v37 =	vsel vm0, $0x1, v2;
	vm0 =	vge.s32 v12, s29  }
0x1ac: {  	v36 =	vadd.s32 v37, v36;
	v37 =	vsel vm0, $0x1, v2;
	vm0 =	vge.s32 v10, s29  }
0x1ad: {  	v36 =	vadd.s32 v37, v36;
	v37 =	vsel vm0, $0x1, v2;
	vm0 =	vge.s32 v8, s29  }
0x1ae: {  	v36 =	vadd.s32 v37, v36;
	v37 =	vsel vm0, $0x1, v2;
	vm0 =	vge.s32 v15, s29  }
0x1af: {  	v36 =	vadd.s32 v37, v36;
	v37 =	vsel vm0, $0x1, v2;
	vm0 =	vge.s32 v13, s29  }
0x1b0: {  	v36 =	vadd.s32 v37, v36;
	v37 =	vsel vm0, $0x1, v2;
	vm0 =	vge.s32 v11, s29  }
0x1b1: {  	v36 =	vadd.s32 v37, v36;
	v37 =	vsel vm0, $0x1, v2;
	vm0 =	vge.s32 v18, s29  }
0x1b2: {  	v36 =	vadd.s32 v37, v36;
	v37 =	vsel vm0, $0x1, v2;
	vm0 =	vge.s32 v16, s29  }
0x1b3: {  	v36 =	vadd.s32 v37, v36;
	v37 =	vsel vm0, $0x1, v2;
	vm0 =	vge.s32 v14, s29  }
0x1b4: {  	v36 =	vadd.s32 v37, v36;
	v37 =	vsel vm0, $0x1, v2;
	vm0 =	vge.s32 v21, s29  }
0x1b5: {  	v36 =	vadd.s32 v37, v36;
	v37 =	vsel vm0, $0x1, v2;
	vm0 =	vge.s32 v19, s29  }
0x1b6: {  	v36 =	vadd.s32 v37, v36;
	v37 =	vsel vm0, $0x1, v2;
	vm0 =	vge.s32 v17, s29  }
0x1b7: {  	v36 =	vadd.s32 v37, v36;
	v37 =	vsel vm0, $0x1, v2;
	vm0 =	vge.s32 v24, s29  }
0x1b8: {  	v36 =	vadd.s32 v37, v36;
	v37 =	vsel vm0, $0x1, v2;
	vm0 =	vge.s32 v22, s29  }
0x1b9: {  	v36 =	vadd.s32 v37, v36;
	v37 =	vsel vm0, $0x1, v2;
	vm0 =	vge.s32 v20, s29  }
0x1ba: {  	v36 =	vadd.s32 v37, v36;
	v37 =	vsel vm0, $0x1, v2;
	vm0 =	vge.s32 v27, s29  }
0x1bb: {  	v36 =	vadd.s32 v37, v36;
	v37 =	vsel vm0, $0x1, v2;
	vm0 =	vge.s32 v25, s29  }
0x1bc: {  	v36 =	vadd.s32 v37, v36;
	v37 =	vsel vm0, $0x1, v2;
	vm0 =	vge.s32 v23, s29  }
0x1bd: {  	v36 =	vadd.s32 v37, v36;
	v37 =	vsel vm0, $0x1, v2;
	vm0 =	vge.s32 v33, s29  }
0x1be: {  	v36 =	vadd.s32 v37, v36;
	v37 =	vsel vm0, $0x1, v2;
	vm0 =	vge.s32 v30, s29  }
0x1bf: {  	v36 =	vadd.s32 v37, v36;
	v37 =	vsel vm0, $0x1, v2;
	vm0 =	vge.s32 v26, s29  }
0x1c0: {  	v36 =	vadd.s32 v37, v36;
	v37 =	vsel vm0, $0x1, v2;
	vm0 =	vge.s32 v34, s29  }
0x1c1: {  	v36 =	vadd.s32 v37, v36;
	v37 =	vsel vm0, $0x1, v2;
	vm0 =	vge.s32 v31, s29  }
0x1c2: {  	v36 =	vadd.s32 v37, v36;
	v37 =	vsel vm0, $0x1, v2;
	vm0 =	vge.s32 v28, s29  }
0x1c3: {  	v36 =	vadd.s32 v37, v36;
	v37 =	vsel vm0, $0x1, v2;
	vm0 =	vge.s32 v35, s29  }
0x1c4: {  	v36 =	vadd.s32 v37, v36;
	v37 =	vsel vm0, $0x1, v2;
	vm0 =	vge.s32 v32, s29  }
0x1c5: {  	v36 =	vadd.s32 v37, v36;
	v37 =	vsel vm0, $0x1, v2;
	vm0 =	vge.s32 v29, s29  }
0x1c6: {  	v36 =	vadd.s32 v37, v36;
	v37 =	vsel vm0, $0x1, v2  }
0x1c7: {  	v36 =	vadd.s32 v37, v36  }
0x1c8: {  	(xrf0) =	vadd.scan.msk.s32 $0xffff, v36;
	_ =	sdelay $0x5  }
0x1c9: {  	v36, _, _ =	vpop (xrf0)  }
0x1ca: {  	(v2sf) =	vpush v36, $0xF;
	_ =	sdelay $0xc  }
.Ltmp10:
0x1cb: {  	(pc) =	sbr.rel @!p0 .LBB2_23-.Ltmp10, $4  }
0x1cc: {  	_ = 	snop  }
0x1cd: {  	s29 =	spop (v2sf)  }
0x1ce: {  	p1 =	sgt.s32 s29, $0x40  }
0x1cf: {  	s29 =	sshrl.u32 s18, s26;
	s26 =	sadd.s32 $0x1, s26;
	s25 =	smov.u32 @p1 s28  }
0x1d0: {  	s26 =	sor.u32 s29, s25  }
0x1d1: {  	s28 =	sxor.u32 $0x80000000, s26  }
0x1d2: {  	vm0 =	vge.s32 v4, s28;
	vm1 =	vge.s32 v5, s28  }
0x1d3: {  	vm10 =	vge.s32 v9, s28;
	v4 =	vsel vm0, $0x1, v2;
	v5 =	vsel vm1, $0x1, v2  }
0x1d4: {  	vm11 =	vge.s32 v7, s28;
	v4 =	vadd.s32 v4, v5;
	v5 =	vsel vm10, $0x1, v2  }
0x1d5: {  	vm12 =	vge.s32 v6, s28;
	v4 =	vadd.s32 v5, v4;
	v5 =	vsel vm11, $0x1, v2  }
0x1d6: {  	vm13 =	vge.s32 v12, s28;
	v4 =	vadd.s32 v5, v4;
	v5 =	vsel vm12, $0x1, v2  }
0x1d7: {  	vm14 =	vge.s32 v10, s28;
	v4 =	vadd.s32 v5, v4;
	v5 =	vsel vm13, $0x1, v2  }
0x1d8: {  	vm15 =	vge.s32 v8, s28;
	v4 =	vadd.s32 v5, v4;
	v5 =	vsel vm14, $0x1, v2  }
0x1d9: {  	vm4 =	vge.s32 v15, s28;
	v4 =	vadd.s32 v5, v4;
	v5 =	vsel vm15, $0x1, v2  }
0x1da: {  	vm5 =	vge.s32 v13, s28;
	v4 =	vadd.s32 v5, v4;
	v5 =	vsel vm4, $0x1, v2  }
0x1db: {  	vm6 =	vge.s32 v11, s28;
	v4 =	vadd.s32 v5, v4;
	v5 =	vsel vm5, $0x1, v2  }
0x1dc: {  	vm7 =	vge.s32 v18, s28;
	v4 =	vadd.s32 v5, v4;
	v5 =	vsel vm6, $0x1, v2  }
0x1dd: {  	vm8 =	vge.s32 v16, s28;
	v4 =	vadd.s32 v5, v4;
	v5 =	vsel vm7, $0x1, v2  }
0x1de: {  	vm9 =	vge.s32 v14, s28;
	v4 =	vadd.s32 v5, v4;
	v5 =	vsel vm8, $0x1, v2  }
0x1df: {  	vm10 =	vge.s32 v21, s28;
	v4 =	vadd.s32 v5, v4;
	v5 =	vsel vm9, $0x1, v2  }
0x1e0: {  	vm11 =	vge.s32 v19, s28;
	v4 =	vadd.s32 v5, v4;
	v5 =	vsel vm10, $0x1, v2  }
0x1e1: {  	vm12 =	vge.s32 v17, s28;
	v4 =	vadd.s32 v5, v4;
	v5 =	vsel vm11, $0x1, v2  }
0x1e2: {  	vm13 =	vge.s32 v24, s28;
	v4 =	vadd.s32 v5, v4;
	v5 =	vsel vm12, $0x1, v2  }
0x1e3: {  	vm14 =	vge.s32 v22, s28;
	v4 =	vadd.s32 v5, v4;
	v5 =	vsel vm13, $0x1, v2  }
0x1e4: {  	vm15 =	vge.s32 v20, s28;
	v4 =	vadd.s32 v5, v4;
	v5 =	vsel vm14, $0x1, v2  }
0x1e5: {  	vm4 =	vge.s32 v27, s28;
	v4 =	vadd.s32 v5, v4;
	v5 =	vsel vm15, $0x1, v2  }
0x1e6: {  	vm5 =	vge.s32 v25, s28;
	v4 =	vadd.s32 v5, v4;
	v5 =	vsel vm4, $0x1, v2  }
0x1e7: {  	vm6 =	vge.s32 v23, s28;
	v4 =	vadd.s32 v5, v4;
	v5 =	vsel vm5, $0x1, v2  }
0x1e8: {  	vm7 =	vge.s32 v33, s28;
	v4 =	vadd.s32 v5, v4;
	v5 =	vsel vm6, $0x1, v2  }
0x1e9: {  	vm8 =	vge.s32 v30, s28;
	v4 =	vadd.s32 v5, v4;
	v5 =	vsel vm7, $0x1, v2  }
0x1ea: {  	vm9 =	vge.s32 v26, s28;
	v4 =	vadd.s32 v5, v4;
	v5 =	vsel vm8, $0x1, v2  }
0x1eb: {  	vm10 =	vge.s32 v34, s28;
	v4 =	vadd.s32 v5, v4;
	v5 =	vsel vm9, $0x1, v2  }
0x1ec: {  	vm11 =	vge.s32 v31, s28;
	v4 =	vadd.s32 v5, v4;
	v5 =	vsel vm10, $0x1, v2  }
0x1ed: {  	vm12 =	vge.s32 v28, s28;
	v4 =	vadd.s32 v5, v4;
	v5 =	vsel vm11, $0x1, v2  }
0x1ee: {  	vm13 =	vge.s32 v35, s28;
	v4 =	vadd.s32 v5, v4;
	v5 =	vsel vm12, $0x1, v2  }
0x1ef: {  	vm14 =	vge.s32 v32, s28;
	v4 =	vadd.s32 v5, v4;
	v5 =	vsel vm13, $0x1, v2  }
0x1f0: {  	vm15 =	vge.s32 v29, s28;
	v4 =	vadd.s32 v5, v4;
	v5 =	vsel vm14, $0x1, v2  }
0x1f1: {  	v4 =	vadd.s32 v5, v4;
	v5 =	vsel vm15, $0x1, v2  }
0x1f2: {  	v4 =	vadd.s32 v5, v4  }
0x1f3: {  	(xrf0) =	vadd.scan.msk.s32 $0xffff, v4;
	_ =	sdelay $0x5  }
0x1f4: {  	v4, _, _ =	vpop (xrf0)  }
0x1f5: {  	(v2sf) =	vpush v4, $0xF;
	_ =	sdelay $0xc  }
.Ltmp11:
0x1f6: {  	_ = 	snop;
	(pc) =	sbr.rel .LBB2_25-.Ltmp11, $4  }
0x1f7: {  	_ = 	snop  }
0x1f8: {  	s31 =	spop (v2sf)  }
0x1f9: {  	p0 =	sgt.s32 s31, $0x40  }
0x1fa: {  	s25 =	smov.u32 @p0 s26  }
.LBB2_18:
0x1fb: {  	s25 =	simm.s32 $0x0;
	s26 =	simm.s32 $0x0  }
0x1fc: {  	s25 =	simm.s32 @p0 $0x0;
	s26 =	simm.s32 @p0 $0x0  }
.LBB2_19:
0x1fd: {  	s30 =	simm.s32 $0x0  }
0x1fe: {  	s28 =	sshrl.u32 s18, s26;
	v6 =	vld [tilespmem:s30+$0x8000]  }
0x1ff: {  	s28 =	sor.u32 s28, s25  }
0x200: {  	s29 =	sxor.u32 $0x80000000, s28  }
0x201: {  	v4 =	vimm.s32 $0x0;
	v5 =	vmov s29;
	s29 =	simm.s32 $0x40  }
.LBB2_20:
0x202: {  	p0 =	sne.s32 s29, $0x1FFC0  }
.Ltmp12:
0x203: {  	s30 =	sshra.s32 s29, $0x2;
	s29 =	sadd.s32 $0x40, s29;
	v7 =	vxor.u32 $0x7FFFFFFF, v6;
	vm0 =	vlt.s32 v6, $0x0;
	(pc) =	sbr.rel @p0 .LBB2_20-.Ltmp12, $4  }
0x204: {  	v7 =	vsel vm0, v7, v6;
	v6 =	vld [tilespmem:s30+$0x8000]  }
0x205: {  	vm0 =	vge.s32 v7, v5  }
0x206: {  	v7 =	vsel vm0, $0x1, v2  }
0x207: {  	v4 =	vadd.s32 v7, v4  }
0x208: {  	_ = 	snop  }
0x209: {  	v7 =	vxor.u32 $0x7FFFFFFF, v6;
	vm0 =	vlt.s32 v6, $0x0  }
0x20a: {  	v6 =	vsel vm0, v7, v6  }
0x20b: {  	vm0 =	vge.s32 v6, v5  }
0x20c: {  	v5 =	vsel vm0, $0x1, v2  }
0x20d: {  	v4 =	vadd.s32 v5, v4  }
0x20e: {  	(xrf0) =	vadd.scan.msk.s32 $0xffff, v4;
	_ =	sdelay $0x5  }
0x20f: {  	v4, _, _ =	vpop (xrf0)  }
0x210: {  	(v2sf) =	vpush v4, $0xF;
	_ =	sdelay $0xa  }
0x211: {  	s26 =	sadd.s32 $0x1, s26  }
0x212: {  	p1 =	sne.s32 s26, $0x20  }
.Ltmp13:
0x213: {  	_ = 	snop;
	(pc) =	sbr.rel @p1 .LBB2_19-.Ltmp13, $4  }
0x214: {  	_ = 	snop  }
0x215: {  	s29 =	spop (v2sf)  }
0x216: {  	p0 =	sgt.s32 s29, $0x40  }
0x217: {  	s25 =	smov.u32 @p0 s28  }
.LBB2_25:
0x218: {  	_ =	swait.ge [sflag:s20], $0x8000  }
0x219: {  	[sflag:s20] =	ssyncset.done $0x0  }
0x21a: {  	s26 =	simm.s32 $0x18020;
	[sflag:s20] =	ssyncadd.s32 $0xFFFF8000  }
0x21b: {  	[tilespmem:s26+$0xFFFFFFE0] =	vst v0  }
0x21c: {  	[tilespmem:s26+$0x10] =	vst v0  }
0x21d: {  	s28 =	simm.s32 $0x0;
	[tilespmem:s26+$0x0] =	vst v0  }
.LBB2_26:
0x21e: {  	s28 =	sadd.s32 $0x4, s28  }
0x21f: {  	[tilespmem:s26+$0xFFFFFFF0] =	vst v0;
	s26 =	sadd.s32 $0x40, s26;
	p0 =	slt.u32 s28, $0x1C  }
.Ltmp14:
0x220: {  	[tilespmem:s26+$0xFFFFFFE0] =	vst v0;
	(pc) =	sbr.rel @p0 .LBB2_26-.Ltmp14, $3  }
0x221: {  	_ =	sdelay $0x1  }
0x222: {  	[tilespmem:s26+$0x10] =	vst v0  }
0x223: {  	[tilespmem:s26+$0x0] =	vst v0  }
0x224: {  	[tilespmem:s26+$0xFFFFFFF0] =	vst v0;
	s31 =	simm.s32 $0x8040  }
0x225: {  	v4 =	vld [tilespmem:s31+$0xFFFFFFC0]  }
0x226: {  	v6 =	vld [tilespmem:s31+$0xFFFFFFD0]  }
0x227: {  	v8 =	vld [tilespmem:s31+$0xFFFFFFE0]  }
0x228: {  	s25 =	sxor.u32 $0x80000000, s25;
	v11 =	vld [tilespmem:s31+$0x20]  }
0x229: {  	v5 =	vmov s25;
	v12 =	vld [tilespmem:s31+$0x0]  }
0x22a: {  	v13 =	vld [tilespmem:s31+$0x10];
	v7 =	vxor.u32 $0x7FFFFFFF, v5;
	vm0 =	vlt.s32 v5, $0x0  }
0x22b: {  	v9 =	vnsel vm0, s25, v7;
	v7 =	vld [tilespmem:s31+$0x30];
	s25 =	simm.s32 $0x80C0  }
0x22c: {  	v15 =	vld [tilespmem:s25+$0x30]  }
0x22d: {  	v19 =	vld [tilespmem:s25+$0xFFFFFFD0]  }
0x22e: {  	v21 =	vld [tilespmem:s25+$0xFFFFFFE0];
	vm0 =	vgt.f32 v4, v9  }
0x22f: {  	v23 =	vld [tilespmem:s25+$0x0];
	vm1 =	vgt.f32 v8, v9;
	v4 =	vnsel vm0, $0x0, v4;
	vm0 =	vgt.f32 v6, v9  }
0x230: {  	s28 =	simm.s32 $0x10040;
	[tilespmem:s31+$0xFFFFFFC0] =	vst v4;
	v4 =	vnsel vm0, $0x0, v6;
	v6 =	vnsel vm1, $0x0, v8;
	v8 =	vld [tilespmem:s31+$0xFFFFFFF0]  }
0x231: {  	vm0 =	vgt.f32 v12, v9;
	v5 =	vld [tilespmem:s28+$0xFFFFFFC0];
	[tilespmem:s31+$0xFFFFFFD0] =	vst v4  }
0x232: {  	vm1 =	vgt.f32 v7, v9;
	[tilespmem:s31+$0xFFFFFFE0] =	vst v6;
	v6 =	vnsel vm0, $0x0, v12;
	v4 =	vld [tilespmem:s28+$0xFFFFFFD0]  }
0x233: {  	vm0 =	vgt.f32 v13, v9;
	v12 =	vnsel vm1, $0x0, v7;
	v10 =	vld [tilespmem:s28+$0xFFFFFFE0];
	[tilespmem:s31+$0x0] =	vst v6  }
0x234: {  	v16 =	vlaneseq.u32;
	v14 =	vld [tilespmem:s25+$0xFFFFFFC0];
	vm4 =	vgt.f32 v15, v9;
	v6 =	vnsel vm0, $0x0, v13;
	[tilespmem:s31+$0x30] =	vst v12  }
0x235: {  	vm8 =	vgt.f32 v21, v9;
	v28 =	vnsel vm4, $0x0, v15;
	v7 =	vld [tilespmem:s28+$0x0];
	[tilespmem:s31+$0x10] =	vst v6;
	vm0 =	vgt.f32 v8, v9  }
0x236: {  	vm9 =	vgt.f32 v23, v9;
	vm4 =	vgt.f32 v19, v9;
	[tilespmem:s25+$0x30] =	vst v28;
	v6 =	vld [tilespmem:s28+$0x10];
	v12 =	vnsel vm0, $0x0, v8  }
0x237: {  	v28 =	vnsel vm9, $0x0, v23;
	vm0 =	vgt.f32 v11, v9;
	vm2 =	vgt.f32 v5, $2.500000000e+00;
	[tilespmem:s31+$0xFFFFFFF0] =	vst v12  }
0x238: {  	vm3 =	vgt.f32 v4, $2.500000000e+00;
	v11 =	vnsel vm0, $0x0, v11;
	vm1 =	vgt.f32 v10, $2.500000000e+00;
	v12 =	vld [tilespmem:s28+$0xFFFFFFF0]  }
0x239: {  	vm0 =	vgt.f32 v14, v9;
	v13 =	vsel vm2, $0x10, v2;
	vm2 =	vmmov vm2  }
0x23a: {  	v8 =	vld [tilespmem:s28+$0x30];
	v17 =	vsel vm3, $0x10, v2;
	v14 =	vnsel vm0, $0x0, v14;
	[tilespmem:s31+$0x20] =	vst v11;
	v11 =	vsel vm1, $0x10, v2  }
0x23b: {  	v18 =	vadd.s32 v16, v13;
	vm0 =	vgt.f32 v7, $2.500000000e+00;
	vm6 =	vgt.f32 v6, $2.500000000e+00;
	v13 =	vld [tilespmem:s28+$0x20]  }
0x23c: {  	s26 =	simm.s32 $0x100C0;
	v20 =	vld [tilespmem:s25+$0x10];
	v24 =	vadd.s32 v18, v17;
	v25 =	vsel vm0, $0x10, v2;
	[tilespmem:s25+$0xFFFFFFC0] =	vst v14;
	v14 =	vnsel vm4, $0x0, v19  }
0x23d: {  	v19 =	vnsel vm8, $0x0, v21;
	v27 =	vadd.s32 v24, v11;
	v11 =	vld [tilespmem:s26+$0xFFFFFFC0];
	vm5 =	vgt.f32 v12, $2.500000000e+00  }
0x23e: {  	v26 =	vld [tilespmem:s25+$0xFFFFFFF0];
	v29 =	vsel vm6, $0x10, v2;
	vm9 =	vlt.s32 v24, v1;
	v21 =	vsel vm5, $0x10, v2  }
0x23f: {  	v17 =	vld [tilespmem:s25+$0x20];
	[tilespmem:s25+$0xFFFFFFD0] =	vst v14;
	vm7 =	vgt.f32 v8, $2.500000000e+00;
	vm8 =	vlt.s32 v27, v1;
	v22 =	vadd.s32 v27, v21  }
0x240: {  	[tilespmem:s25+$0xFFFFFFE0] =	vst v19;
	v14 =	vld [tilespmem:s26+$0xFFFFFFD0];
	v15 =	vsel vm7, $0x10, v2;
	vm4 =	vgt.f32 v13, $2.500000000e+00;
	v25 =	vadd.s32 v22, v25  }
0x241: {  	s29 =	simm.s32 $0x8;
	s30 =	simm.s32 $0x8140;
	s28 =	simm.s32 $0x100C0;
	v19 =	vld [tilespmem:s26+$0xFFFFFFE0];
	v21 =	vsel vm4, $0x10, v2;
	vm10 =	vlt.s32 v22, v1;
	v23 =	vadd.s32 v25, v29  }
.LBB2_28:
0x242: {  	vm11 =	vgt.f32 v11, $2.500000000e+00;
	v24 =	vsel vm9, v24, v1;
	v27 =	vsel vm8, v27, v1  }
0x243: {  	v29 =	vld [tilespmem:s30+$0xFFFFFFC0];
	s29 =	sadd.s32 $0x8, s29;
	vm12 =	vmmov vm3;
	vm9 =	vmmov vm6;
	vm8 =	vmmov vm7  }
0x244: {  	vm6 =	vlt.s32 v16, v1;
	vm7 =	vlt.s32 v18, v1;
	vm13 =	vlt.s32 v25, v1;
	v30 =	vld [tilespmem:s30+$0x30];
	p0 =	slt.u32 s29, $0x7F8  }
0x245: {  	vm15 =	vgt.f32 v20, v9;
	vm14 =	vgt.f32 v26, v9;
	v31 =	vld [tilespmem:s30+$0xFFFFFFD0];
	vm3 =	vgt.f32 v14, $2.500000000e+00;
	[tilespmem:s25+$0x0] =	vst v28  }
0x246: {  	v20 =	vnsel vm15, $0x0, v20;
	v26 =	vnsel vm14, $0x0, v26;
	v28 =	vld [tilespmem:s30+$0x20];
	v32 =	vsel vm3, $0x10, v2  }
0x247: {  	v16 =	vsel vm6, v16, v1;
	v18 =	vsel vm7, v18, v1;
	vm14 =	vgt.f32 v17, v9;
	v33 =	vld [tilespmem:s26+$0x0];
	[tilespmem:s25+$0x10] =	vst v20  }
0x248: {  	v17 =	vnsel vm14, $0x0, v17;
	v20 =	vsel vm10, v22, v1;
	v22 =	vsel vm13, v25, v1;
	v34 =	vld [tilespmem:s26+$0x10];
	[tilespmem:v24+s17+$0x0] =	vst.idx.msk vm1, v10  }
0x249: {  	v10 =	vmov v19;
	[tilespmem:s25+$0x20] =	vst v17  }
0x24a: {  	v21 =	vadd.s32 v23, v21;
	s26 =	sadd.s32 $0x80, s26;
	vm1 =	vgt.f32 v10, $2.500000000e+00;
	v19 =	vld [tilespmem:s28+$0x30];
	[tilespmem:v27+s17+$0x0] =	vst.idx.msk vm5, v12;
	vm5 =	vlt.s32 v23, v1  }
0x24b: {  	vm6 =	vgt.f32 v29, v9;
	vm7 =	vgt.f32 v30, v9;
	v25 =	vld [tilespmem:s30+$0xFFFFFFE0];
	[tilespmem:s25+$0xFFFFFFF0] =	vst v26;
	v23 =	vsel vm5, v23, v1;
	s25 =	smov.u32 s30  }
0x24c: {  	v24 =	vnsel vm6, $0x0, v29;
	v26 =	vsel vm11, $0x10, v2;
	v17 =	vmovc v28;
	v12 =	vld [tilespmem:s28+$0xFFFFFFF0];
	[tilespmem:v16+s17+$0x0] =	vst.idx.msk vm2, v5;
	vm2 =	vlt.s32 v21, v1  }
0x24d: {  	v29 =	vnsel vm7, $0x0, v30;
	v5 =	vmovc v11;
	[tilespmem:s30+$0xFFFFFFC0] =	vst v24;
	v28 =	vld [tilespmem:s30+$0x0];
	vm6 =	vgt.f32 v34, $2.500000000e+00;
	v30 =	vsel vm2, v21, v1  }
0x24e: {  	v11 =	vsel vm1, $0x10, v2;
	v16 =	vadd.s32 v21, v15;
	vm2 =	vmmov vm11;
	[tilespmem:v18+s17+$0x0] =	vst.idx.msk vm12, v4;
	v4 =	vmovc v14  }
0x24f: {  	v18 =	vadd.s32 v16, v26;
	v21 =	vld [tilespmem:s28+$0x20];
	vm7 =	vgt.f32 v19, $2.500000000e+00;
	[tilespmem:v20+s17+$0x0] =	vst.idx.msk vm0, v7;
	vm0 =	vgt.f32 v33, $2.500000000e+00;
	v7 =	vmovc v33;
	s28 =	smov.u32 s26  }
0x250: {  	vm5 =	vgt.f32 v31, v9;
	v24 =	vadd.s32 v18, v32;
	v15 =	vsel vm7, $0x10, v2;
	[tilespmem:v23+s17+$0x0] =	vst.idx.msk vm4, v13  }
0x251: {  	vm4 =	vgt.f32 v25, v9;
	v27 =	vadd.s32 v24, v11;
	v23 =	vsel vm0, $0x10, v2;
	v20 =	vld [tilespmem:s30+$0x10];
	[tilespmem:v22+s17+$0x0] =	vst.idx.msk vm9, v6  }
.Ltmp15:
0x252: {  	v31 =	vnsel vm5, $0x0, v31;
	vm5 =	vgt.f32 v12, $2.500000000e+00;
	v6 =	vmovc v34;
	v11 =	vld [tilespmem:s26+$0xFFFFFFC0];
	vm9 =	vgt.f32 v28, v9;
	[tilespmem:v30+s17+$0x0] =	vst.idx.msk vm8, v8;
	(pc) =	sbr.rel @p0 .LBB2_28-.Ltmp15, $4  }
0x253: {  	v25 =	vnsel vm4, $0x0, v25;
	vm8 =	vlt.s32 v27, v1;
	v22 =	vsel vm5, $0x10, v2;
	v8 =	vmovc v19;
	[tilespmem:s30+$0xFFFFFFD0] =	vst v31;
	v26 =	vld [tilespmem:s30+$0xFFFFFFF0]  }
0x254: {  	v30 =	vsel vm6, $0x10, v2;
	v22 =	vadd.s32 v27, v22;
	v14 =	vld [tilespmem:s26+$0xFFFFFFD0];
	[tilespmem:s30+$0xFFFFFFE0] =	vst v25;
	vm4 =	vgt.f32 v21, $2.500000000e+00;
	v13 =	vmovc v21  }
0x255: {  	vm10 =	vlt.s32 v22, v1;
	v25 =	vadd.s32 v22, v23;
	v19 =	vld [tilespmem:s26+$0xFFFFFFE0];
	[tilespmem:s30+$0x30] =	vst v29;
	v21 =	vsel vm4, $0x10, v2  }
0x256: {  	v28 =	vnsel vm9, $0x0, v28;
	vm9 =	vlt.s32 v24, v1;
	s30 =	sadd.s32 $0x80, s30;
	v23 =	vadd.s32 v25, v30  }
0x257: {  	vm11 =	vgt.f32 v11, $2.500000000e+00;
	v24 =	vsel vm9, v24, v1;
	v27 =	vsel vm8, v27, v1  }
0x258: {  	vm9 =	vmmov vm3;
	vm12 =	vgt.f32 v20, v9;
	vm6 =	vmmov vm6  }
0x259: {  	vm3 =	vmmov vm7;
	vm8 =	vlt.s32 v16, v1;
	vm13 =	vlt.s32 v25, v1  }
0x25a: {  	v49 =	vsel vm10, v22, v1;
	v21 =	vadd.s32 v23, v21;
	v20 =	vnsel vm12, $0x0, v20  }
0x25b: {  	vm12 =	vlt.s32 v18, v1;
	vm14 =	vgt.f32 v26, v9;
	v47 =	vsel vm8, v16, v1  }
0x25c: {  	[tilespmem:s25+$0x0] =	vst v28;
	v25 =	vsel vm13, v25, v1;
	vm13 =	vlt.s32 v23, v1;
	v30 =	vsel vm11, $0x10, v2  }
0x25d: {  	v15 =	vadd.s32 v21, v15;
	[tilespmem:s25+$0x10] =	vst v20;
	v26 =	vnsel vm14, $0x0, v26;
	vm14 =	vgt.f32 v17, v9  }
0x25e: {  	v29 =	vld [tilespmem:s26+$0x0];
	vm7 =	vgt.f32 v14, $2.500000000e+00;
	v48 =	vsel vm12, v18, v1;
	v17 =	vnsel vm14, $0x0, v17;
	[tilespmem:s25+$0xFFFFFFF0] =	vst v26  }
0x25f: {  	v51 =	vsel vm13, v23, v1;
	vm12 =	vlt.s32 v21, v1;
	v54 =	vadd.s32 v15, v30;
	v46 =	vld [tilespmem:s26+$0x10];
	[tilespmem:s25+$0x20] =	vst v17  }
0x260: {  	v45 =	vsel vm7, $0x10, v2;
	v52 =	vsel vm12, v21, v1;
	vm14 =	vlt.s32 v15, v1;
	v26 =	vld [tilespmem:s28+$0xFFFFFFF0];
	[tilespmem:v24+s17+$0x0] =	vst.idx.msk vm1, v10  }
0x261: {  	vm8 =	vgt.f32 v19, $2.500000000e+00;
	vm15 =	vlt.s32 v54, v1;
	v56 =	vadd.s32 v54, v45;
	[tilespmem:v27+s17+$0x0] =	vst.idx.msk vm5, v12  }
0x262: {  	v53 =	vsel vm8, $0x10, v2;
	v60 =	vsel vm14, v15, v1;
	v55 =	vld [tilespmem:s28+$0x20];
	[tilespmem:v49+s17+$0x0] =	vst.idx.msk vm0, v7;
	vm0 =	vlt.s32 v56, v1  }
0x263: {  	v62 =	vsel vm15, v54, v1;
	vm5 =	vmmov vm11;
	[tilespmem:v47+s17+$0x0] =	vst.idx.msk vm2, v5;
	v12 =	vsel vm0, v56, v1  }
0x264: {  	vm1 =	vgt.f32 v29, $2.500000000e+00;
	v5 =	vadd.s32 v56, v53;
	[tilespmem:v25+s17+$0x0] =	vst.idx.msk vm6, v6;
	vm6 =	vmmov vm7  }
0x265: {  	[tilespmem:v48+s17+$0x0] =	vst.idx.msk vm9, v4;
	v4 =	vsel vm1, $0x10, v2;
	vm10 =	vgt.f32 v46, $2.500000000e+00;
	vm11 =	vgt.f32 v26, $2.500000000e+00  }
0x266: {  	v50 =	vld [tilespmem:s28+$0x30];
	vm9 =	vlt.s32 v5, v1;
	[tilespmem:v51+s17+$0x0] =	vst.idx.msk vm4, v13;
	v59 =	vsel vm10, $0x10, v2;
	v57 =	vsel vm11, $0x10, v2  }
0x267: {  	[tilespmem:v52+s17+$0x0] =	vst.idx.msk vm3, v8;
	vm4 =	vgt.f32 v55, $2.500000000e+00;
	v58 =	vadd.s32 v5, v57;
	v5 =	vsel vm9, v5, v1  }
0x268: {  	v61 =	vsel vm4, $0x10, v2;
	[tilespmem:v12+s17+$0x0] =	vst.idx.msk vm8, v19;
	vm12 =	vlt.s32 v58, v1;
	v4 =	vadd.s32 v58, v4  }
0x269: {  	v9 =	vadd.s32 v4, v59;
	vm9 =	vlt.s32 v4, v1;
	v7 =	vsel vm12, v58, v1  }
0x26a: {  	vm12 =	vlt.s32 v9, v1;
	v8 =	vadd.s32 v9, v61;
	v4 =	vsel vm9, v4, v1  }
0x26b: {  	vm2 =	vgt.f32 v50, $2.500000000e+00;
	[tilespmem:v60+s17+$0x0] =	vst.idx.msk vm5, v11;
	v9 =	vsel vm12, v9, v1;
	vm15 =	vlt.s32 v8, v1  }
0x26c: {  	[tilespmem:v5+s17+$0x0] =	vst.idx.msk vm11, v26;
	v5 =	vsel vm15, v8, v1  }
0x26d: {  	[tilespmem:v62+s17+$0x0] =	vst.idx.msk vm6, v14  }
0x26e: {  	[tilespmem:v7+s17+$0x0] =	vst.idx.msk vm1, v29  }
0x26f: {  	[tilespmem:v4+s17+$0x0] =	vst.idx.msk vm10, v46  }
0x270: {  	v63 =	vsel vm2, $0x10, v2;
	[tilespmem:v9+s17+$0x0] =	vst.idx.msk vm4, v55  }
0x271: {  	v4 =	vadd.s32 v8, v63;
	[tilespmem:v5+s17+$0x0] =	vst.idx.msk vm2, v50  }
0x272: {  	v4 =	vadd.s32 v3, v4;
	[hbm4b:s7+s12] =	stream.strided.scatter [tilespmem:s14], [sflag:$0x5], $0x8000, s13, s12, $0x38;
	[tilespmem:$0x18280] =	vst v63  }
0x273: {  	v4 =	vshra.s32 v4, $0x4;
	_ =	swait.ge [sflag:s21], $0x8000  }
0x274: {  	(xrf0) =	vadd.scan.msk.s32 $0xffff, v4;
	v4 =	vxor.u32 $0x80000000, v4  }
0x275: {  	(xrf0) =	vmax.scan.msk.u32 $0xffff, v4;
	_ =	sdelay $0x4  }
0x276: {  	v4, _, _ =	vpop (xrf0)  }
0x277: {  	(v2sf) =	vpush v4, $0xF;
	v4, _, _ =	vpop (xrf0)  }
0x278: {  	(v2sf) =	vpush v4, $0xF;
	_ =	sdelay $0xd  }
0x279: {  	s31 =	spop (v2sf)  }
0x27a: {  	s26 =	spop (v2sf);
	p0 =	slt.s32 s31, $0x41  }
0x27b: {  	p1 =	sgt.u32 @!p0 s26, $0x80000020  }
0x27c: {  	p1 =	por p0, p1  }
.Ltmp16:
0x27d: {  	_ = 	snop;
	(pc) =	sbr.rel @p1 .LBB2_30-.Ltmp16, $4  }
0x27e: {  	_ = 	snop  }
0x27f: {  	[sflag:s21] =	ssyncset.done $0x0  }
0x280: {  	[sflag:s21] =	ssyncadd.s32 $0xFFFF8000  }
0x281: {  	vm14 =	vmmov vm2;
	vm13 =	vmmov vm10;
	[tilespmem:s2], [sflag:$0x1] =	stream.strided.gather [hbm4b:s8+s12], $0x8000, s13, s12, $0x38;
	[tilespmem:$0x18280] =	vst v63  }
0x282: {  	v4 =	vld [tilespmem:$0x18000]  }
0x283: {  	v5 =	vld [tilespmem:$0x18010]  }
0x284: {  	v6 =	vld [tilespmem:$0x18020]  }
0x285: {  	v7 =	vld [tilespmem:$0x18030]  }
0x286: {  	v8 =	vld [tilespmem:$0x18040]  }
0x287: {  	v10 =	vld [tilespmem:$0x18050]  }
0x288: {  	v13 =	vld [tilespmem:$0x18060]  }
0x289: {  	v14 =	vld [tilespmem:$0x18080]  }
0x28a: {  	v16 =	vld [tilespmem:$0x18090]  }
0x28b: {  	v17 =	vld [tilespmem:$0x180A0]  }
0x28c: {  	v18 =	vld [tilespmem:$0x180B0]  }
0x28d: {  	v20 =	vld [tilespmem:$0x180C0]  }
0x28e: {  	v21 =	vld [tilespmem:$0x180E0];
	v9 =	vxor.u32 $0x7FFFFFFF, v4;
	vm0 =	vlt.s32 v4, $0x0;
	v11 =	vxor.u32 $0x7FFFFFFF, v5  }
0x28f: {  	v23 =	vld [tilespmem:$0x180F0];
	vm1 =	vlt.s32 v5, $0x0;
	vm11 =	vlt.s32 v6, $0x0;
	v12 =	vxor.u32 $0x7FFFFFFF, v7  }
0x290: {  	v32 =	vld [tilespmem:$0x18190];
	vm12 =	vlt.s32 v7, $0x0;
	v15 =	vxor.u32 $0x7FFFFFFF, v8;
	vm2 =	vlt.s32 v8, $0x0  }
0x291: {  	v25 =	vld [tilespmem:$0x18120];
	vm13 =	vlt.s32 v10, $0x0;
	vm14 =	vlt.s32 v13, $0x0;
	vm4 =	vlt.s32 v14, $0x0  }
0x292: {  	v35 =	vld [tilespmem:$0x181B0];
	vm5 =	vlt.s32 v16, $0x0;
	v22 =	vxor.u32 $0x7FFFFFFF, v17;
	vm6 =	vlt.s32 v17, $0x0  }
0x293: {  	v36 =	vld [tilespmem:$0x181D0];
	vm7 =	vlt.s32 v18, $0x0;
	vm8 =	vlt.s32 v20, $0x0;
	vm10 =	vlt.s32 v21, $0x0  }
0x294: {  	v4 =	vsel vm0, v9, v4;
	v5 =	vsel vm1, v11, v5;
	v11 =	vld [tilespmem:$0x18070];
	v9 =	vxor.u32 $0x7FFFFFFF, v6  }
0x295: {  	v38 =	vld [tilespmem:$0x181E0];
	v37 =	vxor.u32 $0x7FFFFFFF, v32;
	v7 =	vsel vm12, v12, v7;
	v9 =	vsel vm11, v9, v6  }
0x296: {  	v26 =	vld [tilespmem:$0x18140];
	v6 =	vsel vm2, v15, v8;
	v8 =	vxor.u32 $0x7FFFFFFF, v10;
	v15 =	vxor.u32 $0x7FFFFFFF, v13  }
0x297: {  	v28 =	vld [tilespmem:$0x18150];
	v12 =	vsel vm13, v8, v10;
	v10 =	vsel vm14, v15, v13;
	v13 =	vxor.u32 $0x7FFFFFFF, v16  }
0x298: {  	v31 =	vld [tilespmem:$0x18180];
	v60 =	vxor.u32 $0x7FFFFFFF, v35;
	v13 =	vsel vm5, v13, v16;
	v16 =	vxor.u32 $0x7FFFFFFF, v20  }
0x299: {  	v16 =	vsel vm8, v16, v20;
	v20 =	vld [tilespmem:$0x18130];
	v19 =	vxor.u32 $0x7FFFFFFF, v11;
	vm15 =	vlt.s32 v11, $0x0  }
0x29a: {  	v62 =	vxor.u32 $0x7FFFFFFF, v36;
	v63 =	vxor.u32 $0x7FFFFFFF, v38;
	v8 =	vsel vm15, v19, v11;
	v19 =	vld [tilespmem:$0x180D0]  }
0x29b: {  	vm11 =	vlt.s32 v23, $0x0;
	vm14 =	vlt.s32 v25, $0x0;
	v11 =	vxor.u32 $0x7FFFFFFF, v14  }
0x29c: {  	vm5 =	vlt.s32 v28, $0x0;
	v15 =	vsel vm4, v11, v14;
	v11 =	vsel vm6, v22, v17;
	v17 =	vld [tilespmem:$0x18100]  }
0x29d: {  	vm8 =	vlt.s32 v31, $0x0;
	v14 =	vxor.u32 $0x7FFFFFFF, v18;
	v22 =	vld [tilespmem:$0x18110];
	vm4 =	vlt.s32 v26, $0x0  }
0x29e: {  	v18 =	vsel vm7, v14, v18;
	v30 =	vxor.u32 $0x7FFFFFFF, v20;
	vm15 =	vlt.s32 v20, $0x0  }
0x29f: {  	v20 =	vsel vm15, v30, v20;
	v24 =	vxor.u32 $0x7FFFFFFF, v19;
	vm9 =	vlt.s32 v19, $0x0  }
0x2a0: {  	v29 =	vld [tilespmem:$0x18170];
	v14 =	vsel vm9, v24, v19;
	v19 =	vxor.u32 $0x7FFFFFFF, v21;
	v24 =	vxor.u32 $0x7FFFFFFF, v23  }
0x2a1: {  	v30 =	vxor.u32 $0x7FFFFFFF, v28;
	v21 =	vsel vm10, v19, v21;
	v19 =	vsel vm11, v24, v23;
	v23 =	vld [tilespmem:$0x18160]  }
0x2a2: {  	v27 =	vxor.u32 $0x7FFFFFFF, v17;
	vm12 =	vlt.s32 v17, $0x0;
	vm13 =	vlt.s32 v22, $0x0  }
0x2a3: {  	v34 =	vld [tilespmem:$0x181A0];
	v17 =	vsel vm12, v27, v17;
	v24 =	vxor.u32 $0x7FFFFFFF, v22;
	v27 =	vxor.u32 $0x7FFFFFFF, v25  }
0x2a4: {  	v24 =	vsel vm13, v24, v22;
	v22 =	vsel vm14, v27, v25;
	v25 =	vxor.u32 $0x7FFFFFFF, v26  }
0x2a5: {  	vm7 =	vlt.s32 v29, $0x0;
	v27 =	vsel vm4, v25, v26;
	v25 =	vsel vm5, v30, v28  }
0x2a6: {  	v28 =	vld [tilespmem:$0x181C0];
	v26 =	vxor.u32 $0x7FFFFFFF, v29;
	v33 =	vxor.u32 $0x7FFFFFFF, v23;
	vm6 =	vlt.s32 v23, $0x0  }
0x2a7: {  	vm9 =	vlt.s32 v32, $0x0;
	v23 =	vsel vm6, v33, v23;
	v33 =	vsel vm7, v26, v29;
	v29 =	vld [tilespmem:$0x181F0]  }
0x2a8: {  	vm10 =	vlt.s32 v34, $0x0;
	vm11 =	vlt.s32 v35, $0x0;
	v30 =	vxor.u32 $0x7FFFFFFF, v31  }
0x2a9: {  	vm13 =	vlt.s32 v36, $0x0;
	v30 =	vsel vm8, v30, v31;
	v31 =	vxor.u32 $0x7FFFFFFF, v34  }
0x2aa: {  	vm14 =	vlt.s32 v38, $0x0;
	v34 =	vsel vm10, v31, v34;
	v31 =	vsel vm11, v60, v35  }
0x2ab: {  	v35 =	vsel vm13, v62, v36;
	v26 =	vsel vm9, v37, v32;
	v61 =	vxor.u32 $0x7FFFFFFF, v28  }
0x2ac: {  	vm12 =	vlt.s32 v28, $0x0;
	v39 =	vxor.u32 $0x7FFFFFFF, v29;
	vm15 =	vlt.s32 v29, $0x0  }
0x2ad: {  	s25 =	simm.s32 $0xC0000000;
	s29 =	simm.s32 $0x20000000;
	s26 =	simm.s32 $0x3;
	v32 =	vsel vm14, v63, v38;
	v28 =	vsel vm12, v61, v28;
	v29 =	vsel vm15, v39, v29  }
.LBB2_35:
0x2ae: {  	p0 =	seq.s32 s26, $0x1F;
	s28 =	sor.u32 s29, s25  }
0x2af: {  	s29 =	sxor.u32 $0x80000000, s28  }
0x2b0: {  	vm0 =	vge.s32 v4, s29;
	vm1 =	vge.s32 v5, s29  }
0x2b1: {  	v36 =	vsel vm0, $0x1, v2;
	v37 =	vsel vm1, $0x1, v2;
	vm0 =	vge.s32 v9, s29  }
0x2b2: {  	v36 =	vadd.s32 v36, v37;
	v37 =	vsel vm0, $0x1, v2;
	vm0 =	vge.s32 v7, s29  }
0x2b3: {  	v36 =	vadd.s32 v37, v36;
	v37 =	vsel vm0, $0x1, v2;
	vm0 =	vge.s32 v6, s29  }
0x2b4: {  	v36 =	vadd.s32 v37, v36;
	v37 =	vsel vm0, $0x1, v2;
	vm0 =	vge.s32 v12, s29  }
0x2b5: {  	v36 =	vadd.s32 v37, v36;
	v37 =	vsel vm0, $0x1, v2;
	vm0 =	vge.s32 v10, s29  }
0x2b6: {  	v36 =	vadd.s32 v37, v36;
	v37 =	vsel vm0, $0x1, v2;
	vm0 =	vge.s32 v8, s29  }
0x2b7: {  	v36 =	vadd.s32 v37, v36;
	v37 =	vsel vm0, $0x1, v2;
	vm0 =	vge.s32 v15, s29  }
0x2b8: {  	v36 =	vadd.s32 v37, v36;
	v37 =	vsel vm0, $0x1, v2;
	vm0 =	vge.s32 v13, s29  }
0x2b9: {  	v36 =	vadd.s32 v37, v36;
	v37 =	vsel vm0, $0x1, v2;
	vm0 =	vge.s32 v11, s29  }
0x2ba: {  	v36 =	vadd.s32 v37, v36;
	v37 =	vsel vm0, $0x1, v2;
	vm0 =	vge.s32 v18, s29  }
0x2bb: {  	v36 =	vadd.s32 v37, v36;
	v37 =	vsel vm0, $0x1, v2;
	vm0 =	vge.s32 v16, s29  }
0x2bc: {  	v36 =	vadd.s32 v37, v36;
	v37 =	vsel vm0, $0x1, v2;
	vm0 =	vge.s32 v14, s29  }
0x2bd: {  	v36 =	vadd.s32 v37, v36;
	v37 =	vsel vm0, $0x1, v2;
	vm0 =	vge.s32 v21, s29  }
0x2be: {  	v36 =	vadd.s32 v37, v36;
	v37 =	vsel vm0, $0x1, v2;
	vm0 =	vge.s32 v19, s29  }
0x2bf: {  	v36 =	vadd.s32 v37, v36;
	v37 =	vsel vm0, $0x1, v2;
	vm0 =	vge.s32 v17, s29  }
0x2c0: {  	v36 =	vadd.s32 v37, v36;
	v37 =	vsel vm0, $0x1, v2;
	vm0 =	vge.s32 v24, s29  }
0x2c1: {  	v36 =	vadd.s32 v37, v36;
	v37 =	vsel vm0, $0x1, v2;
	vm0 =	vge.s32 v22, s29  }
0x2c2: {  	v36 =	vadd.s32 v37, v36;
	v37 =	vsel vm0, $0x1, v2;
	vm0 =	vge.s32 v20, s29  }
0x2c3: {  	v36 =	vadd.s32 v37, v36;
	v37 =	vsel vm0, $0x1, v2;
	vm0 =	vge.s32 v27, s29  }
0x2c4: {  	v36 =	vadd.s32 v37, v36;
	v37 =	vsel vm0, $0x1, v2;
	vm0 =	vge.s32 v25, s29  }
0x2c5: {  	v36 =	vadd.s32 v37, v36;
	v37 =	vsel vm0, $0x1, v2;
	vm0 =	vge.s32 v23, s29  }
0x2c6: {  	v36 =	vadd.s32 v37, v36;
	v37 =	vsel vm0, $0x1, v2;
	vm0 =	vge.s32 v33, s29  }
0x2c7: {  	v36 =	vadd.s32 v37, v36;
	v37 =	vsel vm0, $0x1, v2;
	vm0 =	vge.s32 v30, s29  }
0x2c8: {  	v36 =	vadd.s32 v37, v36;
	v37 =	vsel vm0, $0x1, v2;
	vm0 =	vge.s32 v26, s29  }
0x2c9: {  	v36 =	vadd.s32 v37, v36;
	v37 =	vsel vm0, $0x1, v2;
	vm0 =	vge.s32 v34, s29  }
0x2ca: {  	v36 =	vadd.s32 v37, v36;
	v37 =	vsel vm0, $0x1, v2;
	vm0 =	vge.s32 v31, s29  }
0x2cb: {  	v36 =	vadd.s32 v37, v36;
	v37 =	vsel vm0, $0x1, v2;
	vm0 =	vge.s32 v28, s29  }
0x2cc: {  	v36 =	vadd.s32 v37, v36;
	v37 =	vsel vm0, $0x1, v2;
	vm0 =	vge.s32 v35, s29  }
0x2cd: {  	v36 =	vadd.s32 v37, v36;
	v37 =	vsel vm0, $0x1, v2;
	vm0 =	vge.s32 v32, s29  }
0x2ce: {  	v36 =	vadd.s32 v37, v36;
	v37 =	vsel vm0, $0x1, v2;
	vm0 =	vge.s32 v29, s29  }
0x2cf: {  	v36 =	vadd.s32 v37, v36;
	v37 =	vsel vm0, $0x1, v2  }
0x2d0: {  	v36 =	vadd.s32 v37, v36  }
0x2d1: {  	(xrf0) =	vadd.scan.msk.s32 $0xffff, v36;
	_ =	sdelay $0x5  }
0x2d2: {  	v36, _, _ =	vpop (xrf0)  }
0x2d3: {  	(v2sf) =	vpush v36, $0xF;
	_ =	sdelay $0xc  }
.Ltmp17:
0x2d4: {  	(pc) =	sbr.rel @!p0 .LBB2_35-.Ltmp17, $4  }
0x2d5: {  	_ = 	snop  }
0x2d6: {  	s29 =	spop (v2sf)  }
0x2d7: {  	p1 =	sgt.s32 s29, $0x40  }
0x2d8: {  	s29 =	sshrl.u32 s18, s26;
	s26 =	sadd.s32 $0x1, s26;
	s25 =	smov.u32 @p1 s28  }
0x2d9: {  	s26 =	sor.u32 s29, s25  }
0x2da: {  	s28 =	sxor.u32 $0x80000000, s26  }
0x2db: {  	vm0 =	vge.s32 v4, s28;
	vm1 =	vge.s32 v5, s28  }
0x2dc: {  	vm10 =	vge.s32 v9, s28;
	v4 =	vsel vm0, $0x1, v2;
	v5 =	vsel vm1, $0x1, v2  }
0x2dd: {  	vm11 =	vge.s32 v7, s28;
	v4 =	vadd.s32 v4, v5;
	v5 =	vsel vm10, $0x1, v2  }
0x2de: {  	vm12 =	vge.s32 v6, s28;
	v4 =	vadd.s32 v5, v4;
	v5 =	vsel vm11, $0x1, v2  }
0x2df: {  	vm13 =	vge.s32 v12, s28;
	v4 =	vadd.s32 v5, v4;
	v5 =	vsel vm12, $0x1, v2  }
0x2e0: {  	vm14 =	vge.s32 v10, s28;
	v4 =	vadd.s32 v5, v4;
	v5 =	vsel vm13, $0x1, v2  }
0x2e1: {  	vm15 =	vge.s32 v8, s28;
	v4 =	vadd.s32 v5, v4;
	v5 =	vsel vm14, $0x1, v2  }
0x2e2: {  	vm4 =	vge.s32 v15, s28;
	v4 =	vadd.s32 v5, v4;
	v5 =	vsel vm15, $0x1, v2  }
0x2e3: {  	vm5 =	vge.s32 v13, s28;
	v4 =	vadd.s32 v5, v4;
	v5 =	vsel vm4, $0x1, v2  }
0x2e4: {  	vm6 =	vge.s32 v11, s28;
	v4 =	vadd.s32 v5, v4;
	v5 =	vsel vm5, $0x1, v2  }
0x2e5: {  	vm7 =	vge.s32 v18, s28;
	v4 =	vadd.s32 v5, v4;
	v5 =	vsel vm6, $0x1, v2  }
0x2e6: {  	vm8 =	vge.s32 v16, s28;
	v4 =	vadd.s32 v5, v4;
	v5 =	vsel vm7, $0x1, v2  }
0x2e7: {  	vm9 =	vge.s32 v14, s28;
	v4 =	vadd.s32 v5, v4;
	v5 =	vsel vm8, $0x1, v2  }
0x2e8: {  	vm10 =	vge.s32 v21, s28;
	v4 =	vadd.s32 v5, v4;
	v5 =	vsel vm9, $0x1, v2  }
0x2e9: {  	vm11 =	vge.s32 v19, s28;
	v4 =	vadd.s32 v5, v4;
	v5 =	vsel vm10, $0x1, v2  }
0x2ea: {  	vm12 =	vge.s32 v17, s28;
	v4 =	vadd.s32 v5, v4;
	v5 =	vsel vm11, $0x1, v2  }
0x2eb: {  	vm13 =	vge.s32 v24, s28;
	v4 =	vadd.s32 v5, v4;
	v5 =	vsel vm12, $0x1, v2  }
0x2ec: {  	vm14 =	vge.s32 v22, s28;
	v4 =	vadd.s32 v5, v4;
	v5 =	vsel vm13, $0x1, v2  }
0x2ed: {  	vm15 =	vge.s32 v20, s28;
	v4 =	vadd.s32 v5, v4;
	v5 =	vsel vm14, $0x1, v2  }
0x2ee: {  	vm4 =	vge.s32 v27, s28;
	v4 =	vadd.s32 v5, v4;
	v5 =	vsel vm15, $0x1, v2  }
0x2ef: {  	vm5 =	vge.s32 v25, s28;
	v4 =	vadd.s32 v5, v4;
	v5 =	vsel vm4, $0x1, v2  }
0x2f0: {  	vm6 =	vge.s32 v23, s28;
	v4 =	vadd.s32 v5, v4;
	v5 =	vsel vm5, $0x1, v2  }
0x2f1: {  	vm7 =	vge.s32 v33, s28;
	v4 =	vadd.s32 v5, v4;
	v5 =	vsel vm6, $0x1, v2  }
0x2f2: {  	vm8 =	vge.s32 v30, s28;
	v4 =	vadd.s32 v5, v4;
	v5 =	vsel vm7, $0x1, v2  }
0x2f3: {  	vm9 =	vge.s32 v26, s28;
	v4 =	vadd.s32 v5, v4;
	v5 =	vsel vm8, $0x1, v2  }
0x2f4: {  	vm10 =	vge.s32 v34, s28;
	v4 =	vadd.s32 v5, v4;
	v5 =	vsel vm9, $0x1, v2  }
0x2f5: {  	vm11 =	vge.s32 v31, s28;
	v4 =	vadd.s32 v5, v4;
	v5 =	vsel vm10, $0x1, v2  }
0x2f6: {  	vm12 =	vge.s32 v28, s28;
	v4 =	vadd.s32 v5, v4;
	v5 =	vsel vm11, $0x1, v2  }
0x2f7: {  	vm13 =	vge.s32 v35, s28;
	v4 =	vadd.s32 v5, v4;
	v5 =	vsel vm12, $0x1, v2  }
0x2f8: {  	vm14 =	vge.s32 v32, s28;
	v4 =	vadd.s32 v5, v4;
	v5 =	vsel vm13, $0x1, v2  }
0x2f9: {  	vm15 =	vge.s32 v29, s28;
	v4 =	vadd.s32 v5, v4;
	v5 =	vsel vm14, $0x1, v2  }
0x2fa: {  	v4 =	vadd.s32 v5, v4;
	v5 =	vsel vm15, $0x1, v2  }
0x2fb: {  	v4 =	vadd.s32 v5, v4  }
0x2fc: {  	(xrf0) =	vadd.scan.msk.s32 $0xffff, v4;
	_ =	sdelay $0x5  }
0x2fd: {  	v4, _, _ =	vpop (xrf0)  }
0x2fe: {  	(v2sf) =	vpush v4, $0xF;
	_ =	sdelay $0xc  }
.Ltmp18:
0x2ff: {  	_ = 	snop;
	(pc) =	sbr.rel .LBB2_37-.Ltmp18, $4  }
0x300: {  	_ = 	snop  }
0x301: {  	s31 =	spop (v2sf)  }
0x302: {  	p0 =	sgt.s32 s31, $0x40  }
0x303: {  	s25 =	smov.u32 @p0 s26  }
.LBB2_30:
0x304: {  	s25 =	simm.s32 $0x0;
	s26 =	simm.s32 $0x0  }
0x305: {  	s25 =	simm.s32 @p0 $0x0;
	s26 =	simm.s32 @p0 $0x0  }
.LBB2_31:
0x306: {  	s30 =	simm.s32 $0x0  }
0x307: {  	s28 =	sshrl.u32 s18, s26;
	v6 =	vld [tilespmem:s30+$0x10000]  }
0x308: {  	s28 =	sor.u32 s28, s25  }
0x309: {  	s29 =	sxor.u32 $0x80000000, s28  }
0x30a: {  	v4 =	vimm.s32 $0x0;
	v5 =	vmov s29;
	s29 =	simm.s32 $0x40  }
.LBB2_32:
0x30b: {  	p0 =	sne.s32 s29, $0x1FFC0  }
.Ltmp19:
0x30c: {  	s30 =	sshra.s32 s29, $0x2;
	s29 =	sadd.s32 $0x40, s29;
	v7 =	vxor.u32 $0x7FFFFFFF, v6;
	vm0 =	vlt.s32 v6, $0x0;
	(pc) =	sbr.rel @p0 .LBB2_32-.Ltmp19, $4  }
0x30d: {  	v7 =	vsel vm0, v7, v6;
	v6 =	vld [tilespmem:s30+$0x10000]  }
0x30e: {  	vm0 =	vge.s32 v7, v5  }
0x30f: {  	v7 =	vsel vm0, $0x1, v2  }
0x310: {  	v4 =	vadd.s32 v7, v4  }
0x311: {  	_ = 	snop  }
0x312: {  	v7 =	vxor.u32 $0x7FFFFFFF, v6;
	vm0 =	vlt.s32 v6, $0x0  }
0x313: {  	v6 =	vsel vm0, v7, v6  }
0x314: {  	vm0 =	vge.s32 v6, v5  }
0x315: {  	v5 =	vsel vm0, $0x1, v2  }
0x316: {  	v4 =	vadd.s32 v5, v4  }
0x317: {  	(xrf0) =	vadd.scan.msk.s32 $0xffff, v4;
	_ =	sdelay $0x5  }
0x318: {  	v4, _, _ =	vpop (xrf0)  }
0x319: {  	(v2sf) =	vpush v4, $0xF;
	_ =	sdelay $0xa  }
0x31a: {  	s26 =	sadd.s32 $0x1, s26  }
0x31b: {  	p1 =	sne.s32 s26, $0x20  }
.Ltmp20:
0x31c: {  	_ = 	snop;
	(pc) =	sbr.rel @p1 .LBB2_31-.Ltmp20, $4  }
0x31d: {  	_ = 	snop  }
0x31e: {  	s29 =	spop (v2sf)  }
0x31f: {  	p0 =	sgt.s32 s29, $0x40  }
0x320: {  	s25 =	smov.u32 @p0 s28  }
.LBB2_37:
0x321: {  	_ =	swait.ge [sflag:s16], $0x8000  }
0x322: {  	[sflag:s16] =	ssyncset.done $0x0  }
0x323: {  	s26 =	simm.s32 $0x18020;
	[sflag:s16] =	ssyncadd.s32 $0xFFFF8000  }
0x324: {  	[tilespmem:s26+$0xFFFFFFE0] =	vst v0  }
0x325: {  	[tilespmem:s26+$0x10] =	vst v0  }
0x326: {  	s28 =	simm.s32 $0x0;
	[tilespmem:s26+$0x0] =	vst v0  }
.LBB2_38:
0x327: {  	s28 =	sadd.s32 $0x4, s28  }
0x328: {  	[tilespmem:s26+$0xFFFFFFF0] =	vst v0;
	s26 =	sadd.s32 $0x40, s26;
	p0 =	slt.u32 s28, $0x1C  }
.Ltmp21:
0x329: {  	[tilespmem:s26+$0xFFFFFFE0] =	vst v0;
	(pc) =	sbr.rel @p0 .LBB2_38-.Ltmp21, $3  }
0x32a: {  	_ =	sdelay $0x1  }
0x32b: {  	[tilespmem:s26+$0x10] =	vst v0  }
0x32c: {  	[tilespmem:s26+$0x0] =	vst v0  }
0x32d: {  	[tilespmem:s26+$0xFFFFFFF0] =	vst v0;
	s31 =	simm.s32 $0x10040  }
0x32e: {  	v4 =	vld [tilespmem:s31+$0xFFFFFFC0]  }
0x32f: {  	v6 =	vld [tilespmem:s31+$0xFFFFFFD0]  }
0x330: {  	v8 =	vld [tilespmem:s31+$0xFFFFFFE0]  }
0x331: {  	s25 =	sxor.u32 $0x80000000, s25;
	v11 =	vld [tilespmem:s31+$0x20]  }
0x332: {  	v5 =	vmov s25;
	v12 =	vld [tilespmem:s31+$0x0]  }
0x333: {  	v13 =	vld [tilespmem:s31+$0x10];
	v7 =	vxor.u32 $0x7FFFFFFF, v5;
	vm0 =	vlt.s32 v5, $0x0  }
0x334: {  	v10 =	vnsel vm0, s25, v7;
	v7 =	vld [tilespmem:s31+$0x30];
	s25 =	simm.s32 $0x100C0  }
0x335: {  	v21 =	vld [tilespmem:s25+$0xFFFFFFE0];
	vm0 =	vgt.f32 v4, v10  }
0x336: {  	v24 =	vld [tilespmem:s25+$0x0];
	vm1 =	vgt.f32 v8, v10;
	v4 =	vnsel vm0, $0x0, v4;
	vm0 =	vgt.f32 v6, v10  }
0x337: {  	s28 =	simm.s32 $0x40;
	[tilespmem:s31+$0xFFFFFFC0] =	vst v4;
	v4 =	vnsel vm0, $0x0, v6;
	v6 =	vnsel vm1, $0x0, v8;
	v8 =	vld [tilespmem:s31+$0xFFFFFFF0]  }
0x338: {  	vm0 =	vgt.f32 v12, v10;
	v5 =	vld [tilespmem:s28+$0xFFFFFFC0];
	[tilespmem:s31+$0xFFFFFFD0] =	vst v4  }
0x339: {  	[tilespmem:s31+$0xFFFFFFE0] =	vst v6;
	v6 =	vnsel vm0, $0x0, v12;
	v12 =	vld [tilespmem:s25+$0x30]  }
0x33a: {  	v4 =	vld [tilespmem:s28+$0xFFFFFFD0]  }
0x33b: {  	v9 =	vld [tilespmem:s28+$0xFFFFFFE0]  }
0x33c: {  	v15 =	vlaneseq.u32;
	v14 =	vld [tilespmem:s25+$0xFFFFFFC0];
	vm1 =	vgt.f32 v7, v10;
	vm0 =	vgt.f32 v13, v10  }
0x33d: {  	v18 =	vld [tilespmem:s25+$0xFFFFFFD0];
	v7 =	vnsel vm1, $0x0, v7;
	[tilespmem:s31+$0x0] =	vst v6;
	v13 =	vnsel vm0, $0x0, v13;
	vm0 =	vgt.f32 v8, v10  }
0x33e: {  	vm8 =	vgt.f32 v21, v10;
	vm10 =	vgt.f32 v24, v10;
	v6 =	vld [tilespmem:s28+$0x0];
	[tilespmem:s31+$0x10] =	vst v13;
	v13 =	vnsel vm0, $0x0, v8  }
0x33f: {  	[tilespmem:s31+$0x30] =	vst v7;
	v7 =	vld [tilespmem:s28+$0x10];
	vm0 =	vgt.f32 v11, v10;
	vm3 =	vgt.f32 v5, $2.500000000e+00;
	vm4 =	vgt.f32 v12, v10  }
0x340: {  	vm2 =	vgt.f32 v4, $2.500000000e+00;
	v16 =	vnsel vm0, $0x0, v11;
	[tilespmem:s31+$0xFFFFFFF0] =	vst v13;
	vm1 =	vgt.f32 v9, $2.500000000e+00  }
0x341: {  	vm0 =	vgt.f32 v14, v10;
	v13 =	vsel vm3, $0x10, v2;
	v28 =	vnsel vm4, $0x0, v12;
	v11 =	vld [tilespmem:s28+$0xFFFFFFF0]  }
0x342: {  	vm3 =	vmmov vm3;
	vm4 =	vgt.f32 v18, v10;
	v17 =	vsel vm2, $0x10, v2  }
0x343: {  	v8 =	vld [tilespmem:s28+$0x30];
	v14 =	vnsel vm0, $0x0, v14;
	[tilespmem:s31+$0x20] =	vst v16;
	v12 =	vsel vm1, $0x10, v2;
	v16 =	vadd.s32 v15, v13  }
0x344: {  	vm0 =	vgt.f32 v6, $2.500000000e+00;
	[tilespmem:s25+$0x30] =	vst v28;
	v28 =	vnsel vm10, $0x0, v24;
	vm5 =	vgt.f32 v7, $2.500000000e+00;
	v13 =	vld [tilespmem:s28+$0x20]  }
0x345: {  	s26 =	simm.s32 $0xC0;
	v19 =	vld [tilespmem:s25+$0x20];
	v20 =	vadd.s32 v16, v17;
	v23 =	vsel vm0, $0x10, v2;
	[tilespmem:s25+$0xFFFFFFC0] =	vst v14;
	v14 =	vnsel vm4, $0x0, v18  }
0x346: {  	v18 =	vnsel vm8, $0x0, v21;
	v22 =	vadd.s32 v20, v12;
	v12 =	vld [tilespmem:s26+$0xFFFFFFC0];
	vm6 =	vgt.f32 v11, $2.500000000e+00  }
0x347: {  	v25 =	vld [tilespmem:s25+$0x10];
	v29 =	vsel vm5, $0x10, v2;
	vm10 =	vlt.s32 v20, v1;
	v21 =	vsel vm6, $0x10, v2  }
0x348: {  	v27 =	vld [tilespmem:s25+$0xFFFFFFF0];
	[tilespmem:s25+$0xFFFFFFD0] =	vst v14;
	vm7 =	vgt.f32 v8, $2.500000000e+00;
	vm9 =	vlt.s32 v22, v1;
	v21 =	vadd.s32 v22, v21  }
0x349: {  	[tilespmem:s25+$0xFFFFFFE0] =	vst v18;
	v14 =	vld [tilespmem:s26+$0xFFFFFFD0];
	v17 =	vsel vm7, $0x10, v2;
	vm4 =	vgt.f32 v13, $2.500000000e+00;
	v23 =	vadd.s32 v21, v23  }
0x34a: {  	s29 =	simm.s32 $0x8;
	s30 =	simm.s32 $0x10140;
	s28 =	simm.s32 $0xC0;
	v18 =	vld [tilespmem:s26+$0xFFFFFFE0];
	v26 =	vsel vm4, $0x10, v2;
	vm8 =	vlt.s32 v21, v1;
	v24 =	vadd.s32 v23, v29  }
.LBB2_40:
0x34b: {  	vm11 =	vgt.f32 v12, $2.500000000e+00;
	v20 =	vsel vm10, v20, v1;
	v22 =	vsel vm9, v22, v1  }
0x34c: {  	v29 =	vld [tilespmem:s30+$0xFFFFFFC0];
	s29 =	sadd.s32 $0x8, s29;
	vm12 =	vmmov vm2;
	vm10 =	vmmov vm5;
	vm9 =	vmmov vm7  }
0x34d: {  	vm5 =	vlt.s32 v15, v1;
	vm7 =	vlt.s32 v16, v1;
	vm13 =	vlt.s32 v23, v1;
	v30 =	vld [tilespmem:s30+$0x30];
	p0 =	slt.u32 s29, $0x7F8  }
0x34e: {  	vm15 =	vgt.f32 v25, v10;
	vm14 =	vgt.f32 v27, v10;
	v31 =	vld [tilespmem:s30+$0xFFFFFFD0];
	vm2 =	vgt.f32 v14, $2.500000000e+00;
	[tilespmem:s25+$0x0] =	vst v28  }
0x34f: {  	v25 =	vnsel vm15, $0x0, v25;
	v27 =	vnsel vm14, $0x0, v27;
	v28 =	vld [tilespmem:s30+$0x20];
	v32 =	vsel vm2, $0x10, v2  }
0x350: {  	v15 =	vsel vm5, v15, v1;
	v16 =	vsel vm7, v16, v1;
	vm14 =	vgt.f32 v19, v10;
	v33 =	vld [tilespmem:s26+$0x0];
	[tilespmem:s25+$0x10] =	vst v25  }
0x351: {  	v19 =	vnsel vm14, $0x0, v19;
	v34 =	vld [tilespmem:s26+$0x10];
	[tilespmem:v20+s17+$0x0] =	vst.idx.msk vm1, v9;
	v20 =	vsel vm8, v21, v1;
	v21 =	vsel vm13, v23, v1  }
0x352: {  	v9 =	vmov v18;
	[tilespmem:s25+$0x20] =	vst v19  }
0x353: {  	vm5 =	vlt.s32 v24, v1;
	s26 =	sadd.s32 $0x80, s26;
	vm1 =	vgt.f32 v9, $2.500000000e+00;
	v18 =	vld [tilespmem:s28+$0x30];
	[tilespmem:v22+s17+$0x0] =	vst.idx.msk vm6, v11;
	v22 =	vadd.s32 v24, v26  }
0x354: {  	vm7 =	vgt.f32 v30, v10;
	vm6 =	vgt.f32 v29, v10;
	v24 =	vsel vm5, v24, v1;
	v23 =	vld [tilespmem:s30+$0xFFFFFFE0];
	[tilespmem:s25+$0xFFFFFFF0] =	vst v27;
	s25 =	smov.u32 s30  }
0x355: {  	v26 =	vsel vm11, $0x10, v2;
	v25 =	vnsel vm6, $0x0, v29;
	v19 =	vmovc v28;
	v11 =	vld [tilespmem:s28+$0xFFFFFFF0];
	[tilespmem:v15+s17+$0x0] =	vst.idx.msk vm3, v5;
	vm3 =	vlt.s32 v22, v1  }
0x356: {  	v29 =	vnsel vm7, $0x0, v30;
	v5 =	vmovc v12;
	[tilespmem:s30+$0xFFFFFFC0] =	vst v25;
	v28 =	vld [tilespmem:s30+$0x0];
	vm5 =	vgt.f32 v34, $2.500000000e+00;
	v27 =	vsel vm3, v22, v1  }
0x357: {  	v12 =	vsel vm1, $0x10, v2;
	v15 =	vadd.s32 v22, v17;
	vm3 =	vmmov vm11;
	[tilespmem:v16+s17+$0x0] =	vst.idx.msk vm12, v4;
	v4 =	vmovc v14  }
0x358: {  	v16 =	vadd.s32 v15, v26;
	v26 =	vld [tilespmem:s28+$0x20];
	vm7 =	vgt.f32 v18, $2.500000000e+00;
	[tilespmem:v20+s17+$0x0] =	vst.idx.msk vm0, v6;
	vm0 =	vgt.f32 v33, $2.500000000e+00;
	v6 =	vmovc v33;
	s28 =	smov.u32 s26  }
0x359: {  	vm6 =	vgt.f32 v31, v10;
	v20 =	vadd.s32 v16, v32;
	v17 =	vsel vm7, $0x10, v2;
	[tilespmem:v24+s17+$0x0] =	vst.idx.msk vm4, v13  }
0x35a: {  	vm4 =	vgt.f32 v23, v10;
	v22 =	vadd.s32 v20, v12;
	v24 =	vsel vm0, $0x10, v2;
	v25 =	vld [tilespmem:s30+$0x10];
	[tilespmem:v21+s17+$0x0] =	vst.idx.msk vm10, v7  }
.Ltmp22:
0x35b: {  	v31 =	vnsel vm6, $0x0, v31;
	vm6 =	vgt.f32 v11, $2.500000000e+00;
	v7 =	vmovc v34;
	v12 =	vld [tilespmem:s26+$0xFFFFFFC0];
	vm10 =	vgt.f32 v28, v10;
	[tilespmem:v27+s17+$0x0] =	vst.idx.msk vm9, v8;
	(pc) =	sbr.rel @p0 .LBB2_40-.Ltmp22, $4  }
0x35c: {  	v23 =	vnsel vm4, $0x0, v23;
	vm9 =	vlt.s32 v22, v1;
	v21 =	vsel vm6, $0x10, v2;
	v8 =	vmovc v18;
	[tilespmem:s30+$0xFFFFFFD0] =	vst v31;
	v27 =	vld [tilespmem:s30+$0xFFFFFFF0]  }
0x35d: {  	v30 =	vsel vm5, $0x10, v2;
	v21 =	vadd.s32 v22, v21;
	v14 =	vld [tilespmem:s26+$0xFFFFFFD0];
	[tilespmem:s30+$0xFFFFFFE0] =	vst v23;
	vm4 =	vgt.f32 v26, $2.500000000e+00;
	v13 =	vmovc v26  }
0x35e: {  	vm8 =	vlt.s32 v21, v1;
	v23 =	vadd.s32 v21, v24;
	v18 =	vld [tilespmem:s26+$0xFFFFFFE0];
	[tilespmem:s30+$0x30] =	vst v29;
	v26 =	vsel vm4, $0x10, v2  }
0x35f: {  	v28 =	vnsel vm10, $0x0, v28;
	vm10 =	vlt.s32 v20, v1;
	s30 =	sadd.s32 $0x80, s30;
	v24 =	vadd.s32 v23, v30  }
0x360: {  	_ = 	snop  }
0x361: {  	vm11 =	vgt.f32 v27, v10  }
0x362: {  	v27 =	vnsel vm11, $0x0, v27  }
0x363: {  	[tilespmem:s25+$0xFFFFFFF0] =	vst v27  }
0x364: {  	vm14 =	vgt.f32 v25, v10;
	[tilespmem:s25+$0x0] =	vst v28;
	v48 =	vld [tilespmem:s28+$0xFFFFFFF0]  }
0x365: {  	vm15 =	vgt.f32 v19, v10;
	v30 =	vimm.s32 $0x0;
	v32 =	vimm.s32 $0x0;
	v49 =	vld [tilespmem:s26+$0x0]  }
0x366: {  	v53 =	vimm.s32 $0x0;
	v20 =	vsel vm10, v20, v1;
	v22 =	vsel vm9, v22, v1  }
0x367: {  	vm9 =	vlt.s32 v15, v1;
	vm2 =	vmmov vm2;
	v25 =	vnsel vm14, $0x0, v25  }
0x368: {  	v19 =	vnsel vm15, $0x0, v19;
	v15 =	vsel vm9, v15, v1;
	[tilespmem:s25+$0x10] =	vst v25;
	vm12 =	vgt.f32 v18, $2.500000000e+00  }
0x369: {  	[tilespmem:s25+$0x20] =	vst v19;
	v25 =	vld [tilespmem:s26+$0x10];
	v30 =	vsel vm12, $0xFFFFFFFF, v30;
	v31 =	vsel vm12, $0x10, v2;
	vm12 =	vgt.f32 v48, $2.500000000e+00  }
0x36a: {  	vm9 =	vlt.s32 v16, v1;
	v52 =	vld [tilespmem:s28+$0x20];
	[tilespmem:$0x1FFA0] =	vst v30;
	vm13 =	vgt.f32 v49, $2.500000000e+00;
	v32 =	vsel vm12, $0xFFFFFFFF, v32  }
0x36b: {  	v16 =	vsel vm9, v16, v1;
	v30 =	vld [tilespmem:s28+$0x30];
	[tilespmem:$0x1FFB0] =	vst v32;
	v32 =	vsel vm13, $0xFFFFFFFF, v53  }
0x36c: {  	v50 =	vadd.s32 v24, v26;
	v21 =	vsel vm8, v21, v1;
	vm8 =	vlt.s32 v24, v1;
	[tilespmem:$0x1FFC0] =	vst v32  }
0x36d: {  	v56 =	vsel vm8, v24, v1;
	vm8 =	vlt.s32 v50, v1;
	[tilespmem:v20+s17+$0x0] =	vst.idx.msk vm1, v9  }
0x36e: {  	vm9 =	vlt.s32 v23, v1;
	vm1 =	vmmov vm5;
	[tilespmem:v15+s17+$0x0] =	vst.idx.msk vm3, v5;
	v5 =	vsel vm8, v50, v1  }
0x36f: {  	vm15 =	vgt.f32 v12, $2.500000000e+00;
	v57 =	vsel vm9, v23, v1;
	[tilespmem:v22+s17+$0x0] =	vst.idx.msk vm6, v11  }
0x370: {  	v17 =	vadd.s32 v50, v17;
	vm14 =	vgt.f32 v14, $2.500000000e+00;
	v51 =	vsel vm15, $0x10, v2;
	[tilespmem:v16+s17+$0x0] =	vst.idx.msk vm2, v4  }
0x371: {  	v29 =	vsel vm14, $0x10, v2;
	v26 =	vadd.s32 v17, v51;
	[tilespmem:v21+s17+$0x0] =	vst.idx.msk vm0, v6  }
0x372: {  	v29 =	vadd.s32 v26, v29;
	[tilespmem:v56+s17+$0x0] =	vst.idx.msk vm4, v13  }
0x373: {  	v31 =	vadd.s32 v29, v31;
	v54 =	vsel vm12, $0x10, v2;
	[tilespmem:v5+s17+$0x0] =	vst.idx.msk vm7, v8  }
0x374: {  	v33 =	vsel vm13, $0x10, v2;
	vm12 =	vgt.f32 v25, $2.500000000e+00;
	v32 =	vadd.s32 v31, v54;
	[tilespmem:v57+s17+$0x0] =	vst.idx.msk vm1, v7  }
0x375: {  	v34 =	vsel vm12, $0x10, v2;
	vm13 =	vgt.f32 v52, $2.500000000e+00;
	v33 =	vadd.s32 v32, v33;
	v8 =	vld [tilespmem:$0x1FFA0]  }
0x376: {  	vm11 =	vgt.f32 v30, $2.500000000e+00;
	v35 =	vsel vm13, $0x10, v2;
	v34 =	vadd.s32 v33, v34  }
0x377: {  	v36 =	vsel vm11, $0x10, v2;
	v35 =	vadd.s32 v34, v35  }
0x378: {  	v36 =	vadd.s32 v35, v36  }
0x379: {  	v36 =	vadd.s32 v3, v36  }
0x37a: {  	vm9 =	vlt.s32 v29, v1;
	v36 =	vshra.s32 v36, $0x4;
	vm2 =	vnez.u8 v8  }
0x37b: {  	v4 =	vsel vm9, v29, v1;
	(xrf0) =	vadd.scan.msk.s32 $0xffff, v36;
	v36 =	vxor.u32 $0x80000000, v36  }
0x37c: {  	(xrf0) =	vmax.scan.msk.u32 $0xffff, v36;
	_ =	sdelay $0x3  }
0x37d: {  	[tilespmem:v4+s17+$0x0] =	vst.idx.msk vm2, v18  }
0x37e: {  	v55, _, _ =	vpop (xrf0);
	v11 =	vld [tilespmem:$0x1FFB0]  }
0x37f: {  	vm10 =	vmmov vm7;
	(v2sf) =	vpush v55, $0xF;
	v58, _, _ =	vpop (xrf0)  }
0x380: {  	vm10 =	vlt.s32 v31, v1;
	(v2sf) =	vpush v58, $0xF  }
0x381: {  	v59 =	vsel vm10, v31, v1;
	vm8 =	vlt.s32 v17, v1;
	vm9 =	vmmov vm14  }
0x382: {  	vm10 =	vlt.s32 v26, v1;
	v60 =	vsel vm8, v17, v1;
	vm9 =	vmmov vm12  }
0x383: {  	v61 =	vsel vm10, v26, v1;
	vm9 =	vnez.u8 v11;
	_ =	sdelay $0x3  }
0x384: {  	[tilespmem:v60+s17+$0x0] =	vst.idx.msk vm15, v12  }
0x385: {  	[tilespmem:v61+s17+$0x0] =	vst.idx.msk vm14, v14  }
0x386: {  	[tilespmem:v59+s17+$0x0] =	vst.idx.msk vm9, v48  }
0x387: {  	v7 =	vld [tilespmem:$0x1FFC0];
	_ =	sdelay $0x1  }
0x388: {  	vm8 =	vlt.s32 v34, v1  }
0x389: {  	vm10 =	vlt.s32 v33, v1;
	v4 =	vsel vm8, v34, v1  }
0x38a: {  	vm6 =	vmmov vm15;
	v62 =	vsel vm10, v33, v1;
	vm10 =	vlt.s32 v35, v1;
	s31 =	spop (v2sf)  }
0x38b: {  	vm6 =	vlt.s32 v32, v1;
	v63 =	vsel vm10, v35, v1;
	s26 =	spop (v2sf);
	p0 =	slt.s32 s31, $0x41;
	vm2 =	vnez.u8 v7  }
0x38c: {  	v5 =	vsel vm6, v32, v1;
	p1 =	sgt.u32 @!p0 s26, $0x80000020  }
0x38d: {  	p1 =	por p0, p1  }
.Ltmp23:
0x38e: {  	[tilespmem:v4+s17+$0x0] =	vst.idx.msk vm13, v52;
	(pc) =	sbr.rel @p1 .LBB2_42-.Ltmp23, $4  }
0x38f: {  	[tilespmem:v62+s17+$0x0] =	vst.idx.msk vm12, v25  }
0x390: {  	[tilespmem:v63+s17+$0x0] =	vst.idx.msk vm11, v30  }
0x391: {  	[tilespmem:v5+s17+$0x0] =	vst.idx.msk vm2, v49  }
0x392: {  	vm8 =	vmmov vm11;
	[hbm4b:s9+s12] =	stream.strided.scatter [tilespmem:s15], [sflag:$0x6], $0x8000, s13, s12, $0x38;
	[tilespmem:$0x18280] =	vst v63  }
0x393: {  	v4 =	vld [tilespmem:$0x18000]  }
0x394: {  	v5 =	vld [tilespmem:$0x18010]  }
0x395: {  	v6 =	vld [tilespmem:$0x18020]  }
0x396: {  	v7 =	vld [tilespmem:$0x18030]  }
0x397: {  	v8 =	vld [tilespmem:$0x18040]  }
0x398: {  	v10 =	vld [tilespmem:$0x18050]  }
0x399: {  	v13 =	vld [tilespmem:$0x18060]  }
0x39a: {  	v14 =	vld [tilespmem:$0x18080]  }
0x39b: {  	v16 =	vld [tilespmem:$0x18090]  }
0x39c: {  	v17 =	vld [tilespmem:$0x180A0]  }
0x39d: {  	v18 =	vld [tilespmem:$0x180B0]  }
0x39e: {  	v20 =	vld [tilespmem:$0x180C0]  }
0x39f: {  	v21 =	vld [tilespmem:$0x180E0];
	v9 =	vxor.u32 $0x7FFFFFFF, v4;
	vm0 =	vlt.s32 v4, $0x0;
	v11 =	vxor.u32 $0x7FFFFFFF, v5  }
0x3a0: {  	v23 =	vld [tilespmem:$0x180F0];
	vm1 =	vlt.s32 v5, $0x0;
	vm11 =	vlt.s32 v6, $0x0;
	v12 =	vxor.u32 $0x7FFFFFFF, v7  }
0x3a1: {  	v32 =	vld [tilespmem:$0x18190];
	vm12 =	vlt.s32 v7, $0x0;
	v15 =	vxor.u32 $0x7FFFFFFF, v8;
	vm2 =	vlt.s32 v8, $0x0  }
0x3a2: {  	v25 =	vld [tilespmem:$0x18120];
	vm13 =	vlt.s32 v10, $0x0;
	vm14 =	vlt.s32 v13, $0x0;
	vm4 =	vlt.s32 v14, $0x0  }
0x3a3: {  	v35 =	vld [tilespmem:$0x181B0];
	vm5 =	vlt.s32 v16, $0x0;
	v22 =	vxor.u32 $0x7FFFFFFF, v17;
	vm6 =	vlt.s32 v17, $0x0  }
0x3a4: {  	v36 =	vld [tilespmem:$0x181D0];
	vm7 =	vlt.s32 v18, $0x0;
	vm8 =	vlt.s32 v20, $0x0;
	vm10 =	vlt.s32 v21, $0x0  }
0x3a5: {  	v4 =	vsel vm0, v9, v4;
	v5 =	vsel vm1, v11, v5;
	v11 =	vld [tilespmem:$0x18070];
	v9 =	vxor.u32 $0x7FFFFFFF, v6  }
0x3a6: {  	v38 =	vld [tilespmem:$0x181E0];
	v37 =	vxor.u32 $0x7FFFFFFF, v32;
	v7 =	vsel vm12, v12, v7;
	v9 =	vsel vm11, v9, v6  }
0x3a7: {  	v26 =	vld [tilespmem:$0x18140];
	v6 =	vsel vm2, v15, v8;
	v8 =	vxor.u32 $0x7FFFFFFF, v10;
	v15 =	vxor.u32 $0x7FFFFFFF, v13  }
0x3a8: {  	v28 =	vld [tilespmem:$0x18150];
	v12 =	vsel vm13, v8, v10;
	v10 =	vsel vm14, v15, v13;
	v13 =	vxor.u32 $0x7FFFFFFF, v16  }
0x3a9: {  	v31 =	vld [tilespmem:$0x18180];
	v60 =	vxor.u32 $0x7FFFFFFF, v35;
	v13 =	vsel vm5, v13, v16;
	v16 =	vxor.u32 $0x7FFFFFFF, v20  }
0x3aa: {  	v16 =	vsel vm8, v16, v20;
	v20 =	vld [tilespmem:$0x18130];
	v19 =	vxor.u32 $0x7FFFFFFF, v11;
	vm15 =	vlt.s32 v11, $0x0  }
0x3ab: {  	v62 =	vxor.u32 $0x7FFFFFFF, v36;
	v63 =	vxor.u32 $0x7FFFFFFF, v38;
	v8 =	vsel vm15, v19, v11;
	v19 =	vld [tilespmem:$0x180D0]  }
0x3ac: {  	vm11 =	vlt.s32 v23, $0x0;
	vm14 =	vlt.s32 v25, $0x0;
	v11 =	vxor.u32 $0x7FFFFFFF, v14  }
0x3ad: {  	vm5 =	vlt.s32 v28, $0x0;
	v15 =	vsel vm4, v11, v14;
	v11 =	vsel vm6, v22, v17;
	v17 =	vld [tilespmem:$0x18100]  }
0x3ae: {  	vm8 =	vlt.s32 v31, $0x0;
	v14 =	vxor.u32 $0x7FFFFFFF, v18;
	v22 =	vld [tilespmem:$0x18110];
	vm4 =	vlt.s32 v26, $0x0  }
0x3af: {  	v18 =	vsel vm7, v14, v18;
	v30 =	vxor.u32 $0x7FFFFFFF, v20;
	vm15 =	vlt.s32 v20, $0x0  }
0x3b0: {  	v20 =	vsel vm15, v30, v20;
	v24 =	vxor.u32 $0x7FFFFFFF, v19;
	vm9 =	vlt.s32 v19, $0x0  }
0x3b1: {  	v29 =	vld [tilespmem:$0x18170];
	v14 =	vsel vm9, v24, v19;
	v19 =	vxor.u32 $0x7FFFFFFF, v21;
	v24 =	vxor.u32 $0x7FFFFFFF, v23  }
0x3b2: {  	v30 =	vxor.u32 $0x7FFFFFFF, v28;
	v21 =	vsel vm10, v19, v21;
	v19 =	vsel vm11, v24, v23;
	v23 =	vld [tilespmem:$0x18160]  }
0x3b3: {  	v27 =	vxor.u32 $0x7FFFFFFF, v17;
	vm12 =	vlt.s32 v17, $0x0;
	vm13 =	vlt.s32 v22, $0x0  }
0x3b4: {  	v34 =	vld [tilespmem:$0x181A0];
	v17 =	vsel vm12, v27, v17;
	v24 =	vxor.u32 $0x7FFFFFFF, v22;
	v27 =	vxor.u32 $0x7FFFFFFF, v25  }
0x3b5: {  	v24 =	vsel vm13, v24, v22;
	v22 =	vsel vm14, v27, v25;
	v25 =	vxor.u32 $0x7FFFFFFF, v26  }
0x3b6: {  	vm7 =	vlt.s32 v29, $0x0;
	v27 =	vsel vm4, v25, v26;
	v25 =	vsel vm5, v30, v28  }
0x3b7: {  	v28 =	vld [tilespmem:$0x181C0];
	v26 =	vxor.u32 $0x7FFFFFFF, v29;
	v33 =	vxor.u32 $0x7FFFFFFF, v23;
	vm6 =	vlt.s32 v23, $0x0  }
0x3b8: {  	vm9 =	vlt.s32 v32, $0x0;
	v23 =	vsel vm6, v33, v23;
	v33 =	vsel vm7, v26, v29;
	v29 =	vld [tilespmem:$0x181F0]  }
0x3b9: {  	vm10 =	vlt.s32 v34, $0x0;
	vm11 =	vlt.s32 v35, $0x0;
	v30 =	vxor.u32 $0x7FFFFFFF, v31  }
0x3ba: {  	vm13 =	vlt.s32 v36, $0x0;
	v30 =	vsel vm8, v30, v31;
	v31 =	vxor.u32 $0x7FFFFFFF, v34  }
0x3bb: {  	vm14 =	vlt.s32 v38, $0x0;
	v34 =	vsel vm10, v31, v34;
	v31 =	vsel vm11, v60, v35  }
0x3bc: {  	v35 =	vsel vm13, v62, v36;
	v26 =	vsel vm9, v37, v32;
	v61 =	vxor.u32 $0x7FFFFFFF, v28  }
0x3bd: {  	vm12 =	vlt.s32 v28, $0x0;
	v39 =	vxor.u32 $0x7FFFFFFF, v29;
	vm15 =	vlt.s32 v29, $0x0  }
0x3be: {  	s25 =	simm.s32 $0xC0000000;
	s29 =	simm.s32 $0x20000000;
	s26 =	simm.s32 $0x3;
	v32 =	vsel vm14, v63, v38;
	v28 =	vsel vm12, v61, v28;
	v29 =	vsel vm15, v39, v29  }
.LBB2_47:
0x3bf: {  	p0 =	seq.s32 s26, $0x1F;
	s28 =	sor.u32 s29, s25  }
0x3c0: {  	s29 =	sxor.u32 $0x80000000, s28  }
0x3c1: {  	vm0 =	vge.s32 v4, s29;
	vm1 =	vge.s32 v5, s29  }
0x3c2: {  	v36 =	vsel vm0, $0x1, v2;
	v37 =	vsel vm1, $0x1, v2;
	vm0 =	vge.s32 v9, s29  }
0x3c3: {  	v36 =	vadd.s32 v36, v37;
	v37 =	vsel vm0, $0x1, v2;
	vm0 =	vge.s32 v7, s29  }
0x3c4: {  	v36 =	vadd.s32 v37, v36;
	v37 =	vsel vm0, $0x1, v2;
	vm0 =	vge.s32 v6, s29  }
0x3c5: {  	v36 =	vadd.s32 v37, v36;
	v37 =	vsel vm0, $0x1, v2;
	vm0 =	vge.s32 v12, s29  }
0x3c6: {  	v36 =	vadd.s32 v37, v36;
	v37 =	vsel vm0, $0x1, v2;
	vm0 =	vge.s32 v10, s29  }
0x3c7: {  	v36 =	vadd.s32 v37, v36;
	v37 =	vsel vm0, $0x1, v2;
	vm0 =	vge.s32 v8, s29  }
0x3c8: {  	v36 =	vadd.s32 v37, v36;
	v37 =	vsel vm0, $0x1, v2;
	vm0 =	vge.s32 v15, s29  }
0x3c9: {  	v36 =	vadd.s32 v37, v36;
	v37 =	vsel vm0, $0x1, v2;
	vm0 =	vge.s32 v13, s29  }
0x3ca: {  	v36 =	vadd.s32 v37, v36;
	v37 =	vsel vm0, $0x1, v2;
	vm0 =	vge.s32 v11, s29  }
0x3cb: {  	v36 =	vadd.s32 v37, v36;
	v37 =	vsel vm0, $0x1, v2;
	vm0 =	vge.s32 v18, s29  }
0x3cc: {  	v36 =	vadd.s32 v37, v36;
	v37 =	vsel vm0, $0x1, v2;
	vm0 =	vge.s32 v16, s29  }
0x3cd: {  	v36 =	vadd.s32 v37, v36;
	v37 =	vsel vm0, $0x1, v2;
	vm0 =	vge.s32 v14, s29  }
0x3ce: {  	v36 =	vadd.s32 v37, v36;
	v37 =	vsel vm0, $0x1, v2;
	vm0 =	vge.s32 v21, s29  }
0x3cf: {  	v36 =	vadd.s32 v37, v36;
	v37 =	vsel vm0, $0x1, v2;
	vm0 =	vge.s32 v19, s29  }
0x3d0: {  	v36 =	vadd.s32 v37, v36;
	v37 =	vsel vm0, $0x1, v2;
	vm0 =	vge.s32 v17, s29  }
0x3d1: {  	v36 =	vadd.s32 v37, v36;
	v37 =	vsel vm0, $0x1, v2;
	vm0 =	vge.s32 v24, s29  }
0x3d2: {  	v36 =	vadd.s32 v37, v36;
	v37 =	vsel vm0, $0x1, v2;
	vm0 =	vge.s32 v22, s29  }
0x3d3: {  	v36 =	vadd.s32 v37, v36;
	v37 =	vsel vm0, $0x1, v2;
	vm0 =	vge.s32 v20, s29  }
0x3d4: {  	v36 =	vadd.s32 v37, v36;
	v37 =	vsel vm0, $0x1, v2;
	vm0 =	vge.s32 v27, s29  }
0x3d5: {  	v36 =	vadd.s32 v37, v36;
	v37 =	vsel vm0, $0x1, v2;
	vm0 =	vge.s32 v25, s29  }
0x3d6: {  	v36 =	vadd.s32 v37, v36;
	v37 =	vsel vm0, $0x1, v2;
	vm0 =	vge.s32 v23, s29  }
0x3d7: {  	v36 =	vadd.s32 v37, v36;
	v37 =	vsel vm0, $0x1, v2;
	vm0 =	vge.s32 v33, s29  }
0x3d8: {  	v36 =	vadd.s32 v37, v36;
	v37 =	vsel vm0, $0x1, v2;
	vm0 =	vge.s32 v30, s29  }
0x3d9: {  	v36 =	vadd.s32 v37, v36;
	v37 =	vsel vm0, $0x1, v2;
	vm0 =	vge.s32 v26, s29  }
0x3da: {  	v36 =	vadd.s32 v37, v36;
	v37 =	vsel vm0, $0x1, v2;
	vm0 =	vge.s32 v34, s29  }
0x3db: {  	v36 =	vadd.s32 v37, v36;
	v37 =	vsel vm0, $0x1, v2;
	vm0 =	vge.s32 v31, s29  }
0x3dc: {  	v36 =	vadd.s32 v37, v36;
	v37 =	vsel vm0, $0x1, v2;
	vm0 =	vge.s32 v28, s29  }
0x3dd: {  	v36 =	vadd.s32 v37, v36;
	v37 =	vsel vm0, $0x1, v2;
	vm0 =	vge.s32 v35, s29  }
0x3de: {  	v36 =	vadd.s32 v37, v36;
	v37 =	vsel vm0, $0x1, v2;
	vm0 =	vge.s32 v32, s29  }
0x3df: {  	v36 =	vadd.s32 v37, v36;
	v37 =	vsel vm0, $0x1, v2;
	vm0 =	vge.s32 v29, s29  }
0x3e0: {  	v36 =	vadd.s32 v37, v36;
	v37 =	vsel vm0, $0x1, v2  }
0x3e1: {  	v36 =	vadd.s32 v37, v36  }
0x3e2: {  	(xrf0) =	vadd.scan.msk.s32 $0xffff, v36;
	_ =	sdelay $0x5  }
0x3e3: {  	v36, _, _ =	vpop (xrf0)  }
0x3e4: {  	(v2sf) =	vpush v36, $0xF;
	_ =	sdelay $0xc  }
.Ltmp24:
0x3e5: {  	(pc) =	sbr.rel @!p0 .LBB2_47-.Ltmp24, $4  }
0x3e6: {  	_ = 	snop  }
0x3e7: {  	s29 =	spop (v2sf)  }
0x3e8: {  	p1 =	sgt.s32 s29, $0x40  }
0x3e9: {  	s29 =	sshrl.u32 s18, s26;
	s26 =	sadd.s32 $0x1, s26;
	s25 =	smov.u32 @p1 s28  }
0x3ea: {  	s26 =	sor.u32 s29, s25  }
0x3eb: {  	s28 =	sxor.u32 $0x80000000, s26  }
0x3ec: {  	vm0 =	vge.s32 v4, s28;
	vm1 =	vge.s32 v5, s28  }
0x3ed: {  	vm10 =	vge.s32 v9, s28;
	v4 =	vsel vm0, $0x1, v2;
	v5 =	vsel vm1, $0x1, v2  }
0x3ee: {  	vm11 =	vge.s32 v7, s28;
	v4 =	vadd.s32 v4, v5;
	v5 =	vsel vm10, $0x1, v2  }
0x3ef: {  	vm12 =	vge.s32 v6, s28;
	v4 =	vadd.s32 v5, v4;
	v5 =	vsel vm11, $0x1, v2  }
0x3f0: {  	vm13 =	vge.s32 v12, s28;
	v4 =	vadd.s32 v5, v4;
	v5 =	vsel vm12, $0x1, v2  }
0x3f1: {  	vm14 =	vge.s32 v10, s28;
	v4 =	vadd.s32 v5, v4;
	v5 =	vsel vm13, $0x1, v2  }
0x3f2: {  	vm15 =	vge.s32 v8, s28;
	v4 =	vadd.s32 v5, v4;
	v5 =	vsel vm14, $0x1, v2  }
0x3f3: {  	vm4 =	vge.s32 v15, s28;
	v4 =	vadd.s32 v5, v4;
	v5 =	vsel vm15, $0x1, v2  }
0x3f4: {  	vm5 =	vge.s32 v13, s28;
	v4 =	vadd.s32 v5, v4;
	v5 =	vsel vm4, $0x1, v2  }
0x3f5: {  	vm6 =	vge.s32 v11, s28;
	v4 =	vadd.s32 v5, v4;
	v5 =	vsel vm5, $0x1, v2  }
0x3f6: {  	vm7 =	vge.s32 v18, s28;
	v4 =	vadd.s32 v5, v4;
	v5 =	vsel vm6, $0x1, v2  }
0x3f7: {  	vm8 =	vge.s32 v16, s28;
	v4 =	vadd.s32 v5, v4;
	v5 =	vsel vm7, $0x1, v2  }
0x3f8: {  	vm9 =	vge.s32 v14, s28;
	v4 =	vadd.s32 v5, v4;
	v5 =	vsel vm8, $0x1, v2  }
0x3f9: {  	vm10 =	vge.s32 v21, s28;
	v4 =	vadd.s32 v5, v4;
	v5 =	vsel vm9, $0x1, v2  }
0x3fa: {  	vm11 =	vge.s32 v19, s28;
	v4 =	vadd.s32 v5, v4;
	v5 =	vsel vm10, $0x1, v2  }
0x3fb: {  	vm12 =	vge.s32 v17, s28;
	v4 =	vadd.s32 v5, v4;
	v5 =	vsel vm11, $0x1, v2  }
0x3fc: {  	vm13 =	vge.s32 v24, s28;
	v4 =	vadd.s32 v5, v4;
	v5 =	vsel vm12, $0x1, v2  }
0x3fd: {  	vm14 =	vge.s32 v22, s28;
	v4 =	vadd.s32 v5, v4;
	v5 =	vsel vm13, $0x1, v2  }
0x3fe: {  	vm15 =	vge.s32 v20, s28;
	v4 =	vadd.s32 v5, v4;
	v5 =	vsel vm14, $0x1, v2  }
0x3ff: {  	vm4 =	vge.s32 v27, s28;
	v4 =	vadd.s32 v5, v4;
	v5 =	vsel vm15, $0x1, v2  }
0x400: {  	vm5 =	vge.s32 v25, s28;
	v4 =	vadd.s32 v5, v4;
	v5 =	vsel vm4, $0x1, v2  }
0x401: {  	vm6 =	vge.s32 v23, s28;
	v4 =	vadd.s32 v5, v4;
	v5 =	vsel vm5, $0x1, v2  }
0x402: {  	vm7 =	vge.s32 v33, s28;
	v4 =	vadd.s32 v5, v4;
	v5 =	vsel vm6, $0x1, v2  }
0x403: {  	vm8 =	vge.s32 v30, s28;
	v4 =	vadd.s32 v5, v4;
	v5 =	vsel vm7, $0x1, v2  }
0x404: {  	vm9 =	vge.s32 v26, s28;
	v4 =	vadd.s32 v5, v4;
	v5 =	vsel vm8, $0x1, v2  }
0x405: {  	vm10 =	vge.s32 v34, s28;
	v4 =	vadd.s32 v5, v4;
	v5 =	vsel vm9, $0x1, v2  }
0x406: {  	vm11 =	vge.s32 v31, s28;
	v4 =	vadd.s32 v5, v4;
	v5 =	vsel vm10, $0x1, v2  }
0x407: {  	vm12 =	vge.s32 v28, s28;
	v4 =	vadd.s32 v5, v4;
	v5 =	vsel vm11, $0x1, v2  }
0x408: {  	vm13 =	vge.s32 v35, s28;
	v4 =	vadd.s32 v5, v4;
	v5 =	vsel vm12, $0x1, v2  }
0x409: {  	vm14 =	vge.s32 v32, s28;
	v4 =	vadd.s32 v5, v4;
	v5 =	vsel vm13, $0x1, v2  }
0x40a: {  	vm15 =	vge.s32 v29, s28;
	v4 =	vadd.s32 v5, v4;
	v5 =	vsel vm14, $0x1, v2  }
0x40b: {  	v4 =	vadd.s32 v5, v4;
	v5 =	vsel vm15, $0x1, v2  }
0x40c: {  	v4 =	vadd.s32 v5, v4  }
0x40d: {  	(xrf0) =	vadd.scan.msk.s32 $0xffff, v4;
	_ =	sdelay $0x5  }
0x40e: {  	v4, _, _ =	vpop (xrf0)  }
0x40f: {  	(v2sf) =	vpush v4, $0xF;
	_ =	sdelay $0xc  }
.Ltmp25:
0x410: {  	_ = 	snop;
	(pc) =	sbr.rel .LBB2_49-.Ltmp25, $4  }
0x411: {  	_ = 	snop  }
0x412: {  	s31 =	spop (v2sf)  }
0x413: {  	p0 =	sgt.s32 s31, $0x40  }
0x414: {  	s25 =	smov.u32 @p0 s26  }
.LBB2_42:
0x415: {  	s25 =	simm.s32 $0x0;
	s26 =	simm.s32 $0x0  }
0x416: {  	s25 =	simm.s32 @p0 $0x0;
	s26 =	simm.s32 @p0 $0x0  }
.LBB2_43:
0x417: {  	s30 =	simm.s32 $0x0  }
0x418: {  	s28 =	sshrl.u32 s18, s26;
	v6 =	vld [tilespmem:s30+$0x0]  }
0x419: {  	s28 =	sor.u32 s28, s25  }
0x41a: {  	s29 =	sxor.u32 $0x80000000, s28  }
0x41b: {  	v4 =	vimm.s32 $0x0;
	v5 =	vmov s29;
	s29 =	simm.s32 $0x40  }
.LBB2_44:
0x41c: {  	p0 =	sne.s32 s29, $0x1FFC0  }
.Ltmp26:
0x41d: {  	s30 =	sshra.s32 s29, $0x2;
	s29 =	sadd.s32 $0x40, s29;
	v7 =	vxor.u32 $0x7FFFFFFF, v6;
	vm0 =	vlt.s32 v6, $0x0;
	(pc) =	sbr.rel @p0 .LBB2_44-.Ltmp26, $4  }
0x41e: {  	v7 =	vsel vm0, v7, v6;
	v6 =	vld [tilespmem:s30+$0x0]  }
0x41f: {  	vm0 =	vge.s32 v7, v5  }
0x420: {  	v7 =	vsel vm0, $0x1, v2  }
0x421: {  	v4 =	vadd.s32 v7, v4  }
0x422: {  	_ = 	snop  }
0x423: {  	v7 =	vxor.u32 $0x7FFFFFFF, v6;
	vm0 =	vlt.s32 v6, $0x0  }
0x424: {  	v6 =	vsel vm0, v7, v6  }
0x425: {  	vm0 =	vge.s32 v6, v5  }
0x426: {  	v5 =	vsel vm0, $0x1, v2  }
0x427: {  	v4 =	vadd.s32 v5, v4  }
0x428: {  	(xrf0) =	vadd.scan.msk.s32 $0xffff, v4;
	_ =	sdelay $0x5  }
0x429: {  	v4, _, _ =	vpop (xrf0)  }
0x42a: {  	(v2sf) =	vpush v4, $0xF;
	_ =	sdelay $0xa  }
0x42b: {  	s26 =	sadd.s32 $0x1, s26  }
0x42c: {  	p1 =	sne.s32 s26, $0x20  }
.Ltmp27:
0x42d: {  	_ = 	snop;
	(pc) =	sbr.rel @p1 .LBB2_43-.Ltmp27, $4  }
0x42e: {  	_ = 	snop  }
0x42f: {  	s29 =	spop (v2sf)  }
0x430: {  	p0 =	sgt.s32 s29, $0x40  }
0x431: {  	s25 =	smov.u32 @p0 s28  }
.LBB2_49:
0x432: {  	s26 =	simm.s32 $0x40  }
0x433: {  	v8 =	vld [tilespmem:s26+$0x30]  }
0x434: {  	s25 =	sxor.u32 $0x80000000, s25;
	v11 =	vld [tilespmem:s26+$0xFFFFFFD0]  }
0x435: {  	v4 =	vmov s25;
	v10 =	vld [tilespmem:s26+$0xFFFFFFE0]  }
0x436: {  	v9 =	vld [tilespmem:s26+$0xFFFFFFF0];
	v5 =	vxor.u32 $0x7FFFFFFF, v4;
	vm0 =	vlt.s32 v4, $0x0  }
0x437: {  	v7 =	vld [tilespmem:s26+$0x0];
	v4 =	vnsel vm0, s25, v5  }
0x438: {  	v6 =	vld [tilespmem:s26+$0x10];
	vm0 =	vgt.f32 v8, v4  }
0x439: {  	v5 =	vld [tilespmem:s26+$0x20];
	vm1 =	vgt.f32 v11, v4;
	v12 =	vnsel vm0, $0x0, v8  }
0x43a: {  	s28 =	simm.s32 $0xC0;
	s25 =	simm.s32 $0x0;
	v8 =	vld [tilespmem:s26+$0xFFFFFFC0];
	v11 =	vnsel vm1, $0x0, v11;
	vm0 =	vgt.f32 v10, v4;
	[tilespmem:s26+$0x30] =	vst v12  }
.LBB2_50:
0x43b: {  	v12 =	vld [tilespmem:s28+$0x30];
	s25 =	sadd.s32 $0x8, s25;
	[tilespmem:s26+$0xFFFFFFD0] =	vst v11;
	v10 =	vnsel vm0, $0x0, v10;
	vm0 =	vgt.f32 v9, v4  }
0x43c: {  	v11 =	vld [tilespmem:s28+$0xFFFFFFD0];
	p0 =	slt.u32 s25, $0x7F8;
	[tilespmem:s26+$0xFFFFFFE0] =	vst v10;
	v9 =	vnsel vm0, $0x0, v9;
	vm0 =	vgt.f32 v7, v4  }
0x43d: {  	v10 =	vld [tilespmem:s28+$0xFFFFFFE0];
	[tilespmem:s26+$0xFFFFFFF0] =	vst v9;
	v7 =	vnsel vm0, $0x0, v7;
	vm0 =	vgt.f32 v6, v4  }
.Ltmp28:
0x43e: {  	v9 =	vld [tilespmem:s28+$0xFFFFFFF0];
	[tilespmem:s26+$0x0] =	vst v7;
	v6 =	vnsel vm0, $0x0, v6;
	vm0 =	vgt.f32 v5, v4;
	(pc) =	sbr.rel @p0 .LBB2_50-.Ltmp28, $4  }
0x43f: {  	v7 =	vld [tilespmem:s28+$0x0];
	vm1 =	vgt.f32 v8, v4;
	[tilespmem:s26+$0x10] =	vst v6;
	v5 =	vnsel vm0, $0x0, v5  }
0x440: {  	v6 =	vld [tilespmem:s28+$0x10];
	vm0 =	vgt.f32 v12, v4;
	v8 =	vnsel vm1, $0x0, v8;
	[tilespmem:s26+$0x20] =	vst v5  }
0x441: {  	vm1 =	vgt.f32 v11, v4;
	v5 =	vld [tilespmem:s28+$0x20];
	v12 =	vnsel vm0, $0x0, v12;
	[tilespmem:s26+$0xFFFFFFC0] =	vst v8;
	s26 =	smov.u32 s28  }
0x442: {  	s28 =	sadd.s32 $0x80, s28;
	v8 =	vld [tilespmem:s26+$0xFFFFFFC0];
	v11 =	vnsel vm1, $0x0, v11;
	vm0 =	vgt.f32 v10, v4;
	[tilespmem:s26+$0x30] =	vst v12  }
0x443: {  	[tilespmem:s26+$0xFFFFFFD0] =	vst v11;
	v10 =	vnsel vm0, $0x0, v10;
	vm12 =	vgt.f32 v9, v4  }
0x444: {  	[tilespmem:s26+$0xFFFFFFE0] =	vst v10;
	v9 =	vnsel vm12, $0x0, v9;
	vm13 =	vgt.f32 v7, v4  }
0x445: {  	[tilespmem:s26+$0xFFFFFFF0] =	vst v9;
	v7 =	vnsel vm13, $0x0, v7;
	vm14 =	vgt.f32 v6, v4  }
0x446: {  	[tilespmem:s26+$0x0] =	vst v7;
	v6 =	vnsel vm14, $0x0, v6;
	vm15 =	vgt.f32 v5, v4  }
0x447: {  	vm1 =	vgt.f32 v8, v4;
	[tilespmem:s26+$0x10] =	vst v6;
	v4 =	vnsel vm15, $0x0, v5  }
0x448: {  	v5 =	vnsel vm1, $0x0, v8;
	[tilespmem:s26+$0x20] =	vst v4  }
0x449: {  	[tilespmem:s26+$0xFFFFFFC0] =	vst v5  }
0x44a: {  	[hbm4b:s10+s12] =	stream.strided.scatter [tilespmem:s2], [sflag:$0x4], $0x8000, s13, s12, $0x38;
	[tilespmem:$0x18280] =	vst v63  }
0x44b: {  	_ =	swait.ge [sflag:s22], $0x8000  }
0x44c: {  	[sflag:s22] =	ssyncset.done $0x0  }
0x44d: {  	s24 =	sadd.s32 $0x1, s24;
	[sflag:s22] =	ssyncadd.s32 $0xFFFF8000  }
0x44e: {  	p0 =	sne.s32 s24, s11;
	_ =	swait.ge [sflag:s23], $0x8000  }
.Ltmp29:
0x44f: {  	[sflag:s23] =	ssyncset.done $0x0;
	(pc) =	sbr.rel @p0 .LBB2_1-.Ltmp29, $4  }
0x450: {  	[sflag:s23] =	ssyncadd.s32 $0xFFFF8000  }
0x451: {  	_ =	swait.ge [sflag:s21], $0x8000  }
0x452: {  	[sflag:s21] =	ssyncset.done $0x0  }
0x453: {  	[sflag:s21] =	ssyncadd.s32 $0xFFFF8000  }
0x454: {  	_ =	sfence.sel $0x180000  }
0x455: {  	[bflag:$0x0] =	sbarrier.arrive $0xFFFF  }
0x456: {  	p0 =	sne.s32 s1, $0x0;
	_ =	strace $0x90000047  }
0x457: {  	s0 =	sadd.s32 @!p0 $0x100000, s0;
	[bflag:$0x2] =	sbarrier.arrive $0xFFFF  }
0x458: {  	[sflag:s0] =	ssyncadd.tile.s32 @!p0 $0x1;
	_ =	shalt  }
.Lfunc_end2:
_tile_overlayer_lowered:
.L_overlay_start_2:
0x459: {  	(tag) =	ssettag $0x2  }
0x45a: {  	s0 =	rddreg [dreg:$0x0];
	s2 =	stileid.u32  }
0x45b: {  	s1 =	rddreg [dreg:$0x1];
	p0 =	sne.s32 s2, $0x0  }
0x45c: {  	s3 =	rddreg [dreg:$0x2];
	[bflag:$0x3] =	sbarrier.arrive $0xFFFF;
	s2 =	simm.s32 @!p0 $0x1C07  }
0x45d: {  	[timem:s3], [sflag:s2] =	dma.local @!p0 [hbm:s0], s1  }
0x45e: {  	s0 =	simm.s32 @!p0 $0x7  }
0x45f: {  	_ =	swait.ge @!p0 [sflag:s0], s1  }
0x460: {  	s1 =	ssub.s32 @!p0 $0x0, s1;
	[sflag:s0] =	ssyncset.done @!p0 $0x0  }
0x461: {  	[sflag:s0] =	ssyncadd.s32 @!p0 s1  }
0x462: {  	[bflag:$0x3] =	sbarrier.arrive $0xFFFF  }
0x463: {  	_ =	shalt  }

</sc_bundles>
